<compile_context>
chip_gen: v7x
topology: tpu7x:2x2x1
jax: 0.10.2.dev20260603
libtpu: 0.0.44.dev20260713+nightly
codegen_flags: <defaults>
</compile_context>

<pallas_src>
import functools

import jax
import jax.numpy as jnp
from jax import lax
from jax.experimental import pallas as pl
from jax.experimental.pallas import tpu as pltpu
from jax.experimental.pallas import tpu_sc as plsc

N = 10000
E = 160000
IN_DIM = 128
HID = 64
MSG = 16
EDGE_DIM = 16
EPS = 1e-5

NC = 2
NS = 16
NW = NC * NS
CHUNK = 125
CH_W = 40
SEG = 1
CH_S = CH_W // SEG
E_S = E // SEG
E_WS = CH_S * CHUNK
NPAD = 10016
ROWS_W = NPAD // NS

BE = 4000
BN = 1000

@functools.cache
def _mesh():
    return plsc.VectorSubcoreMesh(core_axis_name="c", subcore_axis_name="s",
                                  num_cores=NC, num_subcores=NS)


def _sc_compiler_params():
    return pltpu.CompilerParams(use_tc_tiling_on_sc=False)



def _sc_gather(h, src3):

    KB = 10

    @functools.partial(
        pl.kernel,
        out_type=jax.ShapeDtypeStruct((E_S, HID), jnp.float32),
        mesh=_mesh(),
        compiler_params=_sc_compiler_params(),
        scratch_types=[
            pltpu.VMEM((CH_S, CHUNK), jnp.int32),
            pltpu.VMEM((KB, CHUNK, HID), jnp.float32),
            pltpu.SemaphoreType.DMA,
            pltpu.SemaphoreType.DMA,
        ],
    )
    def k(h_hbm, src_hbm, out_hbm, idx_v, rows_v, sem, osem):
        wid = lax.axis_index("s") * NC + lax.axis_index("c")
        pltpu.sync_copy(src_hbm.at[wid], idx_v)

        def group(g, carry):
            j0 = g * KB
            descs = [
                pltpu.async_copy(h_hbm.at[idx_v.at[j0 + b]], rows_v.at[b],
                                 sem)
                for b in range(KB)
            ]
            outs = []
            for b in range(KB):
                descs[b].wait()
                outs.append(pltpu.async_copy(
                    rows_v.at[b],
                    out_hbm.at[pl.ds((wid * CH_S + j0 + b) * CHUNK, CHUNK)],
                    osem))
            for o in outs:
                o.wait()
            return carry

        lax.fori_loop(0, CH_S // KB, group, 0)

    return k(h, src3)


def _sc_scatter(m3, dst3, zz, ones, with_count):
    KB = 10

    out_type = [jax.ShapeDtypeStruct((NC, NPAD, MSG), jnp.float32)]
    scratch = [
        pltpu.VMEM((CH_S, CHUNK), jnp.int32),
        pltpu.VMEM((E_WS, MSG), jnp.float32),
        pltpu.VMEM((CHUNK, MSG), jnp.float32),
        pltpu.VMEM_SHARED((NPAD, MSG), jnp.float32),
    ]
    if with_count:
        out_type.append(jax.ShapeDtypeStruct((NC, NPAD, MSG), jnp.float32))
        scratch.append(pltpu.VMEM_SHARED((NPAD, MSG), jnp.float32))
    scratch.append(pltpu.SemaphoreType.DMA)

    @functools.partial(
        pl.kernel,
        out_type=tuple(out_type),
        mesh=_mesh(),
        compiler_params=_sc_compiler_params(),
        scratch_types=scratch,
    )
    def k(m_hbm, dst_hbm, zz_hbm, ones_hbm, *rest):
        if with_count:
            s_out, c_out, idx_v, m_v, ones_v, shared_s, shared_c, sem = rest
        else:
            (s_out, idx_v, m_v, ones_v, shared_s, sem) = rest
        cid = lax.axis_index("c")
        sid = lax.axis_index("s")
        wid = sid * NC + cid
        r0 = sid * ROWS_W
        pltpu.sync_copy(zz_hbm.at[pl.ds(r0, ROWS_W)],
                        shared_s.at[pl.ds(r0, ROWS_W)])
        if with_count:
            pltpu.sync_copy(zz_hbm.at[pl.ds(r0, ROWS_W)],
                            shared_c.at[pl.ds(r0, ROWS_W)])
        pltpu.sync_copy(ones_hbm, ones_v)
        plsc.subcore_barrier()
        pltpu.sync_copy(dst_hbm.at[wid], idx_v)
        pltpu.sync_copy(m_hbm.at[wid], m_v)

        def body(g, carry):
            j0 = g * KB
            descs = []
            for b in range(KB):
                descs.append(pltpu.async_copy(
                    m_v.at[pl.ds((j0 + b) * CHUNK, CHUNK)],
                    shared_s.at[idx_v.at[j0 + b]], sem, add=True))
                if with_count:
                    descs.append(pltpu.async_copy(
                        ones_v, shared_c.at[idx_v.at[j0 + b]], sem,
                        add=True))
            for d in descs:
                d.wait()
            return carry

        lax.fori_loop(0, CH_S // KB, body, 0)
        plsc.subcore_barrier()
        pltpu.sync_copy(shared_s.at[pl.ds(r0, ROWS_W)],
                        s_out.at[cid, pl.ds(r0, ROWS_W)])
        if with_count:
            pltpu.sync_copy(shared_c.at[pl.ds(r0, ROWS_W)],
                            c_out.at[cid, pl.ds(r0, ROWS_W)])

    return k(m3, dst3, zz, ones)



def _tc_input_proj(x, W, b):
    def body(x_ref, w_ref, b_ref, o_ref):
        o_ref[...] = x_ref[...] @ w_ref[...] + b_ref[...]

    return pl.pallas_call(
        body,
        grid=(N // BN,),
        in_specs=[
            pl.BlockSpec((BN, IN_DIM), lambda i: (i, 0)),
            pl.BlockSpec((IN_DIM, HID), lambda i: (0, 0)),
            pl.BlockSpec((1, HID), lambda i: (0, 0)),
        ],
        out_specs=pl.BlockSpec((BN, HID), lambda i: (i, 0)),
        out_shape=jax.ShapeDtypeStruct((N, HID), jnp.float32),
    )(x, W, b.reshape(1, HID))


def _tc_messages(ea, xj, e1W, e1b, e2Wp, b2r, sel, seg):

    def body(ea_ref, xj_ref, w1_ref, b1_ref, w2_ref, b2_ref, sel_ref, o_ref):
        u = jnp.maximum(ea_ref[...] @ w1_ref[...] + b1_ref[...], 0.0)
        wp = jnp.dot(u.astype(jnp.bfloat16), w2_ref[...],
                     preferred_element_type=jnp.float32
                     ).astype(jnp.bfloat16)
        xj = xj_ref[...]
        xt = jnp.tile(xj.astype(jnp.bfloat16), (1, MSG))
        p = wp * xt
        o_ref[...] = (jnp.dot(p, sel_ref[...],
                              preferred_element_type=jnp.float32)
                      + xj @ b2_ref[...])

    nblk = E_S // BE
    return pl.pallas_call(
        body,
        grid=(nblk,),
        in_specs=[
            pl.BlockSpec((BE, EDGE_DIM), lambda i: (seg * nblk + i, 0)),
            pl.BlockSpec((BE, HID), lambda i: (i, 0)),
            pl.BlockSpec((EDGE_DIM, HID), lambda i: (0, 0)),
            pl.BlockSpec((1, HID), lambda i: (0, 0)),
            pl.BlockSpec((HID, MSG * HID), lambda i: (0, 0)),
            pl.BlockSpec((HID, MSG), lambda i: (0, 0)),
            pl.BlockSpec((MSG * HID, MSG), lambda i: (0, 0)),
        ],
        out_specs=pl.BlockSpec((BE, MSG), lambda i: (i, 0)),
        out_shape=jax.ShapeDtypeStruct((E_S, MSG), jnp.float32),
    )(ea, xj, e1W, e1b.reshape(1, HID), e2Wp.astype(jnp.bfloat16),
      b2r, sel)


def _tc_node_update(h, s_part, c_part, rW, cb, mp_W, mp_b, scale, shift,
                    final_W=None, final_b=None):
    last = final_W is not None
    out_dim = final_W.shape[1] if last else HID
    np_ = s_part.shape[0]
    nc_ = c_part.shape[0]

    def body(h_ref, s_ref, c_ref, rw_ref, cb_ref, mw_ref, mb_ref,
             sc_ref, sh_ref, *rest):
        h = h_ref[...]
        s = jnp.sum(s_ref[...], axis=0)
        cnt = jnp.maximum(jnp.sum(c_ref[...], axis=0), 1.0)
        agg = s / cnt
        xm = agg + h @ rw_ref[...] + cb_ref[...]
        h2 = h + xm @ mw_ref[...] + mb_ref[...]
        h2 = jnp.maximum(h2 * sc_ref[...] + sh_ref[...], 0.0)
        o_ref = rest[-1]
        if last:
            fw_ref, fb_ref = rest[0], rest[1]
            o_ref[...] = h2 @ fw_ref[...] + fb_ref[...]
        else:
            o_ref[...] = h2

    in_specs = [
        pl.BlockSpec((BN, HID), lambda i: (i, 0)),
        pl.BlockSpec((np_, BN, MSG), lambda i: (0, i, 0)),
        pl.BlockSpec((nc_, BN, MSG), lambda i: (0, i, 0)),
        pl.BlockSpec((HID, MSG), lambda i: (0, 0)),
        pl.BlockSpec((1, MSG), lambda i: (0, 0)),
        pl.BlockSpec((MSG, HID), lambda i: (0, 0)),
        pl.BlockSpec((1, HID), lambda i: (0, 0)),
        pl.BlockSpec((1, HID), lambda i: (0, 0)),
        pl.BlockSpec((1, HID), lambda i: (0, 0)),
    ]
    args = [h, s_part, c_part, rW, cb.reshape(1, MSG), mp_W,
            mp_b.reshape(1, HID), scale.reshape(1, HID), shift.reshape(1, HID)]
    if last:
        in_specs.append(pl.BlockSpec((HID, out_dim), lambda i: (0, 0)))
        in_specs.append(pl.BlockSpec((1, out_dim), lambda i: (0, 0)))
        args.append(final_W)
        args.append(final_b.reshape(1, out_dim))

    return pl.pallas_call(
        body,
        grid=(N // BN,),
        in_specs=in_specs,
        out_specs=pl.BlockSpec((BN, out_dim), lambda i: (i, 0)),
        out_shape=jax.ShapeDtypeStruct((N, out_dim), jnp.float32),
    )(*args)



def _permute_e2(e2W, e2b):
    Wp = e2W.reshape(HID, HID, MSG).transpose(0, 2, 1).reshape(HID, MSG * HID)
    return Wp, e2b.reshape(HID, MSG)


def kernel(x, edge_index, edge_attr, ip_W, ip_b,
           e1W_0, e1b_0, e2W_0, e2b_0, rW_0, cb_0, g_0, be_0, rm_0, rv_0,
           e1W_1, e1b_1, e2W_1, e2b_1, rW_1, cb_1, g_1, be_1, rm_1, rv_1,
           mp_W, mp_b, op_W, op_b):
    src, dst = edge_index[0], edge_index[1]
    src4 = src.reshape(SEG, NW, CH_S, CHUNK)
    dst4 = dst.reshape(SEG, NW, CH_S, CHUNK)
    ea = edge_attr
    zz = jnp.zeros((NPAD, MSG), jnp.float32)
    ones = jnp.ones((CHUNK, MSG), jnp.float32)
    sel = jnp.repeat(jnp.eye(MSG, dtype=jnp.bfloat16), HID, axis=0)

    h = _tc_input_proj(x, ip_W, ip_b)

    layers = [
        (e1W_0, e1b_0, e2W_0, e2b_0, rW_0, cb_0, g_0, be_0, rm_0, rv_0),
        (e1W_1, e1b_1, e2W_1, e2b_1, rW_1, cb_1, g_1, be_1, rm_1, rv_1),
    ]
    c_part = None
    for li, (e1W, e1b, e2W, e2b, rW, cb, g, be, rm, rv) in enumerate(layers):
        e2Wp, b2r = _permute_e2(e2W, e2b)
        scale = g / jnp.sqrt(rv + EPS)
        shift = be - rm * scale

        xj = _sc_gather(h, src4[0])
        m = _tc_messages(ea, xj, e1W, e1b, e2Wp, b2r, sel, 0)
        m3 = m.reshape(NW, E_WS, MSG)
        if li == 0:
            s_part, c_part = _sc_scatter(m3, dst4[0], zz, ones,
                                         with_count=True)
        else:
            (s_part,) = _sc_scatter(m3, dst4[0], zz, ones,
                                    with_count=False)

        if li == 0:
            h = _tc_node_update(h, s_part, c_part, rW, cb,
                                mp_W, mp_b, scale, shift)
        else:
            h = _tc_node_update(h, s_part, c_part, rW, cb,
                                mp_W, mp_b, scale, shift,
                                final_W=op_W, final_b=op_b)
    return h

# --- scband reference (transcript-rebuilt; emitter-appended) ---
"""Pipeline reference for scband-mpnn-50680614093673 (READ-ONLY COPY).

The authoritative reference and input builder live on the scoring server;
editing this copy changes nothing except your own understanding.
"""

import jax, jax.numpy as jnp
import numpy as np

N = 10000
E = 160000
IN_DIM = 128
HID = 64
MSG = 16
EDGE_DIM = 16
OUT_DIM = 1
EPS = 1e-5


def _lin(key, fan_in, fan_out):
    k1, k2 = jax.random.split(key)
    lim = 1.0 / np.sqrt(fan_in)
    W = jax.random.uniform(k1, (fan_in, fan_out), minval=-lim, maxval=lim, dtype=jnp.float32)
    b = jax.random.uniform(k2, (fan_out,), minval=-lim, maxval=lim, dtype=jnp.float32)
    return W, b


def setup_inputs(seed: int = 0) -> dict:
    key = jax.random.key(seed)
    ks = jax.random.split(key, 32)
    inp = {}
    inp["x"] = jax.random.normal(ks[0], (N, IN_DIM), dtype=jnp.float32)
    inp["edge_index"] = jax.random.randint(ks[1], (2, E), 0, N, dtype=jnp.int32)
    inp["edge_attr"] = jax.random.normal(ks[2], (E, EDGE_DIM), dtype=jnp.float32)
    inp["ip_W"], inp["ip_b"] = _lin(ks[3], IN_DIM, HID)
    for l in range(2):
        base = 4 + l * 4
        inp["e1W_%d" % l], inp["e1b_%d" % l] = _lin(ks[base], EDGE_DIM, HID)
        inp["e2W_%d" % l], inp["e2b_%d" % l] = _lin(ks[base + 1], HID, MSG * HID)
        rW, _ = _lin(ks[base + 2], HID, MSG)
        inp["rW_%d" % l] = rW
        inp["cb_%d" % l] = jnp.zeros((MSG,), dtype=jnp.float32)
        inp["g_%d" % l] = jnp.ones((HID,), dtype=jnp.float32)
        inp["be_%d" % l] = jnp.zeros((HID,), dtype=jnp.float32)
        inp["rm_%d" % l] = jnp.zeros((HID,), dtype=jnp.float32)
        inp["rv_%d" % l] = jnp.ones((HID,), dtype=jnp.float32)
    inp["mp_W"], inp["mp_b"] = _lin(ks[14], MSG, HID)
    inp["op_W"], inp["op_b"] = _lin(ks[15], HID, OUT_DIM)
    return inp


def _nnconv(h, src, dst, edge_attr, e1W, e1b, e2W, e2b, rW, cb):
    # edge_nn: Linear -> ReLU -> Linear, output reshaped to [E, HID, MSG]
    w = jax.nn.relu(edge_attr @ e1W + e1b) @ e2W + e2b
    w = w.reshape(E, HID, MSG)
    xj = h[src]                       # gather source node features per edge
    m = jnp.einsum('eh,ehm->em', xj, w)  # per-edge message [E, MSG]
    s = jnp.zeros((N, MSG), dtype=h.dtype).at[dst].add(m)  # scatter-add by dst
    cnt = jnp.zeros((N,), dtype=h.dtype).at[dst].add(1.0)
    agg = s / jnp.maximum(cnt, 1.0)[:, None]  # mean aggregation
    return agg + h @ rW + cb             # root weight + bias (NNConv)


def _bn(x, g, b, rm, rv):
    # BatchNorm1d in eval mode (running stats)
    return (x - rm) / jnp.sqrt(rv + EPS) * g + b


def reference(x, edge_index, edge_attr, ip_W, ip_b,
              e1W_0, e1b_0, e2W_0, e2b_0, rW_0, cb_0, g_0, be_0, rm_0, rv_0,
              e1W_1, e1b_1, e2W_1, e2b_1, rW_1, cb_1, g_1, be_1, rm_1, rv_1,
              mp_W, mp_b, op_W, op_b):
    src, dst = edge_index[0], edge_index[1]
    h = x @ ip_W + ip_b
    layer_params = [
        (e1W_0, e1b_0, e2W_0, e2b_0, rW_0, cb_0, g_0, be_0, rm_0, rv_0),
        (e1W_1, e1b_1, e2W_1, e2b_1, rW_1, cb_1, g_1, be_1, rm_1, rv_1),
    ]
    for (e1W, e1b, e2W, e2b, rW, cb, g, be, rm, rv) in layer_params:
        res = h
        xm = _nnconv(h, src, dst, edge_attr, e1W, e1b, e2W, e2b, rW, cb)
        h = res + xm @ mp_W + mp_b   # residual + shared msg_proj
        h = _bn(h, g, be, rm, rv)
        h = jax.nn.relu(h)
        # dropout p=0.0 / eval mode: no-op
    return h @ op_W + op_b

if __name__ == "__main__":
    import jax
    _d = setup_inputs()
    print(jax.jit(kernel)(*tuple(_d.values())))

</pallas_src>

<mosaic_0001>
#map = affine_map<(d0, d1) -> (0, 0)>
#map1 = affine_map<(d0, d1) -> (0, 0, 0)>
module attributes {stable_mosaic.version = 14 : i64} {
  func.func @k(%arg0: i32, %arg1: i32, %arg2: memref<10000x64xf32, #tpu.memory_space<hbm>>, %arg3: memref<32x40x125xi32, #tpu.memory_space<hbm>>, %arg4: memref<160000x64xf32, #tpu.memory_space<hbm>>, %arg5: memref<40x125xi32, #tpu.memory_space<vmem>>, %arg6: memref<10x125x64xf32, #tpu.memory_space<vmem>>, %arg7: memref<!tpu.dma_semaphore, #tpu.memory_space<semaphore_mem>>, %arg8: memref<!tpu.dma_semaphore, #tpu.memory_space<semaphore_mem>>) attributes {dimension_semantics = [#tpu.dimension_semantics<core_parallel>, #tpu.dimension_semantics<subcore_parallel>], iteration_bounds = array<i64: 2, 16>, scalar_prefetch = 0 : i64, scratch_operands = 4 : i64, tpu.core_type = #tpu.core_type<sc_vector_subcore>, window_params = [{transform_indices = #map}, {transform_indices = #map1}, {transform_indices = #map}]} {
    %mul3A = arith.constant 2 : i32
    %mul3A_0 = arith.muli %arg1, %mul3A : i32
    %add3A = arith.addi %mul3A_0, %arg0 : i32
    "tpu.region"() ({
      %run_scoped3A = tpu.sem_alloc : memref<!tpu.dma_semaphore, #tpu.memory_space<semaphore_mem>>
      %dma_start3A = arith.constant 0 : i32
      %dma_start3A_6 = arith.constant 0 : i32
      %dma_start3A_7 = tpu.memref_slice %arg3[%add3A, %dma_start3A, %dma_start3A_6] : memref<32x40x125xi32, #tpu.memory_space<hbm>> -> memref<1x40x125xi32, #tpu.memory_space<hbm>>
      %dma_start3A_8 = tpu.memref_squeeze %dma_start3A_7 : memref<1x40x125xi32, #tpu.memory_space<hbm>> -> memref<40x125xi32, #tpu.memory_space<hbm>>
      %dma_start3A_9 = arith.constant 0 : i32
      %dma_start3A_10 = arith.constant 0 : i32
      %dma_start3A_11 = tpu.memref_slice %arg3[%add3A, %dma_start3A_9, %dma_start3A_10] : memref<32x40x125xi32, #tpu.memory_space<hbm>> -> memref<1x40x125xi32, #tpu.memory_space<hbm>>
      %dma_start3A_12 = tpu.memref_squeeze %dma_start3A_11 : memref<1x40x125xi32, #tpu.memory_space<hbm>> -> memref<40x125xi32, #tpu.memory_space<hbm>>
      tpu.enqueue_dma source(%dma_start3A_12 : memref<40x125xi32, #tpu.memory_space<hbm>>) target(%arg5 : memref<40x125xi32, #tpu.memory_space<vmem>>) target_semaphore(%run_scoped3A : memref<!tpu.dma_semaphore, #tpu.memory_space<semaphore_mem>>)
      %dma_wait3A = arith.constant 0 : i32
      %dma_wait3A_13 = arith.constant 0 : i32
      %dma_wait3A_14 = tpu.memref_slice %arg3[%add3A, %dma_wait3A, %dma_wait3A_13] : memref<32x40x125xi32, #tpu.memory_space<hbm>> -> memref<1x40x125xi32, #tpu.memory_space<hbm>>
      %dma_wait3A_15 = tpu.memref_squeeze %dma_wait3A_14 : memref<1x40x125xi32, #tpu.memory_space<hbm>> -> memref<40x125xi32, #tpu.memory_space<hbm>>
      %dma_wait3A_16 = arith.constant 0 : i32
      %dma_wait3A_17 = arith.constant 0 : i32
      %dma_wait3A_18 = tpu.memref_slice %arg3[%add3A, %dma_wait3A_16, %dma_wait3A_17] : memref<32x40x125xi32, #tpu.memory_space<hbm>> -> memref<1x40x125xi32, #tpu.memory_space<hbm>>
      %dma_wait3A_19 = tpu.memref_squeeze %dma_wait3A_18 : memref<1x40x125xi32, #tpu.memory_space<hbm>> -> memref<40x125xi32, #tpu.memory_space<hbm>>
      tpu.wait_dma2 semaphore(%run_scoped3A : memref<!tpu.dma_semaphore, #tpu.memory_space<semaphore_mem>>) src(%dma_wait3A_19 : memref<40x125xi32, #tpu.memory_space<hbm>>) dst(%arg5 : memref<40x125xi32, #tpu.memory_space<vmem>>)
      tpu.yield
    }) : () -> ()
    %scan3A = arith.constant 0 : i32
    %scan3A_1 = arith.constant 0 : i32
    %scan3A_2 = arith.constant 4 : i32
    %scan3A_3 = arith.addi %scan3A_1, %scan3A_2 : i32
    %scan3A_4 = arith.constant 1 : i32
    scf.for %scan3A_6 = %scan3A_1 to %scan3A_3 step %scan3A_4  : i32 {
      %mul3A_7 = arith.constant 10 : i32
      %mul3A_8 = arith.muli %scan3A_6, %mul3A_7 : i32
      %add3A_9 = arith.constant 0 : i32
      %add3A_10 = arith.addi %mul3A_8, %add3A_9 : i32
      %dma_start3A = arith.constant 0 : i32
      %dma_start3A_11 = arith.constant 0 : i32
      %dma_start3A_12 = arith.constant 0 : i32
      %dma_start3A_13 = tpu.memref_slice %arg6[%dma_start3A, %dma_start3A_11, %dma_start3A_12] : memref<10x125x64xf32, #tpu.memory_space<vmem>> -> memref<1x125x64xf32, #tpu.memory_space<vmem>>
      %dma_start3A_14 = tpu.memref_squeeze %dma_start3A_13 : memref<1x125x64xf32, #tpu.memory_space<vmem>> -> memref<125x64xf32, #tpu.memory_space<vmem>>
      %dma_start3A_15 = arith.constant 0 : i32
      %dma_start3A_16 = tpu.memref_slice %arg5[%add3A_10, %dma_start3A_15] : memref<40x125xi32, #tpu.memory_space<vmem>> -> memref<1x125xi32, #tpu.memory_space<vmem>>
      %dma_start3A_17 = tpu.memref_squeeze %dma_start3A_16 : memref<1x125xi32, #tpu.memory_space<vmem>> -> memref<125xi32, #tpu.memory_space<vmem>>
      %dma_start3A_18 = arith.constant 0 : i32
      %dma_start3A_19 = arith.constant 0 : i32
      %dma_start3A_20 = tpu.memref_slice %arg2[%dma_start3A_18, %dma_start3A_19] : memref<10000x64xf32, #tpu.memory_space<hbm>> -> memref<10000x64xf32, #tpu.memory_space<hbm>>
      tpu.enqueue_indirect_dma source(%dma_start3A_20 : memref<10000x64xf32, #tpu.memory_space<hbm>>) target(%dma_start3A_14 : memref<125x64xf32, #tpu.memory_space<vmem>>) offsets(%dma_start3A_17 : memref<125xi32, #tpu.memory_space<vmem>>) semaphore(%arg7 : memref<!tpu.dma_semaphore, #tpu.memory_space<semaphore_mem>>)
      %add3A_21 = arith.constant 1 : i32
      %add3A_22 = arith.addi %mul3A_8, %add3A_21 : i32
      %dma_start3A_23 = arith.constant 1 : i32
      %dma_start3A_24 = arith.constant 0 : i32
      %dma_start3A_25 = arith.constant 0 : i32
      %dma_start3A_26 = tpu.memref_slice %arg6[%dma_start3A_23, %dma_start3A_24, %dma_start3A_25] : memref<10x125x64xf32, #tpu.memory_space<vmem>> -> memref<1x125x64xf32, #tpu.memory_space<vmem>>
      %dma_start3A_27 = tpu.memref_squeeze %dma_start3A_26 : memref<1x125x64xf32, #tpu.memory_space<vmem>> -> memref<125x64xf32, #tpu.memory_space<vmem>>
      %dma_start3A_28 = arith.constant 0 : i32
      %dma_start3A_29 = tpu.memref_slice %arg5[%add3A_22, %dma_start3A_28] : memref<40x125xi32, #tpu.memory_space<vmem>> -> memref<1x125xi32, #tpu.memory_space<vmem>>
      %dma_start3A_30 = tpu.memref_squeeze %dma_start3A_29 : memref<1x125xi32, #tpu.memory_space<vmem>> -> memref<125xi32, #tpu.memory_space<vmem>>
      %dma_start3A_31 = arith.constant 0 : i32
      %dma_start3A_32 = arith.constant 0 : i32
      %dma_start3A_33 = tpu.memref_slice %arg2[%dma_start3A_31, %dma_start3A_32] : memref<10000x64xf32, #tpu.memory_space<hbm>> -> memref<10000x64xf32, #tpu.memory_space<hbm>>
      tpu.enqueue_indirect_dma source(%dma_start3A_33 : memref<10000x64xf32, #tpu.memory_space<hbm>>) target(%dma_start3A_27 : memref<125x64xf32, #tpu.memory_space<vmem>>) offsets(%dma_start3A_30 : memref<125xi32, #tpu.memory_space<vmem>>) semaphore(%arg7 : memref<!tpu.dma_semaphore, #tpu.memory_space<semaphore_mem>>)
      %add3A_34 = arith.constant 2 : i32
      %add3A_35 = arith.addi %mul3A_8, %add3A_34 : i32
      %dma_start3A_36 = arith.constant 2 : i32
      %dma_start3A_37 = arith.constant 0 : i32
      %dma_start3A_38 = arith.constant 0 : i32
      %dma_start3A_39 = tpu.memref_slice %arg6[%dma_start3A_36, %dma_start3A_37, %dma_start3A_38] : memref<10x125x64xf32, #tpu.memory_space<vmem>> -> memref<1x125x64xf32, #tpu.memory_space<vmem>>
      %dma_start3A_40 = tpu.memref_squeeze %dma_start3A_39 : memref<1x125x64xf32, #tpu.memory_space<vmem>> -> memref<125x64xf32, #tpu.memory_space<vmem>>
      %dma_start3A_41 = arith.constant 0 : i32
      %dma_start3A_42 = tpu.memref_slice %arg5[%add3A_35, %dma_start3A_41] : memref<40x125xi32, #tpu.memory_space<vmem>> -> memref<1x125xi32, #tpu.memory_space<vmem>>
      %dma_start3A_43 = tpu.memref_squeeze %dma_start3A_42 : memref<1x125xi32, #tpu.memory_space<vmem>> -> memref<125xi32, #tpu.memory_space<vmem>>
      %dma_start3A_44 = arith.constant 0 : i32
      %dma_start3A_45 = arith.constant 0 : i32
      %dma_start3A_46 = tpu.memref_slice %arg2[%dma_start3A_44, %dma_start3A_45] : memref<10000x64xf32, #tpu.memory_space<hbm>> -> memref<10000x64xf32, #tpu.memory_space<hbm>>
      tpu.enqueue_indirect_dma source(%dma_start3A_46 : memref<10000x64xf32, #tpu.memory_space<hbm>>) target(%dma_start3A_40 : memref<125x64xf32, #tpu.memory_space<vmem>>) offsets(%dma_start3A_43 : memref<125xi32, #tpu.memory_space<vmem>>) semaphore(%arg7 : memref<!tpu.dma_semaphore, #tpu.memory_space<semaphore_mem>>)
      %add3A_47 = arith.constant 3 : i32
      %add3A_48 = arith.addi %mul3A_8, %add3A_47 : i32
      %dma_start3A_49 = arith.constant 3 : i32
      %dma_start3A_50 = arith.constant 0 : i32
      %dma_start3A_51 = arith.constant 0 : i32
      %dma_start3A_52 = tpu.memref_slice %arg6[%dma_start3A_49, %dma_start3A_50, %dma_start3A_51] : memref<10x125x64xf32, #tpu.memory_space<vmem>> -> memref<1x125x64xf32, #tpu.memory_space<vmem>>
      %dma_start3A_53 = tpu.memref_squeeze %dma_start3A_52 : memref<1x125x64xf32, #tpu.memory_space<vmem>> -> memref<125x64xf32, #tpu.memory_space<vmem>>
      %dma_start3A_54 = arith.constant 0 : i32
      %dma_start3A_55 = tpu.memref_slice %arg5[%add3A_48, %dma_start3A_54] : memref<40x125xi32, #tpu.memory_space<vmem>> -> memref<1x125xi32, #tpu.memory_space<vmem>>
      %dma_start3A_56 = tpu.memref_squeeze %dma_start3A_55 : memref<1x125xi32, #tpu.memory_space<vmem>> -> memref<125xi32, #tpu.memory_space<vmem>>
      %dma_start3A_57 = arith.constant 0 : i32
      %dma_start3A_58 = arith.constant 0 : i32
      %dma_start3A_59 = tpu.memref_slice %arg2[%dma_start3A_57, %dma_start3A_58] : memref<10000x64xf32, #tpu.memory_space<hbm>> -> memref<10000x64xf32, #tpu.memory_space<hbm>>
      tpu.enqueue_indirect_dma source(%dma_start3A_59 : memref<10000x64xf32, #tpu.memory_space<hbm>>) target(%dma_start3A_53 : memref<125x64xf32, #tpu.memory_space<vmem>>) offsets(%dma_start3A_56 : memref<125xi32, #tpu.memory_space<vmem>>) semaphore(%arg7 : memref<!tpu.dma_semaphore, #tpu.memory_space<semaphore_mem>>)
      %add3A_60 = arith.constant 4 : i32
      %add3A_61 = arith.addi %mul3A_8, %add3A_60 : i32
      %dma_start3A_62 = arith.constant 4 : i32
      %dma_start3A_63 = arith.constant 0 : i32
      %dma_start3A_64 = arith.constant 0 : i32
      %dma_start3A_65 = tpu.memref_slice %arg6[%dma_start3A_62, %dma_start3A_63, %dma_start3A_64] : memref<10x125x64xf32, #tpu.memory_space<vmem>> -> memref<1x125x64xf32, #tpu.memory_space<vmem>>
      %dma_start3A_66 = tpu.memref_squeeze %dma_start3A_65 : memref<1x125x64xf32, #tpu.memory_space<vmem>> -> memref<125x64xf32, #tpu.memory_space<vmem>>
      %dma_start3A_67 = arith.constant 0 : i32
      %dma_start3A_68 = tpu.memref_slice %arg5[%add3A_61, %dma_start3A_67] : memref<40x125xi32, #tpu.memory_space<vmem>> -> memref<1x125xi32, #tpu.memory_space<vmem>>
      %dma_start3A_69 = tpu.memref_squeeze %dma_start3A_68 : memref<1x125xi32, #tpu.memory_space<vmem>> -> memref<125xi32, #tpu.memory_space<vmem>>
      %dma_start3A_70 = arith.constant 0 : i32
      %dma_start3A_71 = arith.constant 0 : i32
      %dma_start3A_72 = tpu.memref_slice %arg2[%dma_start3A_70, %dma_start3A_71] : memref<10000x64xf32, #tpu.memory_space<hbm>> -> memref<10000x64xf32, #tpu.memory_space<hbm>>
      tpu.enqueue_indirect_dma source(%dma_start3A_72 : memref<10000x64xf32, #tpu.memory_space<hbm>>) target(%dma_start3A_66 : memref<125x64xf32, #tpu.memory_space<vmem>>) offsets(%dma_start3A_69 : memref<125xi32, #tpu.memory_space<vmem>>) semaphore(%arg7 : memref<!tpu.dma_semaphore, #tpu.memory_space<semaphore_mem>>)
      %add3A_73 = arith.constant 5 : i32
      %add3A_74 = arith.addi %mul3A_8, %add3A_73 : i32
      %dma_start3A_75 = arith.constant 5 : i32
      %dma_start3A_76 = arith.constant 0 : i32
      %dma_start3A_77 = arith.constant 0 : i32
      %dma_start3A_78 = tpu.memref_slice %arg6[%dma_start3A_75, %dma_start3A_76, %dma_start3A_77] : memref<10x125x64xf32, #tpu.memory_space<vmem>> -> memref<1x125x64xf32, #tpu.memory_space<vmem>>
      %dma_start3A_79 = tpu.memref_squeeze %dma_start3A_78 : memref<1x125x64xf32, #tpu.memory_space<vmem>> -> memref<125x64xf32, #tpu.memory_space<vmem>>
      %dma_start3A_80 = arith.constant 0 : i32
      %dma_start3A_81 = tpu.memref_slice %arg5[%add3A_74, %dma_start3A_80] : memref<40x125xi32, #tpu.memory_space<vmem>> -> memref<1x125xi32, #tpu.memory_space<vmem>>
      %dma_start3A_82 = tpu.memref_squeeze %dma_start3A_81 : memref<1x125xi32, #tpu.memory_space<vmem>> -> memref<125xi32, #tpu.memory_space<vmem>>
      %dma_start3A_83 = arith.constant 0 : i32
      %dma_start3A_84 = arith.constant 0 : i32
      %dma_start3A_85 = tpu.memref_slice %arg2[%dma_start3A_83, %dma_start3A_84] : memref<10000x64xf32, #tpu.memory_space<hbm>> -> memref<10000x64xf32, #tpu.memory_space<hbm>>
      tpu.enqueue_indirect_dma source(%dma_start3A_85 : memref<10000x64xf32, #tpu.memory_space<hbm>>) target(%dma_start3A_79 : memref<125x64xf32, #tpu.memory_space<vmem>>) offsets(%dma_start3A_82 : memref<125xi32, #tpu.memory_space<vmem>>) semaphore(%arg7 : memref<!tpu.dma_semaphore, #tpu.memory_space<semaphore_mem>>)
      %add3A_86 = arith.constant 6 : i32
      %add3A_87 = arith.addi %mul3A_8, %add3A_86 : i32
      %dma_start3A_88 = arith.constant 6 : i32
      %dma_start3A_89 = arith.constant 0 : i32
      %dma_start3A_90 = arith.constant 0 : i32
      %dma_start3A_91 = tpu.memref_slice %arg6[%dma_start3A_88, %dma_start3A_89, %dma_start3A_90] : memref<10x125x64xf32, #tpu.memory_space<vmem>> -> memref<1x125x64xf32, #tpu.memory_space<vmem>>
      %dma_start3A_92 = tpu.memref_squeeze %dma_start3A_91 : memref<1x125x64xf32, #tpu.memory_space<vmem>> -> memref<125x64xf32, #tpu.memory_space<vmem>>
      %dma_start3A_93 = arith.constant 0 : i32
      %dma_start3A_94 = tpu.memref_slice %arg5[%add3A_87, %dma_start3A_93] : memref<40x125xi32, #tpu.memory_space<vmem>> -> memref<1x125xi32, #tpu.memory_space<vmem>>
      %dma_start3A_95 = tpu.memref_squeeze %dma_start3A_94 : memref<1x125xi32, #tpu.memory_space<vmem>> -> memref<125xi32, #tpu.memory_space<vmem>>
      %dma_start3A_96 = arith.constant 0 : i32
      %dma_start3A_97 = arith.constant 0 : i32
      %dma_start3A_98 = tpu.memref_slice %arg2[%dma_start3A_96, %dma_start3A_97] : memref<10000x64xf32, #tpu.memory_space<hbm>> -> memref<10000x64xf32, #tpu.memory_space<hbm>>
      tpu.enqueue_indirect_dma source(%dma_start3A_98 : memref<10000x64xf32, #tpu.memory_space<hbm>>) target(%dma_start3A_92 : memref<125x64xf32, #tpu.memory_space<vmem>>) offsets(%dma_start3A_95 : memref<125xi32, #tpu.memory_space<vmem>>) semaphore(%arg7 : memref<!tpu.dma_semaphore, #tpu.memory_space<semaphore_mem>>)
      %add3A_99 = arith.constant 7 : i32
      %add3A_100 = arith.addi %mul3A_8, %add3A_99 : i32
      %dma_start3A_101 = arith.constant 7 : i32
      %dma_start3A_102 = arith.constant 0 : i32
      %dma_start3A_103 = arith.constant 0 : i32
      %dma_start3A_104 = tpu.memref_slice %arg6[%dma_start3A_101, %dma_start3A_102, %dma_start3A_103] : memref<10x125x64xf32, #tpu.memory_space<vmem>> -> memref<1x125x64xf32, #tpu.memory_space<vmem>>
      %dma_start3A_105 = tpu.memref_squeeze %dma_start3A_104 : memref<1x125x64xf32, #tpu.memory_space<vmem>> -> memref<125x64xf32, #tpu.memory_space<vmem>>
      %dma_start3A_106 = arith.constant 0 : i32
      %dma_start3A_107 = tpu.memref_slice %arg5[%add3A_100, %dma_start3A_106] : memref<40x125xi32, #tpu.memory_space<vmem>> -> memref<1x125xi32, #tpu.memory_space<vmem>>
      %dma_start3A_108 = tpu.memref_squeeze %dma_start3A_107 : memref<1x125xi32, #tpu.memory_space<vmem>> -> memref<125xi32, #tpu.memory_space<vmem>>
      %dma_start3A_109 = arith.constant 0 : i32
      %dma_start3A_110 = arith.constant 0 : i32
      %dma_start3A_111 = tpu.memref_slice %arg2[%dma_start3A_109, %dma_start3A_110] : memref<10000x64xf32, #tpu.memory_space<hbm>> -> memref<10000x64xf32, #tpu.memory_space<hbm>>
      tpu.enqueue_indirect_dma source(%dma_start3A_111 : memref<10000x64xf32, #tpu.memory_space<hbm>>) target(%dma_start3A_105 : memref<125x64xf32, #tpu.memory_space<vmem>>) offsets(%dma_start3A_108 : memref<125xi32, #tpu.memory_space<vmem>>) semaphore(%arg7 : memref<!tpu.dma_semaphore, #tpu.memory_space<semaphore_mem>>)
      %add3A_112 = arith.constant 8 : i32
      %add3A_113 = arith.addi %mul3A_8, %add3A_112 : i32
      %dma_start3A_114 = arith.constant 8 : i32
      %dma_start3A_115 = arith.constant 0 : i32
      %dma_start3A_116 = arith.constant 0 : i32
      %dma_start3A_117 = tpu.memref_slice %arg6[%dma_start3A_114, %dma_start3A_115, %dma_start3A_116] : memref<10x125x64xf32, #tpu.memory_space<vmem>> -> memref<1x125x64xf32, #tpu.memory_space<vmem>>
      %dma_start3A_118 = tpu.memref_squeeze %dma_start3A_117 : memref<1x125x64xf32, #tpu.memory_space<vmem>> -> memref<125x64xf32, #tpu.memory_space<vmem>>
      %dma_start3A_119 = arith.constant 0 : i32
      %dma_start3A_120 = tpu.memref_slice %arg5[%add3A_113, %dma_start3A_119] : memref<40x125xi32, #tpu.memory_space<vmem>> -> memref<1x125xi32, #tpu.memory_space<vmem>>
      %dma_start3A_121 = tpu.memref_squeeze %dma_start3A_120 : memref<1x125xi32, #tpu.memory_space<vmem>> -> memref<125xi32, #tpu.memory_space<vmem>>
      %dma_start3A_122 = arith.constant 0 : i32
      %dma_start3A_123 = arith.constant 0 : i32
      %dma_start3A_124 = tpu.memref_slice %arg2[%dma_start3A_122, %dma_start3A_123] : memref<10000x64xf32, #tpu.memory_space<hbm>> -> memref<10000x64xf32, #tpu.memory_space<hbm>>
      tpu.enqueue_indirect_dma source(%dma_start3A_124 : memref<10000x64xf32, #tpu.memory_space<hbm>>) target(%dma_start3A_118 : memref<125x64xf32, #tpu.memory_space<vmem>>) offsets(%dma_start3A_121 : memref<125xi32, #tpu.memory_space<vmem>>) semaphore(%arg7 : memref<!tpu.dma_semaphore, #tpu.memory_space<semaphore_mem>>)
      %add3A_125 = arith.constant 9 : i32
      %add3A_126 = arith.addi %mul3A_8, %add3A_125 : i32
      %dma_start3A_127 = arith.constant 9 : i32
      %dma_start3A_128 = arith.constant 0 : i32
      %dma_start3A_129 = arith.constant 0 : i32
      %dma_start3A_130 = tpu.memref_slice %arg6[%dma_start3A_127, %dma_start3A_128, %dma_start3A_129] : memref<10x125x64xf32, #tpu.memory_space<vmem>> -> memref<1x125x64xf32, #tpu.memory_space<vmem>>
      %dma_start3A_131 = tpu.memref_squeeze %dma_start3A_130 : memref<1x125x64xf32, #tpu.memory_space<vmem>> -> memref<125x64xf32, #tpu.memory_space<vmem>>
      %dma_start3A_132 = arith.constant 0 : i32
      %dma_start3A_133 = tpu.memref_slice %arg5[%add3A_126, %dma_start3A_132] : memref<40x125xi32, #tpu.memory_space<vmem>> -> memref<1x125xi32, #tpu.memory_space<vmem>>
      %dma_start3A_134 = tpu.memref_squeeze %dma_start3A_133 : memref<1x125xi32, #tpu.memory_space<vmem>> -> memref<125xi32, #tpu.memory_space<vmem>>
      %dma_start3A_135 = arith.constant 0 : i32
      %dma_start3A_136 = arith.constant 0 : i32
      %dma_start3A_137 = tpu.memref_slice %arg2[%dma_start3A_135, %dma_start3A_136] : memref<10000x64xf32, #tpu.memory_space<hbm>> -> memref<10000x64xf32, #tpu.memory_space<hbm>>
      tpu.enqueue_indirect_dma source(%dma_start3A_137 : memref<10000x64xf32, #tpu.memory_space<hbm>>) target(%dma_start3A_131 : memref<125x64xf32, #tpu.memory_space<vmem>>) offsets(%dma_start3A_134 : memref<125xi32, #tpu.memory_space<vmem>>) semaphore(%arg7 : memref<!tpu.dma_semaphore, #tpu.memory_space<semaphore_mem>>)
      %dma_wait3A = arith.constant 0 : i32
      %dma_wait3A_138 = arith.constant 0 : i32
      %dma_wait3A_139 = arith.constant 0 : i32
      %dma_wait3A_140 = tpu.memref_slice %arg6[%dma_wait3A, %dma_wait3A_138, %dma_wait3A_139] : memref<10x125x64xf32, #tpu.memory_space<vmem>> -> memref<1x125x64xf32, #tpu.memory_space<vmem>>
      %dma_wait3A_141 = tpu.memref_squeeze %dma_wait3A_140 : memref<1x125x64xf32, #tpu.memory_space<vmem>> -> memref<125x64xf32, #tpu.memory_space<vmem>>
      %dma_wait3A_142 = arith.constant 0 : i32
      %dma_wait3A_143 = tpu.memref_slice %arg5[%add3A_10, %dma_wait3A_142] : memref<40x125xi32, #tpu.memory_space<vmem>> -> memref<1x125xi32, #tpu.memory_space<vmem>>
      %dma_wait3A_144 = tpu.memref_squeeze %dma_wait3A_143 : memref<1x125xi32, #tpu.memory_space<vmem>> -> memref<125xi32, #tpu.memory_space<vmem>>
      %dma_wait3A_145 = arith.constant 0 : i32
      %dma_wait3A_146 = arith.constant 0 : i32
      %dma_wait3A_147 = tpu.memref_slice %arg2[%dma_wait3A_145, %dma_wait3A_146] : memref<10000x64xf32, #tpu.memory_space<hbm>> -> memref<10000x64xf32, #tpu.memory_space<hbm>>
      tpu.wait_indirect_dma semaphore(%arg7 : memref<!tpu.dma_semaphore, #tpu.memory_space<semaphore_mem>>) src(%dma_wait3A_147 : memref<10000x64xf32, #tpu.memory_space<hbm>>) dst(%dma_wait3A_141 : memref<125x64xf32, #tpu.memory_space<vmem>>)
      %mul3A_148 = arith.constant 40 : i32
      %mul3A_149 = arith.muli %add3A, %mul3A_148 : i32
      %add3A_150 = arith.addi %mul3A_149, %mul3A_8 : i32
      %add3A_151 = arith.constant 0 : i32
      %add3A_152 = arith.addi %add3A_150, %add3A_151 : i32
      %mul3A_153 = arith.constant 125 : i32
      %mul3A_154 = arith.muli %add3A_152, %mul3A_153 : i32
      %dma_start3A_155 = arith.constant 0 : i32
      %dma_start3A_156 = arith.constant 0 : i32
      %dma_start3A_157 = arith.constant 0 : i32
      %dma_start3A_158 = tpu.memref_slice %arg6[%dma_start3A_155, %dma_start3A_156, %dma_start3A_157] : memref<10x125x64xf32, #tpu.memory_space<vmem>> -> memref<1x125x64xf32, #tpu.memory_space<vmem>>
      %dma_start3A_159 = tpu.memref_squeeze %dma_start3A_158 : memref<1x125x64xf32, #tpu.memory_space<vmem>> -> memref<125x64xf32, #tpu.memory_space<vmem>>
      %dma_start3A_160 = arith.constant 0 : i32
      %dma_start3A_161 = tpu.memref_slice %arg4[%mul3A_154, %dma_start3A_160] : memref<160000x64xf32, #tpu.memory_space<hbm>> -> memref<125x64xf32, #tpu.memory_space<hbm>>
      %dma_start3A_162 = arith.constant 0 : i32
      %dma_start3A_163 = tpu.memref_slice %arg4[%mul3A_154, %dma_start3A_162] : memref<160000x64xf32, #tpu.memory_space<hbm>> -> memref<125x64xf32, #tpu.memory_space<hbm>>
      %dma_start3A_164 = arith.constant 0 : i32
      %dma_start3A_165 = arith.constant 0 : i32
      %dma_start3A_166 = tpu.memref_slice %arg6[%dma_start3A_155, %dma_start3A_164, %dma_start3A_165] : memref<10x125x64xf32, #tpu.memory_space<vmem>> -> memref<1x125x64xf32, #tpu.memory_space<vmem>>
      %dma_start3A_167 = tpu.memref_squeeze %dma_start3A_166 : memref<1x125x64xf32, #tpu.memory_space<vmem>> -> memref<125x64xf32, #tpu.memory_space<vmem>>
      tpu.enqueue_dma source(%dma_start3A_167 : memref<125x64xf32, #tpu.memory_space<vmem>>) target(%dma_start3A_163 : memref<125x64xf32, #tpu.memory_space<hbm>>) target_semaphore(%arg8 : memref<!tpu.dma_semaphore, #tpu.memory_space<semaphore_mem>>)
      %dma_wait3A_168 = arith.constant 1 : i32
      %dma_wait3A_169 = arith.constant 0 : i32
      %dma_wait3A_170 = arith.constant 0 : i32
      %dma_wait3A_171 = tpu.memref_slice %arg6[%dma_wait3A_168, %dma_wait3A_169, %dma_wait3A_170] : memref<10x125x64xf32, #tpu.memory_space<vmem>> -> memref<1x125x64xf32, #tpu.memory_space<vmem>>
      %dma_wait3A_172 = tpu.memref_squeeze %dma_wait3A_171 : memref<1x125x64xf32, #tpu.memory_space<vmem>> -> memref<125x64xf32, #tpu.memory_space<vmem>>
      %dma_wait3A_173 = arith.constant 0 : i32
      %dma_wait3A_174 = tpu.memref_slice %arg5[%add3A_22, %dma_wait3A_173] : memref<40x125xi32, #tpu.memory_space<vmem>> -> memref<1x125xi32, #tpu.memory_space<vmem>>
      %dma_wait3A_175 = tpu.memref_squeeze %dma_wait3A_174 : memref<1x125xi32, #tpu.memory_space<vmem>> -> memref<125xi32, #tpu.memory_space<vmem>>
      %dma_wait3A_176 = arith.constant 0 : i32
      %dma_wait3A_177 = arith.constant 0 : i32
      %dma_wait3A_178 = tpu.memref_slice %arg2[%dma_wait3A_176, %dma_wait3A_177] : memref<10000x64xf32, #tpu.memory_space<hbm>> -> memref<10000x64xf32, #tpu.memory_space<hbm>>
      tpu.wait_indirect_dma semaphore(%arg7 : memref<!tpu.dma_semaphore, #tpu.memory_space<semaphore_mem>>) src(%dma_wait3A_178 : memref<10000x64xf32, #tpu.memory_space<hbm>>) dst(%dma_wait3A_172 : memref<125x64xf32, #tpu.memory_space<vmem>>)
      %mul3A_179 = arith.constant 40 : i32
      %mul3A_180 = arith.muli %add3A, %mul3A_179 : i32
      %add3A_181 = arith.addi %mul3A_180, %mul3A_8 : i32
      %add3A_182 = arith.constant 1 : i32
      %add3A_183 = arith.addi %add3A_181, %add3A_182 : i32
      %mul3A_184 = arith.constant 125 : i32
      %mul3A_185 = arith.muli %add3A_183, %mul3A_184 : i32
      %dma_start3A_186 = arith.constant 1 : i32
      %dma_start3A_187 = arith.constant 0 : i32
      %dma_start3A_188 = arith.constant 0 : i32
      %dma_start3A_189 = tpu.memref_slice %arg6[%dma_start3A_186, %dma_start3A_187, %dma_start3A_188] : memref<10x125x64xf32, #tpu.memory_space<vmem>> -> memref<1x125x64xf32, #tpu.memory_space<vmem>>
      %dma_start3A_190 = tpu.memref_squeeze %dma_start3A_189 : memref<1x125x64xf32, #tpu.memory_space<vmem>> -> memref<125x64xf32, #tpu.memory_space<vmem>>
      %dma_start3A_191 = arith.constant 0 : i32
      %dma_start3A_192 = tpu.memref_slice %arg4[%mul3A_185, %dma_start3A_191] : memref<160000x64xf32, #tpu.memory_space<hbm>> -> memref<125x64xf32, #tpu.memory_space<hbm>>
      %dma_start3A_193 = arith.constant 0 : i32
      %dma_start3A_194 = tpu.memref_slice %arg4[%mul3A_185, %dma_start3A_193] : memref<160000x64xf32, #tpu.memory_space<hbm>> -> memref<125x64xf32, #tpu.memory_space<hbm>>
      %dma_start3A_195 = arith.constant 0 : i32
      %dma_start3A_196 = arith.constant 0 : i32
      %dma_start3A_197 = tpu.memref_slice %arg6[%dma_start3A_186, %dma_start3A_195, %dma_start3A_196] : memref<10x125x64xf32, #tpu.memory_space<vmem>> -> memref<1x125x64xf32, #tpu.memory_space<vmem>>
      %dma_start3A_198 = tpu.memref_squeeze %dma_start3A_197 : memref<1x125x64xf32, #tpu.memory_space<vmem>> -> memref<125x64xf32, #tpu.memory_space<vmem>>
      tpu.enqueue_dma source(%dma_start3A_198 : memref<125x64xf32, #tpu.memory_space<vmem>>) target(%dma_start3A_194 : memref<125x64xf32, #tpu.memory_space<hbm>>) target_semaphore(%arg8 : memref<!tpu.dma_semaphore, #tpu.memory_space<semaphore_mem>>)
      %dma_wait3A_199 = arith.constant 2 : i32
      %dma_wait3A_200 = arith.constant 0 : i32
      %dma_wait3A_201 = arith.constant 0 : i32
      %dma_wait3A_202 = tpu.memref_slice %arg6[%dma_wait3A_199, %dma_wait3A_200, %dma_wait3A_201] : memref<10x125x64xf32, #tpu.memory_space<vmem>> -> memref<1x125x64xf32, #tpu.memory_space<vmem>>
      %dma_wait3A_203 = tpu.memref_squeeze %dma_wait3A_202 : memref<1x125x64xf32, #tpu.memory_space<vmem>> -> memref<125x64xf32, #tpu.memory_space<vmem>>
      %dma_wait3A_204 = arith.constant 0 : i32
      %dma_wait3A_205 = tpu.memref_slice %arg5[%add3A_35, %dma_wait3A_204] : memref<40x125xi32, #tpu.memory_space<vmem>> -> memref<1x125xi32, #tpu.memory_space<vmem>>
      %dma_wait3A_206 = tpu.memref_squeeze %dma_wait3A_205 : memref<1x125xi32, #tpu.memory_space<vmem>> -> memref<125xi32, #tpu.memory_space<vmem>>
      %dma_wait3A_207 = arith.constant 0 : i32
      %dma_wait3A_208 = arith.constant 0 : i32
      %dma_wait3A_209 = tpu.memref_slice %arg2[%dma_wait3A_207, %dma_wait3A_208] : memref<10000x64xf32, #tpu.memory_space<hbm>> -> memref<10000x64xf32, #tpu.memory_space<hbm>>
      tpu.wait_indirect_dma semaphore(%arg7 : memref<!tpu.dma_semaphore, #tpu.memory_space<semaphore_mem>>) src(%dma_wait3A_209 : memref<10000x64xf32, #tpu.memory_space<hbm>>) dst(%dma_wait3A_203 : memref<125x64xf32, #tpu.memory_space<vmem>>)
      %mul3A_210 = arith.constant 40 : i32
      %mul3A_211 = arith.muli %add3A, %mul3A_210 : i32
      %add3A_212 = arith.addi %mul3A_211, %mul3A_8 : i32
      %add3A_213 = arith.constant 2 : i32
      %add3A_214 = arith.addi %add3A_212, %add3A_213 : i32
      %mul3A_215 = arith.constant 125 : i32
      %mul3A_216 = arith.muli %add3A_214, %mul3A_215 : i32
      %dma_start3A_217 = arith.constant 2 : i32
      %dma_start3A_218 = arith.constant 0 : i32
      %dma_start3A_219 = arith.constant 0 : i32
      %dma_start3A_220 = tpu.memref_slice %arg6[%dma_start3A_217, %dma_start3A_218, %dma_start3A_219] : memref<10x125x64xf32, #tpu.memory_space<vmem>> -> memref<1x125x64xf32, #tpu.memory_space<vmem>>
      %dma_start3A_221 = tpu.memref_squeeze %dma_start3A_220 : memref<1x125x64xf32, #tpu.memory_space<vmem>> -> memref<125x64xf32, #tpu.memory_space<vmem>>
      %dma_start3A_222 = arith.constant 0 : i32
      %dma_start3A_223 = tpu.memref_slice %arg4[%mul3A_216, %dma_start3A_222] : memref<160000x64xf32, #tpu.memory_space<hbm>> -> memref<125x64xf32, #tpu.memory_space<hbm>>
      %dma_start3A_224 = arith.constant 0 : i32
      %dma_start3A_225 = tpu.memref_slice %arg4[%mul3A_216, %dma_start3A_224] : memref<160000x64xf32, #tpu.memory_space<hbm>> -> memref<125x64xf32, #tpu.memory_space<hbm>>
      %dma_start3A_226 = arith.constant 0 : i32
      %dma_start3A_227 = arith.constant 0 : i32
      %dma_start3A_228 = tpu.memref_slice %arg6[%dma_start3A_217, %dma_start3A_226, %dma_start3A_227] : memref<10x125x64xf32, #tpu.memory_space<vmem>> -> memref<1x125x64xf32, #tpu.memory_space<vmem>>
      %dma_start3A_229 = tpu.memref_squeeze %dma_start3A_228 : memref<1x125x64xf32, #tpu.memory_space<vmem>> -> memref<125x64xf32, #tpu.memory_space<vmem>>
      tpu.enqueue_dma source(%dma_start3A_229 : memref<125x64xf32, #tpu.memory_space<vmem>>) target(%dma_start3A_225 : memref<125x64xf32, #tpu.memory_space<hbm>>) target_semaphore(%arg8 : memref<!tpu.dma_semaphore, #tpu.memory_space<semaphore_mem>>)
      %dma_wait3A_230 = arith.constant 3 : i32
      %dma_wait3A_231 = arith.constant 0 : i32
      %dma_wait3A_232 = arith.constant 0 : i32
      %dma_wait3A_233 = tpu.memref_slice %arg6[%dma_wait3A_230, %dma_wait3A_231, %dma_wait3A_232] : memref<10x125x64xf32, #tpu.memory_space<vmem>> -> memref<1x125x64xf32, #tpu.memory_space<vmem>>
      %dma_wait3A_234 = tpu.memref_squeeze %dma_wait3A_233 : memref<1x125x64xf32, #tpu.memory_space<vmem>> -> memref<125x64xf32, #tpu.memory_space<vmem>>
      %dma_wait3A_235 = arith.constant 0 : i32
      %dma_wait3A_236 = tpu.memref_slice %arg5[%add3A_48, %dma_wait3A_235] : memref<40x125xi32, #tpu.memory_space<vmem>> -> memref<1x125xi32, #tpu.memory_space<vmem>>
      %dma_wait3A_237 = tpu.memref_squeeze %dma_wait3A_236 : memref<1x125xi32, #tpu.memory_space<vmem>> -> memref<125xi32, #tpu.memory_space<vmem>>
      %dma_wait3A_238 = arith.constant 0 : i32
      %dma_wait3A_239 = arith.constant 0 : i32
      %dma_wait3A_240 = tpu.memref_slice %arg2[%dma_wait3A_238, %dma_wait3A_239] : memref<10000x64xf32, #tpu.memory_space<hbm>> -> memref<10000x64xf32, #tpu.memory_space<hbm>>
      tpu.wait_indirect_dma semaphore(%arg7 : memref<!tpu.dma_semaphore, #tpu.memory_space<semaphore_mem>>) src(%dma_wait3A_240 : memref<10000x64xf32, #tpu.memory_space<hbm>>) dst(%dma_wait3A_234 : memref<125x64xf32, #tpu.memory_space<vmem>>)
      %mul3A_241 = arith.constant 40 : i32
      %mul3A_242 = arith.muli %add3A, %mul3A_241 : i32
      %add3A_243 = arith.addi %mul3A_242, %mul3A_8 : i32
      %add3A_244 = arith.constant 3 : i32
      %add3A_245 = arith.addi %add3A_243, %add3A_244 : i32
      %mul3A_246 = arith.constant 125 : i32
      %mul3A_247 = arith.muli %add3A_245, %mul3A_246 : i32
      %dma_start3A_248 = arith.constant 3 : i32
      %dma_start3A_249 = arith.constant 0 : i32
      %dma_start3A_250 = arith.constant 0 : i32
      %dma_start3A_251 = tpu.memref_slice %arg6[%dma_start3A_248, %dma_start3A_249, %dma_start3A_250] : memref<10x125x64xf32, #tpu.memory_space<vmem>> -> memref<1x125x64xf32, #tpu.memory_space<vmem>>
      %dma_start3A_252 = tpu.memref_squeeze %dma_start3A_251 : memref<1x125x64xf32, #tpu.memory_space<vmem>> -> memref<125x64xf32, #tpu.memory_space<vmem>>
      %dma_start3A_253 = arith.constant 0 : i32
      %dma_start3A_254 = tpu.memref_slice %arg4[%mul3A_247, %dma_start3A_253] : memref<160000x64xf32, #tpu.memory_space<hbm>> -> memref<125x64xf32, #tpu.memory_space<hbm>>
      %dma_start3A_255 = arith.constant 0 : i32
      %dma_start3A_256 = tpu.memref_slice %arg4[%mul3A_247, %dma_start3A_255] : memref<160000x64xf32, #tpu.memory_space<hbm>> -> memref<125x64xf32, #tpu.memory_space<hbm>>
      %dma_start3A_257 = arith.constant 0 : i32
      %dma_start3A_258 = arith.constant 0 : i32
      %dma_start3A_259 = tpu.memref_slice %arg6[%dma_start3A_248, %dma_start3A_257, %dma_start3A_258] : memref<10x125x64xf32, #tpu.memory_space<vmem>> -> memref<1x125x64xf32, #tpu.memory_space<vmem>>
      %dma_start3A_260 = tpu.memref_squeeze %dma_start3A_259 : memref<1x125x64xf32, #tpu.memory_space<vmem>> -> memref<125x64xf32, #tpu.memory_space<vmem>>
      tpu.enqueue_dma source(%dma_start3A_260 : memref<125x64xf32, #tpu.memory_space<vmem>>) target(%dma_start3A_256 : memref<125x64xf32, #tpu.memory_space<hbm>>) target_semaphore(%arg8 : memref<!tpu.dma_semaphore, #tpu.memory_space<semaphore_mem>>)
      %dma_wait3A_261 = arith.constant 4 : i32
      %dma_wait3A_262 = arith.constant 0 : i32
      %dma_wait3A_263 = arith.constant 0 : i32
      %dma_wait3A_264 = tpu.memref_slice %arg6[%dma_wait3A_261, %dma_wait3A_262, %dma_wait3A_263] : memref<10x125x64xf32, #tpu.memory_space<vmem>> -> memref<1x125x64xf32, #tpu.memory_space<vmem>>
      %dma_wait3A_265 = tpu.memref_squeeze %dma_wait3A_264 : memref<1x125x64xf32, #tpu.memory_space<vmem>> -> memref<125x64xf32, #tpu.memory_space<vmem>>
      %dma_wait3A_266 = arith.constant 0 : i32
      %dma_wait3A_267 = tpu.memref_slice %arg5[%add3A_61, %dma_wait3A_266] : memref<40x125xi32, #tpu.memory_space<vmem>> -> memref<1x125xi32, #tpu.memory_space<vmem>>
      %dma_wait3A_268 = tpu.memref_squeeze %dma_wait3A_267 : memref<1x125xi32, #tpu.memory_space<vmem>> -> memref<125xi32, #tpu.memory_space<vmem>>
      %dma_wait3A_269 = arith.constant 0 : i32
      %dma_wait3A_270 = arith.constant 0 : i32
      %dma_wait3A_271 = tpu.memref_slice %arg2[%dma_wait3A_269, %dma_wait3A_270] : memref<10000x64xf32, #tpu.memory_space<hbm>> -> memref<10000x64xf32, #tpu.memory_space<hbm>>
      tpu.wait_indirect_dma semaphore(%arg7 : memref<!tpu.dma_semaphore, #tpu.memory_space<semaphore_mem>>) src(%dma_wait3A_271 : memref<10000x64xf32, #tpu.memory_space<hbm>>) dst(%dma_wait3A_265 : memref<125x64xf32, #tpu.memory_space<vmem>>)
      %mul3A_272 = arith.constant 40 : i32
      %mul3A_273 = arith.muli %add3A, %mul3A_272 : i32
      %add3A_274 = arith.addi %mul3A_273, %mul3A_8 : i32
      %add3A_275 = arith.constant 4 : i32
      %add3A_276 = arith.addi %add3A_274, %add3A_275 : i32
      %mul3A_277 = arith.constant 125 : i32
      %mul3A_278 = arith.muli %add3A_276, %mul3A_277 : i32
      %dma_start3A_279 = arith.constant 4 : i32
      %dma_start3A_280 = arith.constant 0 : i32
      %dma_start3A_281 = arith.constant 0 : i32
      %dma_start3A_282 = tpu.memref_slice %arg6[%dma_start3A_279, %dma_start3A_280, %dma_start3A_281] : memref<10x125x64xf32, #tpu.memory_space<vmem>> -> memref<1x125x64xf32, #tpu.memory_space<vmem>>
      %dma_start3A_283 = tpu.memref_squeeze %dma_start3A_282 : memref<1x125x64xf32, #tpu.memory_space<vmem>> -> memref<125x64xf32, #tpu.memory_space<vmem>>
      %dma_start3A_284 = arith.constant 0 : i32
      %dma_start3A_285 = tpu.memref_slice %arg4[%mul3A_278, %dma_start3A_284] : memref<160000x64xf32, #tpu.memory_space<hbm>> -> memref<125x64xf32, #tpu.memory_space<hbm>>
      %dma_start3A_286 = arith.constant 0 : i32
      %dma_start3A_287 = tpu.memref_slice %arg4[%mul3A_278, %dma_start3A_286] : memref<160000x64xf32, #tpu.memory_space<hbm>> -> memref<125x64xf32, #tpu.memory_space<hbm>>
      %dma_start3A_288 = arith.constant 0 : i32
      %dma_start3A_289 = arith.constant 0 : i32
      %dma_start3A_290 = tpu.memref_slice %arg6[%dma_start3A_279, %dma_start3A_288, %dma_start3A_289] : memref<10x125x64xf32, #tpu.memory_space<vmem>> -> memref<1x125x64xf32, #tpu.memory_space<vmem>>
      %dma_start3A_291 = tpu.memref_squeeze %dma_start3A_290 : memref<1x125x64xf32, #tpu.memory_space<vmem>> -> memref<125x64xf32, #tpu.memory_space<vmem>>
      tpu.enqueue_dma source(%dma_start3A_291 : memref<125x64xf32, #tpu.memory_space<vmem>>) target(%dma_start3A_287 : memref<125x64xf32, #tpu.memory_space<hbm>>) target_semaphore(%arg8 : memref<!tpu.dma_semaphore, #tpu.memory_space<semaphore_mem>>)
      %dma_wait3A_292 = arith.constant 5 : i32
      %dma_wait3A_293 = arith.constant 0 : i32
      %dma_wait3A_294 = arith.constant 0 : i32
      %dma_wait3A_295 = tpu.memref_slice %arg6[%dma_wait3A_292, %dma_wait3A_293, %dma_wait3A_294] : memref<10x125x64xf32, #tpu.memory_space<vmem>> -> memref<1x125x64xf32, #tpu.memory_space<vmem>>
      %dma_wait3A_296 = tpu.memref_squeeze %dma_wait3A_295 : memref<1x125x64xf32, #tpu.memory_space<vmem>> -> memref<125x64xf32, #tpu.memory_space<vmem>>
      %dma_wait3A_297 = arith.constant 0 : i32
      %dma_wait3A_298 = tpu.memref_slice %arg5[%add3A_74, %dma_wait3A_297] : memref<40x125xi32, #tpu.memory_space<vmem>> -> memref<1x125xi32, #tpu.memory_space<vmem>>
      %dma_wait3A_299 = tpu.memref_squeeze %dma_wait3A_298 : memref<1x125xi32, #tpu.memory_space<vmem>> -> memref<125xi32, #tpu.memory_space<vmem>>
      %dma_wait3A_300 = arith.constant 0 : i32
      %dma_wait3A_301 = arith.constant 0 : i32
      %dma_wait3A_302 = tpu.memref_slice %arg2[%dma_wait3A_300, %dma_wait3A_301] : memref<10000x64xf32, #tpu.memory_space<hbm>> -> memref<10000x64xf32, #tpu.memory_space<hbm>>
      tpu.wait_indirect_dma semaphore(%arg7 : memref<!tpu.dma_semaphore, #tpu.memory_space<semaphore_mem>>) src(%dma_wait3A_302 : memref<10000x64xf32, #tpu.memory_space<hbm>>) dst(%dma_wait3A_296 : memref<125x64xf32, #tpu.memory_space<vmem>>)
      %mul3A_303 = arith.constant 40 : i32
      %mul3A_304 = arith.muli %add3A, %mul3A_303 : i32
      %add3A_305 = arith.addi %mul3A_304, %mul3A_8 : i32
      %add3A_306 = arith.constant 5 : i32
      %add3A_307 = arith.addi %add3A_305, %add3A_306 : i32
      %mul3A_308 = arith.constant 125 : i32
      %mul3A_309 = arith.muli %add3A_307, %mul3A_308 : i32
      %dma_start3A_310 = arith.constant 5 : i32
      %dma_start3A_311 = arith.constant 0 : i32
      %dma_start3A_312 = arith.constant 0 : i32
      %dma_start3A_313 = tpu.memref_slice %arg6[%dma_start3A_310, %dma_start3A_311, %dma_start3A_312] : memref<10x125x64xf32, #tpu.memory_space<vmem>> -> memref<1x125x64xf32, #tpu.memory_space<vmem>>
      %dma_start3A_314 = tpu.memref_squeeze %dma_start3A_313 : memref<1x125x64xf32, #tpu.memory_space<vmem>> -> memref<125x64xf32, #tpu.memory_space<vmem>>
      %dma_start3A_315 = arith.constant 0 : i32
      %dma_start3A_316 = tpu.memref_slice %arg4[%mul3A_309, %dma_start3A_315] : memref<160000x64xf32, #tpu.memory_space<hbm>> -> memref<125x64xf32, #tpu.memory_space<hbm>>
      %dma_start3A_317 = arith.constant 0 : i32
      %dma_start3A_318 = tpu.memref_slice %arg4[%mul3A_309, %dma_start3A_317] : memref<160000x64xf32, #tpu.memory_space<hbm>> -> memref<125x64xf32, #tpu.memory_space<hbm>>
      %dma_start3A_319 = arith.constant 0 : i32
      %dma_start3A_320 = arith.constant 0 : i32
      %dma_start3A_321 = tpu.memref_slice %arg6[%dma_start3A_310, %dma_start3A_319, %dma_start3A_320] : memref<10x125x64xf32, #tpu.memory_space<vmem>> -> memref<1x125x64xf32, #tpu.memory_space<vmem>>
      %dma_start3A_322 = tpu.memref_squeeze %dma_start3A_321 : memref<1x125x64xf32, #tpu.memory_space<vmem>> -> memref<125x64xf32, #tpu.memory_space<vmem>>
      tpu.enqueue_dma source(%dma_start3A_322 : memref<125x64xf32, #tpu.memory_space<vmem>>) target(%dma_start3A_318 : memref<125x64xf32, #tpu.memory_space<hbm>>) target_semaphore(%arg8 : memref<!tpu.dma_semaphore, #tpu.memory_space<semaphore_mem>>)
      %dma_wait3A_323 = arith.constant 6 : i32
      %dma_wait3A_324 = arith.constant 0 : i32
      %dma_wait3A_325 = arith.constant 0 : i32
      %dma_wait3A_326 = tpu.memref_slice %arg6[%dma_wait3A_323, %dma_wait3A_324, %dma_wait3A_325] : memref<10x125x64xf32, #tpu.memory_space<vmem>> -> memref<1x125x64xf32, #tpu.memory_space<vmem>>
      %dma_wait3A_327 = tpu.memref_squeeze %dma_wait3A_326 : memref<1x125x64xf32, #tpu.memory_space<vmem>> -> memref<125x64xf32, #tpu.memory_space<vmem>>
      %dma_wait3A_328 = arith.constant 0 : i32
      %dma_wait3A_329 = tpu.memref_slice %arg5[%add3A_87, %dma_wait3A_328] : memref<40x125xi32, #tpu.memory_space<vmem>> -> memref<1x125xi32, #tpu.memory_space<vmem>>
      %dma_wait3A_330 = tpu.memref_squeeze %dma_wait3A_329 : memref<1x125xi32, #tpu.memory_space<vmem>> -> memref<125xi32, #tpu.memory_space<vmem>>
      %dma_wait3A_331 = arith.constant 0 : i32
      %dma_wait3A_332 = arith.constant 0 : i32
      %dma_wait3A_333 = tpu.memref_slice %arg2[%dma_wait3A_331, %dma_wait3A_332] : memref<10000x64xf32, #tpu.memory_space<hbm>> -> memref<10000x64xf32, #tpu.memory_space<hbm>>
      tpu.wait_indirect_dma semaphore(%arg7 : memref<!tpu.dma_semaphore, #tpu.memory_space<semaphore_mem>>) src(%dma_wait3A_333 : memref<10000x64xf32, #tpu.memory_space<hbm>>) dst(%dma_wait3A_327 : memref<125x64xf32, #tpu.memory_space<vmem>>)
      %mul3A_334 = arith.constant 40 : i32
      %mul3A_335 = arith.muli %add3A, %mul3A_334 : i32
      %add3A_336 = arith.addi %mul3A_335, %mul3A_8 : i32
      %add3A_337 = arith.constant 6 : i32
      %add3A_338 = arith.addi %add3A_336, %add3A_337 : i32
      %mul3A_339 = arith.constant 125 : i32
      %mul3A_340 = arith.muli %add3A_338, %mul3A_339 : i32
      %dma_start3A_341 = arith.constant 6 : i32
      %dma_start3A_342 = arith.constant 0 : i32
      %dma_start3A_343 = arith.constant 0 : i32
      %dma_start3A_344 = tpu.memref_slice %arg6[%dma_start3A_341, %dma_start3A_342, %dma_start3A_343] : memref<10x125x64xf32, #tpu.memory_space<vmem>> -> memref<1x125x64xf32, #tpu.memory_space<vmem>>
      %dma_start3A_345 = tpu.memref_squeeze %dma_start3A_344 : memref<1x125x64xf32, #tpu.memory_space<vmem>> -> memref<125x64xf32, #tpu.memory_space<vmem>>
      %dma_start3A_346 = arith.constant 0 : i32
      %dma_start3A_347 = tpu.memref_slice %arg4[%mul3A_340, %dma_start3A_346] : memref<160000x64xf32, #tpu.memory_space<hbm>> -> memref<125x64xf32, #tpu.memory_space<hbm>>
      %dma_start3A_348 = arith.constant 0 : i32
      %dma_start3A_349 = tpu.memref_slice %arg4[%mul3A_340, %dma_start3A_348] : memref<160000x64xf32, #tpu.memory_space<hbm>> -> memref<125x64xf32, #tpu.memory_space<hbm>>
      %dma_start3A_350 = arith.constant 0 : i32
      %dma_start3A_351 = arith.constant 0 : i32
      %dma_start3A_352 = tpu.memref_slice %arg6[%dma_start3A_341, %dma_start3A_350, %dma_start3A_351] : memref<10x125x64xf32, #tpu.memory_space<vmem>> -> memref<1x125x64xf32, #tpu.memory_space<vmem>>
      %dma_start3A_353 = tpu.memref_squeeze %dma_start3A_352 : memref<1x125x64xf32, #tpu.memory_space<vmem>> -> memref<125x64xf32, #tpu.memory_space<vmem>>
      tpu.enqueue_dma source(%dma_start3A_353 : memref<125x64xf32, #tpu.memory_space<vmem>>) target(%dma_start3A_349 : memref<125x64xf32, #tpu.memory_space<hbm>>) target_semaphore(%arg8 : memref<!tpu.dma_semaphore, #tpu.memory_space<semaphore_mem>>)
      %dma_wait3A_354 = arith.constant 7 : i32
      %dma_wait3A_355 = arith.constant 0 : i32
      %dma_wait3A_356 = arith.constant 0 : i32
      %dma_wait3A_357 = tpu.memref_slice %arg6[%dma_wait3A_354, %dma_wait3A_355, %dma_wait3A_356] : memref<10x125x64xf32, #tpu.memory_space<vmem>> -> memref<1x125x64xf32, #tpu.memory_space<vmem>>
      %dma_wait3A_358 = tpu.memref_squeeze %dma_wait3A_357 : memref<1x125x64xf32, #tpu.memory_space<vmem>> -> memref<125x64xf32, #tpu.memory_space<vmem>>
      %dma_wait3A_359 = arith.constant 0 : i32
      %dma_wait3A_360 = tpu.memref_slice %arg5[%add3A_100, %dma_wait3A_359] : memref<40x125xi32, #tpu.memory_space<vmem>> -> memref<1x125xi32, #tpu.memory_space<vmem>>
      %dma_wait3A_361 = tpu.memref_squeeze %dma_wait3A_360 : memref<1x125xi32, #tpu.memory_space<vmem>> -> memref<125xi32, #tpu.memory_space<vmem>>
      %dma_wait3A_362 = arith.constant 0 : i32
      %dma_wait3A_363 = arith.constant 0 : i32
      %dma_wait3A_364 = tpu.memref_slice %arg2[%dma_wait3A_362, %dma_wait3A_363] : memref<10000x64xf32, #tpu.memory_space<hbm>> -> memref<10000x64xf32, #tpu.memory_space<hbm>>
      tpu.wait_indirect_dma semaphore(%arg7 : memref<!tpu.dma_semaphore, #tpu.memory_space<semaphore_mem>>) src(%dma_wait3A_364 : memref<10000x64xf32, #tpu.memory_space<hbm>>) dst(%dma_wait3A_358 : memref<125x64xf32, #tpu.memory_space<vmem>>)
      %mul3A_365 = arith.constant 40 : i32
      %mul3A_366 = arith.muli %add3A, %mul3A_365 : i32
      %add3A_367 = arith.addi %mul3A_366, %mul3A_8 : i32
      %add3A_368 = arith.constant 7 : i32
      %add3A_369 = arith.addi %add3A_367, %add3A_368 : i32
      %mul3A_370 = arith.constant 125 : i32
      %mul3A_371 = arith.muli %add3A_369, %mul3A_370 : i32
      %dma_start3A_372 = arith.constant 7 : i32
      %dma_start3A_373 = arith.constant 0 : i32
      %dma_start3A_374 = arith.constant 0 : i32
      %dma_start3A_375 = tpu.memref_slice %arg6[%dma_start3A_372, %dma_start3A_373, %dma_start3A_374] : memref<10x125x64xf32, #tpu.memory_space<vmem>> -> memref<1x125x64xf32, #tpu.memory_space<vmem>>
      %dma_start3A_376 = tpu.memref_squeeze %dma_start3A_375 : memref<1x125x64xf32, #tpu.memory_space<vmem>> -> memref<125x64xf32, #tpu.memory_space<vmem>>
      %dma_start3A_377 = arith.constant 0 : i32
      %dma_start3A_378 = tpu.memref_slice %arg4[%mul3A_371, %dma_start3A_377] : memref<160000x64xf32, #tpu.memory_space<hbm>> -> memref<125x64xf32, #tpu.memory_space<hbm>>
      %dma_start3A_379 = arith.constant 0 : i32
      %dma_start3A_380 = tpu.memref_slice %arg4[%mul3A_371, %dma_start3A_379] : memref<160000x64xf32, #tpu.memory_space<hbm>> -> memref<125x64xf32, #tpu.memory_space<hbm>>
      %dma_start3A_381 = arith.constant 0 : i32
      %dma_start3A_382 = arith.constant 0 : i32
      %dma_start3A_383 = tpu.memref_slice %arg6[%dma_start3A_372, %dma_start3A_381, %dma_start3A_382] : memref<10x125x64xf32, #tpu.memory_space<vmem>> -> memref<1x125x64xf32, #tpu.memory_space<vmem>>
      %dma_start3A_384 = tpu.memref_squeeze %dma_start3A_383 : memref<1x125x64xf32, #tpu.memory_space<vmem>> -> memref<125x64xf32, #tpu.memory_space<vmem>>
      tpu.enqueue_dma source(%dma_start3A_384 : memref<125x64xf32, #tpu.memory_space<vmem>>) target(%dma_start3A_380 : memref<125x64xf32, #tpu.memory_space<hbm>>) target_semaphore(%arg8 : memref<!tpu.dma_semaphore, #tpu.memory_space<semaphore_mem>>)
      %dma_wait3A_385 = arith.constant 8 : i32
      %dma_wait3A_386 = arith.constant 0 : i32
      %dma_wait3A_387 = arith.constant 0 : i32
      %dma_wait3A_388 = tpu.memref_slice %arg6[%dma_wait3A_385, %dma_wait3A_386, %dma_wait3A_387] : memref<10x125x64xf32, #tpu.memory_space<vmem>> -> memref<1x125x64xf32, #tpu.memory_space<vmem>>
      %dma_wait3A_389 = tpu.memref_squeeze %dma_wait3A_388 : memref<1x125x64xf32, #tpu.memory_space<vmem>> -> memref<125x64xf32, #tpu.memory_space<vmem>>
      %dma_wait3A_390 = arith.constant 0 : i32
      %dma_wait3A_391 = tpu.memref_slice %arg5[%add3A_113, %dma_wait3A_390] : memref<40x125xi32, #tpu.memory_space<vmem>> -> memref<1x125xi32, #tpu.memory_space<vmem>>
      %dma_wait3A_392 = tpu.memref_squeeze %dma_wait3A_391 : memref<1x125xi32, #tpu.memory_space<vmem>> -> memref<125xi32, #tpu.memory_space<vmem>>
      %dma_wait3A_393 = arith.constant 0 : i32
      %dma_wait3A_394 = arith.constant 0 : i32
      %dma_wait3A_395 = tpu.memref_slice %arg2[%dma_wait3A_393, %dma_wait3A_394] : memref<10000x64xf32, #tpu.memory_space<hbm>> -> memref<10000x64xf32, #tpu.memory_space<hbm>>
      tpu.wait_indirect_dma semaphore(%arg7 : memref<!tpu.dma_semaphore, #tpu.memory_space<semaphore_mem>>) src(%dma_wait3A_395 : memref<10000x64xf32, #tpu.memory_space<hbm>>) dst(%dma_wait3A_389 : memref<125x64xf32, #tpu.memory_space<vmem>>)
      %mul3A_396 = arith.constant 40 : i32
      %mul3A_397 = arith.muli %add3A, %mul3A_396 : i32
      %add3A_398 = arith.addi %mul3A_397, %mul3A_8 : i32
      %add3A_399 = arith.constant 8 : i32
      %add3A_400 = arith.addi %add3A_398, %add3A_399 : i32
      %mul3A_401 = arith.constant 125 : i32
      %mul3A_402 = arith.muli %add3A_400, %mul3A_401 : i32
      %dma_start3A_403 = arith.constant 8 : i32
      %dma_start3A_404 = arith.constant 0 : i32
      %dma_start3A_405 = arith.constant 0 : i32
      %dma_start3A_406 = tpu.memref_slice %arg6[%dma_start3A_403, %dma_start3A_404, %dma_start3A_405] : memref<10x125x64xf32, #tpu.memory_space<vmem>> -> memref<1x125x64xf32, #tpu.memory_space<vmem>>
      %dma_start3A_407 = tpu.memref_squeeze %dma_start3A_406 : memref<1x125x64xf32, #tpu.memory_space<vmem>> -> memref<125x64xf32, #tpu.memory_space<vmem>>
      %dma_start3A_408 = arith.constant 0 : i32
      %dma_start3A_409 = tpu.memref_slice %arg4[%mul3A_402, %dma_start3A_408] : memref<160000x64xf32, #tpu.memory_space<hbm>> -> memref<125x64xf32, #tpu.memory_space<hbm>>
      %dma_start3A_410 = arith.constant 0 : i32
      %dma_start3A_411 = tpu.memref_slice %arg4[%mul3A_402, %dma_start3A_410] : memref<160000x64xf32, #tpu.memory_space<hbm>> -> memref<125x64xf32, #tpu.memory_space<hbm>>
      %dma_start3A_412 = arith.constant 0 : i32
      %dma_start3A_413 = arith.constant 0 : i32
      %dma_start3A_414 = tpu.memref_slice %arg6[%dma_start3A_403, %dma_start3A_412, %dma_start3A_413] : memref<10x125x64xf32, #tpu.memory_space<vmem>> -> memref<1x125x64xf32, #tpu.memory_space<vmem>>
      %dma_start3A_415 = tpu.memref_squeeze %dma_start3A_414 : memref<1x125x64xf32, #tpu.memory_space<vmem>> -> memref<125x64xf32, #tpu.memory_space<vmem>>
      tpu.enqueue_dma source(%dma_start3A_415 : memref<125x64xf32, #tpu.memory_space<vmem>>) target(%dma_start3A_411 : memref<125x64xf32, #tpu.memory_space<hbm>>) target_semaphore(%arg8 : memref<!tpu.dma_semaphore, #tpu.memory_space<semaphore_mem>>)
      %dma_wait3A_416 = arith.constant 9 : i32
      %dma_wait3A_417 = arith.constant 0 : i32
      %dma_wait3A_418 = arith.constant 0 : i32
      %dma_wait3A_419 = tpu.memref_slice %arg6[%dma_wait3A_416, %dma_wait3A_417, %dma_wait3A_418] : memref<10x125x64xf32, #tpu.memory_space<vmem>> -> memref<1x125x64xf32, #tpu.memory_space<vmem>>
      %dma_wait3A_420 = tpu.memref_squeeze %dma_wait3A_419 : memref<1x125x64xf32, #tpu.memory_space<vmem>> -> memref<125x64xf32, #tpu.memory_space<vmem>>
      %dma_wait3A_421 = arith.constant 0 : i32
      %dma_wait3A_422 = tpu.memref_slice %arg5[%add3A_126, %dma_wait3A_421] : memref<40x125xi32, #tpu.memory_space<vmem>> -> memref<1x125xi32, #tpu.memory_space<vmem>>
      %dma_wait3A_423 = tpu.memref_squeeze %dma_wait3A_422 : memref<1x125xi32, #tpu.memory_space<vmem>> -> memref<125xi32, #tpu.memory_space<vmem>>
      %dma_wait3A_424 = arith.constant 0 : i32
      %dma_wait3A_425 = arith.constant 0 : i32
      %dma_wait3A_426 = tpu.memref_slice %arg2[%dma_wait3A_424, %dma_wait3A_425] : memref<10000x64xf32, #tpu.memory_space<hbm>> -> memref<10000x64xf32, #tpu.memory_space<hbm>>
      tpu.wait_indirect_dma semaphore(%arg7 : memref<!tpu.dma_semaphore, #tpu.memory_space<semaphore_mem>>) src(%dma_wait3A_426 : memref<10000x64xf32, #tpu.memory_space<hbm>>) dst(%dma_wait3A_420 : memref<125x64xf32, #tpu.memory_space<vmem>>)
      %mul3A_427 = arith.constant 40 : i32
      %mul3A_428 = arith.muli %add3A, %mul3A_427 : i32
      %add3A_429 = arith.addi %mul3A_428, %mul3A_8 : i32
      %add3A_430 = arith.constant 9 : i32
      %add3A_431 = arith.addi %add3A_429, %add3A_430 : i32
      %mul3A_432 = arith.constant 125 : i32
      %mul3A_433 = arith.muli %add3A_431, %mul3A_432 : i32
      %dma_start3A_434 = arith.constant 9 : i32
      %dma_start3A_435 = arith.constant 0 : i32
      %dma_start3A_436 = arith.constant 0 : i32
      %dma_start3A_437 = tpu.memref_slice %arg6[%dma_start3A_434, %dma_start3A_435, %dma_start3A_436] : memref<10x125x64xf32, #tpu.memory_space<vmem>> -> memref<1x125x64xf32, #tpu.memory_space<vmem>>
      %dma_start3A_438 = tpu.memref_squeeze %dma_start3A_437 : memref<1x125x64xf32, #tpu.memory_space<vmem>> -> memref<125x64xf32, #tpu.memory_space<vmem>>
      %dma_start3A_439 = arith.constant 0 : i32
      %dma_start3A_440 = tpu.memref_slice %arg4[%mul3A_433, %dma_start3A_439] : memref<160000x64xf32, #tpu.memory_space<hbm>> -> memref<125x64xf32, #tpu.memory_space<hbm>>
      %dma_start3A_441 = arith.constant 0 : i32
      %dma_start3A_442 = tpu.memref_slice %arg4[%mul3A_433, %dma_start3A_441] : memref<160000x64xf32, #tpu.memory_space<hbm>> -> memref<125x64xf32, #tpu.memory_space<hbm>>
      %dma_start3A_443 = arith.constant 0 : i32
      %dma_start3A_444 = arith.constant 0 : i32
      %dma_start3A_445 = tpu.memref_slice %arg6[%dma_start3A_434, %dma_start3A_443, %dma_start3A_444] : memref<10x125x64xf32, #tpu.memory_space<vmem>> -> memref<1x125x64xf32, #tpu.memory_space<vmem>>
      %dma_start3A_446 = tpu.memref_squeeze %dma_start3A_445 : memref<1x125x64xf32, #tpu.memory_space<vmem>> -> memref<125x64xf32, #tpu.memory_space<vmem>>
      tpu.enqueue_dma source(%dma_start3A_446 : memref<125x64xf32, #tpu.memory_space<vmem>>) target(%dma_start3A_442 : memref<125x64xf32, #tpu.memory_space<hbm>>) target_semaphore(%arg8 : memref<!tpu.dma_semaphore, #tpu.memory_space<semaphore_mem>>)
      %dma_wait3A_447 = arith.constant 0 : i32
      %dma_wait3A_448 = arith.constant 0 : i32
      %dma_wait3A_449 = arith.constant 0 : i32
      %dma_wait3A_450 = tpu.memref_slice %arg6[%dma_wait3A_447, %dma_wait3A_448, %dma_wait3A_449] : memref<10x125x64xf32, #tpu.memory_space<vmem>> -> memref<1x125x64xf32, #tpu.memory_space<vmem>>
      %dma_wait3A_451 = tpu.memref_squeeze %dma_wait3A_450 : memref<1x125x64xf32, #tpu.memory_space<vmem>> -> memref<125x64xf32, #tpu.memory_space<vmem>>
      %dma_wait3A_452 = arith.constant 0 : i32
      %dma_wait3A_453 = tpu.memref_slice %arg4[%mul3A_154, %dma_wait3A_452] : memref<160000x64xf32, #tpu.memory_space<hbm>> -> memref<125x64xf32, #tpu.memory_space<hbm>>
      %dma_wait3A_454 = arith.constant 0 : i32
      %dma_wait3A_455 = tpu.memref_slice %arg4[%mul3A_154, %dma_wait3A_454] : memref<160000x64xf32, #tpu.memory_space<hbm>> -> memref<125x64xf32, #tpu.memory_space<hbm>>
      %dma_wait3A_456 = arith.constant 0 : i32
      %dma_wait3A_457 = arith.constant 0 : i32
      %dma_wait3A_458 = tpu.memref_slice %arg6[%dma_wait3A_447, %dma_wait3A_456, %dma_wait3A_457] : memref<10x125x64xf32, #tpu.memory_space<vmem>> -> memref<1x125x64xf32, #tpu.memory_space<vmem>>
      %dma_wait3A_459 = tpu.memref_squeeze %dma_wait3A_458 : memref<1x125x64xf32, #tpu.memory_space<vmem>> -> memref<125x64xf32, #tpu.memory_space<vmem>>
      tpu.wait_dma2 semaphore(%arg8 : memref<!tpu.dma_semaphore, #tpu.memory_space<semaphore_mem>>) src(%dma_wait3A_459 : memref<125x64xf32, #tpu.memory_space<vmem>>) dst(%dma_wait3A_455 : memref<125x64xf32, #tpu.memory_space<hbm>>)
      %dma_wait3A_460 = arith.constant 1 : i32
      %dma_wait3A_461 = arith.constant 0 : i32
      %dma_wait3A_462 = arith.constant 0 : i32
      %dma_wait3A_463 = tpu.memref_slice %arg6[%dma_wait3A_460, %dma_wait3A_461, %dma_wait3A_462] : memref<10x125x64xf32, #tpu.memory_space<vmem>> -> memref<1x125x64xf32, #tpu.memory_space<vmem>>
      %dma_wait3A_464 = tpu.memref_squeeze %dma_wait3A_463 : memref<1x125x64xf32, #tpu.memory_space<vmem>> -> memref<125x64xf32, #tpu.memory_space<vmem>>
      %dma_wait3A_465 = arith.constant 0 : i32
      %dma_wait3A_466 = tpu.memref_slice %arg4[%mul3A_185, %dma_wait3A_465] : memref<160000x64xf32, #tpu.memory_space<hbm>> -> memref<125x64xf32, #tpu.memory_space<hbm>>
      %dma_wait3A_467 = arith.constant 0 : i32
      %dma_wait3A_468 = tpu.memref_slice %arg4[%mul3A_185, %dma_wait3A_467] : memref<160000x64xf32, #tpu.memory_space<hbm>> -> memref<125x64xf32, #tpu.memory_space<hbm>>
      %dma_wait3A_469 = arith.constant 0 : i32
      %dma_wait3A_470 = arith.constant 0 : i32
      %dma_wait3A_471 = tpu.memref_slice %arg6[%dma_wait3A_460, %dma_wait3A_469, %dma_wait3A_470] : memref<10x125x64xf32, #tpu.memory_space<vmem>> -> memref<1x125x64xf32, #tpu.memory_space<vmem>>
      %dma_wait3A_472 = tpu.memref_squeeze %dma_wait3A_471 : memref<1x125x64xf32, #tpu.memory_space<vmem>> -> memref<125x64xf32, #tpu.memory_space<vmem>>
      tpu.wait_dma2 semaphore(%arg8 : memref<!tpu.dma_semaphore, #tpu.memory_space<semaphore_mem>>) src(%dma_wait3A_472 : memref<125x64xf32, #tpu.memory_space<vmem>>) dst(%dma_wait3A_468 : memref<125x64xf32, #tpu.memory_space<hbm>>)
      %dma_wait3A_473 = arith.constant 2 : i32
      %dma_wait3A_474 = arith.constant 0 : i32
      %dma_wait3A_475 = arith.constant 0 : i32
      %dma_wait3A_476 = tpu.memref_slice %arg6[%dma_wait3A_473, %dma_wait3A_474, %dma_wait3A_475] : memref<10x125x64xf32, #tpu.memory_space<vmem>> -> memref<1x125x64xf32, #tpu.memory_space<vmem>>
      %dma_wait3A_477 = tpu.memref_squeeze %dma_wait3A_476 : memref<1x125x64xf32, #tpu.memory_space<vmem>> -> memref<125x64xf32, #tpu.memory_space<vmem>>
      %dma_wait3A_478 = arith.constant 0 : i32
      %dma_wait3A_479 = tpu.memref_slice %arg4[%mul3A_216, %dma_wait3A_478] : memref<160000x64xf32, #tpu.memory_space<hbm>> -> memref<125x64xf32, #tpu.memory_space<hbm>>
      %dma_wait3A_480 = arith.constant 0 : i32
      %dma_wait3A_481 = tpu.memref_slice %arg4[%mul3A_216, %dma_wait3A_480] : memref<160000x64xf32, #tpu.memory_space<hbm>> -> memref<125x64xf32, #tpu.memory_space<hbm>>
      %dma_wait3A_482 = arith.constant 0 : i32
      %dma_wait3A_483 = arith.constant 0 : i32
      %dma_wait3A_484 = tpu.memref_slice %arg6[%dma_wait3A_473, %dma_wait3A_482, %dma_wait3A_483] : memref<10x125x64xf32, #tpu.memory_space<vmem>> -> memref<1x125x64xf32, #tpu.memory_space<vmem>>
      %dma_wait3A_485 = tpu.memref_squeeze %dma_wait3A_484 : memref<1x125x64xf32, #tpu.memory_space<vmem>> -> memref<125x64xf32, #tpu.memory_space<vmem>>
      tpu.wait_dma2 semaphore(%arg8 : memref<!tpu.dma_semaphore, #tpu.memory_space<semaphore_mem>>) src(%dma_wait3A_485 : memref<125x64xf32, #tpu.memory_space<vmem>>) dst(%dma_wait3A_481 : memref<125x64xf32, #tpu.memory_space<hbm>>)
      %dma_wait3A_486 = arith.constant 3 : i32
      %dma_wait3A_487 = arith.constant 0 : i32
      %dma_wait3A_488 = arith.constant 0 : i32
      %dma_wait3A_489 = tpu.memref_slice %arg6[%dma_wait3A_486, %dma_wait3A_487, %dma_wait3A_488] : memref<10x125x64xf32, #tpu.memory_space<vmem>> -> memref<1x125x64xf32, #tpu.memory_space<vmem>>
      %dma_wait3A_490 = tpu.memref_squeeze %dma_wait3A_489 : memref<1x125x64xf32, #tpu.memory_space<vmem>> -> memref<125x64xf32, #tpu.memory_space<vmem>>
      %dma_wait3A_491 = arith.constant 0 : i32
      %dma_wait3A_492 = tpu.memref_slice %arg4[%mul3A_247, %dma_wait3A_491] : memref<160000x64xf32, #tpu.memory_space<hbm>> -> memref<125x64xf32, #tpu.memory_space<hbm>>
      %dma_wait3A_493 = arith.constant 0 : i32
      %dma_wait3A_494 = tpu.memref_slice %arg4[%mul3A_247, %dma_wait3A_493] : memref<160000x64xf32, #tpu.memory_space<hbm>> -> memref<125x64xf32, #tpu.memory_space<hbm>>
      %dma_wait3A_495 = arith.constant 0 : i32
      %dma_wait3A_496 = arith.constant 0 : i32
      %dma_wait3A_497 = tpu.memref_slice %arg6[%dma_wait3A_486, %dma_wait3A_495, %dma_wait3A_496] : memref<10x125x64xf32, #tpu.memory_space<vmem>> -> memref<1x125x64xf32, #tpu.memory_space<vmem>>
      %dma_wait3A_498 = tpu.memref_squeeze %dma_wait3A_497 : memref<1x125x64xf32, #tpu.memory_space<vmem>> -> memref<125x64xf32, #tpu.memory_space<vmem>>
      tpu.wait_dma2 semaphore(%arg8 : memref<!tpu.dma_semaphore, #tpu.memory_space<semaphore_mem>>) src(%dma_wait3A_498 : memref<125x64xf32, #tpu.memory_space<vmem>>) dst(%dma_wait3A_494 : memref<125x64xf32, #tpu.memory_space<hbm>>)
      %dma_wait3A_499 = arith.constant 4 : i32
      %dma_wait3A_500 = arith.constant 0 : i32
      %dma_wait3A_501 = arith.constant 0 : i32
      %dma_wait3A_502 = tpu.memref_slice %arg6[%dma_wait3A_499, %dma_wait3A_500, %dma_wait3A_501] : memref<10x125x64xf32, #tpu.memory_space<vmem>> -> memref<1x125x64xf32, #tpu.memory_space<vmem>>
      %dma_wait3A_503 = tpu.memref_squeeze %dma_wait3A_502 : memref<1x125x64xf32, #tpu.memory_space<vmem>> -> memref<125x64xf32, #tpu.memory_space<vmem>>
      %dma_wait3A_504 = arith.constant 0 : i32
      %dma_wait3A_505 = tpu.memref_slice %arg4[%mul3A_278, %dma_wait3A_504] : memref<160000x64xf32, #tpu.memory_space<hbm>> -> memref<125x64xf32, #tpu.memory_space<hbm>>
      %dma_wait3A_506 = arith.constant 0 : i32
      %dma_wait3A_507 = tpu.memref_slice %arg4[%mul3A_278, %dma_wait3A_506] : memref<160000x64xf32, #tpu.memory_space<hbm>> -> memref<125x64xf32, #tpu.memory_space<hbm>>
      %dma_wait3A_508 = arith.constant 0 : i32
      %dma_wait3A_509 = arith.constant 0 : i32
      %dma_wait3A_510 = tpu.memref_slice %arg6[%dma_wait3A_499, %dma_wait3A_508, %dma_wait3A_509] : memref<10x125x64xf32, #tpu.memory_space<vmem>> -> memref<1x125x64xf32, #tpu.memory_space<vmem>>
      %dma_wait3A_511 = tpu.memref_squeeze %dma_wait3A_510 : memref<1x125x64xf32, #tpu.memory_space<vmem>> -> memref<125x64xf32, #tpu.memory_space<vmem>>
      tpu.wait_dma2 semaphore(%arg8 : memref<!tpu.dma_semaphore, #tpu.memory_space<semaphore_mem>>) src(%dma_wait3A_511 : memref<125x64xf32, #tpu.memory_space<vmem>>) dst(%dma_wait3A_507 : memref<125x64xf32, #tpu.memory_space<hbm>>)
      %dma_wait3A_512 = arith.constant 5 : i32
      %dma_wait3A_513 = arith.constant 0 : i32
      %dma_wait3A_514 = arith.constant 0 : i32
      %dma_wait3A_515 = tpu.memref_slice %arg6[%dma_wait3A_512, %dma_wait3A_513, %dma_wait3A_514] : memref<10x125x64xf32, #tpu.memory_space<vmem>> -> memref<1x125x64xf32, #tpu.memory_space<vmem>>
      %dma_wait3A_516 = tpu.memref_squeeze %dma_wait3A_515 : memref<1x125x64xf32, #tpu.memory_space<vmem>> -> memref<125x64xf32, #tpu.memory_space<vmem>>
      %dma_wait3A_517 = arith.constant 0 : i32
      %dma_wait3A_518 = tpu.memref_slice %arg4[%mul3A_309, %dma_wait3A_517] : memref<160000x64xf32, #tpu.memory_space<hbm>> -> memref<125x64xf32, #tpu.memory_space<hbm>>
      %dma_wait3A_519 = arith.constant 0 : i32
      %dma_wait3A_520 = tpu.memref_slice %arg4[%mul3A_309, %dma_wait3A_519] : memref<160000x64xf32, #tpu.memory_space<hbm>> -> memref<125x64xf32, #tpu.memory_space<hbm>>
      %dma_wait3A_521 = arith.constant 0 : i32
      %dma_wait3A_522 = arith.constant 0 : i32
      %dma_wait3A_523 = tpu.memref_slice %arg6[%dma_wait3A_512, %dma_wait3A_521, %dma_wait3A_522] : memref<10x125x64xf32, #tpu.memory_space<vmem>> -> memref<1x125x64xf32, #tpu.memory_space<vmem>>
      %dma_wait3A_524 = tpu.memref_squeeze %dma_wait3A_523 : memref<1x125x64xf32, #tpu.memory_space<vmem>> -> memref<125x64xf32, #tpu.memory_space<vmem>>
      tpu.wait_dma2 semaphore(%arg8 : memref<!tpu.dma_semaphore, #tpu.memory_space<semaphore_mem>>) src(%dma_wait3A_524 : memref<125x64xf32, #tpu.memory_space<vmem>>) dst(%dma_wait3A_520 : memref<125x64xf32, #tpu.memory_space<hbm>>)
      %dma_wait3A_525 = arith.constant 6 : i32
      %dma_wait3A_526 = arith.constant 0 : i32
      %dma_wait3A_527 = arith.constant 0 : i32
      %dma_wait3A_528 = tpu.memref_slice %arg6[%dma_wait3A_525, %dma_wait3A_526, %dma_wait3A_527] : memref<10x125x64xf32, #tpu.memory_space<vmem>> -> memref<1x125x64xf32, #tpu.memory_space<vmem>>
      %dma_wait3A_529 = tpu.memref_squeeze %dma_wait3A_528 : memref<1x125x64xf32, #tpu.memory_space<vmem>> -> memref<125x64xf32, #tpu.memory_space<vmem>>
      %dma_wait3A_530 = arith.constant 0 : i32
      %dma_wait3A_531 = tpu.memref_slice %arg4[%mul3A_340, %dma_wait3A_530] : memref<160000x64xf32, #tpu.memory_space<hbm>> -> memref<125x64xf32, #tpu.memory_space<hbm>>
      %dma_wait3A_532 = arith.constant 0 : i32
      %dma_wait3A_533 = tpu.memref_slice %arg4[%mul3A_340, %dma_wait3A_532] : memref<160000x64xf32, #tpu.memory_space<hbm>> -> memref<125x64xf32, #tpu.memory_space<hbm>>
      %dma_wait3A_534 = arith.constant 0 : i32
      %dma_wait3A_535 = arith.constant 0 : i32
      %dma_wait3A_536 = tpu.memref_slice %arg6[%dma_wait3A_525, %dma_wait3A_534, %dma_wait3A_535] : memref<10x125x64xf32, #tpu.memory_space<vmem>> -> memref<1x125x64xf32, #tpu.memory_space<vmem>>
      %dma_wait3A_537 = tpu.memref_squeeze %dma_wait3A_536 : memref<1x125x64xf32, #tpu.memory_space<vmem>> -> memref<125x64xf32, #tpu.memory_space<vmem>>
      tpu.wait_dma2 semaphore(%arg8 : memref<!tpu.dma_semaphore, #tpu.memory_space<semaphore_mem>>) src(%dma_wait3A_537 : memref<125x64xf32, #tpu.memory_space<vmem>>) dst(%dma_wait3A_533 : memref<125x64xf32, #tpu.memory_space<hbm>>)
      %dma_wait3A_538 = arith.constant 7 : i32
      %dma_wait3A_539 = arith.constant 0 : i32
      %dma_wait3A_540 = arith.constant 0 : i32
      %dma_wait3A_541 = tpu.memref_slice %arg6[%dma_wait3A_538, %dma_wait3A_539, %dma_wait3A_540] : memref<10x125x64xf32, #tpu.memory_space<vmem>> -> memref<1x125x64xf32, #tpu.memory_space<vmem>>
      %dma_wait3A_542 = tpu.memref_squeeze %dma_wait3A_541 : memref<1x125x64xf32, #tpu.memory_space<vmem>> -> memref<125x64xf32, #tpu.memory_space<vmem>>
      %dma_wait3A_543 = arith.constant 0 : i32
      %dma_wait3A_544 = tpu.memref_slice %arg4[%mul3A_371, %dma_wait3A_543] : memref<160000x64xf32, #tpu.memory_space<hbm>> -> memref<125x64xf32, #tpu.memory_space<hbm>>
      %dma_wait3A_545 = arith.constant 0 : i32
      %dma_wait3A_546 = tpu.memref_slice %arg4[%mul3A_371, %dma_wait3A_545] : memref<160000x64xf32, #tpu.memory_space<hbm>> -> memref<125x64xf32, #tpu.memory_space<hbm>>
      %dma_wait3A_547 = arith.constant 0 : i32
      %dma_wait3A_548 = arith.constant 0 : i32
      %dma_wait3A_549 = tpu.memref_slice %arg6[%dma_wait3A_538, %dma_wait3A_547, %dma_wait3A_548] : memref<10x125x64xf32, #tpu.memory_space<vmem>> -> memref<1x125x64xf32, #tpu.memory_space<vmem>>
      %dma_wait3A_550 = tpu.memref_squeeze %dma_wait3A_549 : memref<1x125x64xf32, #tpu.memory_space<vmem>> -> memref<125x64xf32, #tpu.memory_space<vmem>>
      tpu.wait_dma2 semaphore(%arg8 : memref<!tpu.dma_semaphore, #tpu.memory_space<semaphore_mem>>) src(%dma_wait3A_550 : memref<125x64xf32, #tpu.memory_space<vmem>>) dst(%dma_wait3A_546 : memref<125x64xf32, #tpu.memory_space<hbm>>)
      %dma_wait3A_551 = arith.constant 8 : i32
      %dma_wait3A_552 = arith.constant 0 : i32
      %dma_wait3A_553 = arith.constant 0 : i32
      %dma_wait3A_554 = tpu.memref_slice %arg6[%dma_wait3A_551, %dma_wait3A_552, %dma_wait3A_553] : memref<10x125x64xf32, #tpu.memory_space<vmem>> -> memref<1x125x64xf32, #tpu.memory_space<vmem>>
      %dma_wait3A_555 = tpu.memref_squeeze %dma_wait3A_554 : memref<1x125x64xf32, #tpu.memory_space<vmem>> -> memref<125x64xf32, #tpu.memory_space<vmem>>
      %dma_wait3A_556 = arith.constant 0 : i32
      %dma_wait3A_557 = tpu.memref_slice %arg4[%mul3A_402, %dma_wait3A_556] : memref<160000x64xf32, #tpu.memory_space<hbm>> -> memref<125x64xf32, #tpu.memory_space<hbm>>
      %dma_wait3A_558 = arith.constant 0 : i32
      %dma_wait3A_559 = tpu.memref_slice %arg4[%mul3A_402, %dma_wait3A_558] : memref<160000x64xf32, #tpu.memory_space<hbm>> -> memref<125x64xf32, #tpu.memory_space<hbm>>
      %dma_wait3A_560 = arith.constant 0 : i32
      %dma_wait3A_561 = arith.constant 0 : i32
      %dma_wait3A_562 = tpu.memref_slice %arg6[%dma_wait3A_551, %dma_wait3A_560, %dma_wait3A_561] : memref<10x125x64xf32, #tpu.memory_space<vmem>> -> memref<1x125x64xf32, #tpu.memory_space<vmem>>
      %dma_wait3A_563 = tpu.memref_squeeze %dma_wait3A_562 : memref<1x125x64xf32, #tpu.memory_space<vmem>> -> memref<125x64xf32, #tpu.memory_space<vmem>>
      tpu.wait_dma2 semaphore(%arg8 : memref<!tpu.dma_semaphore, #tpu.memory_space<semaphore_mem>>) src(%dma_wait3A_563 : memref<125x64xf32, #tpu.memory_space<vmem>>) dst(%dma_wait3A_559 : memref<125x64xf32, #tpu.memory_space<hbm>>)
      %dma_wait3A_564 = arith.constant 9 : i32
      %dma_wait3A_565 = arith.constant 0 : i32
      %dma_wait3A_566 = arith.constant 0 : i32
      %dma_wait3A_567 = tpu.memref_slice %arg6[%dma_wait3A_564, %dma_wait3A_565, %dma_wait3A_566] : memref<10x125x64xf32, #tpu.memory_space<vmem>> -> memref<1x125x64xf32, #tpu.memory_space<vmem>>
      %dma_wait3A_568 = tpu.memref_squeeze %dma_wait3A_567 : memref<1x125x64xf32, #tpu.memory_space<vmem>> -> memref<125x64xf32, #tpu.memory_space<vmem>>
      %dma_wait3A_569 = arith.constant 0 : i32
      %dma_wait3A_570 = tpu.memref_slice %arg4[%mul3A_433, %dma_wait3A_569] : memref<160000x64xf32, #tpu.memory_space<hbm>> -> memref<125x64xf32, #tpu.memory_space<hbm>>
      %dma_wait3A_571 = arith.constant 0 : i32
      %dma_wait3A_572 = tpu.memref_slice %arg4[%mul3A_433, %dma_wait3A_571] : memref<160000x64xf32, #tpu.memory_space<hbm>> -> memref<125x64xf32, #tpu.memory_space<hbm>>
      %dma_wait3A_573 = arith.constant 0 : i32
      %dma_wait3A_574 = arith.constant 0 : i32
      %dma_wait3A_575 = tpu.memref_slice %arg6[%dma_wait3A_564, %dma_wait3A_573, %dma_wait3A_574] : memref<10x125x64xf32, #tpu.memory_space<vmem>> -> memref<1x125x64xf32, #tpu.memory_space<vmem>>
      %dma_wait3A_576 = tpu.memref_squeeze %dma_wait3A_575 : memref<1x125x64xf32, #tpu.memory_space<vmem>> -> memref<125x64xf32, #tpu.memory_space<vmem>>
      tpu.wait_dma2 semaphore(%arg8 : memref<!tpu.dma_semaphore, #tpu.memory_space<semaphore_mem>>) src(%dma_wait3A_576 : memref<125x64xf32, #tpu.memory_space<vmem>>) dst(%dma_wait3A_572 : memref<125x64xf32, #tpu.memory_space<hbm>>)
    }
    %scan3A_5 = arith.constant 4 : i32
    return
  }
}

#map = affine_map<(d0, d1) -> (0, 0, 0)>
#map1 = affine_map<(d0, d1) -> (0, 0)>
module attributes {stable_mosaic.version = 14 : i64} {
  func.func @k(%arg0: i32, %arg1: i32, %arg2: memref<32x5000x16xf32, #tpu.memory_space<hbm>>, %arg3: memref<32x40x125xi32, #tpu.memory_space<hbm>>, %arg4: memref<10016x16xf32, #tpu.memory_space<hbm>>, %arg5: memref<125x16xf32, #tpu.memory_space<hbm>>, %arg6: memref<2x10016x16xf32, #tpu.memory_space<hbm>>, %arg7: memref<2x10016x16xf32, #tpu.memory_space<hbm>>, %arg8: memref<40x125xi32, #tpu.memory_space<vmem>>, %arg9: memref<5000x16xf32, #tpu.memory_space<vmem>>, %arg10: memref<125x16xf32, #tpu.memory_space<vmem>>, %arg11: memref<10016x16xf32, #tpu.memory_space<vmem_shared>>, %arg12: memref<10016x16xf32, #tpu.memory_space<vmem_shared>>, %arg13: memref<!tpu.dma_semaphore, #tpu.memory_space<semaphore_mem>>) attributes {dimension_semantics = [#tpu.dimension_semantics<core_parallel>, #tpu.dimension_semantics<subcore_parallel>], iteration_bounds = array<i64: 2, 16>, scalar_prefetch = 0 : i64, scratch_operands = 6 : i64, tpu.core_type = #tpu.core_type<sc_vector_subcore>, window_params = [{transform_indices = #map}, {transform_indices = #map}, {transform_indices = #map1}, {transform_indices = #map1}, {transform_indices = #map}, {transform_indices = #map}]} {
    %mul3A = arith.constant 2 : i32
    %mul3A_0 = arith.muli %arg1, %mul3A : i32
    %add3A = arith.addi %mul3A_0, %arg0 : i32
    %mul3A_1 = arith.constant 626 : i32
    %mul3A_2 = arith.muli %arg1, %mul3A_1 : i32
    "tpu.region"() ({
      %run_scoped3A = tpu.sem_alloc : memref<!tpu.dma_semaphore, #tpu.memory_space<semaphore_mem>>
      %dma_start3A = arith.constant 0 : i32
      %dma_start3A_9 = tpu.memref_slice %arg11[%mul3A_2, %dma_start3A] : memref<10016x16xf32, #tpu.memory_space<vmem_shared>> -> memref<626x16xf32, #tpu.memory_space<vmem_shared>>
      %dma_start3A_10 = arith.constant 0 : i32
      %dma_start3A_11 = tpu.memref_slice %arg4[%mul3A_2, %dma_start3A_10] : memref<10016x16xf32, #tpu.memory_space<hbm>> -> memref<626x16xf32, #tpu.memory_space<hbm>>
      tpu.enqueue_dma source(%dma_start3A_11 : memref<626x16xf32, #tpu.memory_space<hbm>>) target(%dma_start3A_9 : memref<626x16xf32, #tpu.memory_space<vmem_shared>>) target_semaphore(%run_scoped3A : memref<!tpu.dma_semaphore, #tpu.memory_space<semaphore_mem>>)
      %dma_wait3A = arith.constant 0 : i32
      %dma_wait3A_12 = tpu.memref_slice %arg11[%mul3A_2, %dma_wait3A] : memref<10016x16xf32, #tpu.memory_space<vmem_shared>> -> memref<626x16xf32, #tpu.memory_space<vmem_shared>>
      %dma_wait3A_13 = arith.constant 0 : i32
      %dma_wait3A_14 = tpu.memref_slice %arg4[%mul3A_2, %dma_wait3A_13] : memref<10016x16xf32, #tpu.memory_space<hbm>> -> memref<626x16xf32, #tpu.memory_space<hbm>>
      tpu.wait_dma2 semaphore(%run_scoped3A : memref<!tpu.dma_semaphore, #tpu.memory_space<semaphore_mem>>) src(%dma_wait3A_14 : memref<626x16xf32, #tpu.memory_space<hbm>>) dst(%dma_wait3A_12 : memref<626x16xf32, #tpu.memory_space<vmem_shared>>)
      tpu.yield
    }) : () -> ()
    "tpu.region"() ({
      %run_scoped3A = tpu.sem_alloc : memref<!tpu.dma_semaphore, #tpu.memory_space<semaphore_mem>>
      %dma_start3A = arith.constant 0 : i32
      %dma_start3A_9 = tpu.memref_slice %arg12[%mul3A_2, %dma_start3A] : memref<10016x16xf32, #tpu.memory_space<vmem_shared>> -> memref<626x16xf32, #tpu.memory_space<vmem_shared>>
      %dma_start3A_10 = arith.constant 0 : i32
      %dma_start3A_11 = tpu.memref_slice %arg4[%mul3A_2, %dma_start3A_10] : memref<10016x16xf32, #tpu.memory_space<hbm>> -> memref<626x16xf32, #tpu.memory_space<hbm>>
      tpu.enqueue_dma source(%dma_start3A_11 : memref<626x16xf32, #tpu.memory_space<hbm>>) target(%dma_start3A_9 : memref<626x16xf32, #tpu.memory_space<vmem_shared>>) target_semaphore(%run_scoped3A : memref<!tpu.dma_semaphore, #tpu.memory_space<semaphore_mem>>)
      %dma_wait3A = arith.constant 0 : i32
      %dma_wait3A_12 = tpu.memref_slice %arg12[%mul3A_2, %dma_wait3A] : memref<10016x16xf32, #tpu.memory_space<vmem_shared>> -> memref<626x16xf32, #tpu.memory_space<vmem_shared>>
      %dma_wait3A_13 = arith.constant 0 : i32
      %dma_wait3A_14 = tpu.memref_slice %arg4[%mul3A_2, %dma_wait3A_13] : memref<10016x16xf32, #tpu.memory_space<hbm>> -> memref<626x16xf32, #tpu.memory_space<hbm>>
      tpu.wait_dma2 semaphore(%run_scoped3A : memref<!tpu.dma_semaphore, #tpu.memory_space<semaphore_mem>>) src(%dma_wait3A_14 : memref<626x16xf32, #tpu.memory_space<hbm>>) dst(%dma_wait3A_12 : memref<626x16xf32, #tpu.memory_space<vmem_shared>>)
      tpu.yield
    }) : () -> ()
    "tpu.region"() ({
      %run_scoped3A = tpu.sem_alloc : memref<!tpu.dma_semaphore, #tpu.memory_space<semaphore_mem>>
      tpu.enqueue_dma source(%arg5 : memref<125x16xf32, #tpu.memory_space<hbm>>) target(%arg10 : memref<125x16xf32, #tpu.memory_space<vmem>>) target_semaphore(%run_scoped3A : memref<!tpu.dma_semaphore, #tpu.memory_space<semaphore_mem>>)
      tpu.wait_dma2 semaphore(%run_scoped3A : memref<!tpu.dma_semaphore, #tpu.memory_space<semaphore_mem>>) src(%arg5 : memref<125x16xf32, #tpu.memory_space<hbm>>) dst(%arg10 : memref<125x16xf32, #tpu.memory_space<vmem>>)
      tpu.yield
    }) : () -> ()
    %barrier3A = arith.constant 0 : index
    tpu.barrier barrier_id(%barrier3A)
    "tpu.region"() ({
      %run_scoped3A = tpu.sem_alloc : memref<!tpu.dma_semaphore, #tpu.memory_space<semaphore_mem>>
      %dma_start3A = arith.constant 0 : i32
      %dma_start3A_9 = arith.constant 0 : i32
      %dma_start3A_10 = tpu.memref_slice %arg3[%add3A, %dma_start3A, %dma_start3A_9] : memref<32x40x125xi32, #tpu.memory_space<hbm>> -> memref<1x40x125xi32, #tpu.memory_space<hbm>>
      %dma_start3A_11 = tpu.memref_squeeze %dma_start3A_10 : memref<1x40x125xi32, #tpu.memory_space<hbm>> -> memref<40x125xi32, #tpu.memory_space<hbm>>
      %dma_start3A_12 = arith.constant 0 : i32
      %dma_start3A_13 = arith.constant 0 : i32
      %dma_start3A_14 = tpu.memref_slice %arg3[%add3A, %dma_start3A_12, %dma_start3A_13] : memref<32x40x125xi32, #tpu.memory_space<hbm>> -> memref<1x40x125xi32, #tpu.memory_space<hbm>>
      %dma_start3A_15 = tpu.memref_squeeze %dma_start3A_14 : memref<1x40x125xi32, #tpu.memory_space<hbm>> -> memref<40x125xi32, #tpu.memory_space<hbm>>
      tpu.enqueue_dma source(%dma_start3A_15 : memref<40x125xi32, #tpu.memory_space<hbm>>) target(%arg8 : memref<40x125xi32, #tpu.memory_space<vmem>>) target_semaphore(%run_scoped3A : memref<!tpu.dma_semaphore, #tpu.memory_space<semaphore_mem>>)
      %dma_wait3A = arith.constant 0 : i32
      %dma_wait3A_16 = arith.constant 0 : i32
      %dma_wait3A_17 = tpu.memref_slice %arg3[%add3A, %dma_wait3A, %dma_wait3A_16] : memref<32x40x125xi32, #tpu.memory_space<hbm>> -> memref<1x40x125xi32, #tpu.memory_space<hbm>>
      %dma_wait3A_18 = tpu.memref_squeeze %dma_wait3A_17 : memref<1x40x125xi32, #tpu.memory_space<hbm>> -> memref<40x125xi32, #tpu.memory_space<hbm>>
      %dma_wait3A_19 = arith.constant 0 : i32
      %dma_wait3A_20 = arith.constant 0 : i32
      %dma_wait3A_21 = tpu.memref_slice %arg3[%add3A, %dma_wait3A_19, %dma_wait3A_20] : memref<32x40x125xi32, #tpu.memory_space<hbm>> -> memref<1x40x125xi32, #tpu.memory_space<hbm>>
      %dma_wait3A_22 = tpu.memref_squeeze %dma_wait3A_21 : memref<1x40x125xi32, #tpu.memory_space<hbm>> -> memref<40x125xi32, #tpu.memory_space<hbm>>
      tpu.wait_dma2 semaphore(%run_scoped3A : memref<!tpu.dma_semaphore, #tpu.memory_space<semaphore_mem>>) src(%dma_wait3A_22 : memref<40x125xi32, #tpu.memory_space<hbm>>) dst(%arg8 : memref<40x125xi32, #tpu.memory_space<vmem>>)
      tpu.yield
    }) : () -> ()
    "tpu.region"() ({
      %run_scoped3A = tpu.sem_alloc : memref<!tpu.dma_semaphore, #tpu.memory_space<semaphore_mem>>
      %dma_start3A = arith.constant 0 : i32
      %dma_start3A_9 = arith.constant 0 : i32
      %dma_start3A_10 = tpu.memref_slice %arg2[%add3A, %dma_start3A, %dma_start3A_9] : memref<32x5000x16xf32, #tpu.memory_space<hbm>> -> memref<1x5000x16xf32, #tpu.memory_space<hbm>>
      %dma_start3A_11 = tpu.memref_squeeze %dma_start3A_10 : memref<1x5000x16xf32, #tpu.memory_space<hbm>> -> memref<5000x16xf32, #tpu.memory_space<hbm>>
      %dma_start3A_12 = arith.constant 0 : i32
      %dma_start3A_13 = arith.constant 0 : i32
      %dma_start3A_14 = tpu.memref_slice %arg2[%add3A, %dma_start3A_12, %dma_start3A_13] : memref<32x5000x16xf32, #tpu.memory_space<hbm>> -> memref<1x5000x16xf32, #tpu.memory_space<hbm>>
      %dma_start3A_15 = tpu.memref_squeeze %dma_start3A_14 : memref<1x5000x16xf32, #tpu.memory_space<hbm>> -> memref<5000x16xf32, #tpu.memory_space<hbm>>
      tpu.enqueue_dma source(%dma_start3A_15 : memref<5000x16xf32, #tpu.memory_space<hbm>>) target(%arg9 : memref<5000x16xf32, #tpu.memory_space<vmem>>) target_semaphore(%run_scoped3A : memref<!tpu.dma_semaphore, #tpu.memory_space<semaphore_mem>>)
      %dma_wait3A = arith.constant 0 : i32
      %dma_wait3A_16 = arith.constant 0 : i32
      %dma_wait3A_17 = tpu.memref_slice %arg2[%add3A, %dma_wait3A, %dma_wait3A_16] : memref<32x5000x16xf32, #tpu.memory_space<hbm>> -> memref<1x5000x16xf32, #tpu.memory_space<hbm>>
      %dma_wait3A_18 = tpu.memref_squeeze %dma_wait3A_17 : memref<1x5000x16xf32, #tpu.memory_space<hbm>> -> memref<5000x16xf32, #tpu.memory_space<hbm>>
      %dma_wait3A_19 = arith.constant 0 : i32
      %dma_wait3A_20 = arith.constant 0 : i32
      %dma_wait3A_21 = tpu.memref_slice %arg2[%add3A, %dma_wait3A_19, %dma_wait3A_20] : memref<32x5000x16xf32, #tpu.memory_space<hbm>> -> memref<1x5000x16xf32, #tpu.memory_space<hbm>>
      %dma_wait3A_22 = tpu.memref_squeeze %dma_wait3A_21 : memref<1x5000x16xf32, #tpu.memory_space<hbm>> -> memref<5000x16xf32, #tpu.memory_space<hbm>>
      tpu.wait_dma2 semaphore(%run_scoped3A : memref<!tpu.dma_semaphore, #tpu.memory_space<semaphore_mem>>) src(%dma_wait3A_22 : memref<5000x16xf32, #tpu.memory_space<hbm>>) dst(%arg9 : memref<5000x16xf32, #tpu.memory_space<vmem>>)
      tpu.yield
    }) : () -> ()
    %scan3A = arith.constant 0 : i32
    %scan3A_3 = arith.constant 0 : i32
    %scan3A_4 = arith.constant 4 : i32
    %scan3A_5 = arith.addi %scan3A_3, %scan3A_4 : i32
    %scan3A_6 = arith.constant 1 : i32
    scf.for %scan3A_9 = %scan3A_3 to %scan3A_5 step %scan3A_6  : i32 {
      %mul3A_10 = arith.constant 10 : i32
      %mul3A_11 = arith.muli %scan3A_9, %mul3A_10 : i32
      %add3A_12 = arith.constant 0 : i32
      %add3A_13 = arith.addi %mul3A_11, %add3A_12 : i32
      %mul3A_14 = arith.constant 125 : i32
      %mul3A_15 = arith.muli %add3A_13, %mul3A_14 : i32
      %add3A_16 = arith.constant 0 : i32
      %add3A_17 = arith.addi %mul3A_11, %add3A_16 : i32
      %dma_start3A = arith.constant 0 : i32
      %dma_start3A_18 = tpu.memref_slice %arg9[%mul3A_15, %dma_start3A] : memref<5000x16xf32, #tpu.memory_space<vmem>> -> memref<125x16xf32, #tpu.memory_space<vmem>>
      %dma_start3A_19 = arith.constant 0 : i32
      %dma_start3A_20 = tpu.memref_slice %arg8[%add3A_17, %dma_start3A_19] : memref<40x125xi32, #tpu.memory_space<vmem>> -> memref<1x125xi32, #tpu.memory_space<vmem>>
      %dma_start3A_21 = tpu.memref_squeeze %dma_start3A_20 : memref<1x125xi32, #tpu.memory_space<vmem>> -> memref<125xi32, #tpu.memory_space<vmem>>
      %dma_start3A_22 = arith.constant 0 : i32
      %dma_start3A_23 = arith.constant 0 : i32
      %dma_start3A_24 = tpu.memref_slice %arg11[%dma_start3A_22, %dma_start3A_23] : memref<10016x16xf32, #tpu.memory_space<vmem_shared>> -> memref<10016x16xf32, #tpu.memory_space<vmem_shared>>
      tpu.enqueue_indirect_dma source(%dma_start3A_18 : memref<125x16xf32, #tpu.memory_space<vmem>>) target(%dma_start3A_24 : memref<10016x16xf32, #tpu.memory_space<vmem_shared>>) offsets(%dma_start3A_21 : memref<125xi32, #tpu.memory_space<vmem>>) semaphore(%arg13 : memref<!tpu.dma_semaphore, #tpu.memory_space<semaphore_mem>>) {add = true}
      %add3A_25 = arith.constant 0 : i32
      %add3A_26 = arith.addi %mul3A_11, %add3A_25 : i32
      %dma_start3A_27 = arith.constant 0 : i32
      %dma_start3A_28 = tpu.memref_slice %arg8[%add3A_26, %dma_start3A_27] : memref<40x125xi32, #tpu.memory_space<vmem>> -> memref<1x125xi32, #tpu.memory_space<vmem>>
      %dma_start3A_29 = tpu.memref_squeeze %dma_start3A_28 : memref<1x125xi32, #tpu.memory_space<vmem>> -> memref<125xi32, #tpu.memory_space<vmem>>
      %dma_start3A_30 = arith.constant 0 : i32
      %dma_start3A_31 = arith.constant 0 : i32
      %dma_start3A_32 = tpu.memref_slice %arg12[%dma_start3A_30, %dma_start3A_31] : memref<10016x16xf32, #tpu.memory_space<vmem_shared>> -> memref<10016x16xf32, #tpu.memory_space<vmem_shared>>
      tpu.enqueue_indirect_dma source(%arg10 : memref<125x16xf32, #tpu.memory_space<vmem>>) target(%dma_start3A_32 : memref<10016x16xf32, #tpu.memory_space<vmem_shared>>) offsets(%dma_start3A_29 : memref<125xi32, #tpu.memory_space<vmem>>) semaphore(%arg13 : memref<!tpu.dma_semaphore, #tpu.memory_space<semaphore_mem>>) {add = true}
      %add3A_33 = arith.constant 1 : i32
      %add3A_34 = arith.addi %mul3A_11, %add3A_33 : i32
      %mul3A_35 = arith.constant 125 : i32
      %mul3A_36 = arith.muli %add3A_34, %mul3A_35 : i32
      %add3A_37 = arith.constant 1 : i32
      %add3A_38 = arith.addi %mul3A_11, %add3A_37 : i32
      %dma_start3A_39 = arith.constant 0 : i32
      %dma_start3A_40 = tpu.memref_slice %arg9[%mul3A_36, %dma_start3A_39] : memref<5000x16xf32, #tpu.memory_space<vmem>> -> memref<125x16xf32, #tpu.memory_space<vmem>>
      %dma_start3A_41 = arith.constant 0 : i32
      %dma_start3A_42 = tpu.memref_slice %arg8[%add3A_38, %dma_start3A_41] : memref<40x125xi32, #tpu.memory_space<vmem>> -> memref<1x125xi32, #tpu.memory_space<vmem>>
      %dma_start3A_43 = tpu.memref_squeeze %dma_start3A_42 : memref<1x125xi32, #tpu.memory_space<vmem>> -> memref<125xi32, #tpu.memory_space<vmem>>
      %dma_start3A_44 = arith.constant 0 : i32
      %dma_start3A_45 = arith.constant 0 : i32
      %dma_start3A_46 = tpu.memref_slice %arg11[%dma_start3A_44, %dma_start3A_45] : memref<10016x16xf32, #tpu.memory_space<vmem_shared>> -> memref<10016x16xf32, #tpu.memory_space<vmem_shared>>
      tpu.enqueue_indirect_dma source(%dma_start3A_40 : memref<125x16xf32, #tpu.memory_space<vmem>>) target(%dma_start3A_46 : memref<10016x16xf32, #tpu.memory_space<vmem_shared>>) offsets(%dma_start3A_43 : memref<125xi32, #tpu.memory_space<vmem>>) semaphore(%arg13 : memref<!tpu.dma_semaphore, #tpu.memory_space<semaphore_mem>>) {add = true}
      %add3A_47 = arith.constant 1 : i32
      %add3A_48 = arith.addi %mul3A_11, %add3A_47 : i32
      %dma_start3A_49 = arith.constant 0 : i32
      %dma_start3A_50 = tpu.memref_slice %arg8[%add3A_48, %dma_start3A_49] : memref<40x125xi32, #tpu.memory_space<vmem>> -> memref<1x125xi32, #tpu.memory_space<vmem>>
      %dma_start3A_51 = tpu.memref_squeeze %dma_start3A_50 : memref<1x125xi32, #tpu.memory_space<vmem>> -> memref<125xi32, #tpu.memory_space<vmem>>
      %dma_start3A_52 = arith.constant 0 : i32
      %dma_start3A_53 = arith.constant 0 : i32
      %dma_start3A_54 = tpu.memref_slice %arg12[%dma_start3A_52, %dma_start3A_53] : memref<10016x16xf32, #tpu.memory_space<vmem_shared>> -> memref<10016x16xf32, #tpu.memory_space<vmem_shared>>
      tpu.enqueue_indirect_dma source(%arg10 : memref<125x16xf32, #tpu.memory_space<vmem>>) target(%dma_start3A_54 : memref<10016x16xf32, #tpu.memory_space<vmem_shared>>) offsets(%dma_start3A_51 : memref<125xi32, #tpu.memory_space<vmem>>) semaphore(%arg13 : memref<!tpu.dma_semaphore, #tpu.memory_space<semaphore_mem>>) {add = true}
      %add3A_55 = arith.constant 2 : i32
      %add3A_56 = arith.addi %mul3A_11, %add3A_55 : i32
      %mul3A_57 = arith.constant 125 : i32
      %mul3A_58 = arith.muli %add3A_56, %mul3A_57 : i32
      %add3A_59 = arith.constant 2 : i32
      %add3A_60 = arith.addi %mul3A_11, %add3A_59 : i32
      %dma_start3A_61 = arith.constant 0 : i32
      %dma_start3A_62 = tpu.memref_slice %arg9[%mul3A_58, %dma_start3A_61] : memref<5000x16xf32, #tpu.memory_space<vmem>> -> memref<125x16xf32, #tpu.memory_space<vmem>>
      %dma_start3A_63 = arith.constant 0 : i32
      %dma_start3A_64 = tpu.memref_slice %arg8[%add3A_60, %dma_start3A_63] : memref<40x125xi32, #tpu.memory_space<vmem>> -> memref<1x125xi32, #tpu.memory_space<vmem>>
      %dma_start3A_65 = tpu.memref_squeeze %dma_start3A_64 : memref<1x125xi32, #tpu.memory_space<vmem>> -> memref<125xi32, #tpu.memory_space<vmem>>
      %dma_start3A_66 = arith.constant 0 : i32
      %dma_start3A_67 = arith.constant 0 : i32
      %dma_start3A_68 = tpu.memref_slice %arg11[%dma_start3A_66, %dma_start3A_67] : memref<10016x16xf32, #tpu.memory_space<vmem_shared>> -> memref<10016x16xf32, #tpu.memory_space<vmem_shared>>
      tpu.enqueue_indirect_dma source(%dma_start3A_62 : memref<125x16xf32, #tpu.memory_space<vmem>>) target(%dma_start3A_68 : memref<10016x16xf32, #tpu.memory_space<vmem_shared>>) offsets(%dma_start3A_65 : memref<125xi32, #tpu.memory_space<vmem>>) semaphore(%arg13 : memref<!tpu.dma_semaphore, #tpu.memory_space<semaphore_mem>>) {add = true}
      %add3A_69 = arith.constant 2 : i32
      %add3A_70 = arith.addi %mul3A_11, %add3A_69 : i32
      %dma_start3A_71 = arith.constant 0 : i32
      %dma_start3A_72 = tpu.memref_slice %arg8[%add3A_70, %dma_start3A_71] : memref<40x125xi32, #tpu.memory_space<vmem>> -> memref<1x125xi32, #tpu.memory_space<vmem>>
      %dma_start3A_73 = tpu.memref_squeeze %dma_start3A_72 : memref<1x125xi32, #tpu.memory_space<vmem>> -> memref<125xi32, #tpu.memory_space<vmem>>
      %dma_start3A_74 = arith.constant 0 : i32
      %dma_start3A_75 = arith.constant 0 : i32
      %dma_start3A_76 = tpu.memref_slice %arg12[%dma_start3A_74, %dma_start3A_75] : memref<10016x16xf32, #tpu.memory_space<vmem_shared>> -> memref<10016x16xf32, #tpu.memory_space<vmem_shared>>
      tpu.enqueue_indirect_dma source(%arg10 : memref<125x16xf32, #tpu.memory_space<vmem>>) target(%dma_start3A_76 : memref<10016x16xf32, #tpu.memory_space<vmem_shared>>) offsets(%dma_start3A_73 : memref<125xi32, #tpu.memory_space<vmem>>) semaphore(%arg13 : memref<!tpu.dma_semaphore, #tpu.memory_space<semaphore_mem>>) {add = true}
      %add3A_77 = arith.constant 3 : i32
      %add3A_78 = arith.addi %mul3A_11, %add3A_77 : i32
      %mul3A_79 = arith.constant 125 : i32
      %mul3A_80 = arith.muli %add3A_78, %mul3A_79 : i32
      %add3A_81 = arith.constant 3 : i32
      %add3A_82 = arith.addi %mul3A_11, %add3A_81 : i32
      %dma_start3A_83 = arith.constant 0 : i32
      %dma_start3A_84 = tpu.memref_slice %arg9[%mul3A_80, %dma_start3A_83] : memref<5000x16xf32, #tpu.memory_space<vmem>> -> memref<125x16xf32, #tpu.memory_space<vmem>>
      %dma_start3A_85 = arith.constant 0 : i32
      %dma_start3A_86 = tpu.memref_slice %arg8[%add3A_82, %dma_start3A_85] : memref<40x125xi32, #tpu.memory_space<vmem>> -> memref<1x125xi32, #tpu.memory_space<vmem>>
      %dma_start3A_87 = tpu.memref_squeeze %dma_start3A_86 : memref<1x125xi32, #tpu.memory_space<vmem>> -> memref<125xi32, #tpu.memory_space<vmem>>
      %dma_start3A_88 = arith.constant 0 : i32
      %dma_start3A_89 = arith.constant 0 : i32
      %dma_start3A_90 = tpu.memref_slice %arg11[%dma_start3A_88, %dma_start3A_89] : memref<10016x16xf32, #tpu.memory_space<vmem_shared>> -> memref<10016x16xf32, #tpu.memory_space<vmem_shared>>
      tpu.enqueue_indirect_dma source(%dma_start3A_84 : memref<125x16xf32, #tpu.memory_space<vmem>>) target(%dma_start3A_90 : memref<10016x16xf32, #tpu.memory_space<vmem_shared>>) offsets(%dma_start3A_87 : memref<125xi32, #tpu.memory_space<vmem>>) semaphore(%arg13 : memref<!tpu.dma_semaphore, #tpu.memory_space<semaphore_mem>>) {add = true}
      %add3A_91 = arith.constant 3 : i32
      %add3A_92 = arith.addi %mul3A_11, %add3A_91 : i32
      %dma_start3A_93 = arith.constant 0 : i32
      %dma_start3A_94 = tpu.memref_slice %arg8[%add3A_92, %dma_start3A_93] : memref<40x125xi32, #tpu.memory_space<vmem>> -> memref<1x125xi32, #tpu.memory_space<vmem>>
      %dma_start3A_95 = tpu.memref_squeeze %dma_start3A_94 : memref<1x125xi32, #tpu.memory_space<vmem>> -> memref<125xi32, #tpu.memory_space<vmem>>
      %dma_start3A_96 = arith.constant 0 : i32
      %dma_start3A_97 = arith.constant 0 : i32
      %dma_start3A_98 = tpu.memref_slice %arg12[%dma_start3A_96, %dma_start3A_97] : memref<10016x16xf32, #tpu.memory_space<vmem_shared>> -> memref<10016x16xf32, #tpu.memory_space<vmem_shared>>
      tpu.enqueue_indirect_dma source(%arg10 : memref<125x16xf32, #tpu.memory_space<vmem>>) target(%dma_start3A_98 : memref<10016x16xf32, #tpu.memory_space<vmem_shared>>) offsets(%dma_start3A_95 : memref<125xi32, #tpu.memory_space<vmem>>) semaphore(%arg13 : memref<!tpu.dma_semaphore, #tpu.memory_space<semaphore_mem>>) {add = true}
      %add3A_99 = arith.constant 4 : i32
      %add3A_100 = arith.addi %mul3A_11, %add3A_99 : i32
      %mul3A_101 = arith.constant 125 : i32
      %mul3A_102 = arith.muli %add3A_100, %mul3A_101 : i32
      %add3A_103 = arith.constant 4 : i32
      %add3A_104 = arith.addi %mul3A_11, %add3A_103 : i32
      %dma_start3A_105 = arith.constant 0 : i32
      %dma_start3A_106 = tpu.memref_slice %arg9[%mul3A_102, %dma_start3A_105] : memref<5000x16xf32, #tpu.memory_space<vmem>> -> memref<125x16xf32, #tpu.memory_space<vmem>>
      %dma_start3A_107 = arith.constant 0 : i32
      %dma_start3A_108 = tpu.memref_slice %arg8[%add3A_104, %dma_start3A_107] : memref<40x125xi32, #tpu.memory_space<vmem>> -> memref<1x125xi32, #tpu.memory_space<vmem>>
      %dma_start3A_109 = tpu.memref_squeeze %dma_start3A_108 : memref<1x125xi32, #tpu.memory_space<vmem>> -> memref<125xi32, #tpu.memory_space<vmem>>
      %dma_start3A_110 = arith.constant 0 : i32
      %dma_start3A_111 = arith.constant 0 : i32
      %dma_start3A_112 = tpu.memref_slice %arg11[%dma_start3A_110, %dma_start3A_111] : memref<10016x16xf32, #tpu.memory_space<vmem_shared>> -> memref<10016x16xf32, #tpu.memory_space<vmem_shared>>
      tpu.enqueue_indirect_dma source(%dma_start3A_106 : memref<125x16xf32, #tpu.memory_space<vmem>>) target(%dma_start3A_112 : memref<10016x16xf32, #tpu.memory_space<vmem_shared>>) offsets(%dma_start3A_109 : memref<125xi32, #tpu.memory_space<vmem>>) semaphore(%arg13 : memref<!tpu.dma_semaphore, #tpu.memory_space<semaphore_mem>>) {add = true}
      %add3A_113 = arith.constant 4 : i32
      %add3A_114 = arith.addi %mul3A_11, %add3A_113 : i32
      %dma_start3A_115 = arith.constant 0 : i32
      %dma_start3A_116 = tpu.memref_slice %arg8[%add3A_114, %dma_start3A_115] : memref<40x125xi32, #tpu.memory_space<vmem>> -> memref<1x125xi32, #tpu.memory_space<vmem>>
      %dma_start3A_117 = tpu.memref_squeeze %dma_start3A_116 : memref<1x125xi32, #tpu.memory_space<vmem>> -> memref<125xi32, #tpu.memory_space<vmem>>
      %dma_start3A_118 = arith.constant 0 : i32
      %dma_start3A_119 = arith.constant 0 : i32
      %dma_start3A_120 = tpu.memref_slice %arg12[%dma_start3A_118, %dma_start3A_119] : memref<10016x16xf32, #tpu.memory_space<vmem_shared>> -> memref<10016x16xf32, #tpu.memory_space<vmem_shared>>
      tpu.enqueue_indirect_dma source(%arg10 : memref<125x16xf32, #tpu.memory_space<vmem>>) target(%dma_start3A_120 : memref<10016x16xf32, #tpu.memory_space<vmem_shared>>) offsets(%dma_start3A_117 : memref<125xi32, #tpu.memory_space<vmem>>) semaphore(%arg13 : memref<!tpu.dma_semaphore, #tpu.memory_space<semaphore_mem>>) {add = true}
      %add3A_121 = arith.constant 5 : i32
      %add3A_122 = arith.addi %mul3A_11, %add3A_121 : i32
      %mul3A_123 = arith.constant 125 : i32
      %mul3A_124 = arith.muli %add3A_122, %mul3A_123 : i32
      %add3A_125 = arith.constant 5 : i32
      %add3A_126 = arith.addi %mul3A_11, %add3A_125 : i32
      %dma_start3A_127 = arith.constant 0 : i32
      %dma_start3A_128 = tpu.memref_slice %arg9[%mul3A_124, %dma_start3A_127] : memref<5000x16xf32, #tpu.memory_space<vmem>> -> memref<125x16xf32, #tpu.memory_space<vmem>>
      %dma_start3A_129 = arith.constant 0 : i32
      %dma_start3A_130 = tpu.memref_slice %arg8[%add3A_126, %dma_start3A_129] : memref<40x125xi32, #tpu.memory_space<vmem>> -> memref<1x125xi32, #tpu.memory_space<vmem>>
      %dma_start3A_131 = tpu.memref_squeeze %dma_start3A_130 : memref<1x125xi32, #tpu.memory_space<vmem>> -> memref<125xi32, #tpu.memory_space<vmem>>
      %dma_start3A_132 = arith.constant 0 : i32
      %dma_start3A_133 = arith.constant 0 : i32
      %dma_start3A_134 = tpu.memref_slice %arg11[%dma_start3A_132, %dma_start3A_133] : memref<10016x16xf32, #tpu.memory_space<vmem_shared>> -> memref<10016x16xf32, #tpu.memory_space<vmem_shared>>
      tpu.enqueue_indirect_dma source(%dma_start3A_128 : memref<125x16xf32, #tpu.memory_space<vmem>>) target(%dma_start3A_134 : memref<10016x16xf32, #tpu.memory_space<vmem_shared>>) offsets(%dma_start3A_131 : memref<125xi32, #tpu.memory_space<vmem>>) semaphore(%arg13 : memref<!tpu.dma_semaphore, #tpu.memory_space<semaphore_mem>>) {add = true}
      %add3A_135 = arith.constant 5 : i32
      %add3A_136 = arith.addi %mul3A_11, %add3A_135 : i32
      %dma_start3A_137 = arith.constant 0 : i32
      %dma_start3A_138 = tpu.memref_slice %arg8[%add3A_136, %dma_start3A_137] : memref<40x125xi32, #tpu.memory_space<vmem>> -> memref<1x125xi32, #tpu.memory_space<vmem>>
      %dma_start3A_139 = tpu.memref_squeeze %dma_start3A_138 : memref<1x125xi32, #tpu.memory_space<vmem>> -> memref<125xi32, #tpu.memory_space<vmem>>
      %dma_start3A_140 = arith.constant 0 : i32
      %dma_start3A_141 = arith.constant 0 : i32
      %dma_start3A_142 = tpu.memref_slice %arg12[%dma_start3A_140, %dma_start3A_141] : memref<10016x16xf32, #tpu.memory_space<vmem_shared>> -> memref<10016x16xf32, #tpu.memory_space<vmem_shared>>
      tpu.enqueue_indirect_dma source(%arg10 : memref<125x16xf32, #tpu.memory_space<vmem>>) target(%dma_start3A_142 : memref<10016x16xf32, #tpu.memory_space<vmem_shared>>) offsets(%dma_start3A_139 : memref<125xi32, #tpu.memory_space<vmem>>) semaphore(%arg13 : memref<!tpu.dma_semaphore, #tpu.memory_space<semaphore_mem>>) {add = true}
      %add3A_143 = arith.constant 6 : i32
      %add3A_144 = arith.addi %mul3A_11, %add3A_143 : i32
      %mul3A_145 = arith.constant 125 : i32
      %mul3A_146 = arith.muli %add3A_144, %mul3A_145 : i32
      %add3A_147 = arith.constant 6 : i32
      %add3A_148 = arith.addi %mul3A_11, %add3A_147 : i32
      %dma_start3A_149 = arith.constant 0 : i32
      %dma_start3A_150 = tpu.memref_slice %arg9[%mul3A_146, %dma_start3A_149] : memref<5000x16xf32, #tpu.memory_space<vmem>> -> memref<125x16xf32, #tpu.memory_space<vmem>>
      %dma_start3A_151 = arith.constant 0 : i32
      %dma_start3A_152 = tpu.memref_slice %arg8[%add3A_148, %dma_start3A_151] : memref<40x125xi32, #tpu.memory_space<vmem>> -> memref<1x125xi32, #tpu.memory_space<vmem>>
      %dma_start3A_153 = tpu.memref_squeeze %dma_start3A_152 : memref<1x125xi32, #tpu.memory_space<vmem>> -> memref<125xi32, #tpu.memory_space<vmem>>
      %dma_start3A_154 = arith.constant 0 : i32
      %dma_start3A_155 = arith.constant 0 : i32
      %dma_start3A_156 = tpu.memref_slice %arg11[%dma_start3A_154, %dma_start3A_155] : memref<10016x16xf32, #tpu.memory_space<vmem_shared>> -> memref<10016x16xf32, #tpu.memory_space<vmem_shared>>
      tpu.enqueue_indirect_dma source(%dma_start3A_150 : memref<125x16xf32, #tpu.memory_space<vmem>>) target(%dma_start3A_156 : memref<10016x16xf32, #tpu.memory_space<vmem_shared>>) offsets(%dma_start3A_153 : memref<125xi32, #tpu.memory_space<vmem>>) semaphore(%arg13 : memref<!tpu.dma_semaphore, #tpu.memory_space<semaphore_mem>>) {add = true}
      %add3A_157 = arith.constant 6 : i32
      %add3A_158 = arith.addi %mul3A_11, %add3A_157 : i32
      %dma_start3A_159 = arith.constant 0 : i32
      %dma_start3A_160 = tpu.memref_slice %arg8[%add3A_158, %dma_start3A_159] : memref<40x125xi32, #tpu.memory_space<vmem>> -> memref<1x125xi32, #tpu.memory_space<vmem>>
      %dma_start3A_161 = tpu.memref_squeeze %dma_start3A_160 : memref<1x125xi32, #tpu.memory_space<vmem>> -> memref<125xi32, #tpu.memory_space<vmem>>
      %dma_start3A_162 = arith.constant 0 : i32
      %dma_start3A_163 = arith.constant 0 : i32
      %dma_start3A_164 = tpu.memref_slice %arg12[%dma_start3A_162, %dma_start3A_163] : memref<10016x16xf32, #tpu.memory_space<vmem_shared>> -> memref<10016x16xf32, #tpu.memory_space<vmem_shared>>
      tpu.enqueue_indirect_dma source(%arg10 : memref<125x16xf32, #tpu.memory_space<vmem>>) target(%dma_start3A_164 : memref<10016x16xf32, #tpu.memory_space<vmem_shared>>) offsets(%dma_start3A_161 : memref<125xi32, #tpu.memory_space<vmem>>) semaphore(%arg13 : memref<!tpu.dma_semaphore, #tpu.memory_space<semaphore_mem>>) {add = true}
      %add3A_165 = arith.constant 7 : i32
      %add3A_166 = arith.addi %mul3A_11, %add3A_165 : i32
      %mul3A_167 = arith.constant 125 : i32
      %mul3A_168 = arith.muli %add3A_166, %mul3A_167 : i32
      %add3A_169 = arith.constant 7 : i32
      %add3A_170 = arith.addi %mul3A_11, %add3A_169 : i32
      %dma_start3A_171 = arith.constant 0 : i32
      %dma_start3A_172 = tpu.memref_slice %arg9[%mul3A_168, %dma_start3A_171] : memref<5000x16xf32, #tpu.memory_space<vmem>> -> memref<125x16xf32, #tpu.memory_space<vmem>>
      %dma_start3A_173 = arith.constant 0 : i32
      %dma_start3A_174 = tpu.memref_slice %arg8[%add3A_170, %dma_start3A_173] : memref<40x125xi32, #tpu.memory_space<vmem>> -> memref<1x125xi32, #tpu.memory_space<vmem>>
      %dma_start3A_175 = tpu.memref_squeeze %dma_start3A_174 : memref<1x125xi32, #tpu.memory_space<vmem>> -> memref<125xi32, #tpu.memory_space<vmem>>
      %dma_start3A_176 = arith.constant 0 : i32
      %dma_start3A_177 = arith.constant 0 : i32
      %dma_start3A_178 = tpu.memref_slice %arg11[%dma_start3A_176, %dma_start3A_177] : memref<10016x16xf32, #tpu.memory_space<vmem_shared>> -> memref<10016x16xf32, #tpu.memory_space<vmem_shared>>
      tpu.enqueue_indirect_dma source(%dma_start3A_172 : memref<125x16xf32, #tpu.memory_space<vmem>>) target(%dma_start3A_178 : memref<10016x16xf32, #tpu.memory_space<vmem_shared>>) offsets(%dma_start3A_175 : memref<125xi32, #tpu.memory_space<vmem>>) semaphore(%arg13 : memref<!tpu.dma_semaphore, #tpu.memory_space<semaphore_mem>>) {add = true}
      %add3A_179 = arith.constant 7 : i32
      %add3A_180 = arith.addi %mul3A_11, %add3A_179 : i32
      %dma_start3A_181 = arith.constant 0 : i32
      %dma_start3A_182 = tpu.memref_slice %arg8[%add3A_180, %dma_start3A_181] : memref<40x125xi32, #tpu.memory_space<vmem>> -> memref<1x125xi32, #tpu.memory_space<vmem>>
      %dma_start3A_183 = tpu.memref_squeeze %dma_start3A_182 : memref<1x125xi32, #tpu.memory_space<vmem>> -> memref<125xi32, #tpu.memory_space<vmem>>
      %dma_start3A_184 = arith.constant 0 : i32
      %dma_start3A_185 = arith.constant 0 : i32
      %dma_start3A_186 = tpu.memref_slice %arg12[%dma_start3A_184, %dma_start3A_185] : memref<10016x16xf32, #tpu.memory_space<vmem_shared>> -> memref<10016x16xf32, #tpu.memory_space<vmem_shared>>
      tpu.enqueue_indirect_dma source(%arg10 : memref<125x16xf32, #tpu.memory_space<vmem>>) target(%dma_start3A_186 : memref<10016x16xf32, #tpu.memory_space<vmem_shared>>) offsets(%dma_start3A_183 : memref<125xi32, #tpu.memory_space<vmem>>) semaphore(%arg13 : memref<!tpu.dma_semaphore, #tpu.memory_space<semaphore_mem>>) {add = true}
      %add3A_187 = arith.constant 8 : i32
      %add3A_188 = arith.addi %mul3A_11, %add3A_187 : i32
      %mul3A_189 = arith.constant 125 : i32
      %mul3A_190 = arith.muli %add3A_188, %mul3A_189 : i32
      %add3A_191 = arith.constant 8 : i32
      %add3A_192 = arith.addi %mul3A_11, %add3A_191 : i32
      %dma_start3A_193 = arith.constant 0 : i32
      %dma_start3A_194 = tpu.memref_slice %arg9[%mul3A_190, %dma_start3A_193] : memref<5000x16xf32, #tpu.memory_space<vmem>> -> memref<125x16xf32, #tpu.memory_space<vmem>>
      %dma_start3A_195 = arith.constant 0 : i32
      %dma_start3A_196 = tpu.memref_slice %arg8[%add3A_192, %dma_start3A_195] : memref<40x125xi32, #tpu.memory_space<vmem>> -> memref<1x125xi32, #tpu.memory_space<vmem>>
      %dma_start3A_197 = tpu.memref_squeeze %dma_start3A_196 : memref<1x125xi32, #tpu.memory_space<vmem>> -> memref<125xi32, #tpu.memory_space<vmem>>
      %dma_start3A_198 = arith.constant 0 : i32
      %dma_start3A_199 = arith.constant 0 : i32
      %dma_start3A_200 = tpu.memref_slice %arg11[%dma_start3A_198, %dma_start3A_199] : memref<10016x16xf32, #tpu.memory_space<vmem_shared>> -> memref<10016x16xf32, #tpu.memory_space<vmem_shared>>
      tpu.enqueue_indirect_dma source(%dma_start3A_194 : memref<125x16xf32, #tpu.memory_space<vmem>>) target(%dma_start3A_200 : memref<10016x16xf32, #tpu.memory_space<vmem_shared>>) offsets(%dma_start3A_197 : memref<125xi32, #tpu.memory_space<vmem>>) semaphore(%arg13 : memref<!tpu.dma_semaphore, #tpu.memory_space<semaphore_mem>>) {add = true}
      %add3A_201 = arith.constant 8 : i32
      %add3A_202 = arith.addi %mul3A_11, %add3A_201 : i32
      %dma_start3A_203 = arith.constant 0 : i32
      %dma_start3A_204 = tpu.memref_slice %arg8[%add3A_202, %dma_start3A_203] : memref<40x125xi32, #tpu.memory_space<vmem>> -> memref<1x125xi32, #tpu.memory_space<vmem>>
      %dma_start3A_205 = tpu.memref_squeeze %dma_start3A_204 : memref<1x125xi32, #tpu.memory_space<vmem>> -> memref<125xi32, #tpu.memory_space<vmem>>
      %dma_start3A_206 = arith.constant 0 : i32
      %dma_start3A_207 = arith.constant 0 : i32
      %dma_start3A_208 = tpu.memref_slice %arg12[%dma_start3A_206, %dma_start3A_207] : memref<10016x16xf32, #tpu.memory_space<vmem_shared>> -> memref<10016x16xf32, #tpu.memory_space<vmem_shared>>
      tpu.enqueue_indirect_dma source(%arg10 : memref<125x16xf32, #tpu.memory_space<vmem>>) target(%dma_start3A_208 : memref<10016x16xf32, #tpu.memory_space<vmem_shared>>) offsets(%dma_start3A_205 : memref<125xi32, #tpu.memory_space<vmem>>) semaphore(%arg13 : memref<!tpu.dma_semaphore, #tpu.memory_space<semaphore_mem>>) {add = true}
      %add3A_209 = arith.constant 9 : i32
      %add3A_210 = arith.addi %mul3A_11, %add3A_209 : i32
      %mul3A_211 = arith.constant 125 : i32
      %mul3A_212 = arith.muli %add3A_210, %mul3A_211 : i32
      %add3A_213 = arith.constant 9 : i32
      %add3A_214 = arith.addi %mul3A_11, %add3A_213 : i32
      %dma_start3A_215 = arith.constant 0 : i32
      %dma_start3A_216 = tpu.memref_slice %arg9[%mul3A_212, %dma_start3A_215] : memref<5000x16xf32, #tpu.memory_space<vmem>> -> memref<125x16xf32, #tpu.memory_space<vmem>>
      %dma_start3A_217 = arith.constant 0 : i32
      %dma_start3A_218 = tpu.memref_slice %arg8[%add3A_214, %dma_start3A_217] : memref<40x125xi32, #tpu.memory_space<vmem>> -> memref<1x125xi32, #tpu.memory_space<vmem>>
      %dma_start3A_219 = tpu.memref_squeeze %dma_start3A_218 : memref<1x125xi32, #tpu.memory_space<vmem>> -> memref<125xi32, #tpu.memory_space<vmem>>
      %dma_start3A_220 = arith.constant 0 : i32
      %dma_start3A_221 = arith.constant 0 : i32
      %dma_start3A_222 = tpu.memref_slice %arg11[%dma_start3A_220, %dma_start3A_221] : memref<10016x16xf32, #tpu.memory_space<vmem_shared>> -> memref<10016x16xf32, #tpu.memory_space<vmem_shared>>
      tpu.enqueue_indirect_dma source(%dma_start3A_216 : memref<125x16xf32, #tpu.memory_space<vmem>>) target(%dma_start3A_222 : memref<10016x16xf32, #tpu.memory_space<vmem_shared>>) offsets(%dma_start3A_219 : memref<125xi32, #tpu.memory_space<vmem>>) semaphore(%arg13 : memref<!tpu.dma_semaphore, #tpu.memory_space<semaphore_mem>>) {add = true}
      %add3A_223 = arith.constant 9 : i32
      %add3A_224 = arith.addi %mul3A_11, %add3A_223 : i32
      %dma_start3A_225 = arith.constant 0 : i32
      %dma_start3A_226 = tpu.memref_slice %arg8[%add3A_224, %dma_start3A_225] : memref<40x125xi32, #tpu.memory_space<vmem>> -> memref<1x125xi32, #tpu.memory_space<vmem>>
      %dma_start3A_227 = tpu.memref_squeeze %dma_start3A_226 : memref<1x125xi32, #tpu.memory_space<vmem>> -> memref<125xi32, #tpu.memory_space<vmem>>
      %dma_start3A_228 = arith.constant 0 : i32
      %dma_start3A_229 = arith.constant 0 : i32
      %dma_start3A_230 = tpu.memref_slice %arg12[%dma_start3A_228, %dma_start3A_229] : memref<10016x16xf32, #tpu.memory_space<vmem_shared>> -> memref<10016x16xf32, #tpu.memory_space<vmem_shared>>
      tpu.enqueue_indirect_dma source(%arg10 : memref<125x16xf32, #tpu.memory_space<vmem>>) target(%dma_start3A_230 : memref<10016x16xf32, #tpu.memory_space<vmem_shared>>) offsets(%dma_start3A_227 : memref<125xi32, #tpu.memory_space<vmem>>) semaphore(%arg13 : memref<!tpu.dma_semaphore, #tpu.memory_space<semaphore_mem>>) {add = true}
      %dma_wait3A = arith.constant 0 : i32
      %dma_wait3A_231 = tpu.memref_slice %arg9[%mul3A_15, %dma_wait3A] : memref<5000x16xf32, #tpu.memory_space<vmem>> -> memref<125x16xf32, #tpu.memory_space<vmem>>
      %dma_wait3A_232 = arith.constant 0 : i32
      %dma_wait3A_233 = tpu.memref_slice %arg8[%add3A_17, %dma_wait3A_232] : memref<40x125xi32, #tpu.memory_space<vmem>> -> memref<1x125xi32, #tpu.memory_space<vmem>>
      %dma_wait3A_234 = tpu.memref_squeeze %dma_wait3A_233 : memref<1x125xi32, #tpu.memory_space<vmem>> -> memref<125xi32, #tpu.memory_space<vmem>>
      %dma_wait3A_235 = arith.constant 0 : i32
      %dma_wait3A_236 = arith.constant 0 : i32
      %dma_wait3A_237 = tpu.memref_slice %arg11[%dma_wait3A_235, %dma_wait3A_236] : memref<10016x16xf32, #tpu.memory_space<vmem_shared>> -> memref<10016x16xf32, #tpu.memory_space<vmem_shared>>
      tpu.wait_indirect_dma semaphore(%arg13 : memref<!tpu.dma_semaphore, #tpu.memory_space<semaphore_mem>>) src(%dma_wait3A_231 : memref<125x16xf32, #tpu.memory_space<vmem>>) dst(%dma_wait3A_237 : memref<10016x16xf32, #tpu.memory_space<vmem_shared>>)
      %dma_wait3A_238 = arith.constant 0 : i32
      %dma_wait3A_239 = tpu.memref_slice %arg8[%add3A_26, %dma_wait3A_238] : memref<40x125xi32, #tpu.memory_space<vmem>> -> memref<1x125xi32, #tpu.memory_space<vmem>>
      %dma_wait3A_240 = tpu.memref_squeeze %dma_wait3A_239 : memref<1x125xi32, #tpu.memory_space<vmem>> -> memref<125xi32, #tpu.memory_space<vmem>>
      %dma_wait3A_241 = arith.constant 0 : i32
      %dma_wait3A_242 = arith.constant 0 : i32
      %dma_wait3A_243 = tpu.memref_slice %arg12[%dma_wait3A_241, %dma_wait3A_242] : memref<10016x16xf32, #tpu.memory_space<vmem_shared>> -> memref<10016x16xf32, #tpu.memory_space<vmem_shared>>
      tpu.wait_indirect_dma semaphore(%arg13 : memref<!tpu.dma_semaphore, #tpu.memory_space<semaphore_mem>>) src(%arg10 : memref<125x16xf32, #tpu.memory_space<vmem>>) dst(%dma_wait3A_243 : memref<10016x16xf32, #tpu.memory_space<vmem_shared>>)
      %dma_wait3A_244 = arith.constant 0 : i32
      %dma_wait3A_245 = tpu.memref_slice %arg9[%mul3A_36, %dma_wait3A_244] : memref<5000x16xf32, #tpu.memory_space<vmem>> -> memref<125x16xf32, #tpu.memory_space<vmem>>
      %dma_wait3A_246 = arith.constant 0 : i32
      %dma_wait3A_247 = tpu.memref_slice %arg8[%add3A_38, %dma_wait3A_246] : memref<40x125xi32, #tpu.memory_space<vmem>> -> memref<1x125xi32, #tpu.memory_space<vmem>>
      %dma_wait3A_248 = tpu.memref_squeeze %dma_wait3A_247 : memref<1x125xi32, #tpu.memory_space<vmem>> -> memref<125xi32, #tpu.memory_space<vmem>>
      %dma_wait3A_249 = arith.constant 0 : i32
      %dma_wait3A_250 = arith.constant 0 : i32
      %dma_wait3A_251 = tpu.memref_slice %arg11[%dma_wait3A_249, %dma_wait3A_250] : memref<10016x16xf32, #tpu.memory_space<vmem_shared>> -> memref<10016x16xf32, #tpu.memory_space<vmem_shared>>
      tpu.wait_indirect_dma semaphore(%arg13 : memref<!tpu.dma_semaphore, #tpu.memory_space<semaphore_mem>>) src(%dma_wait3A_245 : memref<125x16xf32, #tpu.memory_space<vmem>>) dst(%dma_wait3A_251 : memref<10016x16xf32, #tpu.memory_space<vmem_shared>>)
      %dma_wait3A_252 = arith.constant 0 : i32
      %dma_wait3A_253 = tpu.memref_slice %arg8[%add3A_48, %dma_wait3A_252] : memref<40x125xi32, #tpu.memory_space<vmem>> -> memref<1x125xi32, #tpu.memory_space<vmem>>
      %dma_wait3A_254 = tpu.memref_squeeze %dma_wait3A_253 : memref<1x125xi32, #tpu.memory_space<vmem>> -> memref<125xi32, #tpu.memory_space<vmem>>
      %dma_wait3A_255 = arith.constant 0 : i32
      %dma_wait3A_256 = arith.constant 0 : i32
      %dma_wait3A_257 = tpu.memref_slice %arg12[%dma_wait3A_255, %dma_wait3A_256] : memref<10016x16xf32, #tpu.memory_space<vmem_shared>> -> memref<10016x16xf32, #tpu.memory_space<vmem_shared>>
      tpu.wait_indirect_dma semaphore(%arg13 : memref<!tpu.dma_semaphore, #tpu.memory_space<semaphore_mem>>) src(%arg10 : memref<125x16xf32, #tpu.memory_space<vmem>>) dst(%dma_wait3A_257 : memref<10016x16xf32, #tpu.memory_space<vmem_shared>>)
      %dma_wait3A_258 = arith.constant 0 : i32
      %dma_wait3A_259 = tpu.memref_slice %arg9[%mul3A_58, %dma_wait3A_258] : memref<5000x16xf32, #tpu.memory_space<vmem>> -> memref<125x16xf32, #tpu.memory_space<vmem>>
      %dma_wait3A_260 = arith.constant 0 : i32
      %dma_wait3A_261 = tpu.memref_slice %arg8[%add3A_60, %dma_wait3A_260] : memref<40x125xi32, #tpu.memory_space<vmem>> -> memref<1x125xi32, #tpu.memory_space<vmem>>
      %dma_wait3A_262 = tpu.memref_squeeze %dma_wait3A_261 : memref<1x125xi32, #tpu.memory_space<vmem>> -> memref<125xi32, #tpu.memory_space<vmem>>
      %dma_wait3A_263 = arith.constant 0 : i32
      %dma_wait3A_264 = arith.constant 0 : i32
      %dma_wait3A_265 = tpu.memref_slice %arg11[%dma_wait3A_263, %dma_wait3A_264] : memref<10016x16xf32, #tpu.memory_space<vmem_shared>> -> memref<10016x16xf32, #tpu.memory_space<vmem_shared>>
      tpu.wait_indirect_dma semaphore(%arg13 : memref<!tpu.dma_semaphore, #tpu.memory_space<semaphore_mem>>) src(%dma_wait3A_259 : memref<125x16xf32, #tpu.memory_space<vmem>>) dst(%dma_wait3A_265 : memref<10016x16xf32, #tpu.memory_space<vmem_shared>>)
      %dma_wait3A_266 = arith.constant 0 : i32
      %dma_wait3A_267 = tpu.memref_slice %arg8[%add3A_70, %dma_wait3A_266] : memref<40x125xi32, #tpu.memory_space<vmem>> -> memref<1x125xi32, #tpu.memory_space<vmem>>
      %dma_wait3A_268 = tpu.memref_squeeze %dma_wait3A_267 : memref<1x125xi32, #tpu.memory_space<vmem>> -> memref<125xi32, #tpu.memory_space<vmem>>
      %dma_wait3A_269 = arith.constant 0 : i32
      %dma_wait3A_270 = arith.constant 0 : i32
      %dma_wait3A_271 = tpu.memref_slice %arg12[%dma_wait3A_269, %dma_wait3A_270] : memref<10016x16xf32, #tpu.memory_space<vmem_shared>> -> memref<10016x16xf32, #tpu.memory_space<vmem_shared>>
      tpu.wait_indirect_dma semaphore(%arg13 : memref<!tpu.dma_semaphore, #tpu.memory_space<semaphore_mem>>) src(%arg10 : memref<125x16xf32, #tpu.memory_space<vmem>>) dst(%dma_wait3A_271 : memref<10016x16xf32, #tpu.memory_space<vmem_shared>>)
      %dma_wait3A_272 = arith.constant 0 : i32
      %dma_wait3A_273 = tpu.memref_slice %arg9[%mul3A_80, %dma_wait3A_272] : memref<5000x16xf32, #tpu.memory_space<vmem>> -> memref<125x16xf32, #tpu.memory_space<vmem>>
      %dma_wait3A_274 = arith.constant 0 : i32
      %dma_wait3A_275 = tpu.memref_slice %arg8[%add3A_82, %dma_wait3A_274] : memref<40x125xi32, #tpu.memory_space<vmem>> -> memref<1x125xi32, #tpu.memory_space<vmem>>
      %dma_wait3A_276 = tpu.memref_squeeze %dma_wait3A_275 : memref<1x125xi32, #tpu.memory_space<vmem>> -> memref<125xi32, #tpu.memory_space<vmem>>
      %dma_wait3A_277 = arith.constant 0 : i32
      %dma_wait3A_278 = arith.constant 0 : i32
      %dma_wait3A_279 = tpu.memref_slice %arg11[%dma_wait3A_277, %dma_wait3A_278] : memref<10016x16xf32, #tpu.memory_space<vmem_shared>> -> memref<10016x16xf32, #tpu.memory_space<vmem_shared>>
      tpu.wait_indirect_dma semaphore(%arg13 : memref<!tpu.dma_semaphore, #tpu.memory_space<semaphore_mem>>) src(%dma_wait3A_273 : memref<125x16xf32, #tpu.memory_space<vmem>>) dst(%dma_wait3A_279 : memref<10016x16xf32, #tpu.memory_space<vmem_shared>>)
      %dma_wait3A_280 = arith.constant 0 : i32
      %dma_wait3A_281 = tpu.memref_slice %arg8[%add3A_92, %dma_wait3A_280] : memref<40x125xi32, #tpu.memory_space<vmem>> -> memref<1x125xi32, #tpu.memory_space<vmem>>
      %dma_wait3A_282 = tpu.memref_squeeze %dma_wait3A_281 : memref<1x125xi32, #tpu.memory_space<vmem>> -> memref<125xi32, #tpu.memory_space<vmem>>
      %dma_wait3A_283 = arith.constant 0 : i32
      %dma_wait3A_284 = arith.constant 0 : i32
      %dma_wait3A_285 = tpu.memref_slice %arg12[%dma_wait3A_283, %dma_wait3A_284] : memref<10016x16xf32, #tpu.memory_space<vmem_shared>> -> memref<10016x16xf32, #tpu.memory_space<vmem_shared>>
      tpu.wait_indirect_dma semaphore(%arg13 : memref<!tpu.dma_semaphore, #tpu.memory_space<semaphore_mem>>) src(%arg10 : memref<125x16xf32, #tpu.memory_space<vmem>>) dst(%dma_wait3A_285 : memref<10016x16xf32, #tpu.memory_space<vmem_shared>>)
      %dma_wait3A_286 = arith.constant 0 : i32
      %dma_wait3A_287 = tpu.memref_slice %arg9[%mul3A_102, %dma_wait3A_286] : memref<5000x16xf32, #tpu.memory_space<vmem>> -> memref<125x16xf32, #tpu.memory_space<vmem>>
      %dma_wait3A_288 = arith.constant 0 : i32
      %dma_wait3A_289 = tpu.memref_slice %arg8[%add3A_104, %dma_wait3A_288] : memref<40x125xi32, #tpu.memory_space<vmem>> -> memref<1x125xi32, #tpu.memory_space<vmem>>
      %dma_wait3A_290 = tpu.memref_squeeze %dma_wait3A_289 : memref<1x125xi32, #tpu.memory_space<vmem>> -> memref<125xi32, #tpu.memory_space<vmem>>
      %dma_wait3A_291 = arith.constant 0 : i32
      %dma_wait3A_292 = arith.constant 0 : i32
      %dma_wait3A_293 = tpu.memref_slice %arg11[%dma_wait3A_291, %dma_wait3A_292] : memref<10016x16xf32, #tpu.memory_space<vmem_shared>> -> memref<10016x16xf32, #tpu.memory_space<vmem_shared>>
      tpu.wait_indirect_dma semaphore(%arg13 : memref<!tpu.dma_semaphore, #tpu.memory_space<semaphore_mem>>) src(%dma_wait3A_287 : memref<125x16xf32, #tpu.memory_space<vmem>>) dst(%dma_wait3A_293 : memref<10016x16xf32, #tpu.memory_space<vmem_shared>>)
      %dma_wait3A_294 = arith.constant 0 : i32
      %dma_wait3A_295 = tpu.memref_slice %arg8[%add3A_114, %dma_wait3A_294] : memref<40x125xi32, #tpu.memory_space<vmem>> -> memref<1x125xi32, #tpu.memory_space<vmem>>
      %dma_wait3A_296 = tpu.memref_squeeze %dma_wait3A_295 : memref<1x125xi32, #tpu.memory_space<vmem>> -> memref<125xi32, #tpu.memory_space<vmem>>
      %dma_wait3A_297 = arith.constant 0 : i32
      %dma_wait3A_298 = arith.constant 0 : i32
      %dma_wait3A_299 = tpu.memref_slice %arg12[%dma_wait3A_297, %dma_wait3A_298] : memref<10016x16xf32, #tpu.memory_space<vmem_shared>> -> memref<10016x16xf32, #tpu.memory_space<vmem_shared>>
      tpu.wait_indirect_dma semaphore(%arg13 : memref<!tpu.dma_semaphore, #tpu.memory_space<semaphore_mem>>) src(%arg10 : memref<125x16xf32, #tpu.memory_space<vmem>>) dst(%dma_wait3A_299 : memref<10016x16xf32, #tpu.memory_space<vmem_shared>>)
      %dma_wait3A_300 = arith.constant 0 : i32
      %dma_wait3A_301 = tpu.memref_slice %arg9[%mul3A_124, %dma_wait3A_300] : memref<5000x16xf32, #tpu.memory_space<vmem>> -> memref<125x16xf32, #tpu.memory_space<vmem>>
      %dma_wait3A_302 = arith.constant 0 : i32
      %dma_wait3A_303 = tpu.memref_slice %arg8[%add3A_126, %dma_wait3A_302] : memref<40x125xi32, #tpu.memory_space<vmem>> -> memref<1x125xi32, #tpu.memory_space<vmem>>
      %dma_wait3A_304 = tpu.memref_squeeze %dma_wait3A_303 : memref<1x125xi32, #tpu.memory_space<vmem>> -> memref<125xi32, #tpu.memory_space<vmem>>
      %dma_wait3A_305 = arith.constant 0 : i32
      %dma_wait3A_306 = arith.constant 0 : i32
      %dma_wait3A_307 = tpu.memref_slice %arg11[%dma_wait3A_305, %dma_wait3A_306] : memref<10016x16xf32, #tpu.memory_space<vmem_shared>> -> memref<10016x16xf32, #tpu.memory_space<vmem_shared>>
      tpu.wait_indirect_dma semaphore(%arg13 : memref<!tpu.dma_semaphore, #tpu.memory_space<semaphore_mem>>) src(%dma_wait3A_301 : memref<125x16xf32, #tpu.memory_space<vmem>>) dst(%dma_wait3A_307 : memref<10016x16xf32, #tpu.memory_space<vmem_shared>>)
      %dma_wait3A_308 = arith.constant 0 : i32
      %dma_wait3A_309 = tpu.memref_slice %arg8[%add3A_136, %dma_wait3A_308] : memref<40x125xi32, #tpu.memory_space<vmem>> -> memref<1x125xi32, #tpu.memory_space<vmem>>
      %dma_wait3A_310 = tpu.memref_squeeze %dma_wait3A_309 : memref<1x125xi32, #tpu.memory_space<vmem>> -> memref<125xi32, #tpu.memory_space<vmem>>
      %dma_wait3A_311 = arith.constant 0 : i32
      %dma_wait3A_312 = arith.constant 0 : i32
      %dma_wait3A_313 = tpu.memref_slice %arg12[%dma_wait3A_311, %dma_wait3A_312] : memref<10016x16xf32, #tpu.memory_space<vmem_shared>> -> memref<10016x16xf32, #tpu.memory_space<vmem_shared>>
      tpu.wait_indirect_dma semaphore(%arg13 : memref<!tpu.dma_semaphore, #tpu.memory_space<semaphore_mem>>) src(%arg10 : memref<125x16xf32, #tpu.memory_space<vmem>>) dst(%dma_wait3A_313 : memref<10016x16xf32, #tpu.memory_space<vmem_shared>>)
      %dma_wait3A_314 = arith.constant 0 : i32
      %dma_wait3A_315 = tpu.memref_slice %arg9[%mul3A_146, %dma_wait3A_314] : memref<5000x16xf32, #tpu.memory_space<vmem>> -> memref<125x16xf32, #tpu.memory_space<vmem>>
      %dma_wait3A_316 = arith.constant 0 : i32
      %dma_wait3A_317 = tpu.memref_slice %arg8[%add3A_148, %dma_wait3A_316] : memref<40x125xi32, #tpu.memory_space<vmem>> -> memref<1x125xi32, #tpu.memory_space<vmem>>
      %dma_wait3A_318 = tpu.memref_squeeze %dma_wait3A_317 : memref<1x125xi32, #tpu.memory_space<vmem>> -> memref<125xi32, #tpu.memory_space<vmem>>
      %dma_wait3A_319 = arith.constant 0 : i32
      %dma_wait3A_320 = arith.constant 0 : i32
      %dma_wait3A_321 = tpu.memref_slice %arg11[%dma_wait3A_319, %dma_wait3A_320] : memref<10016x16xf32, #tpu.memory_space<vmem_shared>> -> memref<10016x16xf32, #tpu.memory_space<vmem_shared>>
      tpu.wait_indirect_dma semaphore(%arg13 : memref<!tpu.dma_semaphore, #tpu.memory_space<semaphore_mem>>) src(%dma_wait3A_315 : memref<125x16xf32, #tpu.memory_space<vmem>>) dst(%dma_wait3A_321 : memref<10016x16xf32, #tpu.memory_space<vmem_shared>>)
      %dma_wait3A_322 = arith.constant 0 : i32
      %dma_wait3A_323 = tpu.memref_slice %arg8[%add3A_158, %dma_wait3A_322] : memref<40x125xi32, #tpu.memory_space<vmem>> -> memref<1x125xi32, #tpu.memory_space<vmem>>
      %dma_wait3A_324 = tpu.memref_squeeze %dma_wait3A_323 : memref<1x125xi32, #tpu.memory_space<vmem>> -> memref<125xi32, #tpu.memory_space<vmem>>
      %dma_wait3A_325 = arith.constant 0 : i32
      %dma_wait3A_326 = arith.constant 0 : i32
      %dma_wait3A_327 = tpu.memref_slice %arg12[%dma_wait3A_325, %dma_wait3A_326] : memref<10016x16xf32, #tpu.memory_space<vmem_shared>> -> memref<10016x16xf32, #tpu.memory_space<vmem_shared>>
      tpu.wait_indirect_dma semaphore(%arg13 : memref<!tpu.dma_semaphore, #tpu.memory_space<semaphore_mem>>) src(%arg10 : memref<125x16xf32, #tpu.memory_space<vmem>>) dst(%dma_wait3A_327 : memref<10016x16xf32, #tpu.memory_space<vmem_shared>>)
      %dma_wait3A_328 = arith.constant 0 : i32
      %dma_wait3A_329 = tpu.memref_slice %arg9[%mul3A_168, %dma_wait3A_328] : memref<5000x16xf32, #tpu.memory_space<vmem>> -> memref<125x16xf32, #tpu.memory_space<vmem>>
      %dma_wait3A_330 = arith.constant 0 : i32
      %dma_wait3A_331 = tpu.memref_slice %arg8[%add3A_170, %dma_wait3A_330] : memref<40x125xi32, #tpu.memory_space<vmem>> -> memref<1x125xi32, #tpu.memory_space<vmem>>
      %dma_wait3A_332 = tpu.memref_squeeze %dma_wait3A_331 : memref<1x125xi32, #tpu.memory_space<vmem>> -> memref<125xi32, #tpu.memory_space<vmem>>
      %dma_wait3A_333 = arith.constant 0 : i32
      %dma_wait3A_334 = arith.constant 0 : i32
      %dma_wait3A_335 = tpu.memref_slice %arg11[%dma_wait3A_333, %dma_wait3A_334] : memref<10016x16xf32, #tpu.memory_space<vmem_shared>> -> memref<10016x16xf32, #tpu.memory_space<vmem_shared>>
      tpu.wait_indirect_dma semaphore(%arg13 : memref<!tpu.dma_semaphore, #tpu.memory_space<semaphore_mem>>) src(%dma_wait3A_329 : memref<125x16xf32, #tpu.memory_space<vmem>>) dst(%dma_wait3A_335 : memref<10016x16xf32, #tpu.memory_space<vmem_shared>>)
      %dma_wait3A_336 = arith.constant 0 : i32
      %dma_wait3A_337 = tpu.memref_slice %arg8[%add3A_180, %dma_wait3A_336] : memref<40x125xi32, #tpu.memory_space<vmem>> -> memref<1x125xi32, #tpu.memory_space<vmem>>
      %dma_wait3A_338 = tpu.memref_squeeze %dma_wait3A_337 : memref<1x125xi32, #tpu.memory_space<vmem>> -> memref<125xi32, #tpu.memory_space<vmem>>
      %dma_wait3A_339 = arith.constant 0 : i32
      %dma_wait3A_340 = arith.constant 0 : i32
      %dma_wait3A_341 = tpu.memref_slice %arg12[%dma_wait3A_339, %dma_wait3A_340] : memref<10016x16xf32, #tpu.memory_space<vmem_shared>> -> memref<10016x16xf32, #tpu.memory_space<vmem_shared>>
      tpu.wait_indirect_dma semaphore(%arg13 : memref<!tpu.dma_semaphore, #tpu.memory_space<semaphore_mem>>) src(%arg10 : memref<125x16xf32, #tpu.memory_space<vmem>>) dst(%dma_wait3A_341 : memref<10016x16xf32, #tpu.memory_space<vmem_shared>>)
      %dma_wait3A_342 = arith.constant 0 : i32
      %dma_wait3A_343 = tpu.memref_slice %arg9[%mul3A_190, %dma_wait3A_342] : memref<5000x16xf32, #tpu.memory_space<vmem>> -> memref<125x16xf32, #tpu.memory_space<vmem>>
      %dma_wait3A_344 = arith.constant 0 : i32
      %dma_wait3A_345 = tpu.memref_slice %arg8[%add3A_192, %dma_wait3A_344] : memref<40x125xi32, #tpu.memory_space<vmem>> -> memref<1x125xi32, #tpu.memory_space<vmem>>
      %dma_wait3A_346 = tpu.memref_squeeze %dma_wait3A_345 : memref<1x125xi32, #tpu.memory_space<vmem>> -> memref<125xi32, #tpu.memory_space<vmem>>
      %dma_wait3A_347 = arith.constant 0 : i32
      %dma_wait3A_348 = arith.constant 0 : i32
      %dma_wait3A_349 = tpu.memref_slice %arg11[%dma_wait3A_347, %dma_wait3A_348] : memref<10016x16xf32, #tpu.memory_space<vmem_shared>> -> memref<10016x16xf32, #tpu.memory_space<vmem_shared>>
      tpu.wait_indirect_dma semaphore(%arg13 : memref<!tpu.dma_semaphore, #tpu.memory_space<semaphore_mem>>) src(%dma_wait3A_343 : memref<125x16xf32, #tpu.memory_space<vmem>>) dst(%dma_wait3A_349 : memref<10016x16xf32, #tpu.memory_space<vmem_shared>>)
      %dma_wait3A_350 = arith.constant 0 : i32
      %dma_wait3A_351 = tpu.memref_slice %arg8[%add3A_202, %dma_wait3A_350] : memref<40x125xi32, #tpu.memory_space<vmem>> -> memref<1x125xi32, #tpu.memory_space<vmem>>
      %dma_wait3A_352 = tpu.memref_squeeze %dma_wait3A_351 : memref<1x125xi32, #tpu.memory_space<vmem>> -> memref<125xi32, #tpu.memory_space<vmem>>
      %dma_wait3A_353 = arith.constant 0 : i32
      %dma_wait3A_354 = arith.constant 0 : i32
      %dma_wait3A_355 = tpu.memref_slice %arg12[%dma_wait3A_353, %dma_wait3A_354] : memref<10016x16xf32, #tpu.memory_space<vmem_shared>> -> memref<10016x16xf32, #tpu.memory_space<vmem_shared>>
      tpu.wait_indirect_dma semaphore(%arg13 : memref<!tpu.dma_semaphore, #tpu.memory_space<semaphore_mem>>) src(%arg10 : memref<125x16xf32, #tpu.memory_space<vmem>>) dst(%dma_wait3A_355 : memref<10016x16xf32, #tpu.memory_space<vmem_shared>>)
      %dma_wait3A_356 = arith.constant 0 : i32
      %dma_wait3A_357 = tpu.memref_slice %arg9[%mul3A_212, %dma_wait3A_356] : memref<5000x16xf32, #tpu.memory_space<vmem>> -> memref<125x16xf32, #tpu.memory_space<vmem>>
      %dma_wait3A_358 = arith.constant 0 : i32
      %dma_wait3A_359 = tpu.memref_slice %arg8[%add3A_214, %dma_wait3A_358] : memref<40x125xi32, #tpu.memory_space<vmem>> -> memref<1x125xi32, #tpu.memory_space<vmem>>
      %dma_wait3A_360 = tpu.memref_squeeze %dma_wait3A_359 : memref<1x125xi32, #tpu.memory_space<vmem>> -> memref<125xi32, #tpu.memory_space<vmem>>
      %dma_wait3A_361 = arith.constant 0 : i32
      %dma_wait3A_362 = arith.constant 0 : i32
      %dma_wait3A_363 = tpu.memref_slice %arg11[%dma_wait3A_361, %dma_wait3A_362] : memref<10016x16xf32, #tpu.memory_space<vmem_shared>> -> memref<10016x16xf32, #tpu.memory_space<vmem_shared>>
      tpu.wait_indirect_dma semaphore(%arg13 : memref<!tpu.dma_semaphore, #tpu.memory_space<semaphore_mem>>) src(%dma_wait3A_357 : memref<125x16xf32, #tpu.memory_space<vmem>>) dst(%dma_wait3A_363 : memref<10016x16xf32, #tpu.memory_space<vmem_shared>>)
      %dma_wait3A_364 = arith.constant 0 : i32
      %dma_wait3A_365 = tpu.memref_slice %arg8[%add3A_224, %dma_wait3A_364] : memref<40x125xi32, #tpu.memory_space<vmem>> -> memref<1x125xi32, #tpu.memory_space<vmem>>
      %dma_wait3A_366 = tpu.memref_squeeze %dma_wait3A_365 : memref<1x125xi32, #tpu.memory_space<vmem>> -> memref<125xi32, #tpu.memory_space<vmem>>
      %dma_wait3A_367 = arith.constant 0 : i32
      %dma_wait3A_368 = arith.constant 0 : i32
      %dma_wait3A_369 = tpu.memref_slice %arg12[%dma_wait3A_367, %dma_wait3A_368] : memref<10016x16xf32, #tpu.memory_space<vmem_shared>> -> memref<10016x16xf32, #tpu.memory_space<vmem_shared>>
      tpu.wait_indirect_dma semaphore(%arg13 : memref<!tpu.dma_semaphore, #tpu.memory_space<semaphore_mem>>) src(%arg10 : memref<125x16xf32, #tpu.memory_space<vmem>>) dst(%dma_wait3A_369 : memref<10016x16xf32, #tpu.memory_space<vmem_shared>>)
    }
    %scan3A_7 = arith.constant 4 : i32
    %barrier3A_8 = arith.constant 0 : index
    tpu.barrier barrier_id(%barrier3A_8)
    "tpu.region"() ({
      %run_scoped3A = tpu.sem_alloc : memref<!tpu.dma_semaphore, #tpu.memory_space<semaphore_mem>>
      %dma_start3A = arith.constant 0 : i32
      %dma_start3A_9 = tpu.memref_slice %arg6[%arg0, %mul3A_2, %dma_start3A] : memref<2x10016x16xf32, #tpu.memory_space<hbm>> -> memref<1x626x16xf32, #tpu.memory_space<hbm>>
      %dma_start3A_10 = tpu.memref_squeeze %dma_start3A_9 : memref<1x626x16xf32, #tpu.memory_space<hbm>> -> memref<626x16xf32, #tpu.memory_space<hbm>>
      %dma_start3A_11 = arith.constant 0 : i32
      %dma_start3A_12 = tpu.memref_slice %arg11[%mul3A_2, %dma_start3A_11] : memref<10016x16xf32, #tpu.memory_space<vmem_shared>> -> memref<626x16xf32, #tpu.memory_space<vmem_shared>>
      tpu.enqueue_dma source(%dma_start3A_12 : memref<626x16xf32, #tpu.memory_space<vmem_shared>>) target(%dma_start3A_10 : memref<626x16xf32, #tpu.memory_space<hbm>>) target_semaphore(%run_scoped3A : memref<!tpu.dma_semaphore, #tpu.memory_space<semaphore_mem>>)
      %dma_wait3A = arith.constant 0 : i32
      %dma_wait3A_13 = tpu.memref_slice %arg6[%arg0, %mul3A_2, %dma_wait3A] : memref<2x10016x16xf32, #tpu.memory_space<hbm>> -> memref<1x626x16xf32, #tpu.memory_space<hbm>>
      %dma_wait3A_14 = tpu.memref_squeeze %dma_wait3A_13 : memref<1x626x16xf32, #tpu.memory_space<hbm>> -> memref<626x16xf32, #tpu.memory_space<hbm>>
      %dma_wait3A_15 = arith.constant 0 : i32
      %dma_wait3A_16 = tpu.memref_slice %arg11[%mul3A_2, %dma_wait3A_15] : memref<10016x16xf32, #tpu.memory_space<vmem_shared>> -> memref<626x16xf32, #tpu.memory_space<vmem_shared>>
      tpu.wait_dma2 semaphore(%run_scoped3A : memref<!tpu.dma_semaphore, #tpu.memory_space<semaphore_mem>>) src(%dma_wait3A_16 : memref<626x16xf32, #tpu.memory_space<vmem_shared>>) dst(%dma_wait3A_14 : memref<626x16xf32, #tpu.memory_space<hbm>>)
      tpu.yield
    }) : () -> ()
    "tpu.region"() ({
      %run_scoped3A = tpu.sem_alloc : memref<!tpu.dma_semaphore, #tpu.memory_space<semaphore_mem>>
      %dma_start3A = arith.constant 0 : i32
      %dma_start3A_9 = tpu.memref_slice %arg7[%arg0, %mul3A_2, %dma_start3A] : memref<2x10016x16xf32, #tpu.memory_space<hbm>> -> memref<1x626x16xf32, #tpu.memory_space<hbm>>
      %dma_start3A_10 = tpu.memref_squeeze %dma_start3A_9 : memref<1x626x16xf32, #tpu.memory_space<hbm>> -> memref<626x16xf32, #tpu.memory_space<hbm>>
      %dma_start3A_11 = arith.constant 0 : i32
      %dma_start3A_12 = tpu.memref_slice %arg12[%mul3A_2, %dma_start3A_11] : memref<10016x16xf32, #tpu.memory_space<vmem_shared>> -> memref<626x16xf32, #tpu.memory_space<vmem_shared>>
      tpu.enqueue_dma source(%dma_start3A_12 : memref<626x16xf32, #tpu.memory_space<vmem_shared>>) target(%dma_start3A_10 : memref<626x16xf32, #tpu.memory_space<hbm>>) target_semaphore(%run_scoped3A : memref<!tpu.dma_semaphore, #tpu.memory_space<semaphore_mem>>)
      %dma_wait3A = arith.constant 0 : i32
      %dma_wait3A_13 = tpu.memref_slice %arg7[%arg0, %mul3A_2, %dma_wait3A] : memref<2x10016x16xf32, #tpu.memory_space<hbm>> -> memref<1x626x16xf32, #tpu.memory_space<hbm>>
      %dma_wait3A_14 = tpu.memref_squeeze %dma_wait3A_13 : memref<1x626x16xf32, #tpu.memory_space<hbm>> -> memref<626x16xf32, #tpu.memory_space<hbm>>
      %dma_wait3A_15 = arith.constant 0 : i32
      %dma_wait3A_16 = tpu.memref_slice %arg12[%mul3A_2, %dma_wait3A_15] : memref<10016x16xf32, #tpu.memory_space<vmem_shared>> -> memref<626x16xf32, #tpu.memory_space<vmem_shared>>
      tpu.wait_dma2 semaphore(%run_scoped3A : memref<!tpu.dma_semaphore, #tpu.memory_space<semaphore_mem>>) src(%dma_wait3A_16 : memref<626x16xf32, #tpu.memory_space<vmem_shared>>) dst(%dma_wait3A_14 : memref<626x16xf32, #tpu.memory_space<hbm>>)
      tpu.yield
    }) : () -> ()
    return
  }
}

#map = affine_map<(d0, d1) -> (0, 0, 0)>
#map1 = affine_map<(d0, d1) -> (0, 0)>
module attributes {stable_mosaic.version = 14 : i64} {
  func.func @k(%arg0: i32, %arg1: i32, %arg2: memref<32x5000x16xf32, #tpu.memory_space<hbm>>, %arg3: memref<32x40x125xi32, #tpu.memory_space<hbm>>, %arg4: memref<10016x16xf32, #tpu.memory_space<hbm>>, %arg5: memref<125x16xf32, #tpu.memory_space<hbm>>, %arg6: memref<2x10016x16xf32, #tpu.memory_space<hbm>>, %arg7: memref<40x125xi32, #tpu.memory_space<vmem>>, %arg8: memref<5000x16xf32, #tpu.memory_space<vmem>>, %arg9: memref<125x16xf32, #tpu.memory_space<vmem>>, %arg10: memref<10016x16xf32, #tpu.memory_space<vmem_shared>>, %arg11: memref<!tpu.dma_semaphore, #tpu.memory_space<semaphore_mem>>) attributes {dimension_semantics = [#tpu.dimension_semantics<core_parallel>, #tpu.dimension_semantics<subcore_parallel>], iteration_bounds = array<i64: 2, 16>, scalar_prefetch = 0 : i64, scratch_operands = 5 : i64, tpu.core_type = #tpu.core_type<sc_vector_subcore>, window_params = [{transform_indices = #map}, {transform_indices = #map}, {transform_indices = #map1}, {transform_indices = #map1}, {transform_indices = #map}]} {
    %mul3A = arith.constant 2 : i32
    %mul3A_0 = arith.muli %arg1, %mul3A : i32
    %add3A = arith.addi %mul3A_0, %arg0 : i32
    %mul3A_1 = arith.constant 626 : i32
    %mul3A_2 = arith.muli %arg1, %mul3A_1 : i32
    "tpu.region"() ({
      %run_scoped3A = tpu.sem_alloc : memref<!tpu.dma_semaphore, #tpu.memory_space<semaphore_mem>>
      %dma_start3A = arith.constant 0 : i32
      %dma_start3A_9 = tpu.memref_slice %arg10[%mul3A_2, %dma_start3A] : memref<10016x16xf32, #tpu.memory_space<vmem_shared>> -> memref<626x16xf32, #tpu.memory_space<vmem_shared>>
      %dma_start3A_10 = arith.constant 0 : i32
      %dma_start3A_11 = tpu.memref_slice %arg4[%mul3A_2, %dma_start3A_10] : memref<10016x16xf32, #tpu.memory_space<hbm>> -> memref<626x16xf32, #tpu.memory_space<hbm>>
      tpu.enqueue_dma source(%dma_start3A_11 : memref<626x16xf32, #tpu.memory_space<hbm>>) target(%dma_start3A_9 : memref<626x16xf32, #tpu.memory_space<vmem_shared>>) target_semaphore(%run_scoped3A : memref<!tpu.dma_semaphore, #tpu.memory_space<semaphore_mem>>)
      %dma_wait3A = arith.constant 0 : i32
      %dma_wait3A_12 = tpu.memref_slice %arg10[%mul3A_2, %dma_wait3A] : memref<10016x16xf32, #tpu.memory_space<vmem_shared>> -> memref<626x16xf32, #tpu.memory_space<vmem_shared>>
      %dma_wait3A_13 = arith.constant 0 : i32
      %dma_wait3A_14 = tpu.memref_slice %arg4[%mul3A_2, %dma_wait3A_13] : memref<10016x16xf32, #tpu.memory_space<hbm>> -> memref<626x16xf32, #tpu.memory_space<hbm>>
      tpu.wait_dma2 semaphore(%run_scoped3A : memref<!tpu.dma_semaphore, #tpu.memory_space<semaphore_mem>>) src(%dma_wait3A_14 : memref<626x16xf32, #tpu.memory_space<hbm>>) dst(%dma_wait3A_12 : memref<626x16xf32, #tpu.memory_space<vmem_shared>>)
      tpu.yield
    }) : () -> ()
    "tpu.region"() ({
      %run_scoped3A = tpu.sem_alloc : memref<!tpu.dma_semaphore, #tpu.memory_space<semaphore_mem>>
      tpu.enqueue_dma source(%arg5 : memref<125x16xf32, #tpu.memory_space<hbm>>) target(%arg9 : memref<125x16xf32, #tpu.memory_space<vmem>>) target_semaphore(%run_scoped3A : memref<!tpu.dma_semaphore, #tpu.memory_space<semaphore_mem>>)
      tpu.wait_dma2 semaphore(%run_scoped3A : memref<!tpu.dma_semaphore, #tpu.memory_space<semaphore_mem>>) src(%arg5 : memref<125x16xf32, #tpu.memory_space<hbm>>) dst(%arg9 : memref<125x16xf32, #tpu.memory_space<vmem>>)
      tpu.yield
    }) : () -> ()
    %barrier3A = arith.constant 0 : index
    tpu.barrier barrier_id(%barrier3A)
    "tpu.region"() ({
      %run_scoped3A = tpu.sem_alloc : memref<!tpu.dma_semaphore, #tpu.memory_space<semaphore_mem>>
      %dma_start3A = arith.constant 0 : i32
      %dma_start3A_9 = arith.constant 0 : i32
      %dma_start3A_10 = tpu.memref_slice %arg3[%add3A, %dma_start3A, %dma_start3A_9] : memref<32x40x125xi32, #tpu.memory_space<hbm>> -> memref<1x40x125xi32, #tpu.memory_space<hbm>>
      %dma_start3A_11 = tpu.memref_squeeze %dma_start3A_10 : memref<1x40x125xi32, #tpu.memory_space<hbm>> -> memref<40x125xi32, #tpu.memory_space<hbm>>
      %dma_start3A_12 = arith.constant 0 : i32
      %dma_start3A_13 = arith.constant 0 : i32
      %dma_start3A_14 = tpu.memref_slice %arg3[%add3A, %dma_start3A_12, %dma_start3A_13] : memref<32x40x125xi32, #tpu.memory_space<hbm>> -> memref<1x40x125xi32, #tpu.memory_space<hbm>>
      %dma_start3A_15 = tpu.memref_squeeze %dma_start3A_14 : memref<1x40x125xi32, #tpu.memory_space<hbm>> -> memref<40x125xi32, #tpu.memory_space<hbm>>
      tpu.enqueue_dma source(%dma_start3A_15 : memref<40x125xi32, #tpu.memory_space<hbm>>) target(%arg7 : memref<40x125xi32, #tpu.memory_space<vmem>>) target_semaphore(%run_scoped3A : memref<!tpu.dma_semaphore, #tpu.memory_space<semaphore_mem>>)
      %dma_wait3A = arith.constant 0 : i32
      %dma_wait3A_16 = arith.constant 0 : i32
      %dma_wait3A_17 = tpu.memref_slice %arg3[%add3A, %dma_wait3A, %dma_wait3A_16] : memref<32x40x125xi32, #tpu.memory_space<hbm>> -> memref<1x40x125xi32, #tpu.memory_space<hbm>>
      %dma_wait3A_18 = tpu.memref_squeeze %dma_wait3A_17 : memref<1x40x125xi32, #tpu.memory_space<hbm>> -> memref<40x125xi32, #tpu.memory_space<hbm>>
      %dma_wait3A_19 = arith.constant 0 : i32
      %dma_wait3A_20 = arith.constant 0 : i32
      %dma_wait3A_21 = tpu.memref_slice %arg3[%add3A, %dma_wait3A_19, %dma_wait3A_20] : memref<32x40x125xi32, #tpu.memory_space<hbm>> -> memref<1x40x125xi32, #tpu.memory_space<hbm>>
      %dma_wait3A_22 = tpu.memref_squeeze %dma_wait3A_21 : memref<1x40x125xi32, #tpu.memory_space<hbm>> -> memref<40x125xi32, #tpu.memory_space<hbm>>
      tpu.wait_dma2 semaphore(%run_scoped3A : memref<!tpu.dma_semaphore, #tpu.memory_space<semaphore_mem>>) src(%dma_wait3A_22 : memref<40x125xi32, #tpu.memory_space<hbm>>) dst(%arg7 : memref<40x125xi32, #tpu.memory_space<vmem>>)
      tpu.yield
    }) : () -> ()
    "tpu.region"() ({
      %run_scoped3A = tpu.sem_alloc : memref<!tpu.dma_semaphore, #tpu.memory_space<semaphore_mem>>
      %dma_start3A = arith.constant 0 : i32
      %dma_start3A_9 = arith.constant 0 : i32
      %dma_start3A_10 = tpu.memref_slice %arg2[%add3A, %dma_start3A, %dma_start3A_9] : memref<32x5000x16xf32, #tpu.memory_space<hbm>> -> memref<1x5000x16xf32, #tpu.memory_space<hbm>>
      %dma_start3A_11 = tpu.memref_squeeze %dma_start3A_10 : memref<1x5000x16xf32, #tpu.memory_space<hbm>> -> memref<5000x16xf32, #tpu.memory_space<hbm>>
      %dma_start3A_12 = arith.constant 0 : i32
      %dma_start3A_13 = arith.constant 0 : i32
      %dma_start3A_14 = tpu.memref_slice %arg2[%add3A, %dma_start3A_12, %dma_start3A_13] : memref<32x5000x16xf32, #tpu.memory_space<hbm>> -> memref<1x5000x16xf32, #tpu.memory_space<hbm>>
      %dma_start3A_15 = tpu.memref_squeeze %dma_start3A_14 : memref<1x5000x16xf32, #tpu.memory_space<hbm>> -> memref<5000x16xf32, #tpu.memory_space<hbm>>
      tpu.enqueue_dma source(%dma_start3A_15 : memref<5000x16xf32, #tpu.memory_space<hbm>>) target(%arg8 : memref<5000x16xf32, #tpu.memory_space<vmem>>) target_semaphore(%run_scoped3A : memref<!tpu.dma_semaphore, #tpu.memory_space<semaphore_mem>>)
      %dma_wait3A = arith.constant 0 : i32
      %dma_wait3A_16 = arith.constant 0 : i32
      %dma_wait3A_17 = tpu.memref_slice %arg2[%add3A, %dma_wait3A, %dma_wait3A_16] : memref<32x5000x16xf32, #tpu.memory_space<hbm>> -> memref<1x5000x16xf32, #tpu.memory_space<hbm>>
      %dma_wait3A_18 = tpu.memref_squeeze %dma_wait3A_17 : memref<1x5000x16xf32, #tpu.memory_space<hbm>> -> memref<5000x16xf32, #tpu.memory_space<hbm>>
      %dma_wait3A_19 = arith.constant 0 : i32
      %dma_wait3A_20 = arith.constant 0 : i32
      %dma_wait3A_21 = tpu.memref_slice %arg2[%add3A, %dma_wait3A_19, %dma_wait3A_20] : memref<32x5000x16xf32, #tpu.memory_space<hbm>> -> memref<1x5000x16xf32, #tpu.memory_space<hbm>>
      %dma_wait3A_22 = tpu.memref_squeeze %dma_wait3A_21 : memref<1x5000x16xf32, #tpu.memory_space<hbm>> -> memref<5000x16xf32, #tpu.memory_space<hbm>>
      tpu.wait_dma2 semaphore(%run_scoped3A : memref<!tpu.dma_semaphore, #tpu.memory_space<semaphore_mem>>) src(%dma_wait3A_22 : memref<5000x16xf32, #tpu.memory_space<hbm>>) dst(%arg8 : memref<5000x16xf32, #tpu.memory_space<vmem>>)
      tpu.yield
    }) : () -> ()
    %scan3A = arith.constant 0 : i32
    %scan3A_3 = arith.constant 0 : i32
    %scan3A_4 = arith.constant 4 : i32
    %scan3A_5 = arith.addi %scan3A_3, %scan3A_4 : i32
    %scan3A_6 = arith.constant 1 : i32
    scf.for %scan3A_9 = %scan3A_3 to %scan3A_5 step %scan3A_6  : i32 {
      %mul3A_10 = arith.constant 10 : i32
      %mul3A_11 = arith.muli %scan3A_9, %mul3A_10 : i32
      %add3A_12 = arith.constant 0 : i32
      %add3A_13 = arith.addi %mul3A_11, %add3A_12 : i32
      %mul3A_14 = arith.constant 125 : i32
      %mul3A_15 = arith.muli %add3A_13, %mul3A_14 : i32
      %add3A_16 = arith.constant 0 : i32
      %add3A_17 = arith.addi %mul3A_11, %add3A_16 : i32
      %dma_start3A = arith.constant 0 : i32
      %dma_start3A_18 = tpu.memref_slice %arg8[%mul3A_15, %dma_start3A] : memref<5000x16xf32, #tpu.memory_space<vmem>> -> memref<125x16xf32, #tpu.memory_space<vmem>>
      %dma_start3A_19 = arith.constant 0 : i32
      %dma_start3A_20 = tpu.memref_slice %arg7[%add3A_17, %dma_start3A_19] : memref<40x125xi32, #tpu.memory_space<vmem>> -> memref<1x125xi32, #tpu.memory_space<vmem>>
      %dma_start3A_21 = tpu.memref_squeeze %dma_start3A_20 : memref<1x125xi32, #tpu.memory_space<vmem>> -> memref<125xi32, #tpu.memory_space<vmem>>
      %dma_start3A_22 = arith.constant 0 : i32
      %dma_start3A_23 = arith.constant 0 : i32
      %dma_start3A_24 = tpu.memref_slice %arg10[%dma_start3A_22, %dma_start3A_23] : memref<10016x16xf32, #tpu.memory_space<vmem_shared>> -> memref<10016x16xf32, #tpu.memory_space<vmem_shared>>
      tpu.enqueue_indirect_dma source(%dma_start3A_18 : memref<125x16xf32, #tpu.memory_space<vmem>>) target(%dma_start3A_24 : memref<10016x16xf32, #tpu.memory_space<vmem_shared>>) offsets(%dma_start3A_21 : memref<125xi32, #tpu.memory_space<vmem>>) semaphore(%arg11 : memref<!tpu.dma_semaphore, #tpu.memory_space<semaphore_mem>>) {add = true}
      %add3A_25 = arith.constant 1 : i32
      %add3A_26 = arith.addi %mul3A_11, %add3A_25 : i32
      %mul3A_27 = arith.constant 125 : i32
      %mul3A_28 = arith.muli %add3A_26, %mul3A_27 : i32
      %add3A_29 = arith.constant 1 : i32
      %add3A_30 = arith.addi %mul3A_11, %add3A_29 : i32
      %dma_start3A_31 = arith.constant 0 : i32
      %dma_start3A_32 = tpu.memref_slice %arg8[%mul3A_28, %dma_start3A_31] : memref<5000x16xf32, #tpu.memory_space<vmem>> -> memref<125x16xf32, #tpu.memory_space<vmem>>
      %dma_start3A_33 = arith.constant 0 : i32
      %dma_start3A_34 = tpu.memref_slice %arg7[%add3A_30, %dma_start3A_33] : memref<40x125xi32, #tpu.memory_space<vmem>> -> memref<1x125xi32, #tpu.memory_space<vmem>>
      %dma_start3A_35 = tpu.memref_squeeze %dma_start3A_34 : memref<1x125xi32, #tpu.memory_space<vmem>> -> memref<125xi32, #tpu.memory_space<vmem>>
      %dma_start3A_36 = arith.constant 0 : i32
      %dma_start3A_37 = arith.constant 0 : i32
      %dma_start3A_38 = tpu.memref_slice %arg10[%dma_start3A_36, %dma_start3A_37] : memref<10016x16xf32, #tpu.memory_space<vmem_shared>> -> memref<10016x16xf32, #tpu.memory_space<vmem_shared>>
      tpu.enqueue_indirect_dma source(%dma_start3A_32 : memref<125x16xf32, #tpu.memory_space<vmem>>) target(%dma_start3A_38 : memref<10016x16xf32, #tpu.memory_space<vmem_shared>>) offsets(%dma_start3A_35 : memref<125xi32, #tpu.memory_space<vmem>>) semaphore(%arg11 : memref<!tpu.dma_semaphore, #tpu.memory_space<semaphore_mem>>) {add = true}
      %add3A_39 = arith.constant 2 : i32
      %add3A_40 = arith.addi %mul3A_11, %add3A_39 : i32
      %mul3A_41 = arith.constant 125 : i32
      %mul3A_42 = arith.muli %add3A_40, %mul3A_41 : i32
      %add3A_43 = arith.constant 2 : i32
      %add3A_44 = arith.addi %mul3A_11, %add3A_43 : i32
      %dma_start3A_45 = arith.constant 0 : i32
      %dma_start3A_46 = tpu.memref_slice %arg8[%mul3A_42, %dma_start3A_45] : memref<5000x16xf32, #tpu.memory_space<vmem>> -> memref<125x16xf32, #tpu.memory_space<vmem>>
      %dma_start3A_47 = arith.constant 0 : i32
      %dma_start3A_48 = tpu.memref_slice %arg7[%add3A_44, %dma_start3A_47] : memref<40x125xi32, #tpu.memory_space<vmem>> -> memref<1x125xi32, #tpu.memory_space<vmem>>
      %dma_start3A_49 = tpu.memref_squeeze %dma_start3A_48 : memref<1x125xi32, #tpu.memory_space<vmem>> -> memref<125xi32, #tpu.memory_space<vmem>>
      %dma_start3A_50 = arith.constant 0 : i32
      %dma_start3A_51 = arith.constant 0 : i32
      %dma_start3A_52 = tpu.memref_slice %arg10[%dma_start3A_50, %dma_start3A_51] : memref<10016x16xf32, #tpu.memory_space<vmem_shared>> -> memref<10016x16xf32, #tpu.memory_space<vmem_shared>>
      tpu.enqueue_indirect_dma source(%dma_start3A_46 : memref<125x16xf32, #tpu.memory_space<vmem>>) target(%dma_start3A_52 : memref<10016x16xf32, #tpu.memory_space<vmem_shared>>) offsets(%dma_start3A_49 : memref<125xi32, #tpu.memory_space<vmem>>) semaphore(%arg11 : memref<!tpu.dma_semaphore, #tpu.memory_space<semaphore_mem>>) {add = true}
      %add3A_53 = arith.constant 3 : i32
      %add3A_54 = arith.addi %mul3A_11, %add3A_53 : i32
      %mul3A_55 = arith.constant 125 : i32
      %mul3A_56 = arith.muli %add3A_54, %mul3A_55 : i32
      %add3A_57 = arith.constant 3 : i32
      %add3A_58 = arith.addi %mul3A_11, %add3A_57 : i32
      %dma_start3A_59 = arith.constant 0 : i32
      %dma_start3A_60 = tpu.memref_slice %arg8[%mul3A_56, %dma_start3A_59] : memref<5000x16xf32, #tpu.memory_space<vmem>> -> memref<125x16xf32, #tpu.memory_space<vmem>>
      %dma_start3A_61 = arith.constant 0 : i32
      %dma_start3A_62 = tpu.memref_slice %arg7[%add3A_58, %dma_start3A_61] : memref<40x125xi32, #tpu.memory_space<vmem>> -> memref<1x125xi32, #tpu.memory_space<vmem>>
      %dma_start3A_63 = tpu.memref_squeeze %dma_start3A_62 : memref<1x125xi32, #tpu.memory_space<vmem>> -> memref<125xi32, #tpu.memory_space<vmem>>
      %dma_start3A_64 = arith.constant 0 : i32
      %dma_start3A_65 = arith.constant 0 : i32
      %dma_start3A_66 = tpu.memref_slice %arg10[%dma_start3A_64, %dma_start3A_65] : memref<10016x16xf32, #tpu.memory_space<vmem_shared>> -> memref<10016x16xf32, #tpu.memory_space<vmem_shared>>
      tpu.enqueue_indirect_dma source(%dma_start3A_60 : memref<125x16xf32, #tpu.memory_space<vmem>>) target(%dma_start3A_66 : memref<10016x16xf32, #tpu.memory_space<vmem_shared>>) offsets(%dma_start3A_63 : memref<125xi32, #tpu.memory_space<vmem>>) semaphore(%arg11 : memref<!tpu.dma_semaphore, #tpu.memory_space<semaphore_mem>>) {add = true}
      %add3A_67 = arith.constant 4 : i32
      %add3A_68 = arith.addi %mul3A_11, %add3A_67 : i32
      %mul3A_69 = arith.constant 125 : i32
      %mul3A_70 = arith.muli %add3A_68, %mul3A_69 : i32
      %add3A_71 = arith.constant 4 : i32
      %add3A_72 = arith.addi %mul3A_11, %add3A_71 : i32
      %dma_start3A_73 = arith.constant 0 : i32
      %dma_start3A_74 = tpu.memref_slice %arg8[%mul3A_70, %dma_start3A_73] : memref<5000x16xf32, #tpu.memory_space<vmem>> -> memref<125x16xf32, #tpu.memory_space<vmem>>
      %dma_start3A_75 = arith.constant 0 : i32
      %dma_start3A_76 = tpu.memref_slice %arg7[%add3A_72, %dma_start3A_75] : memref<40x125xi32, #tpu.memory_space<vmem>> -> memref<1x125xi32, #tpu.memory_space<vmem>>
      %dma_start3A_77 = tpu.memref_squeeze %dma_start3A_76 : memref<1x125xi32, #tpu.memory_space<vmem>> -> memref<125xi32, #tpu.memory_space<vmem>>
      %dma_start3A_78 = arith.constant 0 : i32
      %dma_start3A_79 = arith.constant 0 : i32
      %dma_start3A_80 = tpu.memref_slice %arg10[%dma_start3A_78, %dma_start3A_79] : memref<10016x16xf32, #tpu.memory_space<vmem_shared>> -> memref<10016x16xf32, #tpu.memory_space<vmem_shared>>
      tpu.enqueue_indirect_dma source(%dma_start3A_74 : memref<125x16xf32, #tpu.memory_space<vmem>>) target(%dma_start3A_80 : memref<10016x16xf32, #tpu.memory_space<vmem_shared>>) offsets(%dma_start3A_77 : memref<125xi32, #tpu.memory_space<vmem>>) semaphore(%arg11 : memref<!tpu.dma_semaphore, #tpu.memory_space<semaphore_mem>>) {add = true}
      %add3A_81 = arith.constant 5 : i32
      %add3A_82 = arith.addi %mul3A_11, %add3A_81 : i32
      %mul3A_83 = arith.constant 125 : i32
      %mul3A_84 = arith.muli %add3A_82, %mul3A_83 : i32
      %add3A_85 = arith.constant 5 : i32
      %add3A_86 = arith.addi %mul3A_11, %add3A_85 : i32
      %dma_start3A_87 = arith.constant 0 : i32
      %dma_start3A_88 = tpu.memref_slice %arg8[%mul3A_84, %dma_start3A_87] : memref<5000x16xf32, #tpu.memory_space<vmem>> -> memref<125x16xf32, #tpu.memory_space<vmem>>
      %dma_start3A_89 = arith.constant 0 : i32
      %dma_start3A_90 = tpu.memref_slice %arg7[%add3A_86, %dma_start3A_89] : memref<40x125xi32, #tpu.memory_space<vmem>> -> memref<1x125xi32, #tpu.memory_space<vmem>>
      %dma_start3A_91 = tpu.memref_squeeze %dma_start3A_90 : memref<1x125xi32, #tpu.memory_space<vmem>> -> memref<125xi32, #tpu.memory_space<vmem>>
      %dma_start3A_92 = arith.constant 0 : i32
      %dma_start3A_93 = arith.constant 0 : i32
      %dma_start3A_94 = tpu.memref_slice %arg10[%dma_start3A_92, %dma_start3A_93] : memref<10016x16xf32, #tpu.memory_space<vmem_shared>> -> memref<10016x16xf32, #tpu.memory_space<vmem_shared>>
      tpu.enqueue_indirect_dma source(%dma_start3A_88 : memref<125x16xf32, #tpu.memory_space<vmem>>) target(%dma_start3A_94 : memref<10016x16xf32, #tpu.memory_space<vmem_shared>>) offsets(%dma_start3A_91 : memref<125xi32, #tpu.memory_space<vmem>>) semaphore(%arg11 : memref<!tpu.dma_semaphore, #tpu.memory_space<semaphore_mem>>) {add = true}
      %add3A_95 = arith.constant 6 : i32
      %add3A_96 = arith.addi %mul3A_11, %add3A_95 : i32
      %mul3A_97 = arith.constant 125 : i32
      %mul3A_98 = arith.muli %add3A_96, %mul3A_97 : i32
      %add3A_99 = arith.constant 6 : i32
      %add3A_100 = arith.addi %mul3A_11, %add3A_99 : i32
      %dma_start3A_101 = arith.constant 0 : i32
      %dma_start3A_102 = tpu.memref_slice %arg8[%mul3A_98, %dma_start3A_101] : memref<5000x16xf32, #tpu.memory_space<vmem>> -> memref<125x16xf32, #tpu.memory_space<vmem>>
      %dma_start3A_103 = arith.constant 0 : i32
      %dma_start3A_104 = tpu.memref_slice %arg7[%add3A_100, %dma_start3A_103] : memref<40x125xi32, #tpu.memory_space<vmem>> -> memref<1x125xi32, #tpu.memory_space<vmem>>
      %dma_start3A_105 = tpu.memref_squeeze %dma_start3A_104 : memref<1x125xi32, #tpu.memory_space<vmem>> -> memref<125xi32, #tpu.memory_space<vmem>>
      %dma_start3A_106 = arith.constant 0 : i32
      %dma_start3A_107 = arith.constant 0 : i32
      %dma_start3A_108 = tpu.memref_slice %arg10[%dma_start3A_106, %dma_start3A_107] : memref<10016x16xf32, #tpu.memory_space<vmem_shared>> -> memref<10016x16xf32, #tpu.memory_space<vmem_shared>>
      tpu.enqueue_indirect_dma source(%dma_start3A_102 : memref<125x16xf32, #tpu.memory_space<vmem>>) target(%dma_start3A_108 : memref<10016x16xf32, #tpu.memory_space<vmem_shared>>) offsets(%dma_start3A_105 : memref<125xi32, #tpu.memory_space<vmem>>) semaphore(%arg11 : memref<!tpu.dma_semaphore, #tpu.memory_space<semaphore_mem>>) {add = true}
      %add3A_109 = arith.constant 7 : i32
      %add3A_110 = arith.addi %mul3A_11, %add3A_109 : i32
      %mul3A_111 = arith.constant 125 : i32
      %mul3A_112 = arith.muli %add3A_110, %mul3A_111 : i32
      %add3A_113 = arith.constant 7 : i32
      %add3A_114 = arith.addi %mul3A_11, %add3A_113 : i32
      %dma_start3A_115 = arith.constant 0 : i32
      %dma_start3A_116 = tpu.memref_slice %arg8[%mul3A_112, %dma_start3A_115] : memref<5000x16xf32, #tpu.memory_space<vmem>> -> memref<125x16xf32, #tpu.memory_space<vmem>>
      %dma_start3A_117 = arith.constant 0 : i32
      %dma_start3A_118 = tpu.memref_slice %arg7[%add3A_114, %dma_start3A_117] : memref<40x125xi32, #tpu.memory_space<vmem>> -> memref<1x125xi32, #tpu.memory_space<vmem>>
      %dma_start3A_119 = tpu.memref_squeeze %dma_start3A_118 : memref<1x125xi32, #tpu.memory_space<vmem>> -> memref<125xi32, #tpu.memory_space<vmem>>
      %dma_start3A_120 = arith.constant 0 : i32
      %dma_start3A_121 = arith.constant 0 : i32
      %dma_start3A_122 = tpu.memref_slice %arg10[%dma_start3A_120, %dma_start3A_121] : memref<10016x16xf32, #tpu.memory_space<vmem_shared>> -> memref<10016x16xf32, #tpu.memory_space<vmem_shared>>
      tpu.enqueue_indirect_dma source(%dma_start3A_116 : memref<125x16xf32, #tpu.memory_space<vmem>>) target(%dma_start3A_122 : memref<10016x16xf32, #tpu.memory_space<vmem_shared>>) offsets(%dma_start3A_119 : memref<125xi32, #tpu.memory_space<vmem>>) semaphore(%arg11 : memref<!tpu.dma_semaphore, #tpu.memory_space<semaphore_mem>>) {add = true}
      %add3A_123 = arith.constant 8 : i32
      %add3A_124 = arith.addi %mul3A_11, %add3A_123 : i32
      %mul3A_125 = arith.constant 125 : i32
      %mul3A_126 = arith.muli %add3A_124, %mul3A_125 : i32
      %add3A_127 = arith.constant 8 : i32
      %add3A_128 = arith.addi %mul3A_11, %add3A_127 : i32
      %dma_start3A_129 = arith.constant 0 : i32
      %dma_start3A_130 = tpu.memref_slice %arg8[%mul3A_126, %dma_start3A_129] : memref<5000x16xf32, #tpu.memory_space<vmem>> -> memref<125x16xf32, #tpu.memory_space<vmem>>
      %dma_start3A_131 = arith.constant 0 : i32
      %dma_start3A_132 = tpu.memref_slice %arg7[%add3A_128, %dma_start3A_131] : memref<40x125xi32, #tpu.memory_space<vmem>> -> memref<1x125xi32, #tpu.memory_space<vmem>>
      %dma_start3A_133 = tpu.memref_squeeze %dma_start3A_132 : memref<1x125xi32, #tpu.memory_space<vmem>> -> memref<125xi32, #tpu.memory_space<vmem>>
      %dma_start3A_134 = arith.constant 0 : i32
      %dma_start3A_135 = arith.constant 0 : i32
      %dma_start3A_136 = tpu.memref_slice %arg10[%dma_start3A_134, %dma_start3A_135] : memref<10016x16xf32, #tpu.memory_space<vmem_shared>> -> memref<10016x16xf32, #tpu.memory_space<vmem_shared>>
      tpu.enqueue_indirect_dma source(%dma_start3A_130 : memref<125x16xf32, #tpu.memory_space<vmem>>) target(%dma_start3A_136 : memref<10016x16xf32, #tpu.memory_space<vmem_shared>>) offsets(%dma_start3A_133 : memref<125xi32, #tpu.memory_space<vmem>>) semaphore(%arg11 : memref<!tpu.dma_semaphore, #tpu.memory_space<semaphore_mem>>) {add = true}
      %add3A_137 = arith.constant 9 : i32
      %add3A_138 = arith.addi %mul3A_11, %add3A_137 : i32
      %mul3A_139 = arith.constant 125 : i32
      %mul3A_140 = arith.muli %add3A_138, %mul3A_139 : i32
      %add3A_141 = arith.constant 9 : i32
      %add3A_142 = arith.addi %mul3A_11, %add3A_141 : i32
      %dma_start3A_143 = arith.constant 0 : i32
      %dma_start3A_144 = tpu.memref_slice %arg8[%mul3A_140, %dma_start3A_143] : memref<5000x16xf32, #tpu.memory_space<vmem>> -> memref<125x16xf32, #tpu.memory_space<vmem>>
      %dma_start3A_145 = arith.constant 0 : i32
      %dma_start3A_146 = tpu.memref_slice %arg7[%add3A_142, %dma_start3A_145] : memref<40x125xi32, #tpu.memory_space<vmem>> -> memref<1x125xi32, #tpu.memory_space<vmem>>
      %dma_start3A_147 = tpu.memref_squeeze %dma_start3A_146 : memref<1x125xi32, #tpu.memory_space<vmem>> -> memref<125xi32, #tpu.memory_space<vmem>>
      %dma_start3A_148 = arith.constant 0 : i32
      %dma_start3A_149 = arith.constant 0 : i32
      %dma_start3A_150 = tpu.memref_slice %arg10[%dma_start3A_148, %dma_start3A_149] : memref<10016x16xf32, #tpu.memory_space<vmem_shared>> -> memref<10016x16xf32, #tpu.memory_space<vmem_shared>>
      tpu.enqueue_indirect_dma source(%dma_start3A_144 : memref<125x16xf32, #tpu.memory_space<vmem>>) target(%dma_start3A_150 : memref<10016x16xf32, #tpu.memory_space<vmem_shared>>) offsets(%dma_start3A_147 : memref<125xi32, #tpu.memory_space<vmem>>) semaphore(%arg11 : memref<!tpu.dma_semaphore, #tpu.memory_space<semaphore_mem>>) {add = true}
      %dma_wait3A = arith.constant 0 : i32
      %dma_wait3A_151 = tpu.memref_slice %arg8[%mul3A_15, %dma_wait3A] : memref<5000x16xf32, #tpu.memory_space<vmem>> -> memref<125x16xf32, #tpu.memory_space<vmem>>
      %dma_wait3A_152 = arith.constant 0 : i32
      %dma_wait3A_153 = tpu.memref_slice %arg7[%add3A_17, %dma_wait3A_152] : memref<40x125xi32, #tpu.memory_space<vmem>> -> memref<1x125xi32, #tpu.memory_space<vmem>>
      %dma_wait3A_154 = tpu.memref_squeeze %dma_wait3A_153 : memref<1x125xi32, #tpu.memory_space<vmem>> -> memref<125xi32, #tpu.memory_space<vmem>>
      %dma_wait3A_155 = arith.constant 0 : i32
      %dma_wait3A_156 = arith.constant 0 : i32
      %dma_wait3A_157 = tpu.memref_slice %arg10[%dma_wait3A_155, %dma_wait3A_156] : memref<10016x16xf32, #tpu.memory_space<vmem_shared>> -> memref<10016x16xf32, #tpu.memory_space<vmem_shared>>
      tpu.wait_indirect_dma semaphore(%arg11 : memref<!tpu.dma_semaphore, #tpu.memory_space<semaphore_mem>>) src(%dma_wait3A_151 : memref<125x16xf32, #tpu.memory_space<vmem>>) dst(%dma_wait3A_157 : memref<10016x16xf32, #tpu.memory_space<vmem_shared>>)
      %dma_wait3A_158 = arith.constant 0 : i32
      %dma_wait3A_159 = tpu.memref_slice %arg8[%mul3A_28, %dma_wait3A_158] : memref<5000x16xf32, #tpu.memory_space<vmem>> -> memref<125x16xf32, #tpu.memory_space<vmem>>
      %dma_wait3A_160 = arith.constant 0 : i32
      %dma_wait3A_161 = tpu.memref_slice %arg7[%add3A_30, %dma_wait3A_160] : memref<40x125xi32, #tpu.memory_space<vmem>> -> memref<1x125xi32, #tpu.memory_space<vmem>>
      %dma_wait3A_162 = tpu.memref_squeeze %dma_wait3A_161 : memref<1x125xi32, #tpu.memory_space<vmem>> -> memref<125xi32, #tpu.memory_space<vmem>>
      %dma_wait3A_163 = arith.constant 0 : i32
      %dma_wait3A_164 = arith.constant 0 : i32
      %dma_wait3A_165 = tpu.memref_slice %arg10[%dma_wait3A_163, %dma_wait3A_164] : memref<10016x16xf32, #tpu.memory_space<vmem_shared>> -> memref<10016x16xf32, #tpu.memory_space<vmem_shared>>
      tpu.wait_indirect_dma semaphore(%arg11 : memref<!tpu.dma_semaphore, #tpu.memory_space<semaphore_mem>>) src(%dma_wait3A_159 : memref<125x16xf32, #tpu.memory_space<vmem>>) dst(%dma_wait3A_165 : memref<10016x16xf32, #tpu.memory_space<vmem_shared>>)
      %dma_wait3A_166 = arith.constant 0 : i32
      %dma_wait3A_167 = tpu.memref_slice %arg8[%mul3A_42, %dma_wait3A_166] : memref<5000x16xf32, #tpu.memory_space<vmem>> -> memref<125x16xf32, #tpu.memory_space<vmem>>
      %dma_wait3A_168 = arith.constant 0 : i32
      %dma_wait3A_169 = tpu.memref_slice %arg7[%add3A_44, %dma_wait3A_168] : memref<40x125xi32, #tpu.memory_space<vmem>> -> memref<1x125xi32, #tpu.memory_space<vmem>>
      %dma_wait3A_170 = tpu.memref_squeeze %dma_wait3A_169 : memref<1x125xi32, #tpu.memory_space<vmem>> -> memref<125xi32, #tpu.memory_space<vmem>>
      %dma_wait3A_171 = arith.constant 0 : i32
      %dma_wait3A_172 = arith.constant 0 : i32
      %dma_wait3A_173 = tpu.memref_slice %arg10[%dma_wait3A_171, %dma_wait3A_172] : memref<10016x16xf32, #tpu.memory_space<vmem_shared>> -> memref<10016x16xf32, #tpu.memory_space<vmem_shared>>
      tpu.wait_indirect_dma semaphore(%arg11 : memref<!tpu.dma_semaphore, #tpu.memory_space<semaphore_mem>>) src(%dma_wait3A_167 : memref<125x16xf32, #tpu.memory_space<vmem>>) dst(%dma_wait3A_173 : memref<10016x16xf32, #tpu.memory_space<vmem_shared>>)
      %dma_wait3A_174 = arith.constant 0 : i32
      %dma_wait3A_175 = tpu.memref_slice %arg8[%mul3A_56, %dma_wait3A_174] : memref<5000x16xf32, #tpu.memory_space<vmem>> -> memref<125x16xf32, #tpu.memory_space<vmem>>
      %dma_wait3A_176 = arith.constant 0 : i32
      %dma_wait3A_177 = tpu.memref_slice %arg7[%add3A_58, %dma_wait3A_176] : memref<40x125xi32, #tpu.memory_space<vmem>> -> memref<1x125xi32, #tpu.memory_space<vmem>>
      %dma_wait3A_178 = tpu.memref_squeeze %dma_wait3A_177 : memref<1x125xi32, #tpu.memory_space<vmem>> -> memref<125xi32, #tpu.memory_space<vmem>>
      %dma_wait3A_179 = arith.constant 0 : i32
      %dma_wait3A_180 = arith.constant 0 : i32
      %dma_wait3A_181 = tpu.memref_slice %arg10[%dma_wait3A_179, %dma_wait3A_180] : memref<10016x16xf32, #tpu.memory_space<vmem_shared>> -> memref<10016x16xf32, #tpu.memory_space<vmem_shared>>
      tpu.wait_indirect_dma semaphore(%arg11 : memref<!tpu.dma_semaphore, #tpu.memory_space<semaphore_mem>>) src(%dma_wait3A_175 : memref<125x16xf32, #tpu.memory_space<vmem>>) dst(%dma_wait3A_181 : memref<10016x16xf32, #tpu.memory_space<vmem_shared>>)
      %dma_wait3A_182 = arith.constant 0 : i32
      %dma_wait3A_183 = tpu.memref_slice %arg8[%mul3A_70, %dma_wait3A_182] : memref<5000x16xf32, #tpu.memory_space<vmem>> -> memref<125x16xf32, #tpu.memory_space<vmem>>
      %dma_wait3A_184 = arith.constant 0 : i32
      %dma_wait3A_185 = tpu.memref_slice %arg7[%add3A_72, %dma_wait3A_184] : memref<40x125xi32, #tpu.memory_space<vmem>> -> memref<1x125xi32, #tpu.memory_space<vmem>>
      %dma_wait3A_186 = tpu.memref_squeeze %dma_wait3A_185 : memref<1x125xi32, #tpu.memory_space<vmem>> -> memref<125xi32, #tpu.memory_space<vmem>>
      %dma_wait3A_187 = arith.constant 0 : i32
      %dma_wait3A_188 = arith.constant 0 : i32
      %dma_wait3A_189 = tpu.memref_slice %arg10[%dma_wait3A_187, %dma_wait3A_188] : memref<10016x16xf32, #tpu.memory_space<vmem_shared>> -> memref<10016x16xf32, #tpu.memory_space<vmem_shared>>
      tpu.wait_indirect_dma semaphore(%arg11 : memref<!tpu.dma_semaphore, #tpu.memory_space<semaphore_mem>>) src(%dma_wait3A_183 : memref<125x16xf32, #tpu.memory_space<vmem>>) dst(%dma_wait3A_189 : memref<10016x16xf32, #tpu.memory_space<vmem_shared>>)
      %dma_wait3A_190 = arith.constant 0 : i32
      %dma_wait3A_191 = tpu.memref_slice %arg8[%mul3A_84, %dma_wait3A_190] : memref<5000x16xf32, #tpu.memory_space<vmem>> -> memref<125x16xf32, #tpu.memory_space<vmem>>
      %dma_wait3A_192 = arith.constant 0 : i32
      %dma_wait3A_193 = tpu.memref_slice %arg7[%add3A_86, %dma_wait3A_192] : memref<40x125xi32, #tpu.memory_space<vmem>> -> memref<1x125xi32, #tpu.memory_space<vmem>>
      %dma_wait3A_194 = tpu.memref_squeeze %dma_wait3A_193 : memref<1x125xi32, #tpu.memory_space<vmem>> -> memref<125xi32, #tpu.memory_space<vmem>>
      %dma_wait3A_195 = arith.constant 0 : i32
      %dma_wait3A_196 = arith.constant 0 : i32
      %dma_wait3A_197 = tpu.memref_slice %arg10[%dma_wait3A_195, %dma_wait3A_196] : memref<10016x16xf32, #tpu.memory_space<vmem_shared>> -> memref<10016x16xf32, #tpu.memory_space<vmem_shared>>
      tpu.wait_indirect_dma semaphore(%arg11 : memref<!tpu.dma_semaphore, #tpu.memory_space<semaphore_mem>>) src(%dma_wait3A_191 : memref<125x16xf32, #tpu.memory_space<vmem>>) dst(%dma_wait3A_197 : memref<10016x16xf32, #tpu.memory_space<vmem_shared>>)
      %dma_wait3A_198 = arith.constant 0 : i32
      %dma_wait3A_199 = tpu.memref_slice %arg8[%mul3A_98, %dma_wait3A_198] : memref<5000x16xf32, #tpu.memory_space<vmem>> -> memref<125x16xf32, #tpu.memory_space<vmem>>
      %dma_wait3A_200 = arith.constant 0 : i32
      %dma_wait3A_201 = tpu.memref_slice %arg7[%add3A_100, %dma_wait3A_200] : memref<40x125xi32, #tpu.memory_space<vmem>> -> memref<1x125xi32, #tpu.memory_space<vmem>>
      %dma_wait3A_202 = tpu.memref_squeeze %dma_wait3A_201 : memref<1x125xi32, #tpu.memory_space<vmem>> -> memref<125xi32, #tpu.memory_space<vmem>>
      %dma_wait3A_203 = arith.constant 0 : i32
      %dma_wait3A_204 = arith.constant 0 : i32
      %dma_wait3A_205 = tpu.memref_slice %arg10[%dma_wait3A_203, %dma_wait3A_204] : memref<10016x16xf32, #tpu.memory_space<vmem_shared>> -> memref<10016x16xf32, #tpu.memory_space<vmem_shared>>
      tpu.wait_indirect_dma semaphore(%arg11 : memref<!tpu.dma_semaphore, #tpu.memory_space<semaphore_mem>>) src(%dma_wait3A_199 : memref<125x16xf32, #tpu.memory_space<vmem>>) dst(%dma_wait3A_205 : memref<10016x16xf32, #tpu.memory_space<vmem_shared>>)
      %dma_wait3A_206 = arith.constant 0 : i32
      %dma_wait3A_207 = tpu.memref_slice %arg8[%mul3A_112, %dma_wait3A_206] : memref<5000x16xf32, #tpu.memory_space<vmem>> -> memref<125x16xf32, #tpu.memory_space<vmem>>
      %dma_wait3A_208 = arith.constant 0 : i32
      %dma_wait3A_209 = tpu.memref_slice %arg7[%add3A_114, %dma_wait3A_208] : memref<40x125xi32, #tpu.memory_space<vmem>> -> memref<1x125xi32, #tpu.memory_space<vmem>>
      %dma_wait3A_210 = tpu.memref_squeeze %dma_wait3A_209 : memref<1x125xi32, #tpu.memory_space<vmem>> -> memref<125xi32, #tpu.memory_space<vmem>>
      %dma_wait3A_211 = arith.constant 0 : i32
      %dma_wait3A_212 = arith.constant 0 : i32
      %dma_wait3A_213 = tpu.memref_slice %arg10[%dma_wait3A_211, %dma_wait3A_212] : memref<10016x16xf32, #tpu.memory_space<vmem_shared>> -> memref<10016x16xf32, #tpu.memory_space<vmem_shared>>
      tpu.wait_indirect_dma semaphore(%arg11 : memref<!tpu.dma_semaphore, #tpu.memory_space<semaphore_mem>>) src(%dma_wait3A_207 : memref<125x16xf32, #tpu.memory_space<vmem>>) dst(%dma_wait3A_213 : memref<10016x16xf32, #tpu.memory_space<vmem_shared>>)
      %dma_wait3A_214 = arith.constant 0 : i32
      %dma_wait3A_215 = tpu.memref_slice %arg8[%mul3A_126, %dma_wait3A_214] : memref<5000x16xf32, #tpu.memory_space<vmem>> -> memref<125x16xf32, #tpu.memory_space<vmem>>
      %dma_wait3A_216 = arith.constant 0 : i32
      %dma_wait3A_217 = tpu.memref_slice %arg7[%add3A_128, %dma_wait3A_216] : memref<40x125xi32, #tpu.memory_space<vmem>> -> memref<1x125xi32, #tpu.memory_space<vmem>>
      %dma_wait3A_218 = tpu.memref_squeeze %dma_wait3A_217 : memref<1x125xi32, #tpu.memory_space<vmem>> -> memref<125xi32, #tpu.memory_space<vmem>>
      %dma_wait3A_219 = arith.constant 0 : i32
      %dma_wait3A_220 = arith.constant 0 : i32
      %dma_wait3A_221 = tpu.memref_slice %arg10[%dma_wait3A_219, %dma_wait3A_220] : memref<10016x16xf32, #tpu.memory_space<vmem_shared>> -> memref<10016x16xf32, #tpu.memory_space<vmem_shared>>
      tpu.wait_indirect_dma semaphore(%arg11 : memref<!tpu.dma_semaphore, #tpu.memory_space<semaphore_mem>>) src(%dma_wait3A_215 : memref<125x16xf32, #tpu.memory_space<vmem>>) dst(%dma_wait3A_221 : memref<10016x16xf32, #tpu.memory_space<vmem_shared>>)
      %dma_wait3A_222 = arith.constant 0 : i32
      %dma_wait3A_223 = tpu.memref_slice %arg8[%mul3A_140, %dma_wait3A_222] : memref<5000x16xf32, #tpu.memory_space<vmem>> -> memref<125x16xf32, #tpu.memory_space<vmem>>
      %dma_wait3A_224 = arith.constant 0 : i32
      %dma_wait3A_225 = tpu.memref_slice %arg7[%add3A_142, %dma_wait3A_224] : memref<40x125xi32, #tpu.memory_space<vmem>> -> memref<1x125xi32, #tpu.memory_space<vmem>>
      %dma_wait3A_226 = tpu.memref_squeeze %dma_wait3A_225 : memref<1x125xi32, #tpu.memory_space<vmem>> -> memref<125xi32, #tpu.memory_space<vmem>>
      %dma_wait3A_227 = arith.constant 0 : i32
      %dma_wait3A_228 = arith.constant 0 : i32
      %dma_wait3A_229 = tpu.memref_slice %arg10[%dma_wait3A_227, %dma_wait3A_228] : memref<10016x16xf32, #tpu.memory_space<vmem_shared>> -> memref<10016x16xf32, #tpu.memory_space<vmem_shared>>
      tpu.wait_indirect_dma semaphore(%arg11 : memref<!tpu.dma_semaphore, #tpu.memory_space<semaphore_mem>>) src(%dma_wait3A_223 : memref<125x16xf32, #tpu.memory_space<vmem>>) dst(%dma_wait3A_229 : memref<10016x16xf32, #tpu.memory_space<vmem_shared>>)
    }
    %scan3A_7 = arith.constant 4 : i32
    %barrier3A_8 = arith.constant 0 : index
    tpu.barrier barrier_id(%barrier3A_8)
    "tpu.region"() ({
      %run_scoped3A = tpu.sem_alloc : memref<!tpu.dma_semaphore, #tpu.memory_space<semaphore_mem>>
      %dma_start3A = arith.constant 0 : i32
      %dma_start3A_9 = tpu.memref_slice %arg6[%arg0, %mul3A_2, %dma_start3A] : memref<2x10016x16xf32, #tpu.memory_space<hbm>> -> memref<1x626x16xf32, #tpu.memory_space<hbm>>
      %dma_start3A_10 = tpu.memref_squeeze %dma_start3A_9 : memref<1x626x16xf32, #tpu.memory_space<hbm>> -> memref<626x16xf32, #tpu.memory_space<hbm>>
      %dma_start3A_11 = arith.constant 0 : i32
      %dma_start3A_12 = tpu.memref_slice %arg10[%mul3A_2, %dma_start3A_11] : memref<10016x16xf32, #tpu.memory_space<vmem_shared>> -> memref<626x16xf32, #tpu.memory_space<vmem_shared>>
      tpu.enqueue_dma source(%dma_start3A_12 : memref<626x16xf32, #tpu.memory_space<vmem_shared>>) target(%dma_start3A_10 : memref<626x16xf32, #tpu.memory_space<hbm>>) target_semaphore(%run_scoped3A : memref<!tpu.dma_semaphore, #tpu.memory_space<semaphore_mem>>)
      %dma_wait3A = arith.constant 0 : i32
      %dma_wait3A_13 = tpu.memref_slice %arg6[%arg0, %mul3A_2, %dma_wait3A] : memref<2x10016x16xf32, #tpu.memory_space<hbm>> -> memref<1x626x16xf32, #tpu.memory_space<hbm>>
      %dma_wait3A_14 = tpu.memref_squeeze %dma_wait3A_13 : memref<1x626x16xf32, #tpu.memory_space<hbm>> -> memref<626x16xf32, #tpu.memory_space<hbm>>
      %dma_wait3A_15 = arith.constant 0 : i32
      %dma_wait3A_16 = tpu.memref_slice %arg10[%mul3A_2, %dma_wait3A_15] : memref<10016x16xf32, #tpu.memory_space<vmem_shared>> -> memref<626x16xf32, #tpu.memory_space<vmem_shared>>
      tpu.wait_dma2 semaphore(%run_scoped3A : memref<!tpu.dma_semaphore, #tpu.memory_space<semaphore_mem>>) src(%dma_wait3A_16 : memref<626x16xf32, #tpu.memory_space<vmem_shared>>) dst(%dma_wait3A_14 : memref<626x16xf32, #tpu.memory_space<hbm>>)
      tpu.yield
    }) : () -> ()
    return
  }
}

#map = affine_map<(d0, d1) -> (0, 0)>
#map1 = affine_map<(d0, d1) -> (0, 0, 0)>
module attributes {stable_mosaic.version = 14 : i64} {
  func.func @k(%arg0: i32, %arg1: i32, %arg2: memref<10000x64xf32, #tpu.memory_space<hbm>>, %arg3: memref<32x40x125xi32, #tpu.memory_space<hbm>>, %arg4: memref<160000x64xf32, #tpu.memory_space<hbm>>, %arg5: memref<40x125xi32, #tpu.memory_space<vmem>>, %arg6: memref<10x125x64xf32, #tpu.memory_space<vmem>>, %arg7: memref<!tpu.dma_semaphore, #tpu.memory_space<semaphore_mem>>, %arg8: memref<!tpu.dma_semaphore, #tpu.memory_space<semaphore_mem>>) attributes {dimension_semantics = [#tpu.dimension_semantics<core_parallel>, #tpu.dimension_semantics<subcore_parallel>], iteration_bounds = array<i64: 2, 16>, scalar_prefetch = 0 : i64, scratch_operands = 4 : i64, tpu.core_type = #tpu.core_type<sc_vector_subcore>, window_params = [{transform_indices = #map}, {transform_indices = #map1}, {transform_indices = #map}]} {
    %mul3A = arith.constant 2 : i32
    %mul3A_0 = arith.muli %arg1, %mul3A : i32
    %add3A = arith.addi %mul3A_0, %arg0 : i32
    "tpu.region"() ({
      %run_scoped3A = tpu.sem_alloc : memref<!tpu.dma_semaphore, #tpu.memory_space<semaphore_mem>>
      %dma_start3A = arith.constant 0 : i32
      %dma_start3A_6 = arith.constant 0 : i32
      %dma_start3A_7 = tpu.memref_slice %arg3[%add3A, %dma_start3A, %dma_start3A_6] : memref<32x40x125xi32, #tpu.memory_space<hbm>> -> memref<1x40x125xi32, #tpu.memory_space<hbm>>
      %dma_start3A_8 = tpu.memref_squeeze %dma_start3A_7 : memref<1x40x125xi32, #tpu.memory_space<hbm>> -> memref<40x125xi32, #tpu.memory_space<hbm>>
      %dma_start3A_9 = arith.constant 0 : i32
      %dma_start3A_10 = arith.constant 0 : i32
      %dma_start3A_11 = tpu.memref_slice %arg3[%add3A, %dma_start3A_9, %dma_start3A_10] : memref<32x40x125xi32, #tpu.memory_space<hbm>> -> memref<1x40x125xi32, #tpu.memory_space<hbm>>
      %dma_start3A_12 = tpu.memref_squeeze %dma_start3A_11 : memref<1x40x125xi32, #tpu.memory_space<hbm>> -> memref<40x125xi32, #tpu.memory_space<hbm>>
      tpu.enqueue_dma source(%dma_start3A_12 : memref<40x125xi32, #tpu.memory_space<hbm>>) target(%arg5 : memref<40x125xi32, #tpu.memory_space<vmem>>) target_semaphore(%run_scoped3A : memref<!tpu.dma_semaphore, #tpu.memory_space<semaphore_mem>>)
      %dma_wait3A = arith.constant 0 : i32
      %dma_wait3A_13 = arith.constant 0 : i32
      %dma_wait3A_14 = tpu.memref_slice %arg3[%add3A, %dma_wait3A, %dma_wait3A_13] : memref<32x40x125xi32, #tpu.memory_space<hbm>> -> memref<1x40x125xi32, #tpu.memory_space<hbm>>
      %dma_wait3A_15 = tpu.memref_squeeze %dma_wait3A_14 : memref<1x40x125xi32, #tpu.memory_space<hbm>> -> memref<40x125xi32, #tpu.memory_space<hbm>>
      %dma_wait3A_16 = arith.constant 0 : i32
      %dma_wait3A_17 = arith.constant 0 : i32
      %dma_wait3A_18 = tpu.memref_slice %arg3[%add3A, %dma_wait3A_16, %dma_wait3A_17] : memref<32x40x125xi32, #tpu.memory_space<hbm>> -> memref<1x40x125xi32, #tpu.memory_space<hbm>>
      %dma_wait3A_19 = tpu.memref_squeeze %dma_wait3A_18 : memref<1x40x125xi32, #tpu.memory_space<hbm>> -> memref<40x125xi32, #tpu.memory_space<hbm>>
      tpu.wait_dma2 semaphore(%run_scoped3A : memref<!tpu.dma_semaphore, #tpu.memory_space<semaphore_mem>>) src(%dma_wait3A_19 : memref<40x125xi32, #tpu.memory_space<hbm>>) dst(%arg5 : memref<40x125xi32, #tpu.memory_space<vmem>>)
      tpu.yield
    }) : () -> ()
    %scan3A = arith.constant 0 : i32
    %scan3A_1 = arith.constant 0 : i32
    %scan3A_2 = arith.constant 4 : i32
    %scan3A_3 = arith.addi %scan3A_1, %scan3A_2 : i32
    %scan3A_4 = arith.constant 1 : i32
    scf.for %scan3A_6 = %scan3A_1 to %scan3A_3 step %scan3A_4  : i32 {
      %mul3A_7 = arith.constant 10 : i32
      %mul3A_8 = arith.muli %scan3A_6, %mul3A_7 : i32
      %add3A_9 = arith.constant 0 : i32
      %add3A_10 = arith.addi %mul3A_8, %add3A_9 : i32
      %dma_start3A = arith.constant 0 : i32
      %dma_start3A_11 = arith.constant 0 : i32
      %dma_start3A_12 = arith.constant 0 : i32
      %dma_start3A_13 = tpu.memref_slice %arg6[%dma_start3A, %dma_start3A_11, %dma_start3A_12] : memref<10x125x64xf32, #tpu.memory_space<vmem>> -> memref<1x125x64xf32, #tpu.memory_space<vmem>>
      %dma_start3A_14 = tpu.memref_squeeze %dma_start3A_13 : memref<1x125x64xf32, #tpu.memory_space<vmem>> -> memref<125x64xf32, #tpu.memory_space<vmem>>
      %dma_start3A_15 = arith.constant 0 : i32
      %dma_start3A_16 = tpu.memref_slice %arg5[%add3A_10, %dma_start3A_15] : memref<40x125xi32, #tpu.memory_space<vmem>> -> memref<1x125xi32, #tpu.memory_space<vmem>>
      %dma_start3A_17 = tpu.memref_squeeze %dma_start3A_16 : memref<1x125xi32, #tpu.memory_space<vmem>> -> memref<125xi32, #tpu.memory_space<vmem>>
      %dma_start3A_18 = arith.constant 0 : i32
      %dma_start3A_19 = arith.constant 0 : i32
      %dma_start3A_20 = tpu.memref_slice %arg2[%dma_start3A_18, %dma_start3A_19] : memref<10000x64xf32, #tpu.memory_space<hbm>> -> memref<10000x64xf32, #tpu.memory_space<hbm>>
      tpu.enqueue_indirect_dma source(%dma_start3A_20 : memref<10000x64xf32, #tpu.memory_space<hbm>>) target(%dma_start3A_14 : memref<125x64xf32, #tpu.memory_space<vmem>>) offsets(%dma_start3A_17 : memref<125xi32, #tpu.memory_space<vmem>>) semaphore(%arg7 : memref<!tpu.dma_semaphore, #tpu.memory_space<semaphore_mem>>)
      %add3A_21 = arith.constant 1 : i32
      %add3A_22 = arith.addi %mul3A_8, %add3A_21 : i32
      %dma_start3A_23 = arith.constant 1 : i32
      %dma_start3A_24 = arith.constant 0 : i32
      %dma_start3A_25 = arith.constant 0 : i32
      %dma_start3A_26 = tpu.memref_slice %arg6[%dma_start3A_23, %dma_start3A_24, %dma_start3A_25] : memref<10x125x64xf32, #tpu.memory_space<vmem>> -> memref<1x125x64xf32, #tpu.memory_space<vmem>>
      %dma_start3A_27 = tpu.memref_squeeze %dma_start3A_26 : memref<1x125x64xf32, #tpu.memory_space<vmem>> -> memref<125x64xf32, #tpu.memory_space<vmem>>
      %dma_start3A_28 = arith.constant 0 : i32
      %dma_start3A_29 = tpu.memref_slice %arg5[%add3A_22, %dma_start3A_28] : memref<40x125xi32, #tpu.memory_space<vmem>> -> memref<1x125xi32, #tpu.memory_space<vmem>>
      %dma_start3A_30 = tpu.memref_squeeze %dma_start3A_29 : memref<1x125xi32, #tpu.memory_space<vmem>> -> memref<125xi32, #tpu.memory_space<vmem>>
      %dma_start3A_31 = arith.constant 0 : i32
      %dma_start3A_32 = arith.constant 0 : i32
      %dma_start3A_33 = tpu.memref_slice %arg2[%dma_start3A_31, %dma_start3A_32] : memref<10000x64xf32, #tpu.memory_space<hbm>> -> memref<10000x64xf32, #tpu.memory_space<hbm>>
      tpu.enqueue_indirect_dma source(%dma_start3A_33 : memref<10000x64xf32, #tpu.memory_space<hbm>>) target(%dma_start3A_27 : memref<125x64xf32, #tpu.memory_space<vmem>>) offsets(%dma_start3A_30 : memref<125xi32, #tpu.memory_space<vmem>>) semaphore(%arg7 : memref<!tpu.dma_semaphore, #tpu.memory_space<semaphore_mem>>)
      %add3A_34 = arith.constant 2 : i32
      %add3A_35 = arith.addi %mul3A_8, %add3A_34 : i32
      %dma_start3A_36 = arith.constant 2 : i32
      %dma_start3A_37 = arith.constant 0 : i32
      %dma_start3A_38 = arith.constant 0 : i32
      %dma_start3A_39 = tpu.memref_slice %arg6[%dma_start3A_36, %dma_start3A_37, %dma_start3A_38] : memref<10x125x64xf32, #tpu.memory_space<vmem>> -> memref<1x125x64xf32, #tpu.memory_space<vmem>>
      %dma_start3A_40 = tpu.memref_squeeze %dma_start3A_39 : memref<1x125x64xf32, #tpu.memory_space<vmem>> -> memref<125x64xf32, #tpu.memory_space<vmem>>
      %dma_start3A_41 = arith.constant 0 : i32
      %dma_start3A_42 = tpu.memref_slice %arg5[%add3A_35, %dma_start3A_41] : memref<40x125xi32, #tpu.memory_space<vmem>> -> memref<1x125xi32, #tpu.memory_space<vmem>>
      %dma_start3A_43 = tpu.memref_squeeze %dma_start3A_42 : memref<1x125xi32, #tpu.memory_space<vmem>> -> memref<125xi32, #tpu.memory_space<vmem>>
      %dma_start3A_44 = arith.constant 0 : i32
      %dma_start3A_45 = arith.constant 0 : i32
      %dma_start3A_46 = tpu.memref_slice %arg2[%dma_start3A_44, %dma_start3A_45] : memref<10000x64xf32, #tpu.memory_space<hbm>> -> memref<10000x64xf32, #tpu.memory_space<hbm>>
      tpu.enqueue_indirect_dma source(%dma_start3A_46 : memref<10000x64xf32, #tpu.memory_space<hbm>>) target(%dma_start3A_40 : memref<125x64xf32, #tpu.memory_space<vmem>>) offsets(%dma_start3A_43 : memref<125xi32, #tpu.memory_space<vmem>>) semaphore(%arg7 : memref<!tpu.dma_semaphore, #tpu.memory_space<semaphore_mem>>)
      %add3A_47 = arith.constant 3 : i32
      %add3A_48 = arith.addi %mul3A_8, %add3A_47 : i32
      %dma_start3A_49 = arith.constant 3 : i32
      %dma_start3A_50 = arith.constant 0 : i32
      %dma_start3A_51 = arith.constant 0 : i32
      %dma_start3A_52 = tpu.memref_slice %arg6[%dma_start3A_49, %dma_start3A_50, %dma_start3A_51] : memref<10x125x64xf32, #tpu.memory_space<vmem>> -> memref<1x125x64xf32, #tpu.memory_space<vmem>>
      %dma_start3A_53 = tpu.memref_squeeze %dma_start3A_52 : memref<1x125x64xf32, #tpu.memory_space<vmem>> -> memref<125x64xf32, #tpu.memory_space<vmem>>
      %dma_start3A_54 = arith.constant 0 : i32
      %dma_start3A_55 = tpu.memref_slice %arg5[%add3A_48, %dma_start3A_54] : memref<40x125xi32, #tpu.memory_space<vmem>> -> memref<1x125xi32, #tpu.memory_space<vmem>>
      %dma_start3A_56 = tpu.memref_squeeze %dma_start3A_55 : memref<1x125xi32, #tpu.memory_space<vmem>> -> memref<125xi32, #tpu.memory_space<vmem>>
      %dma_start3A_57 = arith.constant 0 : i32
      %dma_start3A_58 = arith.constant 0 : i32
      %dma_start3A_59 = tpu.memref_slice %arg2[%dma_start3A_57, %dma_start3A_58] : memref<10000x64xf32, #tpu.memory_space<hbm>> -> memref<10000x64xf32, #tpu.memory_space<hbm>>
      tpu.enqueue_indirect_dma source(%dma_start3A_59 : memref<10000x64xf32, #tpu.memory_space<hbm>>) target(%dma_start3A_53 : memref<125x64xf32, #tpu.memory_space<vmem>>) offsets(%dma_start3A_56 : memref<125xi32, #tpu.memory_space<vmem>>) semaphore(%arg7 : memref<!tpu.dma_semaphore, #tpu.memory_space<semaphore_mem>>)
      %add3A_60 = arith.constant 4 : i32
      %add3A_61 = arith.addi %mul3A_8, %add3A_60 : i32
      %dma_start3A_62 = arith.constant 4 : i32
      %dma_start3A_63 = arith.constant 0 : i32
      %dma_start3A_64 = arith.constant 0 : i32
      %dma_start3A_65 = tpu.memref_slice %arg6[%dma_start3A_62, %dma_start3A_63, %dma_start3A_64] : memref<10x125x64xf32, #tpu.memory_space<vmem>> -> memref<1x125x64xf32, #tpu.memory_space<vmem>>
      %dma_start3A_66 = tpu.memref_squeeze %dma_start3A_65 : memref<1x125x64xf32, #tpu.memory_space<vmem>> -> memref<125x64xf32, #tpu.memory_space<vmem>>
      %dma_start3A_67 = arith.constant 0 : i32
      %dma_start3A_68 = tpu.memref_slice %arg5[%add3A_61, %dma_start3A_67] : memref<40x125xi32, #tpu.memory_space<vmem>> -> memref<1x125xi32, #tpu.memory_space<vmem>>
      %dma_start3A_69 = tpu.memref_squeeze %dma_start3A_68 : memref<1x125xi32, #tpu.memory_space<vmem>> -> memref<125xi32, #tpu.memory_space<vmem>>
      %dma_start3A_70 = arith.constant 0 : i32
      %dma_start3A_71 = arith.constant 0 : i32
      %dma_start3A_72 = tpu.memref_slice %arg2[%dma_start3A_70, %dma_start3A_71] : memref<10000x64xf32, #tpu.memory_space<hbm>> -> memref<10000x64xf32, #tpu.memory_space<hbm>>
      tpu.enqueue_indirect_dma source(%dma_start3A_72 : memref<10000x64xf32, #tpu.memory_space<hbm>>) target(%dma_start3A_66 : memref<125x64xf32, #tpu.memory_space<vmem>>) offsets(%dma_start3A_69 : memref<125xi32, #tpu.memory_space<vmem>>) semaphore(%arg7 : memref<!tpu.dma_semaphore, #tpu.memory_space<semaphore_mem>>)
      %add3A_73 = arith.constant 5 : i32
      %add3A_74 = arith.addi %mul3A_8, %add3A_73 : i32
      %dma_start3A_75 = arith.constant 5 : i32
      %dma_start3A_76 = arith.constant 0 : i32
      %dma_start3A_77 = arith.constant 0 : i32
      %dma_start3A_78 = tpu.memref_slice %arg6[%dma_start3A_75, %dma_start3A_76, %dma_start3A_77] : memref<10x125x64xf32, #tpu.memory_space<vmem>> -> memref<1x125x64xf32, #tpu.memory_space<vmem>>
      %dma_start3A_79 = tpu.memref_squeeze %dma_start3A_78 : memref<1x125x64xf32, #tpu.memory_space<vmem>> -> memref<125x64xf32, #tpu.memory_space<vmem>>
      %dma_start3A_80 = arith.constant 0 : i32
      %dma_start3A_81 = tpu.memref_slice %arg5[%add3A_74, %dma_start3A_80] : memref<40x125xi32, #tpu.memory_space<vmem>> -> memref<1x125xi32, #tpu.memory_space<vmem>>
      %dma_start3A_82 = tpu.memref_squeeze %dma_start3A_81 : memref<1x125xi32, #tpu.memory_space<vmem>> -> memref<125xi32, #tpu.memory_space<vmem>>
      %dma_start3A_83 = arith.constant 0 : i32
      %dma_start3A_84 = arith.constant 0 : i32
      %dma_start3A_85 = tpu.memref_slice %arg2[%dma_start3A_83, %dma_start3A_84] : memref<10000x64xf32, #tpu.memory_space<hbm>> -> memref<10000x64xf32, #tpu.memory_space<hbm>>
      tpu.enqueue_indirect_dma source(%dma_start3A_85 : memref<10000x64xf32, #tpu.memory_space<hbm>>) target(%dma_start3A_79 : memref<125x64xf32, #tpu.memory_space<vmem>>) offsets(%dma_start3A_82 : memref<125xi32, #tpu.memory_space<vmem>>) semaphore(%arg7 : memref<!tpu.dma_semaphore, #tpu.memory_space<semaphore_mem>>)
      %add3A_86 = arith.constant 6 : i32
      %add3A_87 = arith.addi %mul3A_8, %add3A_86 : i32
      %dma_start3A_88 = arith.constant 6 : i32
      %dma_start3A_89 = arith.constant 0 : i32
      %dma_start3A_90 = arith.constant 0 : i32
      %dma_start3A_91 = tpu.memref_slice %arg6[%dma_start3A_88, %dma_start3A_89, %dma_start3A_90] : memref<10x125x64xf32, #tpu.memory_space<vmem>> -> memref<1x125x64xf32, #tpu.memory_space<vmem>>
      %dma_start3A_92 = tpu.memref_squeeze %dma_start3A_91 : memref<1x125x64xf32, #tpu.memory_space<vmem>> -> memref<125x64xf32, #tpu.memory_space<vmem>>
      %dma_start3A_93 = arith.constant 0 : i32
      %dma_start3A_94 = tpu.memref_slice %arg5[%add3A_87, %dma_start3A_93] : memref<40x125xi32, #tpu.memory_space<vmem>> -> memref<1x125xi32, #tpu.memory_space<vmem>>
      %dma_start3A_95 = tpu.memref_squeeze %dma_start3A_94 : memref<1x125xi32, #tpu.memory_space<vmem>> -> memref<125xi32, #tpu.memory_space<vmem>>
      %dma_start3A_96 = arith.constant 0 : i32
      %dma_start3A_97 = arith.constant 0 : i32
      %dma_start3A_98 = tpu.memref_slice %arg2[%dma_start3A_96, %dma_start3A_97] : memref<10000x64xf32, #tpu.memory_space<hbm>> -> memref<10000x64xf32, #tpu.memory_space<hbm>>
      tpu.enqueue_indirect_dma source(%dma_start3A_98 : memref<10000x64xf32, #tpu.memory_space<hbm>>) target(%dma_start3A_92 : memref<125x64xf32, #tpu.memory_space<vmem>>) offsets(%dma_start3A_95 : memref<125xi32, #tpu.memory_space<vmem>>) semaphore(%arg7 : memref<!tpu.dma_semaphore, #tpu.memory_space<semaphore_mem>>)
      %add3A_99 = arith.constant 7 : i32
      %add3A_100 = arith.addi %mul3A_8, %add3A_99 : i32
      %dma_start3A_101 = arith.constant 7 : i32
      %dma_start3A_102 = arith.constant 0 : i32
      %dma_start3A_103 = arith.constant 0 : i32
      %dma_start3A_104 = tpu.memref_slice %arg6[%dma_start3A_101, %dma_start3A_102, %dma_start3A_103] : memref<10x125x64xf32, #tpu.memory_space<vmem>> -> memref<1x125x64xf32, #tpu.memory_space<vmem>>
      %dma_start3A_105 = tpu.memref_squeeze %dma_start3A_104 : memref<1x125x64xf32, #tpu.memory_space<vmem>> -> memref<125x64xf32, #tpu.memory_space<vmem>>
      %dma_start3A_106 = arith.constant 0 : i32
      %dma_start3A_107 = tpu.memref_slice %arg5[%add3A_100, %dma_start3A_106] : memref<40x125xi32, #tpu.memory_space<vmem>> -> memref<1x125xi32, #tpu.memory_space<vmem>>
      %dma_start3A_108 = tpu.memref_squeeze %dma_start3A_107 : memref<1x125xi32, #tpu.memory_space<vmem>> -> memref<125xi32, #tpu.memory_space<vmem>>
      %dma_start3A_109 = arith.constant 0 : i32
      %dma_start3A_110 = arith.constant 0 : i32
      %dma_start3A_111 = tpu.memref_slice %arg2[%dma_start3A_109, %dma_start3A_110] : memref<10000x64xf32, #tpu.memory_space<hbm>> -> memref<10000x64xf32, #tpu.memory_space<hbm>>
      tpu.enqueue_indirect_dma source(%dma_start3A_111 : memref<10000x64xf32, #tpu.memory_space<hbm>>) target(%dma_start3A_105 : memref<125x64xf32, #tpu.memory_space<vmem>>) offsets(%dma_start3A_108 : memref<125xi32, #tpu.memory_space<vmem>>) semaphore(%arg7 : memref<!tpu.dma_semaphore, #tpu.memory_space<semaphore_mem>>)
      %add3A_112 = arith.constant 8 : i32
      %add3A_113 = arith.addi %mul3A_8, %add3A_112 : i32
      %dma_start3A_114 = arith.constant 8 : i32
      %dma_start3A_115 = arith.constant 0 : i32
      %dma_start3A_116 = arith.constant 0 : i32
      %dma_start3A_117 = tpu.memref_slice %arg6[%dma_start3A_114, %dma_start3A_115, %dma_start3A_116] : memref<10x125x64xf32, #tpu.memory_space<vmem>> -> memref<1x125x64xf32, #tpu.memory_space<vmem>>
      %dma_start3A_118 = tpu.memref_squeeze %dma_start3A_117 : memref<1x125x64xf32, #tpu.memory_space<vmem>> -> memref<125x64xf32, #tpu.memory_space<vmem>>
      %dma_start3A_119 = arith.constant 0 : i32
      %dma_start3A_120 = tpu.memref_slice %arg5[%add3A_113, %dma_start3A_119] : memref<40x125xi32, #tpu.memory_space<vmem>> -> memref<1x125xi32, #tpu.memory_space<vmem>>
      %dma_start3A_121 = tpu.memref_squeeze %dma_start3A_120 : memref<1x125xi32, #tpu.memory_space<vmem>> -> memref<125xi32, #tpu.memory_space<vmem>>
      %dma_start3A_122 = arith.constant 0 : i32
      %dma_start3A_123 = arith.constant 0 : i32
      %dma_start3A_124 = tpu.memref_slice %arg2[%dma_start3A_122, %dma_start3A_123] : memref<10000x64xf32, #tpu.memory_space<hbm>> -> memref<10000x64xf32, #tpu.memory_space<hbm>>
      tpu.enqueue_indirect_dma source(%dma_start3A_124 : memref<10000x64xf32, #tpu.memory_space<hbm>>) target(%dma_start3A_118 : memref<125x64xf32, #tpu.memory_space<vmem>>) offsets(%dma_start3A_121 : memref<125xi32, #tpu.memory_space<vmem>>) semaphore(%arg7 : memref<!tpu.dma_semaphore, #tpu.memory_space<semaphore_mem>>)
      %add3A_125 = arith.constant 9 : i32
      %add3A_126 = arith.addi %mul3A_8, %add3A_125 : i32
      %dma_start3A_127 = arith.constant 9 : i32
      %dma_start3A_128 = arith.constant 0 : i32
      %dma_start3A_129 = arith.constant 0 : i32
      %dma_start3A_130 = tpu.memref_slice %arg6[%dma_start3A_127, %dma_start3A_128, %dma_start3A_129] : memref<10x125x64xf32, #tpu.memory_space<vmem>> -> memref<1x125x64xf32, #tpu.memory_space<vmem>>
      %dma_start3A_131 = tpu.memref_squeeze %dma_start3A_130 : memref<1x125x64xf32, #tpu.memory_space<vmem>> -> memref<125x64xf32, #tpu.memory_space<vmem>>
      %dma_start3A_132 = arith.constant 0 : i32
      %dma_start3A_133 = tpu.memref_slice %arg5[%add3A_126, %dma_start3A_132] : memref<40x125xi32, #tpu.memory_space<vmem>> -> memref<1x125xi32, #tpu.memory_space<vmem>>
      %dma_start3A_134 = tpu.memref_squeeze %dma_start3A_133 : memref<1x125xi32, #tpu.memory_space<vmem>> -> memref<125xi32, #tpu.memory_space<vmem>>
      %dma_start3A_135 = arith.constant 0 : i32
      %dma_start3A_136 = arith.constant 0 : i32
      %dma_start3A_137 = tpu.memref_slice %arg2[%dma_start3A_135, %dma_start3A_136] : memref<10000x64xf32, #tpu.memory_space<hbm>> -> memref<10000x64xf32, #tpu.memory_space<hbm>>
      tpu.enqueue_indirect_dma source(%dma_start3A_137 : memref<10000x64xf32, #tpu.memory_space<hbm>>) target(%dma_start3A_131 : memref<125x64xf32, #tpu.memory_space<vmem>>) offsets(%dma_start3A_134 : memref<125xi32, #tpu.memory_space<vmem>>) semaphore(%arg7 : memref<!tpu.dma_semaphore, #tpu.memory_space<semaphore_mem>>)
      %dma_wait3A = arith.constant 0 : i32
      %dma_wait3A_138 = arith.constant 0 : i32
      %dma_wait3A_139 = arith.constant 0 : i32
      %dma_wait3A_140 = tpu.memref_slice %arg6[%dma_wait3A, %dma_wait3A_138, %dma_wait3A_139] : memref<10x125x64xf32, #tpu.memory_space<vmem>> -> memref<1x125x64xf32, #tpu.memory_space<vmem>>
      %dma_wait3A_141 = tpu.memref_squeeze %dma_wait3A_140 : memref<1x125x64xf32, #tpu.memory_space<vmem>> -> memref<125x64xf32, #tpu.memory_space<vmem>>
      %dma_wait3A_142 = arith.constant 0 : i32
      %dma_wait3A_143 = tpu.memref_slice %arg5[%add3A_10, %dma_wait3A_142] : memref<40x125xi32, #tpu.memory_space<vmem>> -> memref<1x125xi32, #tpu.memory_space<vmem>>
      %dma_wait3A_144 = tpu.memref_squeeze %dma_wait3A_143 : memref<1x125xi32, #tpu.memory_space<vmem>> -> memref<125xi32, #tpu.memory_space<vmem>>
      %dma_wait3A_145 = arith.constant 0 : i32
      %dma_wait3A_146 = arith.constant 0 : i32
      %dma_wait3A_147 = tpu.memref_slice %arg2[%dma_wait3A_145, %dma_wait3A_146] : memref<10000x64xf32, #tpu.memory_space<hbm>> -> memref<10000x64xf32, #tpu.memory_space<hbm>>
      tpu.wait_indirect_dma semaphore(%arg7 : memref<!tpu.dma_semaphore, #tpu.memory_space<semaphore_mem>>) src(%dma_wait3A_147 : memref<10000x64xf32, #tpu.memory_space<hbm>>) dst(%dma_wait3A_141 : memref<125x64xf32, #tpu.memory_space<vmem>>)
      %mul3A_148 = arith.constant 40 : i32
      %mul3A_149 = arith.muli %add3A, %mul3A_148 : i32
      %add3A_150 = arith.addi %mul3A_149, %mul3A_8 : i32
      %add3A_151 = arith.constant 0 : i32
      %add3A_152 = arith.addi %add3A_150, %add3A_151 : i32
      %mul3A_153 = arith.constant 125 : i32
      %mul3A_154 = arith.muli %add3A_152, %mul3A_153 : i32
      %dma_start3A_155 = arith.constant 0 : i32
      %dma_start3A_156 = arith.constant 0 : i32
      %dma_start3A_157 = arith.constant 0 : i32
      %dma_start3A_158 = tpu.memref_slice %arg6[%dma_start3A_155, %dma_start3A_156, %dma_start3A_157] : memref<10x125x64xf32, #tpu.memory_space<vmem>> -> memref<1x125x64xf32, #tpu.memory_space<vmem>>
      %dma_start3A_159 = tpu.memref_squeeze %dma_start3A_158 : memref<1x125x64xf32, #tpu.memory_space<vmem>> -> memref<125x64xf32, #tpu.memory_space<vmem>>
      %dma_start3A_160 = arith.constant 0 : i32
      %dma_start3A_161 = tpu.memref_slice %arg4[%mul3A_154, %dma_start3A_160] : memref<160000x64xf32, #tpu.memory_space<hbm>> -> memref<125x64xf32, #tpu.memory_space<hbm>>
      %dma_start3A_162 = arith.constant 0 : i32
      %dma_start3A_163 = tpu.memref_slice %arg4[%mul3A_154, %dma_start3A_162] : memref<160000x64xf32, #tpu.memory_space<hbm>> -> memref<125x64xf32, #tpu.memory_space<hbm>>
      %dma_start3A_164 = arith.constant 0 : i32
      %dma_start3A_165 = arith.constant 0 : i32
      %dma_start3A_166 = tpu.memref_slice %arg6[%dma_start3A_155, %dma_start3A_164, %dma_start3A_165] : memref<10x125x64xf32, #tpu.memory_space<vmem>> -> memref<1x125x64xf32, #tpu.memory_space<vmem>>
      %dma_start3A_167 = tpu.memref_squeeze %dma_start3A_166 : memref<1x125x64xf32, #tpu.memory_space<vmem>> -> memref<125x64xf32, #tpu.memory_space<vmem>>
      tpu.enqueue_dma source(%dma_start3A_167 : memref<125x64xf32, #tpu.memory_space<vmem>>) target(%dma_start3A_163 : memref<125x64xf32, #tpu.memory_space<hbm>>) target_semaphore(%arg8 : memref<!tpu.dma_semaphore, #tpu.memory_space<semaphore_mem>>)
      %dma_wait3A_168 = arith.constant 1 : i32
      %dma_wait3A_169 = arith.constant 0 : i32
      %dma_wait3A_170 = arith.constant 0 : i32
      %dma_wait3A_171 = tpu.memref_slice %arg6[%dma_wait3A_168, %dma_wait3A_169, %dma_wait3A_170] : memref<10x125x64xf32, #tpu.memory_space<vmem>> -> memref<1x125x64xf32, #tpu.memory_space<vmem>>
      %dma_wait3A_172 = tpu.memref_squeeze %dma_wait3A_171 : memref<1x125x64xf32, #tpu.memory_space<vmem>> -> memref<125x64xf32, #tpu.memory_space<vmem>>
      %dma_wait3A_173 = arith.constant 0 : i32
      %dma_wait3A_174 = tpu.memref_slice %arg5[%add3A_22, %dma_wait3A_173] : memref<40x125xi32, #tpu.memory_space<vmem>> -> memref<1x125xi32, #tpu.memory_space<vmem>>
      %dma_wait3A_175 = tpu.memref_squeeze %dma_wait3A_174 : memref<1x125xi32, #tpu.memory_space<vmem>> -> memref<125xi32, #tpu.memory_space<vmem>>
      %dma_wait3A_176 = arith.constant 0 : i32
      %dma_wait3A_177 = arith.constant 0 : i32
      %dma_wait3A_178 = tpu.memref_slice %arg2[%dma_wait3A_176, %dma_wait3A_177] : memref<10000x64xf32, #tpu.memory_space<hbm>> -> memref<10000x64xf32, #tpu.memory_space<hbm>>
      tpu.wait_indirect_dma semaphore(%arg7 : memref<!tpu.dma_semaphore, #tpu.memory_space<semaphore_mem>>) src(%dma_wait3A_178 : memref<10000x64xf32, #tpu.memory_space<hbm>>) dst(%dma_wait3A_172 : memref<125x64xf32, #tpu.memory_space<vmem>>)
      %mul3A_179 = arith.constant 40 : i32
      %mul3A_180 = arith.muli %add3A, %mul3A_179 : i32
      %add3A_181 = arith.addi %mul3A_180, %mul3A_8 : i32
      %add3A_182 = arith.constant 1 : i32
      %add3A_183 = arith.addi %add3A_181, %add3A_182 : i32
      %mul3A_184 = arith.constant 125 : i32
      %mul3A_185 = arith.muli %add3A_183, %mul3A_184 : i32
      %dma_start3A_186 = arith.constant 1 : i32
      %dma_start3A_187 = arith.constant 0 : i32
      %dma_start3A_188 = arith.constant 0 : i32
      %dma_start3A_189 = tpu.memref_slice %arg6[%dma_start3A_186, %dma_start3A_187, %dma_start3A_188] : memref<10x125x64xf32, #tpu.memory_space<vmem>> -> memref<1x125x64xf32, #tpu.memory_space<vmem>>
      %dma_start3A_190 = tpu.memref_squeeze %dma_start3A_189 : memref<1x125x64xf32, #tpu.memory_space<vmem>> -> memref<125x64xf32, #tpu.memory_space<vmem>>
      %dma_start3A_191 = arith.constant 0 : i32
      %dma_start3A_192 = tpu.memref_slice %arg4[%mul3A_185, %dma_start3A_191] : memref<160000x64xf32, #tpu.memory_space<hbm>> -> memref<125x64xf32, #tpu.memory_space<hbm>>
      %dma_start3A_193 = arith.constant 0 : i32
      %dma_start3A_194 = tpu.memref_slice %arg4[%mul3A_185, %dma_start3A_193] : memref<160000x64xf32, #tpu.memory_space<hbm>> -> memref<125x64xf32, #tpu.memory_space<hbm>>
      %dma_start3A_195 = arith.constant 0 : i32
      %dma_start3A_196 = arith.constant 0 : i32
      %dma_start3A_197 = tpu.memref_slice %arg6[%dma_start3A_186, %dma_start3A_195, %dma_start3A_196] : memref<10x125x64xf32, #tpu.memory_space<vmem>> -> memref<1x125x64xf32, #tpu.memory_space<vmem>>
      %dma_start3A_198 = tpu.memref_squeeze %dma_start3A_197 : memref<1x125x64xf32, #tpu.memory_space<vmem>> -> memref<125x64xf32, #tpu.memory_space<vmem>>
      tpu.enqueue_dma source(%dma_start3A_198 : memref<125x64xf32, #tpu.memory_space<vmem>>) target(%dma_start3A_194 : memref<125x64xf32, #tpu.memory_space<hbm>>) target_semaphore(%arg8 : memref<!tpu.dma_semaphore, #tpu.memory_space<semaphore_mem>>)
      %dma_wait3A_199 = arith.constant 2 : i32
      %dma_wait3A_200 = arith.constant 0 : i32
      %dma_wait3A_201 = arith.constant 0 : i32
      %dma_wait3A_202 = tpu.memref_slice %arg6[%dma_wait3A_199, %dma_wait3A_200, %dma_wait3A_201] : memref<10x125x64xf32, #tpu.memory_space<vmem>> -> memref<1x125x64xf32, #tpu.memory_space<vmem>>
      %dma_wait3A_203 = tpu.memref_squeeze %dma_wait3A_202 : memref<1x125x64xf32, #tpu.memory_space<vmem>> -> memref<125x64xf32, #tpu.memory_space<vmem>>
      %dma_wait3A_204 = arith.constant 0 : i32
      %dma_wait3A_205 = tpu.memref_slice %arg5[%add3A_35, %dma_wait3A_204] : memref<40x125xi32, #tpu.memory_space<vmem>> -> memref<1x125xi32, #tpu.memory_space<vmem>>
      %dma_wait3A_206 = tpu.memref_squeeze %dma_wait3A_205 : memref<1x125xi32, #tpu.memory_space<vmem>> -> memref<125xi32, #tpu.memory_space<vmem>>
      %dma_wait3A_207 = arith.constant 0 : i32
      %dma_wait3A_208 = arith.constant 0 : i32
      %dma_wait3A_209 = tpu.memref_slice %arg2[%dma_wait3A_207, %dma_wait3A_208] : memref<10000x64xf32, #tpu.memory_space<hbm>> -> memref<10000x64xf32, #tpu.memory_space<hbm>>
      tpu.wait_indirect_dma semaphore(%arg7 : memref<!tpu.dma_semaphore, #tpu.memory_space<semaphore_mem>>) src(%dma_wait3A_209 : memref<10000x64xf32, #tpu.memory_space<hbm>>) dst(%dma_wait3A_203 : memref<125x64xf32, #tpu.memory_space<vmem>>)
      %mul3A_210 = arith.constant 40 : i32
      %mul3A_211 = arith.muli %add3A, %mul3A_210 : i32
      %add3A_212 = arith.addi %mul3A_211, %mul3A_8 : i32
      %add3A_213 = arith.constant 2 : i32
      %add3A_214 = arith.addi %add3A_212, %add3A_213 : i32
      %mul3A_215 = arith.constant 125 : i32
      %mul3A_216 = arith.muli %add3A_214, %mul3A_215 : i32
      %dma_start3A_217 = arith.constant 2 : i32
      %dma_start3A_218 = arith.constant 0 : i32
      %dma_start3A_219 = arith.constant 0 : i32
      %dma_start3A_220 = tpu.memref_slice %arg6[%dma_start3A_217, %dma_start3A_218, %dma_start3A_219] : memref<10x125x64xf32, #tpu.memory_space<vmem>> -> memref<1x125x64xf32, #tpu.memory_space<vmem>>
      %dma_start3A_221 = tpu.memref_squeeze %dma_start3A_220 : memref<1x125x64xf32, #tpu.memory_space<vmem>> -> memref<125x64xf32, #tpu.memory_space<vmem>>
      %dma_start3A_222 = arith.constant 0 : i32
      %dma_start3A_223 = tpu.memref_slice %arg4[%mul3A_216, %dma_start3A_222] : memref<160000x64xf32, #tpu.memory_space<hbm>> -> memref<125x64xf32, #tpu.memory_space<hbm>>
      %dma_start3A_224 = arith.constant 0 : i32
      %dma_start3A_225 = tpu.memref_slice %arg4[%mul3A_216, %dma_start3A_224] : memref<160000x64xf32, #tpu.memory_space<hbm>> -> memref<125x64xf32, #tpu.memory_space<hbm>>
      %dma_start3A_226 = arith.constant 0 : i32
      %dma_start3A_227 = arith.constant 0 : i32
      %dma_start3A_228 = tpu.memref_slice %arg6[%dma_start3A_217, %dma_start3A_226, %dma_start3A_227] : memref<10x125x64xf32, #tpu.memory_space<vmem>> -> memref<1x125x64xf32, #tpu.memory_space<vmem>>
      %dma_start3A_229 = tpu.memref_squeeze %dma_start3A_228 : memref<1x125x64xf32, #tpu.memory_space<vmem>> -> memref<125x64xf32, #tpu.memory_space<vmem>>
      tpu.enqueue_dma source(%dma_start3A_229 : memref<125x64xf32, #tpu.memory_space<vmem>>) target(%dma_start3A_225 : memref<125x64xf32, #tpu.memory_space<hbm>>) target_semaphore(%arg8 : memref<!tpu.dma_semaphore, #tpu.memory_space<semaphore_mem>>)
      %dma_wait3A_230 = arith.constant 3 : i32
      %dma_wait3A_231 = arith.constant 0 : i32
      %dma_wait3A_232 = arith.constant 0 : i32
      %dma_wait3A_233 = tpu.memref_slice %arg6[%dma_wait3A_230, %dma_wait3A_231, %dma_wait3A_232] : memref<10x125x64xf32, #tpu.memory_space<vmem>> -> memref<1x125x64xf32, #tpu.memory_space<vmem>>
      %dma_wait3A_234 = tpu.memref_squeeze %dma_wait3A_233 : memref<1x125x64xf32, #tpu.memory_space<vmem>> -> memref<125x64xf32, #tpu.memory_space<vmem>>
      %dma_wait3A_235 = arith.constant 0 : i32
      %dma_wait3A_236 = tpu.memref_slice %arg5[%add3A_48, %dma_wait3A_235] : memref<40x125xi32, #tpu.memory_space<vmem>> -> memref<1x125xi32, #tpu.memory_space<vmem>>
      %dma_wait3A_237 = tpu.memref_squeeze %dma_wait3A_236 : memref<1x125xi32, #tpu.memory_space<vmem>> -> memref<125xi32, #tpu.memory_space<vmem>>
      %dma_wait3A_238 = arith.constant 0 : i32
      %dma_wait3A_239 = arith.constant 0 : i32
      %dma_wait3A_240 = tpu.memref_slice %arg2[%dma_wait3A_238, %dma_wait3A_239] : memref<10000x64xf32, #tpu.memory_space<hbm>> -> memref<10000x64xf32, #tpu.memory_space<hbm>>
      tpu.wait_indirect_dma semaphore(%arg7 : memref<!tpu.dma_semaphore, #tpu.memory_space<semaphore_mem>>) src(%dma_wait3A_240 : memref<10000x64xf32, #tpu.memory_space<hbm>>) dst(%dma_wait3A_234 : memref<125x64xf32, #tpu.memory_space<vmem>>)
      %mul3A_241 = arith.constant 40 : i32
      %mul3A_242 = arith.muli %add3A, %mul3A_241 : i32
      %add3A_243 = arith.addi %mul3A_242, %mul3A_8 : i32
      %add3A_244 = arith.constant 3 : i32
      %add3A_245 = arith.addi %add3A_243, %add3A_244 : i32
      %mul3A_246 = arith.constant 125 : i32
      %mul3A_247 = arith.muli %add3A_245, %mul3A_246 : i32
      %dma_start3A_248 = arith.constant 3 : i32
      %dma_start3A_249 = arith.constant 0 : i32
      %dma_start3A_250 = arith.constant 0 : i32
      %dma_start3A_251 = tpu.memref_slice %arg6[%dma_start3A_248, %dma_start3A_249, %dma_start3A_250] : memref<10x125x64xf32, #tpu.memory_space<vmem>> -> memref<1x125x64xf32, #tpu.memory_space<vmem>>
      %dma_start3A_252 = tpu.memref_squeeze %dma_start3A_251 : memref<1x125x64xf32, #tpu.memory_space<vmem>> -> memref<125x64xf32, #tpu.memory_space<vmem>>
      %dma_start3A_253 = arith.constant 0 : i32
      %dma_start3A_254 = tpu.memref_slice %arg4[%mul3A_247, %dma_start3A_253] : memref<160000x64xf32, #tpu.memory_space<hbm>> -> memref<125x64xf32, #tpu.memory_space<hbm>>
      %dma_start3A_255 = arith.constant 0 : i32
      %dma_start3A_256 = tpu.memref_slice %arg4[%mul3A_247, %dma_start3A_255] : memref<160000x64xf32, #tpu.memory_space<hbm>> -> memref<125x64xf32, #tpu.memory_space<hbm>>
      %dma_start3A_257 = arith.constant 0 : i32
      %dma_start3A_258 = arith.constant 0 : i32
      %dma_start3A_259 = tpu.memref_slice %arg6[%dma_start3A_248, %dma_start3A_257, %dma_start3A_258] : memref<10x125x64xf32, #tpu.memory_space<vmem>> -> memref<1x125x64xf32, #tpu.memory_space<vmem>>
      %dma_start3A_260 = tpu.memref_squeeze %dma_start3A_259 : memref<1x125x64xf32, #tpu.memory_space<vmem>> -> memref<125x64xf32, #tpu.memory_space<vmem>>
      tpu.enqueue_dma source(%dma_start3A_260 : memref<125x64xf32, #tpu.memory_space<vmem>>) target(%dma_start3A_256 : memref<125x64xf32, #tpu.memory_space<hbm>>) target_semaphore(%arg8 : memref<!tpu.dma_semaphore, #tpu.memory_space<semaphore_mem>>)
      %dma_wait3A_261 = arith.constant 4 : i32
      %dma_wait3A_262 = arith.constant 0 : i32
      %dma_wait3A_263 = arith.constant 0 : i32
      %dma_wait3A_264 = tpu.memref_slice %arg6[%dma_wait3A_261, %dma_wait3A_262, %dma_wait3A_263] : memref<10x125x64xf32, #tpu.memory_space<vmem>> -> memref<1x125x64xf32, #tpu.memory_space<vmem>>
      %dma_wait3A_265 = tpu.memref_squeeze %dma_wait3A_264 : memref<1x125x64xf32, #tpu.memory_space<vmem>> -> memref<125x64xf32, #tpu.memory_space<vmem>>
      %dma_wait3A_266 = arith.constant 0 : i32
      %dma_wait3A_267 = tpu.memref_slice %arg5[%add3A_61, %dma_wait3A_266] : memref<40x125xi32, #tpu.memory_space<vmem>> -> memref<1x125xi32, #tpu.memory_space<vmem>>
      %dma_wait3A_268 = tpu.memref_squeeze %dma_wait3A_267 : memref<1x125xi32, #tpu.memory_space<vmem>> -> memref<125xi32, #tpu.memory_space<vmem>>
      %dma_wait3A_269 = arith.constant 0 : i32
      %dma_wait3A_270 = arith.constant 0 : i32
      %dma_wait3A_271 = tpu.memref_slice %arg2[%dma_wait3A_269, %dma_wait3A_270] : memref<10000x64xf32, #tpu.memory_space<hbm>> -> memref<10000x64xf32, #tpu.memory_space<hbm>>
      tpu.wait_indirect_dma semaphore(%arg7 : memref<!tpu.dma_semaphore, #tpu.memory_space<semaphore_mem>>) src(%dma_wait3A_271 : memref<10000x64xf32, #tpu.memory_space<hbm>>) dst(%dma_wait3A_265 : memref<125x64xf32, #tpu.memory_space<vmem>>)
      %mul3A_272 = arith.constant 40 : i32
      %mul3A_273 = arith.muli %add3A, %mul3A_272 : i32
      %add3A_274 = arith.addi %mul3A_273, %mul3A_8 : i32
      %add3A_275 = arith.constant 4 : i32
      %add3A_276 = arith.addi %add3A_274, %add3A_275 : i32
      %mul3A_277 = arith.constant 125 : i32
      %mul3A_278 = arith.muli %add3A_276, %mul3A_277 : i32
      %dma_start3A_279 = arith.constant 4 : i32
      %dma_start3A_280 = arith.constant 0 : i32
      %dma_start3A_281 = arith.constant 0 : i32
      %dma_start3A_282 = tpu.memref_slice %arg6[%dma_start3A_279, %dma_start3A_280, %dma_start3A_281] : memref<10x125x64xf32, #tpu.memory_space<vmem>> -> memref<1x125x64xf32, #tpu.memory_space<vmem>>
      %dma_start3A_283 = tpu.memref_squeeze %dma_start3A_282 : memref<1x125x64xf32, #tpu.memory_space<vmem>> -> memref<125x64xf32, #tpu.memory_space<vmem>>
      %dma_start3A_284 = arith.constant 0 : i32
      %dma_start3A_285 = tpu.memref_slice %arg4[%mul3A_278, %dma_start3A_284] : memref<160000x64xf32, #tpu.memory_space<hbm>> -> memref<125x64xf32, #tpu.memory_space<hbm>>
      %dma_start3A_286 = arith.constant 0 : i32
      %dma_start3A_287 = tpu.memref_slice %arg4[%mul3A_278, %dma_start3A_286] : memref<160000x64xf32, #tpu.memory_space<hbm>> -> memref<125x64xf32, #tpu.memory_space<hbm>>
      %dma_start3A_288 = arith.constant 0 : i32
      %dma_start3A_289 = arith.constant 0 : i32
      %dma_start3A_290 = tpu.memref_slice %arg6[%dma_start3A_279, %dma_start3A_288, %dma_start3A_289] : memref<10x125x64xf32, #tpu.memory_space<vmem>> -> memref<1x125x64xf32, #tpu.memory_space<vmem>>
      %dma_start3A_291 = tpu.memref_squeeze %dma_start3A_290 : memref<1x125x64xf32, #tpu.memory_space<vmem>> -> memref<125x64xf32, #tpu.memory_space<vmem>>
      tpu.enqueue_dma source(%dma_start3A_291 : memref<125x64xf32, #tpu.memory_space<vmem>>) target(%dma_start3A_287 : memref<125x64xf32, #tpu.memory_space<hbm>>) target_semaphore(%arg8 : memref<!tpu.dma_semaphore, #tpu.memory_space<semaphore_mem>>)
      %dma_wait3A_292 = arith.constant 5 : i32
      %dma_wait3A_293 = arith.constant 0 : i32
      %dma_wait3A_294 = arith.constant 0 : i32
      %dma_wait3A_295 = tpu.memref_slice %arg6[%dma_wait3A_292, %dma_wait3A_293, %dma_wait3A_294] : memref<10x125x64xf32, #tpu.memory_space<vmem>> -> memref<1x125x64xf32, #tpu.memory_space<vmem>>
      %dma_wait3A_296 = tpu.memref_squeeze %dma_wait3A_295 : memref<1x125x64xf32, #tpu.memory_space<vmem>> -> memref<125x64xf32, #tpu.memory_space<vmem>>
      %dma_wait3A_297 = arith.constant 0 : i32
      %dma_wait3A_298 = tpu.memref_slice %arg5[%add3A_74, %dma_wait3A_297] : memref<40x125xi32, #tpu.memory_space<vmem>> -> memref<1x125xi32, #tpu.memory_space<vmem>>
      %dma_wait3A_299 = tpu.memref_squeeze %dma_wait3A_298 : memref<1x125xi32, #tpu.memory_space<vmem>> -> memref<125xi32, #tpu.memory_space<vmem>>
      %dma_wait3A_300 = arith.constant 0 : i32
      %dma_wait3A_301 = arith.constant 0 : i32
      %dma_wait3A_302 = tpu.memref_slice %arg2[%dma_wait3A_300, %dma_wait3A_301] : memref<10000x64xf32, #tpu.memory_space<hbm>> -> memref<10000x64xf32, #tpu.memory_space<hbm>>
      tpu.wait_indirect_dma semaphore(%arg7 : memref<!tpu.dma_semaphore, #tpu.memory_space<semaphore_mem>>) src(%dma_wait3A_302 : memref<10000x64xf32, #tpu.memory_space<hbm>>) dst(%dma_wait3A_296 : memref<125x64xf32, #tpu.memory_space<vmem>>)
      %mul3A_303 = arith.constant 40 : i32
      %mul3A_304 = arith.muli %add3A, %mul3A_303 : i32
      %add3A_305 = arith.addi %mul3A_304, %mul3A_8 : i32
      %add3A_306 = arith.constant 5 : i32
      %add3A_307 = arith.addi %add3A_305, %add3A_306 : i32
      %mul3A_308 = arith.constant 125 : i32
      %mul3A_309 = arith.muli %add3A_307, %mul3A_308 : i32
      %dma_start3A_310 = arith.constant 5 : i32
      %dma_start3A_311 = arith.constant 0 : i32
      %dma_start3A_312 = arith.constant 0 : i32
      %dma_start3A_313 = tpu.memref_slice %arg6[%dma_start3A_310, %dma_start3A_311, %dma_start3A_312] : memref<10x125x64xf32, #tpu.memory_space<vmem>> -> memref<1x125x64xf32, #tpu.memory_space<vmem>>
      %dma_start3A_314 = tpu.memref_squeeze %dma_start3A_313 : memref<1x125x64xf32, #tpu.memory_space<vmem>> -> memref<125x64xf32, #tpu.memory_space<vmem>>
      %dma_start3A_315 = arith.constant 0 : i32
      %dma_start3A_316 = tpu.memref_slice %arg4[%mul3A_309, %dma_start3A_315] : memref<160000x64xf32, #tpu.memory_space<hbm>> -> memref<125x64xf32, #tpu.memory_space<hbm>>
      %dma_start3A_317 = arith.constant 0 : i32
      %dma_start3A_318 = tpu.memref_slice %arg4[%mul3A_309, %dma_start3A_317] : memref<160000x64xf32, #tpu.memory_space<hbm>> -> memref<125x64xf32, #tpu.memory_space<hbm>>
      %dma_start3A_319 = arith.constant 0 : i32
      %dma_start3A_320 = arith.constant 0 : i32
      %dma_start3A_321 = tpu.memref_slice %arg6[%dma_start3A_310, %dma_start3A_319, %dma_start3A_320] : memref<10x125x64xf32, #tpu.memory_space<vmem>> -> memref<1x125x64xf32, #tpu.memory_space<vmem>>
      %dma_start3A_322 = tpu.memref_squeeze %dma_start3A_321 : memref<1x125x64xf32, #tpu.memory_space<vmem>> -> memref<125x64xf32, #tpu.memory_space<vmem>>
      tpu.enqueue_dma source(%dma_start3A_322 : memref<125x64xf32, #tpu.memory_space<vmem>>) target(%dma_start3A_318 : memref<125x64xf32, #tpu.memory_space<hbm>>) target_semaphore(%arg8 : memref<!tpu.dma_semaphore, #tpu.memory_space<semaphore_mem>>)
      %dma_wait3A_323 = arith.constant 6 : i32
      %dma_wait3A_324 = arith.constant 0 : i32
      %dma_wait3A_325 = arith.constant 0 : i32
      %dma_wait3A_326 = tpu.memref_slice %arg6[%dma_wait3A_323, %dma_wait3A_324, %dma_wait3A_325] : memref<10x125x64xf32, #tpu.memory_space<vmem>> -> memref<1x125x64xf32, #tpu.memory_space<vmem>>
      %dma_wait3A_327 = tpu.memref_squeeze %dma_wait3A_326 : memref<1x125x64xf32, #tpu.memory_space<vmem>> -> memref<125x64xf32, #tpu.memory_space<vmem>>
      %dma_wait3A_328 = arith.constant 0 : i32
      %dma_wait3A_329 = tpu.memref_slice %arg5[%add3A_87, %dma_wait3A_328] : memref<40x125xi32, #tpu.memory_space<vmem>> -> memref<1x125xi32, #tpu.memory_space<vmem>>
      %dma_wait3A_330 = tpu.memref_squeeze %dma_wait3A_329 : memref<1x125xi32, #tpu.memory_space<vmem>> -> memref<125xi32, #tpu.memory_space<vmem>>
      %dma_wait3A_331 = arith.constant 0 : i32
      %dma_wait3A_332 = arith.constant 0 : i32
      %dma_wait3A_333 = tpu.memref_slice %arg2[%dma_wait3A_331, %dma_wait3A_332] : memref<10000x64xf32, #tpu.memory_space<hbm>> -> memref<10000x64xf32, #tpu.memory_space<hbm>>
      tpu.wait_indirect_dma semaphore(%arg7 : memref<!tpu.dma_semaphore, #tpu.memory_space<semaphore_mem>>) src(%dma_wait3A_333 : memref<10000x64xf32, #tpu.memory_space<hbm>>) dst(%dma_wait3A_327 : memref<125x64xf32, #tpu.memory_space<vmem>>)
      %mul3A_334 = arith.constant 40 : i32
      %mul3A_335 = arith.muli %add3A, %mul3A_334 : i32
      %add3A_336 = arith.addi %mul3A_335, %mul3A_8 : i32
      %add3A_337 = arith.constant 6 : i32
      %add3A_338 = arith.addi %add3A_336, %add3A_337 : i32
      %mul3A_339 = arith.constant 125 : i32
      %mul3A_340 = arith.muli %add3A_338, %mul3A_339 : i32
      %dma_start3A_341 = arith.constant 6 : i32
      %dma_start3A_342 = arith.constant 0 : i32
      %dma_start3A_343 = arith.constant 0 : i32
      %dma_start3A_344 = tpu.memref_slice %arg6[%dma_start3A_341, %dma_start3A_342, %dma_start3A_343] : memref<10x125x64xf32, #tpu.memory_space<vmem>> -> memref<1x125x64xf32, #tpu.memory_space<vmem>>
      %dma_start3A_345 = tpu.memref_squeeze %dma_start3A_344 : memref<1x125x64xf32, #tpu.memory_space<vmem>> -> memref<125x64xf32, #tpu.memory_space<vmem>>
      %dma_start3A_346 = arith.constant 0 : i32
      %dma_start3A_347 = tpu.memref_slice %arg4[%mul3A_340, %dma_start3A_346] : memref<160000x64xf32, #tpu.memory_space<hbm>> -> memref<125x64xf32, #tpu.memory_space<hbm>>
      %dma_start3A_348 = arith.constant 0 : i32
      %dma_start3A_349 = tpu.memref_slice %arg4[%mul3A_340, %dma_start3A_348] : memref<160000x64xf32, #tpu.memory_space<hbm>> -> memref<125x64xf32, #tpu.memory_space<hbm>>
      %dma_start3A_350 = arith.constant 0 : i32
      %dma_start3A_351 = arith.constant 0 : i32
      %dma_start3A_352 = tpu.memref_slice %arg6[%dma_start3A_341, %dma_start3A_350, %dma_start3A_351] : memref<10x125x64xf32, #tpu.memory_space<vmem>> -> memref<1x125x64xf32, #tpu.memory_space<vmem>>
      %dma_start3A_353 = tpu.memref_squeeze %dma_start3A_352 : memref<1x125x64xf32, #tpu.memory_space<vmem>> -> memref<125x64xf32, #tpu.memory_space<vmem>>
      tpu.enqueue_dma source(%dma_start3A_353 : memref<125x64xf32, #tpu.memory_space<vmem>>) target(%dma_start3A_349 : memref<125x64xf32, #tpu.memory_space<hbm>>) target_semaphore(%arg8 : memref<!tpu.dma_semaphore, #tpu.memory_space<semaphore_mem>>)
      %dma_wait3A_354 = arith.constant 7 : i32
      %dma_wait3A_355 = arith.constant 0 : i32
      %dma_wait3A_356 = arith.constant 0 : i32
      %dma_wait3A_357 = tpu.memref_slice %arg6[%dma_wait3A_354, %dma_wait3A_355, %dma_wait3A_356] : memref<10x125x64xf32, #tpu.memory_space<vmem>> -> memref<1x125x64xf32, #tpu.memory_space<vmem>>
      %dma_wait3A_358 = tpu.memref_squeeze %dma_wait3A_357 : memref<1x125x64xf32, #tpu.memory_space<vmem>> -> memref<125x64xf32, #tpu.memory_space<vmem>>
      %dma_wait3A_359 = arith.constant 0 : i32
      %dma_wait3A_360 = tpu.memref_slice %arg5[%add3A_100, %dma_wait3A_359] : memref<40x125xi32, #tpu.memory_space<vmem>> -> memref<1x125xi32, #tpu.memory_space<vmem>>
      %dma_wait3A_361 = tpu.memref_squeeze %dma_wait3A_360 : memref<1x125xi32, #tpu.memory_space<vmem>> -> memref<125xi32, #tpu.memory_space<vmem>>
      %dma_wait3A_362 = arith.constant 0 : i32
      %dma_wait3A_363 = arith.constant 0 : i32
      %dma_wait3A_364 = tpu.memref_slice %arg2[%dma_wait3A_362, %dma_wait3A_363] : memref<10000x64xf32, #tpu.memory_space<hbm>> -> memref<10000x64xf32, #tpu.memory_space<hbm>>
      tpu.wait_indirect_dma semaphore(%arg7 : memref<!tpu.dma_semaphore, #tpu.memory_space<semaphore_mem>>) src(%dma_wait3A_364 : memref<10000x64xf32, #tpu.memory_space<hbm>>) dst(%dma_wait3A_358 : memref<125x64xf32, #tpu.memory_space<vmem>>)
      %mul3A_365 = arith.constant 40 : i32
      %mul3A_366 = arith.muli %add3A, %mul3A_365 : i32
      %add3A_367 = arith.addi %mul3A_366, %mul3A_8 : i32
      %add3A_368 = arith.constant 7 : i32
      %add3A_369 = arith.addi %add3A_367, %add3A_368 : i32
      %mul3A_370 = arith.constant 125 : i32
      %mul3A_371 = arith.muli %add3A_369, %mul3A_370 : i32
      %dma_start3A_372 = arith.constant 7 : i32
      %dma_start3A_373 = arith.constant 0 : i32
      %dma_start3A_374 = arith.constant 0 : i32
      %dma_start3A_375 = tpu.memref_slice %arg6[%dma_start3A_372, %dma_start3A_373, %dma_start3A_374] : memref<10x125x64xf32, #tpu.memory_space<vmem>> -> memref<1x125x64xf32, #tpu.memory_space<vmem>>
      %dma_start3A_376 = tpu.memref_squeeze %dma_start3A_375 : memref<1x125x64xf32, #tpu.memory_space<vmem>> -> memref<125x64xf32, #tpu.memory_space<vmem>>
      %dma_start3A_377 = arith.constant 0 : i32
      %dma_start3A_378 = tpu.memref_slice %arg4[%mul3A_371, %dma_start3A_377] : memref<160000x64xf32, #tpu.memory_space<hbm>> -> memref<125x64xf32, #tpu.memory_space<hbm>>
      %dma_start3A_379 = arith.constant 0 : i32
      %dma_start3A_380 = tpu.memref_slice %arg4[%mul3A_371, %dma_start3A_379] : memref<160000x64xf32, #tpu.memory_space<hbm>> -> memref<125x64xf32, #tpu.memory_space<hbm>>
      %dma_start3A_381 = arith.constant 0 : i32
      %dma_start3A_382 = arith.constant 0 : i32
      %dma_start3A_383 = tpu.memref_slice %arg6[%dma_start3A_372, %dma_start3A_381, %dma_start3A_382] : memref<10x125x64xf32, #tpu.memory_space<vmem>> -> memref<1x125x64xf32, #tpu.memory_space<vmem>>
      %dma_start3A_384 = tpu.memref_squeeze %dma_start3A_383 : memref<1x125x64xf32, #tpu.memory_space<vmem>> -> memref<125x64xf32, #tpu.memory_space<vmem>>
      tpu.enqueue_dma source(%dma_start3A_384 : memref<125x64xf32, #tpu.memory_space<vmem>>) target(%dma_start3A_380 : memref<125x64xf32, #tpu.memory_space<hbm>>) target_semaphore(%arg8 : memref<!tpu.dma_semaphore, #tpu.memory_space<semaphore_mem>>)
      %dma_wait3A_385 = arith.constant 8 : i32
      %dma_wait3A_386 = arith.constant 0 : i32
      %dma_wait3A_387 = arith.constant 0 : i32
      %dma_wait3A_388 = tpu.memref_slice %arg6[%dma_wait3A_385, %dma_wait3A_386, %dma_wait3A_387] : memref<10x125x64xf32, #tpu.memory_space<vmem>> -> memref<1x125x64xf32, #tpu.memory_space<vmem>>
      %dma_wait3A_389 = tpu.memref_squeeze %dma_wait3A_388 : memref<1x125x64xf32, #tpu.memory_space<vmem>> -> memref<125x64xf32, #tpu.memory_space<vmem>>
      %dma_wait3A_390 = arith.constant 0 : i32
      %dma_wait3A_391 = tpu.memref_slice %arg5[%add3A_113, %dma_wait3A_390] : memref<40x125xi32, #tpu.memory_space<vmem>> -> memref<1x125xi32, #tpu.memory_space<vmem>>
      %dma_wait3A_392 = tpu.memref_squeeze %dma_wait3A_391 : memref<1x125xi32, #tpu.memory_space<vmem>> -> memref<125xi32, #tpu.memory_space<vmem>>
      %dma_wait3A_393 = arith.constant 0 : i32
      %dma_wait3A_394 = arith.constant 0 : i32
      %dma_wait3A_395 = tpu.memref_slice %arg2[%dma_wait3A_393, %dma_wait3A_394] : memref<10000x64xf32, #tpu.memory_space<hbm>> -> memref<10000x64xf32, #tpu.memory_space<hbm>>
      tpu.wait_indirect_dma semaphore(%arg7 : memref<!tpu.dma_semaphore, #tpu.memory_space<semaphore_mem>>) src(%dma_wait3A_395 : memref<10000x64xf32, #tpu.memory_space<hbm>>) dst(%dma_wait3A_389 : memref<125x64xf32, #tpu.memory_space<vmem>>)
      %mul3A_396 = arith.constant 40 : i32
      %mul3A_397 = arith.muli %add3A, %mul3A_396 : i32
      %add3A_398 = arith.addi %mul3A_397, %mul3A_8 : i32
      %add3A_399 = arith.constant 8 : i32
      %add3A_400 = arith.addi %add3A_398, %add3A_399 : i32
      %mul3A_401 = arith.constant 125 : i32
      %mul3A_402 = arith.muli %add3A_400, %mul3A_401 : i32
      %dma_start3A_403 = arith.constant 8 : i32
      %dma_start3A_404 = arith.constant 0 : i32
      %dma_start3A_405 = arith.constant 0 : i32
      %dma_start3A_406 = tpu.memref_slice %arg6[%dma_start3A_403, %dma_start3A_404, %dma_start3A_405] : memref<10x125x64xf32, #tpu.memory_space<vmem>> -> memref<1x125x64xf32, #tpu.memory_space<vmem>>
      %dma_start3A_407 = tpu.memref_squeeze %dma_start3A_406 : memref<1x125x64xf32, #tpu.memory_space<vmem>> -> memref<125x64xf32, #tpu.memory_space<vmem>>
      %dma_start3A_408 = arith.constant 0 : i32
      %dma_start3A_409 = tpu.memref_slice %arg4[%mul3A_402, %dma_start3A_408] : memref<160000x64xf32, #tpu.memory_space<hbm>> -> memref<125x64xf32, #tpu.memory_space<hbm>>
      %dma_start3A_410 = arith.constant 0 : i32
      %dma_start3A_411 = tpu.memref_slice %arg4[%mul3A_402, %dma_start3A_410] : memref<160000x64xf32, #tpu.memory_space<hbm>> -> memref<125x64xf32, #tpu.memory_space<hbm>>
      %dma_start3A_412 = arith.constant 0 : i32
      %dma_start3A_413 = arith.constant 0 : i32
      %dma_start3A_414 = tpu.memref_slice %arg6[%dma_start3A_403, %dma_start3A_412, %dma_start3A_413] : memref<10x125x64xf32, #tpu.memory_space<vmem>> -> memref<1x125x64xf32, #tpu.memory_space<vmem>>
      %dma_start3A_415 = tpu.memref_squeeze %dma_start3A_414 : memref<1x125x64xf32, #tpu.memory_space<vmem>> -> memref<125x64xf32, #tpu.memory_space<vmem>>
      tpu.enqueue_dma source(%dma_start3A_415 : memref<125x64xf32, #tpu.memory_space<vmem>>) target(%dma_start3A_411 : memref<125x64xf32, #tpu.memory_space<hbm>>) target_semaphore(%arg8 : memref<!tpu.dma_semaphore, #tpu.memory_space<semaphore_mem>>)
      %dma_wait3A_416 = arith.constant 9 : i32
      %dma_wait3A_417 = arith.constant 0 : i32
      %dma_wait3A_418 = arith.constant 0 : i32
      %dma_wait3A_419 = tpu.memref_slice %arg6[%dma_wait3A_416, %dma_wait3A_417, %dma_wait3A_418] : memref<10x125x64xf32, #tpu.memory_space<vmem>> -> memref<1x125x64xf32, #tpu.memory_space<vmem>>
      %dma_wait3A_420 = tpu.memref_squeeze %dma_wait3A_419 : memref<1x125x64xf32, #tpu.memory_space<vmem>> -> memref<125x64xf32, #tpu.memory_space<vmem>>
      %dma_wait3A_421 = arith.constant 0 : i32
      %dma_wait3A_422 = tpu.memref_slice %arg5[%add3A_126, %dma_wait3A_421] : memref<40x125xi32, #tpu.memory_space<vmem>> -> memref<1x125xi32, #tpu.memory_space<vmem>>
      %dma_wait3A_423 = tpu.memref_squeeze %dma_wait3A_422 : memref<1x125xi32, #tpu.memory_space<vmem>> -> memref<125xi32, #tpu.memory_space<vmem>>
      %dma_wait3A_424 = arith.constant 0 : i32
      %dma_wait3A_425 = arith.constant 0 : i32
      %dma_wait3A_426 = tpu.memref_slice %arg2[%dma_wait3A_424, %dma_wait3A_425] : memref<10000x64xf32, #tpu.memory_space<hbm>> -> memref<10000x64xf32, #tpu.memory_space<hbm>>
      tpu.wait_indirect_dma semaphore(%arg7 : memref<!tpu.dma_semaphore, #tpu.memory_space<semaphore_mem>>) src(%dma_wait3A_426 : memref<10000x64xf32, #tpu.memory_space<hbm>>) dst(%dma_wait3A_420 : memref<125x64xf32, #tpu.memory_space<vmem>>)
      %mul3A_427 = arith.constant 40 : i32
      %mul3A_428 = arith.muli %add3A, %mul3A_427 : i32
      %add3A_429 = arith.addi %mul3A_428, %mul3A_8 : i32
      %add3A_430 = arith.constant 9 : i32
      %add3A_431 = arith.addi %add3A_429, %add3A_430 : i32
      %mul3A_432 = arith.constant 125 : i32
      %mul3A_433 = arith.muli %add3A_431, %mul3A_432 : i32
      %dma_start3A_434 = arith.constant 9 : i32
      %dma_start3A_435 = arith.constant 0 : i32
      %dma_start3A_436 = arith.constant 0 : i32
      %dma_start3A_437 = tpu.memref_slice %arg6[%dma_start3A_434, %dma_start3A_435, %dma_start3A_436] : memref<10x125x64xf32, #tpu.memory_space<vmem>> -> memref<1x125x64xf32, #tpu.memory_space<vmem>>
      %dma_start3A_438 = tpu.memref_squeeze %dma_start3A_437 : memref<1x125x64xf32, #tpu.memory_space<vmem>> -> memref<125x64xf32, #tpu.memory_space<vmem>>
      %dma_start3A_439 = arith.constant 0 : i32
      %dma_start3A_440 = tpu.memref_slice %arg4[%mul3A_433, %dma_start3A_439] : memref<160000x64xf32, #tpu.memory_space<hbm>> -> memref<125x64xf32, #tpu.memory_space<hbm>>
      %dma_start3A_441 = arith.constant 0 : i32
      %dma_start3A_442 = tpu.memref_slice %arg4[%mul3A_433, %dma_start3A_441] : memref<160000x64xf32, #tpu.memory_space<hbm>> -> memref<125x64xf32, #tpu.memory_space<hbm>>
      %dma_start3A_443 = arith.constant 0 : i32
      %dma_start3A_444 = arith.constant 0 : i32
      %dma_start3A_445 = tpu.memref_slice %arg6[%dma_start3A_434, %dma_start3A_443, %dma_start3A_444] : memref<10x125x64xf32, #tpu.memory_space<vmem>> -> memref<1x125x64xf32, #tpu.memory_space<vmem>>
      %dma_start3A_446 = tpu.memref_squeeze %dma_start3A_445 : memref<1x125x64xf32, #tpu.memory_space<vmem>> -> memref<125x64xf32, #tpu.memory_space<vmem>>
      tpu.enqueue_dma source(%dma_start3A_446 : memref<125x64xf32, #tpu.memory_space<vmem>>) target(%dma_start3A_442 : memref<125x64xf32, #tpu.memory_space<hbm>>) target_semaphore(%arg8 : memref<!tpu.dma_semaphore, #tpu.memory_space<semaphore_mem>>)
      %dma_wait3A_447 = arith.constant 0 : i32
      %dma_wait3A_448 = arith.constant 0 : i32
      %dma_wait3A_449 = arith.constant 0 : i32
      %dma_wait3A_450 = tpu.memref_slice %arg6[%dma_wait3A_447, %dma_wait3A_448, %dma_wait3A_449] : memref<10x125x64xf32, #tpu.memory_space<vmem>> -> memref<1x125x64xf32, #tpu.memory_space<vmem>>
      %dma_wait3A_451 = tpu.memref_squeeze %dma_wait3A_450 : memref<1x125x64xf32, #tpu.memory_space<vmem>> -> memref<125x64xf32, #tpu.memory_space<vmem>>
      %dma_wait3A_452 = arith.constant 0 : i32
      %dma_wait3A_453 = tpu.memref_slice %arg4[%mul3A_154, %dma_wait3A_452] : memref<160000x64xf32, #tpu.memory_space<hbm>> -> memref<125x64xf32, #tpu.memory_space<hbm>>
      %dma_wait3A_454 = arith.constant 0 : i32
      %dma_wait3A_455 = tpu.memref_slice %arg4[%mul3A_154, %dma_wait3A_454] : memref<160000x64xf32, #tpu.memory_space<hbm>> -> memref<125x64xf32, #tpu.memory_space<hbm>>
      %dma_wait3A_456 = arith.constant 0 : i32
      %dma_wait3A_457 = arith.constant 0 : i32
      %dma_wait3A_458 = tpu.memref_slice %arg6[%dma_wait3A_447, %dma_wait3A_456, %dma_wait3A_457] : memref<10x125x64xf32, #tpu.memory_space<vmem>> -> memref<1x125x64xf32, #tpu.memory_space<vmem>>
      %dma_wait3A_459 = tpu.memref_squeeze %dma_wait3A_458 : memref<1x125x64xf32, #tpu.memory_space<vmem>> -> memref<125x64xf32, #tpu.memory_space<vmem>>
      tpu.wait_dma2 semaphore(%arg8 : memref<!tpu.dma_semaphore, #tpu.memory_space<semaphore_mem>>) src(%dma_wait3A_459 : memref<125x64xf32, #tpu.memory_space<vmem>>) dst(%dma_wait3A_455 : memref<125x64xf32, #tpu.memory_space<hbm>>)
      %dma_wait3A_460 = arith.constant 1 : i32
      %dma_wait3A_461 = arith.constant 0 : i32
      %dma_wait3A_462 = arith.constant 0 : i32
      %dma_wait3A_463 = tpu.memref_slice %arg6[%dma_wait3A_460, %dma_wait3A_461, %dma_wait3A_462] : memref<10x125x64xf32, #tpu.memory_space<vmem>> -> memref<1x125x64xf32, #tpu.memory_space<vmem>>
      %dma_wait3A_464 = tpu.memref_squeeze %dma_wait3A_463 : memref<1x125x64xf32, #tpu.memory_space<vmem>> -> memref<125x64xf32, #tpu.memory_space<vmem>>
      %dma_wait3A_465 = arith.constant 0 : i32
      %dma_wait3A_466 = tpu.memref_slice %arg4[%mul3A_185, %dma_wait3A_465] : memref<160000x64xf32, #tpu.memory_space<hbm>> -> memref<125x64xf32, #tpu.memory_space<hbm>>
      %dma_wait3A_467 = arith.constant 0 : i32
      %dma_wait3A_468 = tpu.memref_slice %arg4[%mul3A_185, %dma_wait3A_467] : memref<160000x64xf32, #tpu.memory_space<hbm>> -> memref<125x64xf32, #tpu.memory_space<hbm>>
      %dma_wait3A_469 = arith.constant 0 : i32
      %dma_wait3A_470 = arith.constant 0 : i32
      %dma_wait3A_471 = tpu.memref_slice %arg6[%dma_wait3A_460, %dma_wait3A_469, %dma_wait3A_470] : memref<10x125x64xf32, #tpu.memory_space<vmem>> -> memref<1x125x64xf32, #tpu.memory_space<vmem>>
      %dma_wait3A_472 = tpu.memref_squeeze %dma_wait3A_471 : memref<1x125x64xf32, #tpu.memory_space<vmem>> -> memref<125x64xf32, #tpu.memory_space<vmem>>
      tpu.wait_dma2 semaphore(%arg8 : memref<!tpu.dma_semaphore, #tpu.memory_space<semaphore_mem>>) src(%dma_wait3A_472 : memref<125x64xf32, #tpu.memory_space<vmem>>) dst(%dma_wait3A_468 : memref<125x64xf32, #tpu.memory_space<hbm>>)
      %dma_wait3A_473 = arith.constant 2 : i32
      %dma_wait3A_474 = arith.constant 0 : i32
      %dma_wait3A_475 = arith.constant 0 : i32
      %dma_wait3A_476 = tpu.memref_slice %arg6[%dma_wait3A_473, %dma_wait3A_474, %dma_wait3A_475] : memref<10x125x64xf32, #tpu.memory_space<vmem>> -> memref<1x125x64xf32, #tpu.memory_space<vmem>>
      %dma_wait3A_477 = tpu.memref_squeeze %dma_wait3A_476 : memref<1x125x64xf32, #tpu.memory_space<vmem>> -> memref<125x64xf32, #tpu.memory_space<vmem>>
      %dma_wait3A_478 = arith.constant 0 : i32
      %dma_wait3A_479 = tpu.memref_slice %arg4[%mul3A_216, %dma_wait3A_478] : memref<160000x64xf32, #tpu.memory_space<hbm>> -> memref<125x64xf32, #tpu.memory_space<hbm>>
      %dma_wait3A_480 = arith.constant 0 : i32
      %dma_wait3A_481 = tpu.memref_slice %arg4[%mul3A_216, %dma_wait3A_480] : memref<160000x64xf32, #tpu.memory_space<hbm>> -> memref<125x64xf32, #tpu.memory_space<hbm>>
      %dma_wait3A_482 = arith.constant 0 : i32
      %dma_wait3A_483 = arith.constant 0 : i32
      %dma_wait3A_484 = tpu.memref_slice %arg6[%dma_wait3A_473, %dma_wait3A_482, %dma_wait3A_483] : memref<10x125x64xf32, #tpu.memory_space<vmem>> -> memref<1x125x64xf32, #tpu.memory_space<vmem>>
      %dma_wait3A_485 = tpu.memref_squeeze %dma_wait3A_484 : memref<1x125x64xf32, #tpu.memory_space<vmem>> -> memref<125x64xf32, #tpu.memory_space<vmem>>
      tpu.wait_dma2 semaphore(%arg8 : memref<!tpu.dma_semaphore, #tpu.memory_space<semaphore_mem>>) src(%dma_wait3A_485 : memref<125x64xf32, #tpu.memory_space<vmem>>) dst(%dma_wait3A_481 : memref<125x64xf32, #tpu.memory_space<hbm>>)
      %dma_wait3A_486 = arith.constant 3 : i32
      %dma_wait3A_487 = arith.constant 0 : i32
      %dma_wait3A_488 = arith.constant 0 : i32
      %dma_wait3A_489 = tpu.memref_slice %arg6[%dma_wait3A_486, %dma_wait3A_487, %dma_wait3A_488] : memref<10x125x64xf32, #tpu.memory_space<vmem>> -> memref<1x125x64xf32, #tpu.memory_space<vmem>>
      %dma_wait3A_490 = tpu.memref_squeeze %dma_wait3A_489 : memref<1x125x64xf32, #tpu.memory_space<vmem>> -> memref<125x64xf32, #tpu.memory_space<vmem>>
      %dma_wait3A_491 = arith.constant 0 : i32
      %dma_wait3A_492 = tpu.memref_slice %arg4[%mul3A_247, %dma_wait3A_491] : memref<160000x64xf32, #tpu.memory_space<hbm>> -> memref<125x64xf32, #tpu.memory_space<hbm>>
      %dma_wait3A_493 = arith.constant 0 : i32
      %dma_wait3A_494 = tpu.memref_slice %arg4[%mul3A_247, %dma_wait3A_493] : memref<160000x64xf32, #tpu.memory_space<hbm>> -> memref<125x64xf32, #tpu.memory_space<hbm>>
      %dma_wait3A_495 = arith.constant 0 : i32
      %dma_wait3A_496 = arith.constant 0 : i32
      %dma_wait3A_497 = tpu.memref_slice %arg6[%dma_wait3A_486, %dma_wait3A_495, %dma_wait3A_496] : memref<10x125x64xf32, #tpu.memory_space<vmem>> -> memref<1x125x64xf32, #tpu.memory_space<vmem>>
      %dma_wait3A_498 = tpu.memref_squeeze %dma_wait3A_497 : memref<1x125x64xf32, #tpu.memory_space<vmem>> -> memref<125x64xf32, #tpu.memory_space<vmem>>
      tpu.wait_dma2 semaphore(%arg8 : memref<!tpu.dma_semaphore, #tpu.memory_space<semaphore_mem>>) src(%dma_wait3A_498 : memref<125x64xf32, #tpu.memory_space<vmem>>) dst(%dma_wait3A_494 : memref<125x64xf32, #tpu.memory_space<hbm>>)
      %dma_wait3A_499 = arith.constant 4 : i32
      %dma_wait3A_500 = arith.constant 0 : i32
      %dma_wait3A_501 = arith.constant 0 : i32
      %dma_wait3A_502 = tpu.memref_slice %arg6[%dma_wait3A_499, %dma_wait3A_500, %dma_wait3A_501] : memref<10x125x64xf32, #tpu.memory_space<vmem>> -> memref<1x125x64xf32, #tpu.memory_space<vmem>>
      %dma_wait3A_503 = tpu.memref_squeeze %dma_wait3A_502 : memref<1x125x64xf32, #tpu.memory_space<vmem>> -> memref<125x64xf32, #tpu.memory_space<vmem>>
      %dma_wait3A_504 = arith.constant 0 : i32
      %dma_wait3A_505 = tpu.memref_slice %arg4[%mul3A_278, %dma_wait3A_504] : memref<160000x64xf32, #tpu.memory_space<hbm>> -> memref<125x64xf32, #tpu.memory_space<hbm>>
      %dma_wait3A_506 = arith.constant 0 : i32
      %dma_wait3A_507 = tpu.memref_slice %arg4[%mul3A_278, %dma_wait3A_506] : memref<160000x64xf32, #tpu.memory_space<hbm>> -> memref<125x64xf32, #tpu.memory_space<hbm>>
      %dma_wait3A_508 = arith.constant 0 : i32
      %dma_wait3A_509 = arith.constant 0 : i32
      %dma_wait3A_510 = tpu.memref_slice %arg6[%dma_wait3A_499, %dma_wait3A_508, %dma_wait3A_509] : memref<10x125x64xf32, #tpu.memory_space<vmem>> -> memref<1x125x64xf32, #tpu.memory_space<vmem>>
      %dma_wait3A_511 = tpu.memref_squeeze %dma_wait3A_510 : memref<1x125x64xf32, #tpu.memory_space<vmem>> -> memref<125x64xf32, #tpu.memory_space<vmem>>
      tpu.wait_dma2 semaphore(%arg8 : memref<!tpu.dma_semaphore, #tpu.memory_space<semaphore_mem>>) src(%dma_wait3A_511 : memref<125x64xf32, #tpu.memory_space<vmem>>) dst(%dma_wait3A_507 : memref<125x64xf32, #tpu.memory_space<hbm>>)
      %dma_wait3A_512 = arith.constant 5 : i32
      %dma_wait3A_513 = arith.constant 0 : i32
      %dma_wait3A_514 = arith.constant 0 : i32
      %dma_wait3A_515 = tpu.memref_slice %arg6[%dma_wait3A_512, %dma_wait3A_513, %dma_wait3A_514] : memref<10x125x64xf32, #tpu.memory_space<vmem>> -> memref<1x125x64xf32, #tpu.memory_space<vmem>>
      %dma_wait3A_516 = tpu.memref_squeeze %dma_wait3A_515 : memref<1x125x64xf32, #tpu.memory_space<vmem>> -> memref<125x64xf32, #tpu.memory_space<vmem>>
      %dma_wait3A_517 = arith.constant 0 : i32
      %dma_wait3A_518 = tpu.memref_slice %arg4[%mul3A_309, %dma_wait3A_517] : memref<160000x64xf32, #tpu.memory_space<hbm>> -> memref<125x64xf32, #tpu.memory_space<hbm>>
      %dma_wait3A_519 = arith.constant 0 : i32
      %dma_wait3A_520 = tpu.memref_slice %arg4[%mul3A_309, %dma_wait3A_519] : memref<160000x64xf32, #tpu.memory_space<hbm>> -> memref<125x64xf32, #tpu.memory_space<hbm>>
      %dma_wait3A_521 = arith.constant 0 : i32
      %dma_wait3A_522 = arith.constant 0 : i32
      %dma_wait3A_523 = tpu.memref_slice %arg6[%dma_wait3A_512, %dma_wait3A_521, %dma_wait3A_522] : memref<10x125x64xf32, #tpu.memory_space<vmem>> -> memref<1x125x64xf32, #tpu.memory_space<vmem>>
      %dma_wait3A_524 = tpu.memref_squeeze %dma_wait3A_523 : memref<1x125x64xf32, #tpu.memory_space<vmem>> -> memref<125x64xf32, #tpu.memory_space<vmem>>
      tpu.wait_dma2 semaphore(%arg8 : memref<!tpu.dma_semaphore, #tpu.memory_space<semaphore_mem>>) src(%dma_wait3A_524 : memref<125x64xf32, #tpu.memory_space<vmem>>) dst(%dma_wait3A_520 : memref<125x64xf32, #tpu.memory_space<hbm>>)
      %dma_wait3A_525 = arith.constant 6 : i32
      %dma_wait3A_526 = arith.constant 0 : i32
      %dma_wait3A_527 = arith.constant 0 : i32
      %dma_wait3A_528 = tpu.memref_slice %arg6[%dma_wait3A_525, %dma_wait3A_526, %dma_wait3A_527] : memref<10x125x64xf32, #tpu.memory_space<vmem>> -> memref<1x125x64xf32, #tpu.memory_space<vmem>>
      %dma_wait3A_529 = tpu.memref_squeeze %dma_wait3A_528 : memref<1x125x64xf32, #tpu.memory_space<vmem>> -> memref<125x64xf32, #tpu.memory_space<vmem>>
      %dma_wait3A_530 = arith.constant 0 : i32
      %dma_wait3A_531 = tpu.memref_slice %arg4[%mul3A_340, %dma_wait3A_530] : memref<160000x64xf32, #tpu.memory_space<hbm>> -> memref<125x64xf32, #tpu.memory_space<hbm>>
      %dma_wait3A_532 = arith.constant 0 : i32
      %dma_wait3A_533 = tpu.memref_slice %arg4[%mul3A_340, %dma_wait3A_532] : memref<160000x64xf32, #tpu.memory_space<hbm>> -> memref<125x64xf32, #tpu.memory_space<hbm>>
      %dma_wait3A_534 = arith.constant 0 : i32
      %dma_wait3A_535 = arith.constant 0 : i32
      %dma_wait3A_536 = tpu.memref_slice %arg6[%dma_wait3A_525, %dma_wait3A_534, %dma_wait3A_535] : memref<10x125x64xf32, #tpu.memory_space<vmem>> -> memref<1x125x64xf32, #tpu.memory_space<vmem>>
      %dma_wait3A_537 = tpu.memref_squeeze %dma_wait3A_536 : memref<1x125x64xf32, #tpu.memory_space<vmem>> -> memref<125x64xf32, #tpu.memory_space<vmem>>
      tpu.wait_dma2 semaphore(%arg8 : memref<!tpu.dma_semaphore, #tpu.memory_space<semaphore_mem>>) src(%dma_wait3A_537 : memref<125x64xf32, #tpu.memory_space<vmem>>) dst(%dma_wait3A_533 : memref<125x64xf32, #tpu.memory_space<hbm>>)
      %dma_wait3A_538 = arith.constant 7 : i32
      %dma_wait3A_539 = arith.constant 0 : i32
      %dma_wait3A_540 = arith.constant 0 : i32
      %dma_wait3A_541 = tpu.memref_slice %arg6[%dma_wait3A_538, %dma_wait3A_539, %dma_wait3A_540] : memref<10x125x64xf32, #tpu.memory_space<vmem>> -> memref<1x125x64xf32, #tpu.memory_space<vmem>>
      %dma_wait3A_542 = tpu.memref_squeeze %dma_wait3A_541 : memref<1x125x64xf32, #tpu.memory_space<vmem>> -> memref<125x64xf32, #tpu.memory_space<vmem>>
      %dma_wait3A_543 = arith.constant 0 : i32
      %dma_wait3A_544 = tpu.memref_slice %arg4[%mul3A_371, %dma_wait3A_543] : memref<160000x64xf32, #tpu.memory_space<hbm>> -> memref<125x64xf32, #tpu.memory_space<hbm>>
      %dma_wait3A_545 = arith.constant 0 : i32
      %dma_wait3A_546 = tpu.memref_slice %arg4[%mul3A_371, %dma_wait3A_545] : memref<160000x64xf32, #tpu.memory_space<hbm>> -> memref<125x64xf32, #tpu.memory_space<hbm>>
      %dma_wait3A_547 = arith.constant 0 : i32
      %dma_wait3A_548 = arith.constant 0 : i32
      %dma_wait3A_549 = tpu.memref_slice %arg6[%dma_wait3A_538, %dma_wait3A_547, %dma_wait3A_548] : memref<10x125x64xf32, #tpu.memory_space<vmem>> -> memref<1x125x64xf32, #tpu.memory_space<vmem>>
      %dma_wait3A_550 = tpu.memref_squeeze %dma_wait3A_549 : memref<1x125x64xf32, #tpu.memory_space<vmem>> -> memref<125x64xf32, #tpu.memory_space<vmem>>
      tpu.wait_dma2 semaphore(%arg8 : memref<!tpu.dma_semaphore, #tpu.memory_space<semaphore_mem>>) src(%dma_wait3A_550 : memref<125x64xf32, #tpu.memory_space<vmem>>) dst(%dma_wait3A_546 : memref<125x64xf32, #tpu.memory_space<hbm>>)
      %dma_wait3A_551 = arith.constant 8 : i32
      %dma_wait3A_552 = arith.constant 0 : i32
      %dma_wait3A_553 = arith.constant 0 : i32
      %dma_wait3A_554 = tpu.memref_slice %arg6[%dma_wait3A_551, %dma_wait3A_552, %dma_wait3A_553] : memref<10x125x64xf32, #tpu.memory_space<vmem>> -> memref<1x125x64xf32, #tpu.memory_space<vmem>>
      %dma_wait3A_555 = tpu.memref_squeeze %dma_wait3A_554 : memref<1x125x64xf32, #tpu.memory_space<vmem>> -> memref<125x64xf32, #tpu.memory_space<vmem>>
      %dma_wait3A_556 = arith.constant 0 : i32
      %dma_wait3A_557 = tpu.memref_slice %arg4[%mul3A_402, %dma_wait3A_556] : memref<160000x64xf32, #tpu.memory_space<hbm>> -> memref<125x64xf32, #tpu.memory_space<hbm>>
      %dma_wait3A_558 = arith.constant 0 : i32
      %dma_wait3A_559 = tpu.memref_slice %arg4[%mul3A_402, %dma_wait3A_558] : memref<160000x64xf32, #tpu.memory_space<hbm>> -> memref<125x64xf32, #tpu.memory_space<hbm>>
      %dma_wait3A_560 = arith.constant 0 : i32
      %dma_wait3A_561 = arith.constant 0 : i32
      %dma_wait3A_562 = tpu.memref_slice %arg6[%dma_wait3A_551, %dma_wait3A_560, %dma_wait3A_561] : memref<10x125x64xf32, #tpu.memory_space<vmem>> -> memref<1x125x64xf32, #tpu.memory_space<vmem>>
      %dma_wait3A_563 = tpu.memref_squeeze %dma_wait3A_562 : memref<1x125x64xf32, #tpu.memory_space<vmem>> -> memref<125x64xf32, #tpu.memory_space<vmem>>
      tpu.wait_dma2 semaphore(%arg8 : memref<!tpu.dma_semaphore, #tpu.memory_space<semaphore_mem>>) src(%dma_wait3A_563 : memref<125x64xf32, #tpu.memory_space<vmem>>) dst(%dma_wait3A_559 : memref<125x64xf32, #tpu.memory_space<hbm>>)
      %dma_wait3A_564 = arith.constant 9 : i32
      %dma_wait3A_565 = arith.constant 0 : i32
      %dma_wait3A_566 = arith.constant 0 : i32
      %dma_wait3A_567 = tpu.memref_slice %arg6[%dma_wait3A_564, %dma_wait3A_565, %dma_wait3A_566] : memref<10x125x64xf32, #tpu.memory_space<vmem>> -> memref<1x125x64xf32, #tpu.memory_space<vmem>>
      %dma_wait3A_568 = tpu.memref_squeeze %dma_wait3A_567 : memref<1x125x64xf32, #tpu.memory_space<vmem>> -> memref<125x64xf32, #tpu.memory_space<vmem>>
      %dma_wait3A_569 = arith.constant 0 : i32
      %dma_wait3A_570 = tpu.memref_slice %arg4[%mul3A_433, %dma_wait3A_569] : memref<160000x64xf32, #tpu.memory_space<hbm>> -> memref<125x64xf32, #tpu.memory_space<hbm>>
      %dma_wait3A_571 = arith.constant 0 : i32
      %dma_wait3A_572 = tpu.memref_slice %arg4[%mul3A_433, %dma_wait3A_571] : memref<160000x64xf32, #tpu.memory_space<hbm>> -> memref<125x64xf32, #tpu.memory_space<hbm>>
      %dma_wait3A_573 = arith.constant 0 : i32
      %dma_wait3A_574 = arith.constant 0 : i32
      %dma_wait3A_575 = tpu.memref_slice %arg6[%dma_wait3A_564, %dma_wait3A_573, %dma_wait3A_574] : memref<10x125x64xf32, #tpu.memory_space<vmem>> -> memref<1x125x64xf32, #tpu.memory_space<vmem>>
      %dma_wait3A_576 = tpu.memref_squeeze %dma_wait3A_575 : memref<1x125x64xf32, #tpu.memory_space<vmem>> -> memref<125x64xf32, #tpu.memory_space<vmem>>
      tpu.wait_dma2 semaphore(%arg8 : memref<!tpu.dma_semaphore, #tpu.memory_space<semaphore_mem>>) src(%dma_wait3A_576 : memref<125x64xf32, #tpu.memory_space<vmem>>) dst(%dma_wait3A_572 : memref<125x64xf32, #tpu.memory_space<hbm>>)
    }
    %scan3A_5 = arith.constant 4 : i32
    return
  }
}

module attributes {stable_mosaic.version = 14 : i64} {
  func.func @body(%arg0: i32, %arg1: memref<1000x128xf32, #tpu.memory_space<vmem>>, %arg2: memref<128x64xf32, #tpu.memory_space<vmem>>, %arg3: memref<1x64xf32, #tpu.memory_space<vmem>>, %arg4: memref<1000x64xf32, #tpu.memory_space<vmem>>) attributes {dimension_semantics = [#tpu.dimension_semantics<arbitrary>], iteration_bounds = array<i64: 10>, scalar_prefetch = 0 : i64, scratch_operands = 0 : i64, tpu.core_type = #tpu.core_type<tc>, window_params = [{transform_indices = @transform_0, window_bounds = array<i64: 1000, 128>}, {pipeline_mode = #tpu.pipeline_mode<synchronous>, transform_indices = @transform_1, window_bounds = array<i64: 128, 64>}, {pipeline_mode = #tpu.pipeline_mode<synchronous>, transform_indices = @transform_2, window_bounds = array<i64: 1, 64>}, {transform_indices = @transform_3, window_bounds = array<i64: 1000, 64>}]} {
    %get3A = arith.constant 0 : index
    %get3A_0 = arith.constant 0 : index
    %get3A_1 = vector.load %arg1[%get3A, %get3A_0] : memref<1000x128xf32, #tpu.memory_space<vmem>>, vector<1000x128xf32>
    %get3A_2 = arith.constant 0 : index
    %get3A_3 = arith.constant 0 : index
    %get3A_4 = vector.load %arg2[%get3A_2, %get3A_3] : memref<128x64xf32, #tpu.memory_space<vmem>>, vector<128x64xf32>
    %dot_general3A = arith.constant dense<0.000000e+00> : vector<1000x64xf32>
    %dot_general3A_5 = tpu.matmul %get3A_1, %get3A_4, %dot_general3A {dimension_numbers = #tpu.dot_dimension_numbers<[1], [0], [0], [1], [0, 0, 1, 1], [], []>, transpose_lhs_hint = false} : vector<1000x128xf32>, vector<128x64xf32>, vector<1000x64xf32> -> vector<1000x64xf32>
    %get3A_6 = arith.constant 0 : index
    %get3A_7 = arith.constant 0 : index
    %get3A_8 = vector.load %arg3[%get3A_6, %get3A_7] : memref<1x64xf32, #tpu.memory_space<vmem>>, vector<1x64xf32>
    %add3A = vector.broadcast %get3A_8 : vector<1x64xf32> to vector<1000x64xf32>
    %add3A_9 = arith.addf %dot_general3A_5, %add3A : vector<1000x64xf32>
    %swap3A = arith.constant 0 : index
    %swap3A_10 = arith.constant 0 : index
    %swap3A_11 = vector.load %arg4[%swap3A, %swap3A_10] : memref<1000x64xf32, #tpu.memory_space<vmem>>, vector<1000x64xf32>
    tpu.vector_store %arg4[%swap3A, %swap3A_10], %add3A_9 {strides = array<i32>} : memref<1000x64xf32, #tpu.memory_space<vmem>>, vector<1000x64xf32>,
    return
  }
  func.func @transform_0(%arg0: i32) -> (i32, i32) {
    %c0_i32 = arith.constant 0 : i32
    %c0_i32_0 = arith.constant 0 : i32
    return %arg0, %c0_i32 : i32, i32
  }
  func.func @transform_1(%arg0: i32) -> (i32, i32) {
    %c0_i32 = arith.constant 0 : i32
    %c0_i32_0 = arith.constant 0 : i32
    %c0_i32_1 = arith.constant 0 : i32
    return %c0_i32, %c0_i32_0 : i32, i32
  }
  func.func @transform_2(%arg0: i32) -> (i32, i32) {
    %c0_i32 = arith.constant 0 : i32
    %c0_i32_0 = arith.constant 0 : i32
    %c0_i32_1 = arith.constant 0 : i32
    return %c0_i32, %c0_i32_0 : i32, i32
  }
  func.func @transform_3(%arg0: i32) -> (i32, i32) {
    %c0_i32 = arith.constant 0 : i32
    %c0_i32_0 = arith.constant 0 : i32
    return %arg0, %c0_i32 : i32, i32
  }
}

module attributes {stable_mosaic.version = 14 : i64} {
  func.func @body(%arg0: i32, %arg1: memref<4000x16xf32, #tpu.memory_space<vmem>>, %arg2: memref<4000x64xf32, #tpu.memory_space<vmem>>, %arg3: memref<16x64xf32, #tpu.memory_space<vmem>>, %arg4: memref<1x64xf32, #tpu.memory_space<vmem>>, %arg5: memref<64x1024xbf16, #tpu.memory_space<vmem>>, %arg6: memref<64x16xf32, #tpu.memory_space<vmem>>, %arg7: memref<1024x16xbf16, #tpu.memory_space<vmem>>, %arg8: memref<4000x16xf32, #tpu.memory_space<vmem>>) attributes {dimension_semantics = [#tpu.dimension_semantics<arbitrary>], iteration_bounds = array<i64: 40>, scalar_prefetch = 0 : i64, scratch_operands = 0 : i64, tpu.core_type = #tpu.core_type<tc>, window_params = [{transform_indices = @transform_0, window_bounds = array<i64: 4000, 16>}, {transform_indices = @transform_1, window_bounds = array<i64: 4000, 64>}, {pipeline_mode = #tpu.pipeline_mode<synchronous>, transform_indices = @transform_2, window_bounds = array<i64: 16, 64>}, {pipeline_mode = #tpu.pipeline_mode<synchronous>, transform_indices = @transform_3, window_bounds = array<i64: 1, 64>}, {pipeline_mode = #tpu.pipeline_mode<synchronous>, transform_indices = @transform_4, window_bounds = array<i64: 64, 1024>}, {pipeline_mode = #tpu.pipeline_mode<synchronous>, transform_indices = @transform_5, window_bounds = array<i64: 64, 16>}, {pipeline_mode = #tpu.pipeline_mode<synchronous>, transform_indices = @transform_6, window_bounds = array<i64: 1024, 16>}, {transform_indices = @transform_7, window_bounds = array<i64: 4000, 16>}]} {
    %get3A = arith.constant 0 : index
    %get3A_0 = arith.constant 0 : index
    %get3A_1 = vector.load %arg1[%get3A, %get3A_0] : memref<4000x16xf32, #tpu.memory_space<vmem>>, vector<4000x16xf32>
    %get3A_2 = arith.constant 0 : index
    %get3A_3 = arith.constant 0 : index
    %get3A_4 = vector.load %arg3[%get3A_2, %get3A_3] : memref<16x64xf32, #tpu.memory_space<vmem>>, vector<16x64xf32>
    %dot_general3A = arith.constant dense<0.000000e+00> : vector<4000x64xf32>
    %dot_general3A_5 = tpu.matmul %get3A_1, %get3A_4, %dot_general3A {dimension_numbers = #tpu.dot_dimension_numbers<[1], [0], [0], [1], [0, 0, 1, 1], [], []>, transpose_lhs_hint = false} : vector<4000x16xf32>, vector<16x64xf32>, vector<4000x64xf32> -> vector<4000x64xf32>
    %get3A_6 = arith.constant 0 : index
    %get3A_7 = arith.constant 0 : index
    %get3A_8 = vector.load %arg4[%get3A_6, %get3A_7] : memref<1x64xf32, #tpu.memory_space<vmem>>, vector<1x64xf32>
    %add3A = vector.broadcast %get3A_8 : vector<1x64xf32> to vector<4000x64xf32>
    %add3A_9 = arith.addf %dot_general3A_5, %add3A : vector<4000x64xf32>
    %max3A = arith.constant 0.000000e+00 : f32
    %max3A_10 = vector.broadcast %max3A : f32 to vector<4000x64xf32>
    %max3A_11 = arith.maximumf %add3A_9, %max3A_10 : vector<4000x64xf32>
    %convert_element_type3A = arith.truncf %max3A_11 : vector<4000x64xf32> to vector<4000x64xbf16>
    %get3A_12 = arith.constant 0 : index
    %get3A_13 = arith.constant 0 : index
    %get3A_14 = vector.load %arg5[%get3A_12, %get3A_13] : memref<64x1024xbf16, #tpu.memory_space<vmem>>, vector<64x1024xbf16>
    %dot_general3A_15 = arith.constant dense<0.000000e+00> : vector<4000x1024xf32>
    %dot_general3A_16 = tpu.matmul %convert_element_type3A, %get3A_14, %dot_general3A_15 {dimension_numbers = #tpu.dot_dimension_numbers<[1], [0], [0], [1], [0, 0, 1, 1], [], []>, transpose_lhs_hint = false} : vector<4000x64xbf16>, vector<64x1024xbf16>, vector<4000x1024xf32> -> vector<4000x1024xf32>
    %convert_element_type3A_17 = arith.truncf %dot_general3A_16 : vector<4000x1024xf32> to vector<4000x1024xbf16>
    %get3A_18 = arith.constant 0 : index
    %get3A_19 = arith.constant 0 : index
    %get3A_20 = vector.load %arg2[%get3A_18, %get3A_19] : memref<4000x64xf32, #tpu.memory_space<vmem>>, vector<4000x64xf32>
    %convert_element_type3A_21 = arith.truncf %get3A_20 : vector<4000x64xf32> to vector<4000x64xbf16>
    %tile3A = tpu.concatenate %convert_element_type3A_21, %convert_element_type3A_21, %convert_element_type3A_21, %convert_element_type3A_21, %convert_element_type3A_21, %convert_element_type3A_21, %convert_element_type3A_21, %convert_element_type3A_21, %convert_element_type3A_21, %convert_element_type3A_21, %convert_element_type3A_21, %convert_element_type3A_21, %convert_element_type3A_21, %convert_element_type3A_21, %convert_element_type3A_21, %convert_element_type3A_21 in 1 : vector<4000x64xbf16>, vector<4000x64xbf16>, vector<4000x64xbf16>, vector<4000x64xbf16>, vector<4000x64xbf16>, vector<4000x64xbf16>, vector<4000x64xbf16>, vector<4000x64xbf16>, vector<4000x64xbf16>, vector<4000x64xbf16>, vector<4000x64xbf16>, vector<4000x64xbf16>, vector<4000x64xbf16>, vector<4000x64xbf16>, vector<4000x64xbf16>, vector<4000x64xbf16> -> vector<4000x1024xbf16>
    %mul3A = arith.mulf %convert_element_type3A_17, %tile3A : vector<4000x1024xbf16>
    %get3A_22 = arith.constant 0 : index
    %get3A_23 = arith.constant 0 : index
    %get3A_24 = vector.load %arg7[%get3A_22, %get3A_23] : memref<1024x16xbf16, #tpu.memory_space<vmem>>, vector<1024x16xbf16>
    %dot_general3A_25 = arith.constant dense<0.000000e+00> : vector<4000x16xf32>
    %dot_general3A_26 = tpu.matmul %mul3A, %get3A_24, %dot_general3A_25 {dimension_numbers = #tpu.dot_dimension_numbers<[1], [0], [0], [1], [0, 0, 1, 1], [], []>, transpose_lhs_hint = false} : vector<4000x1024xbf16>, vector<1024x16xbf16>, vector<4000x16xf32> -> vector<4000x16xf32>
    %get3A_27 = arith.constant 0 : index
    %get3A_28 = arith.constant 0 : index
    %get3A_29 = vector.load %arg6[%get3A_27, %get3A_28] : memref<64x16xf32, #tpu.memory_space<vmem>>, vector<64x16xf32>
    %dot_general3A_30 = arith.constant dense<0.000000e+00> : vector<4000x16xf32>
    %dot_general3A_31 = tpu.matmul %get3A_20, %get3A_29, %dot_general3A_30 {dimension_numbers = #tpu.dot_dimension_numbers<[1], [0], [0], [1], [0, 0, 1, 1], [], []>, transpose_lhs_hint = false} : vector<4000x64xf32>, vector<64x16xf32>, vector<4000x16xf32> -> vector<4000x16xf32>
    %add3A_32 = arith.addf %dot_general3A_26, %dot_general3A_31 : vector<4000x16xf32>
    %swap3A = arith.constant 0 : index
    %swap3A_33 = arith.constant 0 : index
    %swap3A_34 = vector.load %arg8[%swap3A, %swap3A_33] : memref<4000x16xf32, #tpu.memory_space<vmem>>, vector<4000x16xf32>
    tpu.vector_store %arg8[%swap3A, %swap3A_33], %add3A_32 {strides = array<i32>} : memref<4000x16xf32, #tpu.memory_space<vmem>>, vector<4000x16xf32>,
    return
  }
  func.func @transform_0(%arg0: i32) -> (i32, i32) {
    %add3A = arith.constant 0 : i32
    %add3A_0 = arith.addi %add3A, %arg0 : i32
    %c0_i32 = arith.constant 0 : i32
    %c0_i32_1 = arith.constant 0 : i32
    return %add3A_0, %c0_i32 : i32, i32
  }
  func.func @transform_1(%arg0: i32) -> (i32, i32) {
    %c0_i32 = arith.constant 0 : i32
    %c0_i32_0 = arith.constant 0 : i32
    return %arg0, %c0_i32 : i32, i32
  }
  func.func @transform_2(%arg0: i32) -> (i32, i32) {
    %c0_i32 = arith.constant 0 : i32
    %c0_i32_0 = arith.constant 0 : i32
    %c0_i32_1 = arith.constant 0 : i32
    return %c0_i32, %c0_i32_0 : i32, i32
  }
  func.func @transform_3(%arg0: i32) -> (i32, i32) {
    %c0_i32 = arith.constant 0 : i32
    %c0_i32_0 = arith.constant 0 : i32
    %c0_i32_1 = arith.constant 0 : i32
    return %c0_i32, %c0_i32_0 : i32, i32
  }
  func.func @transform_4(%arg0: i32) -> (i32, i32) {
    %c0_i32 = arith.constant 0 : i32
    %c0_i32_0 = arith.constant 0 : i32
    %c0_i32_1 = arith.constant 0 : i32
    return %c0_i32, %c0_i32_0 : i32, i32
  }
  func.func @transform_5(%arg0: i32) -> (i32, i32) {
    %c0_i32 = arith.constant 0 : i32
    %c0_i32_0 = arith.constant 0 : i32
    %c0_i32_1 = arith.constant 0 : i32
    return %c0_i32, %c0_i32_0 : i32, i32
  }
  func.func @transform_6(%arg0: i32) -> (i32, i32) {
    %c0_i32 = arith.constant 0 : i32
    %c0_i32_0 = arith.constant 0 : i32
    %c0_i32_1 = arith.constant 0 : i32
    return %c0_i32, %c0_i32_0 : i32, i32
  }
  func.func @transform_7(%arg0: i32) -> (i32, i32) {
    %c0_i32 = arith.constant 0 : i32
    %c0_i32_0 = arith.constant 0 : i32
    return %arg0, %c0_i32 : i32, i32
  }
}

module attributes {stable_mosaic.version = 14 : i64} {
  func.func @body(%arg0: i32, %arg1: memref<1000x64xf32, #tpu.memory_space<vmem>>, %arg2: memref<2x1000x16xf32, #tpu.memory_space<vmem>>, %arg3: memref<2x1000x16xf32, #tpu.memory_space<vmem>>, %arg4: memref<64x16xf32, #tpu.memory_space<vmem>>, %arg5: memref<1x16xf32, #tpu.memory_space<vmem>>, %arg6: memref<16x64xf32, #tpu.memory_space<vmem>>, %arg7: memref<1x64xf32, #tpu.memory_space<vmem>>, %arg8: memref<1x64xf32, #tpu.memory_space<vmem>>, %arg9: memref<1x64xf32, #tpu.memory_space<vmem>>, %arg10: memref<1000x64xf32, #tpu.memory_space<vmem>>) attributes {dimension_semantics = [#tpu.dimension_semantics<arbitrary>], iteration_bounds = array<i64: 10>, scalar_prefetch = 0 : i64, scratch_operands = 0 : i64, tpu.core_type = #tpu.core_type<tc>, window_params = [{transform_indices = @transform_0, window_bounds = array<i64: 1000, 64>}, {transform_indices = @transform_1, window_bounds = array<i64: 2, 1000, 16>}, {transform_indices = @transform_2, window_bounds = array<i64: 2, 1000, 16>}, {pipeline_mode = #tpu.pipeline_mode<synchronous>, transform_indices = @transform_3, window_bounds = array<i64: 64, 16>}, {pipeline_mode = #tpu.pipeline_mode<synchronous>, transform_indices = @transform_4, window_bounds = array<i64: 1, 16>}, {pipeline_mode = #tpu.pipeline_mode<synchronous>, transform_indices = @transform_5, window_bounds = array<i64: 16, 64>}, {pipeline_mode = #tpu.pipeline_mode<synchronous>, transform_indices = @transform_6, window_bounds = array<i64: 1, 64>}, {pipeline_mode = #tpu.pipeline_mode<synchronous>, transform_indices = @transform_7, window_bounds = array<i64: 1, 64>}, {pipeline_mode = #tpu.pipeline_mode<synchronous>, transform_indices = @transform_8, window_bounds = array<i64: 1, 64>}, {transform_indices = @transform_9, window_bounds = array<i64: 1000, 64>}]} {
    %get3A = arith.constant 0 : index
    %get3A_0 = arith.constant 0 : index
    %get3A_1 = vector.load %arg1[%get3A, %get3A_0] : memref<1000x64xf32, #tpu.memory_space<vmem>>, vector<1000x64xf32>
    %get3A_2 = arith.constant 0 : index
    %get3A_3 = arith.constant 0 : index
    %get3A_4 = arith.constant 0 : index
    %get3A_5 = vector.load %arg2[%get3A_2, %get3A_3, %get3A_4] : memref<2x1000x16xf32, #tpu.memory_space<vmem>>, vector<2x1000x16xf32>
    %reduce_sum3A = arith.constant dense<0.000000e+00> : vector<1000x16xf32>
    %reduce_sum3A_6 = vector.multi_reduction <add>, %get3A_5, %reduce_sum3A [0] : vector<2x1000x16xf32> to vector<1000x16xf32>
    %get3A_7 = arith.constant 0 : index
    %get3A_8 = arith.constant 0 : index
    %get3A_9 = arith.constant 0 : index
    %get3A_10 = vector.load %arg3[%get3A_7, %get3A_8, %get3A_9] : memref<2x1000x16xf32, #tpu.memory_space<vmem>>, vector<2x1000x16xf32>
    %reduce_sum3A_11 = arith.constant dense<0.000000e+00> : vector<1000x16xf32>
    %reduce_sum3A_12 = vector.multi_reduction <add>, %get3A_10, %reduce_sum3A_11 [0] : vector<2x1000x16xf32> to vector<1000x16xf32>
    %max3A = arith.constant 1.000000e+00 : f32
    %max3A_13 = vector.broadcast %max3A : f32 to vector<1000x16xf32>
    %max3A_14 = arith.maximumf %reduce_sum3A_12, %max3A_13 : vector<1000x16xf32>
    %div3A = arith.divf %reduce_sum3A_6, %max3A_14 : vector<1000x16xf32>
    %get3A_15 = arith.constant 0 : index
    %get3A_16 = arith.constant 0 : index
    %get3A_17 = vector.load %arg4[%get3A_15, %get3A_16] : memref<64x16xf32, #tpu.memory_space<vmem>>, vector<64x16xf32>
    %dot_general3A = arith.constant dense<0.000000e+00> : vector<1000x16xf32>
    %dot_general3A_18 = tpu.matmul %get3A_1, %get3A_17, %dot_general3A {dimension_numbers = #tpu.dot_dimension_numbers<[1], [0], [0], [1], [0, 0, 1, 1], [], []>, transpose_lhs_hint = false} : vector<1000x64xf32>, vector<64x16xf32>, vector<1000x16xf32> -> vector<1000x16xf32>
    %add3A = arith.addf %div3A, %dot_general3A_18 : vector<1000x16xf32>
    %get3A_19 = arith.constant 0 : index
    %get3A_20 = arith.constant 0 : index
    %get3A_21 = vector.load %arg5[%get3A_19, %get3A_20] : memref<1x16xf32, #tpu.memory_space<vmem>>, vector<1x16xf32>
    %add3A_22 = vector.broadcast %get3A_21 : vector<1x16xf32> to vector<1000x16xf32>
    %add3A_23 = arith.addf %add3A, %add3A_22 : vector<1000x16xf32>
    %get3A_24 = arith.constant 0 : index
    %get3A_25 = arith.constant 0 : index
    %get3A_26 = vector.load %arg6[%get3A_24, %get3A_25] : memref<16x64xf32, #tpu.memory_space<vmem>>, vector<16x64xf32>
    %dot_general3A_27 = arith.constant dense<0.000000e+00> : vector<1000x64xf32>
    %dot_general3A_28 = tpu.matmul %add3A_23, %get3A_26, %dot_general3A_27 {dimension_numbers = #tpu.dot_dimension_numbers<[1], [0], [0], [1], [0, 0, 1, 1], [], []>, transpose_lhs_hint = false} : vector<1000x16xf32>, vector<16x64xf32>, vector<1000x64xf32> -> vector<1000x64xf32>
    %add3A_29 = arith.addf %get3A_1, %dot_general3A_28 : vector<1000x64xf32>
    %get3A_30 = arith.constant 0 : index
    %get3A_31 = arith.constant 0 : index
    %get3A_32 = vector.load %arg7[%get3A_30, %get3A_31] : memref<1x64xf32, #tpu.memory_space<vmem>>, vector<1x64xf32>
    %add3A_33 = vector.broadcast %get3A_32 : vector<1x64xf32> to vector<1000x64xf32>
    %add3A_34 = arith.addf %add3A_29, %add3A_33 : vector<1000x64xf32>
    %get3A_35 = arith.constant 0 : index
    %get3A_36 = arith.constant 0 : index
    %get3A_37 = vector.load %arg8[%get3A_35, %get3A_36] : memref<1x64xf32, #tpu.memory_space<vmem>>, vector<1x64xf32>
    %mul3A = vector.broadcast %get3A_37 : vector<1x64xf32> to vector<1000x64xf32>
    %mul3A_38 = arith.mulf %add3A_34, %mul3A : vector<1000x64xf32>
    %get3A_39 = arith.constant 0 : index
    %get3A_40 = arith.constant 0 : index
    %get3A_41 = vector.load %arg9[%get3A_39, %get3A_40] : memref<1x64xf32, #tpu.memory_space<vmem>>, vector<1x64xf32>
    %add3A_42 = vector.broadcast %get3A_41 : vector<1x64xf32> to vector<1000x64xf32>
    %add3A_43 = arith.addf %mul3A_38, %add3A_42 : vector<1000x64xf32>
    %max3A_44 = arith.constant 0.000000e+00 : f32
    %max3A_45 = vector.broadcast %max3A_44 : f32 to vector<1000x64xf32>
    %max3A_46 = arith.maximumf %add3A_43, %max3A_45 : vector<1000x64xf32>
    %swap3A = arith.constant 0 : index
    %swap3A_47 = arith.constant 0 : index
    %swap3A_48 = vector.load %arg10[%swap3A, %swap3A_47] : memref<1000x64xf32, #tpu.memory_space<vmem>>, vector<1000x64xf32>
    tpu.vector_store %arg10[%swap3A, %swap3A_47], %max3A_46 {strides = array<i32>} : memref<1000x64xf32, #tpu.memory_space<vmem>>, vector<1000x64xf32>,
    return
  }
  func.func @transform_0(%arg0: i32) -> (i32, i32) {
    %c0_i32 = arith.constant 0 : i32
    %c0_i32_0 = arith.constant 0 : i32
    return %arg0, %c0_i32 : i32, i32
  }
  func.func @transform_1(%arg0: i32) -> (i32, i32, i32) {
    %c0_i32 = arith.constant 0 : i32
    %c0_i32_0 = arith.constant 0 : i32
    %c0_i32_1 = arith.constant 0 : i32
    return %c0_i32, %arg0, %c0_i32_0 : i32, i32, i32
  }
  func.func @transform_2(%arg0: i32) -> (i32, i32, i32) {
    %c0_i32 = arith.constant 0 : i32
    %c0_i32_0 = arith.constant 0 : i32
    %c0_i32_1 = arith.constant 0 : i32
    return %c0_i32, %arg0, %c0_i32_0 : i32, i32, i32
  }
  func.func @transform_3(%arg0: i32) -> (i32, i32) {
    %c0_i32 = arith.constant 0 : i32
    %c0_i32_0 = arith.constant 0 : i32
    %c0_i32_1 = arith.constant 0 : i32
    return %c0_i32, %c0_i32_0 : i32, i32
  }
  func.func @transform_4(%arg0: i32) -> (i32, i32) {
    %c0_i32 = arith.constant 0 : i32
    %c0_i32_0 = arith.constant 0 : i32
    %c0_i32_1 = arith.constant 0 : i32
    return %c0_i32, %c0_i32_0 : i32, i32
  }
  func.func @transform_5(%arg0: i32) -> (i32, i32) {
    %c0_i32 = arith.constant 0 : i32
    %c0_i32_0 = arith.constant 0 : i32
    %c0_i32_1 = arith.constant 0 : i32
    return %c0_i32, %c0_i32_0 : i32, i32
  }
  func.func @transform_6(%arg0: i32) -> (i32, i32) {
    %c0_i32 = arith.constant 0 : i32
    %c0_i32_0 = arith.constant 0 : i32
    %c0_i32_1 = arith.constant 0 : i32
    return %c0_i32, %c0_i32_0 : i32, i32
  }
  func.func @transform_7(%arg0: i32) -> (i32, i32) {
    %c0_i32 = arith.constant 0 : i32
    %c0_i32_0 = arith.constant 0 : i32
    %c0_i32_1 = arith.constant 0 : i32
    return %c0_i32, %c0_i32_0 : i32, i32
  }
  func.func @transform_8(%arg0: i32) -> (i32, i32) {
    %c0_i32 = arith.constant 0 : i32
    %c0_i32_0 = arith.constant 0 : i32
    %c0_i32_1 = arith.constant 0 : i32
    return %c0_i32, %c0_i32_0 : i32, i32
  }
  func.func @transform_9(%arg0: i32) -> (i32, i32) {
    %c0_i32 = arith.constant 0 : i32
    %c0_i32_0 = arith.constant 0 : i32
    return %arg0, %c0_i32 : i32, i32
  }
}

module attributes {stable_mosaic.version = 14 : i64} {
  func.func @body(%arg0: i32, %arg1: memref<1000x64xf32, #tpu.memory_space<vmem>>, %arg2: memref<2x1000x16xf32, #tpu.memory_space<vmem>>, %arg3: memref<2x1000x16xf32, #tpu.memory_space<vmem>>, %arg4: memref<64x16xf32, #tpu.memory_space<vmem>>, %arg5: memref<1x16xf32, #tpu.memory_space<vmem>>, %arg6: memref<16x64xf32, #tpu.memory_space<vmem>>, %arg7: memref<1x64xf32, #tpu.memory_space<vmem>>, %arg8: memref<1x64xf32, #tpu.memory_space<vmem>>, %arg9: memref<1x64xf32, #tpu.memory_space<vmem>>, %arg10: memref<64x1xf32, #tpu.memory_space<vmem>>, %arg11: memref<1x1xf32, #tpu.memory_space<vmem>>, %arg12: memref<1000x1xf32, #tpu.memory_space<vmem>>) attributes {dimension_semantics = [#tpu.dimension_semantics<arbitrary>], iteration_bounds = array<i64: 10>, scalar_prefetch = 0 : i64, scratch_operands = 0 : i64, tpu.core_type = #tpu.core_type<tc>, window_params = [{transform_indices = @transform_0, window_bounds = array<i64: 1000, 64>}, {transform_indices = @transform_1, window_bounds = array<i64: 2, 1000, 16>}, {transform_indices = @transform_2, window_bounds = array<i64: 2, 1000, 16>}, {pipeline_mode = #tpu.pipeline_mode<synchronous>, transform_indices = @transform_3, window_bounds = array<i64: 64, 16>}, {pipeline_mode = #tpu.pipeline_mode<synchronous>, transform_indices = @transform_4, window_bounds = array<i64: 1, 16>}, {pipeline_mode = #tpu.pipeline_mode<synchronous>, transform_indices = @transform_5, window_bounds = array<i64: 16, 64>}, {pipeline_mode = #tpu.pipeline_mode<synchronous>, transform_indices = @transform_6, window_bounds = array<i64: 1, 64>}, {pipeline_mode = #tpu.pipeline_mode<synchronous>, transform_indices = @transform_7, window_bounds = array<i64: 1, 64>}, {pipeline_mode = #tpu.pipeline_mode<synchronous>, transform_indices = @transform_8, window_bounds = array<i64: 1, 64>}, {pipeline_mode = #tpu.pipeline_mode<synchronous>, transform_indices = @transform_9, window_bounds = array<i64: 64, 1>}, {pipeline_mode = #tpu.pipeline_mode<synchronous>, transform_indices = @transform_10, window_bounds = array<i64: 1, 1>}, {transform_indices = @transform_11, window_bounds = array<i64: 1000, 1>}]} {
    %get3A = arith.constant 0 : index
    %get3A_0 = arith.constant 0 : index
    %get3A_1 = vector.load %arg1[%get3A, %get3A_0] : memref<1000x64xf32, #tpu.memory_space<vmem>>, vector<1000x64xf32>
    %get3A_2 = arith.constant 0 : index
    %get3A_3 = arith.constant 0 : index
    %get3A_4 = arith.constant 0 : index
    %get3A_5 = vector.load %arg2[%get3A_2, %get3A_3, %get3A_4] : memref<2x1000x16xf32, #tpu.memory_space<vmem>>, vector<2x1000x16xf32>
    %reduce_sum3A = arith.constant dense<0.000000e+00> : vector<1000x16xf32>
    %reduce_sum3A_6 = vector.multi_reduction <add>, %get3A_5, %reduce_sum3A [0] : vector<2x1000x16xf32> to vector<1000x16xf32>
    %get3A_7 = arith.constant 0 : index
    %get3A_8 = arith.constant 0 : index
    %get3A_9 = arith.constant 0 : index
    %get3A_10 = vector.load %arg3[%get3A_7, %get3A_8, %get3A_9] : memref<2x1000x16xf32, #tpu.memory_space<vmem>>, vector<2x1000x16xf32>
    %reduce_sum3A_11 = arith.constant dense<0.000000e+00> : vector<1000x16xf32>
    %reduce_sum3A_12 = vector.multi_reduction <add>, %get3A_10, %reduce_sum3A_11 [0] : vector<2x1000x16xf32> to vector<1000x16xf32>
    %max3A = arith.constant 1.000000e+00 : f32
    %max3A_13 = vector.broadcast %max3A : f32 to vector<1000x16xf32>
    %max3A_14 = arith.maximumf %reduce_sum3A_12, %max3A_13 : vector<1000x16xf32>
    %div3A = arith.divf %reduce_sum3A_6, %max3A_14 : vector<1000x16xf32>
    %get3A_15 = arith.constant 0 : index
    %get3A_16 = arith.constant 0 : index
    %get3A_17 = vector.load %arg4[%get3A_15, %get3A_16] : memref<64x16xf32, #tpu.memory_space<vmem>>, vector<64x16xf32>
    %dot_general3A = arith.constant dense<0.000000e+00> : vector<1000x16xf32>
    %dot_general3A_18 = tpu.matmul %get3A_1, %get3A_17, %dot_general3A {dimension_numbers = #tpu.dot_dimension_numbers<[1], [0], [0], [1], [0, 0, 1, 1], [], []>, transpose_lhs_hint = false} : vector<1000x64xf32>, vector<64x16xf32>, vector<1000x16xf32> -> vector<1000x16xf32>
    %add3A = arith.addf %div3A, %dot_general3A_18 : vector<1000x16xf32>
    %get3A_19 = arith.constant 0 : index
    %get3A_20 = arith.constant 0 : index
    %get3A_21 = vector.load %arg5[%get3A_19, %get3A_20] : memref<1x16xf32, #tpu.memory_space<vmem>>, vector<1x16xf32>
    %add3A_22 = vector.broadcast %get3A_21 : vector<1x16xf32> to vector<1000x16xf32>
    %add3A_23 = arith.addf %add3A, %add3A_22 : vector<1000x16xf32>
    %get3A_24 = arith.constant 0 : index
    %get3A_25 = arith.constant 0 : index
    %get3A_26 = vector.load %arg6[%get3A_24, %get3A_25] : memref<16x64xf32, #tpu.memory_space<vmem>>, vector<16x64xf32>
    %dot_general3A_27 = arith.constant dense<0.000000e+00> : vector<1000x64xf32>
    %dot_general3A_28 = tpu.matmul %add3A_23, %get3A_26, %dot_general3A_27 {dimension_numbers = #tpu.dot_dimension_numbers<[1], [0], [0], [1], [0, 0, 1, 1], [], []>, transpose_lhs_hint = false} : vector<1000x16xf32>, vector<16x64xf32>, vector<1000x64xf32> -> vector<1000x64xf32>
    %add3A_29 = arith.addf %get3A_1, %dot_general3A_28 : vector<1000x64xf32>
    %get3A_30 = arith.constant 0 : index
    %get3A_31 = arith.constant 0 : index
    %get3A_32 = vector.load %arg7[%get3A_30, %get3A_31] : memref<1x64xf32, #tpu.memory_space<vmem>>, vector<1x64xf32>
    %add3A_33 = vector.broadcast %get3A_32 : vector<1x64xf32> to vector<1000x64xf32>
    %add3A_34 = arith.addf %add3A_29, %add3A_33 : vector<1000x64xf32>
    %get3A_35 = arith.constant 0 : index
    %get3A_36 = arith.constant 0 : index
    %get3A_37 = vector.load %arg8[%get3A_35, %get3A_36] : memref<1x64xf32, #tpu.memory_space<vmem>>, vector<1x64xf32>
    %mul3A = vector.broadcast %get3A_37 : vector<1x64xf32> to vector<1000x64xf32>
    %mul3A_38 = arith.mulf %add3A_34, %mul3A : vector<1000x64xf32>
    %get3A_39 = arith.constant 0 : index
    %get3A_40 = arith.constant 0 : index
    %get3A_41 = vector.load %arg9[%get3A_39, %get3A_40] : memref<1x64xf32, #tpu.memory_space<vmem>>, vector<1x64xf32>
    %add3A_42 = vector.broadcast %get3A_41 : vector<1x64xf32> to vector<1000x64xf32>
    %add3A_43 = arith.addf %mul3A_38, %add3A_42 : vector<1000x64xf32>
    %max3A_44 = arith.constant 0.000000e+00 : f32
    %max3A_45 = vector.broadcast %max3A_44 : f32 to vector<1000x64xf32>
    %max3A_46 = arith.maximumf %add3A_43, %max3A_45 : vector<1000x64xf32>
    %get3A_47 = arith.constant 0 : index
    %get3A_48 = arith.constant 0 : index
    %get3A_49 = vector.load %arg10[%get3A_47, %get3A_48] : memref<64x1xf32, #tpu.memory_space<vmem>>, vector<64x1xf32>
    %dot_general3A_50 = arith.constant dense<0.000000e+00> : vector<1000x1xf32>
    %dot_general3A_51 = tpu.matmul %max3A_46, %get3A_49, %dot_general3A_50 {dimension_numbers = #tpu.dot_dimension_numbers<[1], [0], [0], [1], [0, 0, 1, 1], [], []>, transpose_lhs_hint = false} : vector<1000x64xf32>, vector<64x1xf32>, vector<1000x1xf32> -> vector<1000x1xf32>
    %get3A_52 = arith.constant 0 : index
    %get3A_53 = arith.constant 0 : index
    %get3A_54 = vector.load %arg11[%get3A_52, %get3A_53] : memref<1x1xf32, #tpu.memory_space<vmem>>, vector<1x1xf32>
    %add3A_55 = vector.broadcast %get3A_54 : vector<1x1xf32> to vector<1000x1xf32>
    %add3A_56 = arith.addf %dot_general3A_51, %add3A_55 : vector<1000x1xf32>
    %swap3A = arith.constant 0 : index
    %swap3A_57 = arith.constant 0 : index
    %swap3A_58 = vector.load %arg12[%swap3A, %swap3A_57] : memref<1000x1xf32, #tpu.memory_space<vmem>>, vector<1000x1xf32>
    tpu.vector_store %arg12[%swap3A, %swap3A_57], %add3A_56 {strides = array<i32>} : memref<1000x1xf32, #tpu.memory_space<vmem>>, vector<1000x1xf32>,
    return
  }
  func.func @transform_0(%arg0: i32) -> (i32, i32) {
    %c0_i32 = arith.constant 0 : i32
    %c0_i32_0 = arith.constant 0 : i32
    return %arg0, %c0_i32 : i32, i32
  }
  func.func @transform_1(%arg0: i32) -> (i32, i32, i32) {
    %c0_i32 = arith.constant 0 : i32
    %c0_i32_0 = arith.constant 0 : i32
    %c0_i32_1 = arith.constant 0 : i32
    return %c0_i32, %arg0, %c0_i32_0 : i32, i32, i32
  }
  func.func @transform_2(%arg0: i32) -> (i32, i32, i32) {
    %c0_i32 = arith.constant 0 : i32
    %c0_i32_0 = arith.constant 0 : i32
    %c0_i32_1 = arith.constant 0 : i32
    return %c0_i32, %arg0, %c0_i32_0 : i32, i32, i32
  }
  func.func @transform_3(%arg0: i32) -> (i32, i32) {
    %c0_i32 = arith.constant 0 : i32
    %c0_i32_0 = arith.constant 0 : i32
    %c0_i32_1 = arith.constant 0 : i32
    return %c0_i32, %c0_i32_0 : i32, i32
  }
  func.func @transform_4(%arg0: i32) -> (i32, i32) {
    %c0_i32 = arith.constant 0 : i32
    %c0_i32_0 = arith.constant 0 : i32
    %c0_i32_1 = arith.constant 0 : i32
    return %c0_i32, %c0_i32_0 : i32, i32
  }
  func.func @transform_5(%arg0: i32) -> (i32, i32) {
    %c0_i32 = arith.constant 0 : i32
    %c0_i32_0 = arith.constant 0 : i32
    %c0_i32_1 = arith.constant 0 : i32
    return %c0_i32, %c0_i32_0 : i32, i32
  }
  func.func @transform_6(%arg0: i32) -> (i32, i32) {
    %c0_i32 = arith.constant 0 : i32
    %c0_i32_0 = arith.constant 0 : i32
    %c0_i32_1 = arith.constant 0 : i32
    return %c0_i32, %c0_i32_0 : i32, i32
  }
  func.func @transform_7(%arg0: i32) -> (i32, i32) {
    %c0_i32 = arith.constant 0 : i32
    %c0_i32_0 = arith.constant 0 : i32
    %c0_i32_1 = arith.constant 0 : i32
    return %c0_i32, %c0_i32_0 : i32, i32
  }
  func.func @transform_8(%arg0: i32) -> (i32, i32) {
    %c0_i32 = arith.constant 0 : i32
    %c0_i32_0 = arith.constant 0 : i32
    %c0_i32_1 = arith.constant 0 : i32
    return %c0_i32, %c0_i32_0 : i32, i32
  }
  func.func @transform_9(%arg0: i32) -> (i32, i32) {
    %c0_i32 = arith.constant 0 : i32
    %c0_i32_0 = arith.constant 0 : i32
    %c0_i32_1 = arith.constant 0 : i32
    return %c0_i32, %c0_i32_0 : i32, i32
  }
  func.func @transform_10(%arg0: i32) -> (i32, i32) {
    %c0_i32 = arith.constant 0 : i32
    %c0_i32_0 = arith.constant 0 : i32
    %c0_i32_1 = arith.constant 0 : i32
    return %c0_i32, %c0_i32_0 : i32, i32
  }
  func.func @transform_11(%arg0: i32) -> (i32, i32) {
    %c0_i32 = arith.constant 0 : i32
    %c0_i32_0 = arith.constant 0 : i32
    return %arg0, %c0_i32 : i32, i32
  }
}

</mosaic_0001>

<sc_bundles>
// kernel: kernel.11.cloned.1.call-start
scs
__scs_entry_jumppad:
0x0: {  	(pc) =	sbr.rel $0x88, $3  }
0x1: {  	(tag) =	ssettag $0x0;
	lr =	simm.s32 $0x1  }
0x2: {  	[smem:$0x3F84] =	sst lr;
	_ =	strace $0xD0000000  }
0x3: {  	_ = 	snop  }
0x4: {  	_ = 	snop  }
0x5: {  	_ = 	snop  }
0x6: {  	_ = 	snop  }
0x7: {  	_ = 	snop  }
__scs_overlays_trampoline_lowered:
0x8: {  	[smem:$0x3F93] =	sst s0  }
0x9: {  	[smem:$0x3F94] =	sst s1  }
0xa: {  	[smem:$0x3F95] =	sst s2  }
0xb: {  	[smem:$0x3F96] =	sst s3  }
0xc: {  	[smem:$0x3F97] =	sst s4  }
0xd: {  	[smem:$0x3F98] =	sst s5  }
0xe: {  	[smem:$0x3F99] =	sst s6  }
0xf: {  	[smem:$0x3F9A] =	sst s7  }
0x10: {  	[smem:$0x3F9B] =	sst s8  }
0x11: {  	[smem:$0x3F9C] =	sst s9;
	s0 =	simm.s32 @!p0 $0x0  }
0x12: {  	s1 =	sld [smem:$0x3F82];
	s0 =	simm.s32 @p0 $0x1  }
0x13: {  	[smem:$0x3F9D] =	sst s0;
	s0 =	simm.s32 @!p1 $0x0  }
0x14: {  	s2 =	sld [smem:$0x3F81];
	s0 =	simm.s32 @p1 $0x1  }
0x15: {  	[smem:$0x3F9E] =	sst s0;
	s0 =	simm.s32 @!p2 $0x0  }
0x16: {  	s3 =	sld [smem:$0x3FDB];
	s0 =	simm.s32 @p2 $0x1  }
0x17: {  	s4 =	simm.s32 $0x1BF5;
	[smem:$0x3FA0] =	sst s0  }
0x18: {  	s0 =	sld [smem:$0x3F83];
	_ =	swait.ge [sflag:s4], $0x0  }
0x19: {  	s7 =	sld [smem:$0x3F84]  }
0x1a: {  	s8 =	sadd.s32 $0xFFFFE003, lr  }
0x1b: {  	s9 =	sadd.s32 $0xFFFFFEF7, lr;
	s5 =	simm.s32 $0xFFFFFFFF;
	p2 =	slt.u32 s8, $0xFFFFF086  }
0x1c: {  	p1 =	slt.u32 s9, $0xF7A;
	s5 =	simm.s32 @!p2 $0x0  }
0x1d: {  	s5 =	simm.s32 @p1 $0x1;
	p0 =	seq.s32 s7, s2  }
0x1e: {  	s7 =	smul.u32 @!p0 $0xF7A, s2;
	p2 =	seq.s32 @!p0 s5, $0x0  }
0x1f: {  	s9 =	smul.u32 $0xF7A, s1;
	s8 =	simm.s32 @!p0 $0x1BF5;
	p2 =	por !p2, p0  }
0x20: {  	[sflag:s8] =	ssyncset.s32 @!p0 $0xFFFFF086;
	s6 =	sadd.s32 @!p0 s3, s7;
	s7 =	simm.s32 @!p0 $0x108  }
0x21: {  	s3 =	sadd.s32 s3, s9;
	s6 =	sadd.s32 @!p0 $0x88, s6;
	s7 =	simm.s32 @p2 $0x1082  }
0x22: {  	[simem:s7], [sflag:s8] =	dma.local @!p0 [hbm:s6], $0xF7A  }
0x23: {  	s9 =	sor.u32 $0xD0000000, s2;
	s6 =	simm.s32 $0x108;
	_ =	swait.ge @!p0 [sflag:s8], $0x0  }
0x24: {  	s3 =	sadd.s32 $0x88, s3;
	s6 =	simm.s32 @!p1 $0x1082;
	[sflag:s4] =	ssyncset.s32 $0xFFFFF086  }
0x25: {  	[simem:s6], [sflag:s4] =	dma.local [hbm:s3], $0xF7A  }
0x26: {  	[smem:$0x3F84] =	sst s1;
	(tag) =	ssettag s2;
	_ =	strace s9  }
0x27: {  	s1 =	sld [smem:$0x3F94]  }
0x28: {  	s2 =	sld [smem:$0x3F95]  }
0x29: {  	s4 =	sld [smem:$0x3F97]  }
0x2a: {  	p0 =	seq.s32 s5, $0x0;
	s5 =	sld [smem:$0x3F98]  }
0x2b: {  	s6 =	sld [smem:$0x3F99]  }
0x2c: {  	s7 =	sld [smem:$0x3F9A]  }
0x2d: {  	s3 =	simm.s32 $0x108;
	s8 =	sld [smem:$0x3F9B]  }
0x2e: {  	s3 =	simm.s32 @!p0 $0x1082;
	s9 =	sld [smem:$0x3F9C]  }
0x2f: {  	lr =	sadd.s32 s0, s3;
	s0 =	sld [smem:$0x3F93]  }
0x30: {  	s3 =	sld [smem:$0x3F96]  }
0x31: {  	[smem:$0x3F9F] =	sst s10  }
0x32: {  	s10 =	sld [smem:$0x3F9D];
	_ =	sdelay $0x3  }
0x33: {  	p0 =	seq.s32 s10, $0x1;
	s10 =	sld [smem:$0x3F9F];
	_ =	sdelay $0x3  }
0x34: {  	[smem:$0x3F9F] =	sst s10  }
0x35: {  	s10 =	sld [smem:$0x3F9E];
	_ =	sdelay $0x3  }
0x36: {  	p1 =	seq.s32 s10, $0x1;
	s10 =	sld [smem:$0x3F9F];
	_ =	sdelay $0x3  }
0x37: {  	[smem:$0x3F9F] =	sst s10  }
0x38: {  	s10 =	sld [smem:$0x3FA0]  }
0x39: {  	_ = 	snop;
	(pc) =	sbr.ind lr, $3  }
0x3a: {  	_ = 	snop  }
0x3b: {  	_ = 	snop  }
0x3c: {  	p2 =	seq.s32 s10, $0x1;
	s10 =	sld [smem:$0x3F9F]  }
0x3d: {  	_ =	shalt  }
0x3e: {  	_ =	shalt  }
0x3f: {  	_ =	shalt  }
0x40: {  	_ =	shalt  }
0x41: {  	_ =	shalt  }
0x42: {  	_ =	shalt  }
0x43: {  	_ =	shalt  }
0x44: {  	_ =	shalt  }
0x45: {  	_ =	shalt  }
0x46: {  	_ =	shalt  }
0x47: {  	_ =	shalt  }
0x48: {  	_ =	shalt  }
0x49: {  	_ =	shalt  }
0x4a: {  	_ =	shalt  }
0x4b: {  	_ =	shalt  }
0x4c: {  	_ =	shalt  }
0x4d: {  	_ =	shalt  }
0x4e: {  	_ =	shalt  }
0x4f: {  	_ =	shalt  }
0x50: {  	_ =	shalt  }
0x51: {  	_ =	shalt  }
0x52: {  	_ =	shalt  }
0x53: {  	_ =	shalt  }
0x54: {  	_ =	shalt  }
0x55: {  	_ =	shalt  }
0x56: {  	_ =	shalt  }
0x57: {  	_ =	shalt  }
0x58: {  	_ =	shalt  }
0x59: {  	_ =	shalt  }
0x5a: {  	_ =	shalt  }
0x5b: {  	_ =	shalt  }
0x5c: {  	_ =	shalt  }
0x5d: {  	_ =	shalt  }
0x5e: {  	_ =	shalt  }
0x5f: {  	_ =	shalt  }
0x60: {  	_ =	shalt  }
0x61: {  	_ =	shalt  }
0x62: {  	_ =	shalt  }
0x63: {  	_ =	shalt  }
0x64: {  	_ =	shalt  }
0x65: {  	_ =	shalt  }
0x66: {  	_ =	shalt  }
0x67: {  	_ =	shalt  }
0x68: {  	_ =	shalt  }
0x69: {  	_ =	shalt  }
0x6a: {  	_ =	shalt  }
0x6b: {  	_ =	shalt  }
0x6c: {  	_ =	shalt  }
0x6d: {  	_ =	shalt  }
0x6e: {  	_ =	shalt  }
0x6f: {  	_ =	shalt  }
0x70: {  	_ =	shalt  }
0x71: {  	_ =	shalt  }
0x72: {  	_ =	shalt  }
0x73: {  	_ =	shalt  }
0x74: {  	_ =	shalt  }
0x75: {  	_ =	shalt  }
0x76: {  	_ =	shalt  }
0x77: {  	_ =	shalt  }
0x78: {  	_ =	shalt  }
0x79: {  	_ =	shalt  }
0x7a: {  	_ =	shalt  }
0x7b: {  	_ =	shalt  }
0x7c: {  	_ =	shalt  }
0x7d: {  	_ =	shalt  }
0x7e: {  	_ =	shalt  }
0x7f: {  	_ =	shalt  }
0x80: {  	_ =	shalt  }
0x81: {  	_ =	shalt  }
0x82: {  	_ =	shalt  }
0x83: {  	_ =	shalt  }
0x84: {  	_ =	shalt  }
0x85: {  	_ =	shalt  }
0x86: {  	_ =	shalt  }
0x87: {  	_ =	shalt  }
.Lfunc_end0:
.L_simem_size_0:
called_computation_lowered:
.L_overlay_start_0:
0x88: {  	s2 =	sld [smem:$0x3FD9]  }
0x89: {  	s3 =	sld [smem:$0x3FFE];
	_ =	sdelay $0x1  }
0x8a: {  	s1 =	srdreg.scid  }
0x8b: {  	s0 =	sand.u32 $0x1, s1  }
0x8c: {  	s16 =	sshll.u32 s0, $0xA;
	s2 =	sadd.s32 s3, s2  }
0x8d: {  	s2 =	sadd.s32 s2, s16  }
0x8e: {  	[smem:$0x3FAB] =	sst s2  }
0x8f: {  	_ = 	snop  }
0x90: {  	(tm) =	ssettm $0x1  }
0x91: {  	s17 =	sld [smem:$0x3FFB];
	_ =	sdelay $0x3  }
0x92: {  	_ =	strace s17  }
0x93: {  	s2 =	sld [smem:$0x3FFC];
	_ =	sdelay $0x3  }
0x94: {  	_ =	strace s2  }
0x95: {  	s2 =	sld [smem:$0x3FFD];
	_ =	sdelay $0x3  }
0x96: {  	_ =	strace s2  }
0x97: {  	_ =	strace $0x8FFFFFFF  }
0x98: {  	s18 =	sld [smem:$0x3FDB];
	_ =	sdelay $0x1  }
0x99: {  	s19 =	simm.s32 $_scs_section_size  }
0x9a: {  	s4 =	simm.s32 $_size__tile_overlayer_lowered;
	s5 =	simm.s32 $_tile_overlayer_lowered  }
0x9b: {  	s22 =	simm.s32 $0x1BFF;
	s21 =	sshll.u32 s5, $0x1;
	s2 =	sadd.s32 s19, s18  }
0x9c: {  	s6 =	simm.s32 $0x0;
	s20 =	sshll.u32 s4, $0x1;
	s4 =	sadd.s32 s21, s2  }
0x9d: {  	[timem:s6], [sflag:s22] =	dma.local [hbm:s4], s20  }
0x9e: {  	_ =	swait.ge [sflag:s22], s20  }
0x9f: {  	s3 =	ssub.s32 $0x0, s20;
	[sflag:s22] =	ssyncset.done $0x0  }
0xa0: {  	[sflag:s22] =	ssyncadd.s32 s3;
	_ =	sdelay $0x1  }
0xa1: {  	s23 =	simm.s32 $0x1B8B  }
0xa2: {  	_ =	swait.ge [sflag:s23], $0x1  }
0xa3: {  	[sflag:s23] =	ssyncset.done $0x0  }
0xa4: {  	s25 =	simm.s32 $0x1B8E;
	s24 =	sld [smem:$0x3FFE];
	[sflag:s23] =	ssyncadd.s32 $0xFFFFFFFF  }
0xa5: {  	s26 =	simm.s32 $execute0_lowered;
	[smem:$0x3FD2] =	sst s25  }
0xa6: {  	s4 =	sshll.u32 s26, $0x1;
	_ =	strace $0x80000046;
	[dreg:$0x1] =	wrdreg $0xFFFFFFFF  }
0xa7: {  	s28 =	simm.s32 $_size_execute0_lowered;
	s2 =	sadd.s32 s2, s4;
	[dreg:$0x0] =	wrdreg $0x0  }
0xa8: {  	s4 =	sshll.u32 s28, $0x1;
	[dreg:$0x2] =	wrdreg s2  }
0xa9: {  	[dreg:$0x3] =	wrdreg s4  }
0xaa: {  	[dreg:$0x4] =	wrdreg $0xC0  }
0xab: {  	_ =	task [dreg:s6], $0x5FFFF  }
0xac: {  	[dreg:$0x1] =	wrdreg $0xFFFFFFFF  }
0xad: {  	[dreg:$0x0] =	wrdreg $0x60  }
0xae: {  	[dreg:$0x2] =	wrdreg s24  }
0xaf: {  	[dreg:$0x3] =	wrdreg $0x9  }
0xb0: {  	_ =	task.clear_ibuf [dreg:s6], $0x4FFFF;
	_ =	strace $0x90000046  }
0xb1: {  	s29 =	simm.s32 $0x9;
	_ =	strace $0x80000048  }
0xb2: {  	_ =	swait.ge [sflag:s29], $0x1  }
0xb3: {  	[sflag:s29] =	ssyncadd.s32 $0xFFFFFFFF  }
0xb4: {  	_ =	strace $0x90000048  }
0xb5: {  	_ =	sfence  }
0xb6: {  	s30 =	sld [smem:$0x0];
	_ =	sdelay $0x2  }
0xb7: {  	s31 =	sshll.u32 s1, $0xD;
	s1 =	sshrl.u32 s1, $0x2  }
0xb8: {  	s3 =	sand.u32 $0x4000, s31;
	s1 =	sadd.s32 s1, s30  }
0xb9: {  	s0 =	sor.u32 s3, s0;
	s1 =	sshll.u32 s1, $0x11  }
0xba: {  	s0 =	sor.u32 s1, s0  }
0xbb: {  	s0 =	sadd.s32 $0x8F2B, s0  }
0xbc: {  	[sflag:s0] =	ssyncadd.remote.s32 $0x1  }
0xbd: {  	_ =	sfence.sel $0xFFFF  }
0xbe: {  	[dreg:$0x0] =	wrdreg $0xFFFFFFFF;
	(pc) =	sbr.abs _section_cstart, $3  }
0xbf: {  	[dreg:$0x1] =	wrdreg $0xFFFFFFFF  }
0xc0: {  	_ =	task.clear_ibuf [dreg:s6], $0x2FFFF;
	_ =	strace $0x9FFFFFFF  }
0xc1: {  	(tm) =	ssettm $0x7FFFFFFF  }
tec
execute0_lowered:
.L_overlay_start_1:
0x0: {  	(tag) =	ssettag $0x1  }
0x1: {  	s1 =	srdreg.scid;
	s0 =	stileid.u32  }
0x2: {  	s4 =	rddreg [dreg:$0x0];
	s2 =	simm.s32 $0x0;
	s7 =	smul.u32 $0x13880, s0  }
0x3: {  	s11 =	simm.s32 $0x5280;
	s5 =	sand.u32 $0x1, s1;
	s8 =	smul.u32 $0x9C400, s0  }
0x4: {  	s12 =	sshll.u32 s0, $0x1;
	[smem:$0x7FF] =	sst s2;
	s9 =	smul.u32 $0x4E200, s5  }
0x5: {  	s3 =	sadd.s32 $0x2DA00, s4;
	s1 =	sor.u32 s5, s12;
	s10 =	smul.u32 $0x9C40, s5  }
0x6: {  	s5 =	ssub.s32 $0x2, s5;
	s12 =	simm.s32 $0x71C0;
	s6 =	smul.u32 $0x280, s1  }
0x7: {  	s1 =	rddreg [dreg:$0x1];
	_ =	strace $0x80000047;
	s13 =	sshrl.u32 s5, $0x1  }
0x8: {  	s8 =	sadd.s32 s9, s8;
	s7 =	sadd.s32 s10, s7;
	s9 =	ssub.s32 s5, s13  }
0x9: {  	s10 =	simm.s32 $0x3340;
	s13 =	simm.s32 $0x9100;
	s6 =	sadd.s32 s6, s4  }
0xa: {  	s4 =	sadd.s32 $0x46400, s4;
	s14 =	sadd.s32 $0x11940, s8;
	[dreg:$0x2] =	wrdreg s7  }
0xb: {  	s16 =	sadd.s32 $0xFA00, s8;
	s18 =	sadd.s32 $0xDAC0, s8;
	s20 =	sadd.s32 $0xBB80, s8  }
0xc: {  	s22 =	sadd.s32 $0x9C40, s8;
	s24 =	sadd.s32 $0x7D00, s8;
	s26 =	sadd.s32 $0x5DC0, s8  }
0xd: {  	s29 =	sadd.s32 $0x3E80, s8;
	s8 =	sadd.s32 $0x1F40, s8;
	s15 =	sshrl.u32 s14, $0x3  }
0xe: {  	s7 =	simm.s32 $0x3;
	s17 =	sshrl.u32 s16, $0x3;
	[dreg:$0x3] =	wrdreg s15  }
0xf: {  	s19 =	sshrl.u32 s18, $0x3;
	s21 =	sshrl.u32 s20, $0x3;
	[dreg:$0x4] =	wrdreg s17  }
0x10: {  	s23 =	sshrl.u32 s22, $0x3;
	s25 =	sshrl.u32 s24, $0x3;
	[dreg:$0x5] =	wrdreg s19  }
0x11: {  	s28 =	sshrl.u32 s26, $0x3;
	s30 =	sshrl.u32 s29, $0x3;
	[dreg:$0x6] =	wrdreg s21  }
0x12: {  	s31 =	sshrl.u32 s8, $0x3;
	s5 =	sadd.s32 $0x41400, s6;
	[dreg:$0x7] =	wrdreg s23  }
0x13: {  	s6 =	smax.u32 s9, $0x1;
	s8 =	simm.s32 $0x7D;
	[dreg:$0x8] =	wrdreg s25  }
0x14: {  	s9 =	simm.s32 $0x1400;
	s14 =	simm.s32 $0xB040;
	[dreg:$0x9] =	wrdreg s28  }
0x15: {  	s16 =	simm.s32 $0xEEC0;
	s18 =	simm.s32 $0x12D40;
	[dreg:$0xa] =	wrdreg s30  }
0x16: {  	s20 =	simm.s32 $0x2;
	[dreg:$0xb] =	wrdreg s31;
	s15 =	simm.s32 $0xCF80  }
0x17: {  	s17 =	simm.s32 $0x10E00;
	s19 =	simm.s32 $0x1;
	s21 =	simm.s32 $0x0  }
.LBB2_1:
0x18: {  	[tilespmem:s2], [sflag:$0x3] =	stream.linear.gather [hbm4b:s5+s2], $0x1400, $0x38;
	[tilespmem:$0x14C80] =	vst v63  }
0x19: {  	_ =	swait.ge [sflag:s7], $0x1400  }
0x1a: {  	[sflag:s7] =	ssyncset.done $0x0  }
0x1b: {  	s22 =	simm.s32 $0x0;
	[sflag:s7] =	ssyncadd.s32 $0xFFFFEC00  }
0x1c: {  	[tilespmem:s9], [sflag:$0x1] =	stream.indirect.gather [hbm4b:s3+s8], $0x40, s22, s8, $0xb8;
	[tilespmem:$0x14C80] =	vst v63  }
0x1d: {  	s29 =	simm.s32 $0x80  }
0x1e: {  	[tilespmem:s10], [sflag:$0x1] =	stream.indirect.gather [hbm4b:s3+s8], $0x40, s29, s8, $0xb8;
	[tilespmem:$0x14C80] =	vst v63  }
0x1f: {  	s30 =	simm.s32 $0x100  }
0x20: {  	[tilespmem:s11], [sflag:$0x1] =	stream.indirect.gather [hbm4b:s3+s8], $0x40, s30, s8, $0xb8;
	[tilespmem:$0x14C80] =	vst v63  }
0x21: {  	s31 =	simm.s32 $0x180  }
0x22: {  	[tilespmem:s12], [sflag:$0x1] =	stream.indirect.gather [hbm4b:s3+s8], $0x40, s31, s8, $0xb8;
	[tilespmem:$0x14C80] =	vst v63  }
0x23: {  	s23 =	simm.s32 $0x200  }
0x24: {  	[tilespmem:s13], [sflag:$0x1] =	stream.indirect.gather [hbm4b:s3+s8], $0x40, s23, s8, $0xb8;
	[tilespmem:$0x14C80] =	vst v63  }
0x25: {  	s24 =	simm.s32 $0x280  }
0x26: {  	[tilespmem:s14], [sflag:$0x1] =	stream.indirect.gather [hbm4b:s3+s8], $0x40, s24, s8, $0xb8;
	[tilespmem:$0x14C80] =	vst v63  }
0x27: {  	s25 =	simm.s32 $0x300  }
0x28: {  	[tilespmem:s15], [sflag:$0x1] =	stream.indirect.gather [hbm4b:s3+s8], $0x40, s25, s8, $0xb8;
	[tilespmem:$0x14C80] =	vst v63  }
0x29: {  	s26 =	simm.s32 $0x380  }
0x2a: {  	[tilespmem:s16], [sflag:$0x1] =	stream.indirect.gather [hbm4b:s3+s8], $0x40, s26, s8, $0xb8;
	[tilespmem:$0x14C80] =	vst v63  }
0x2b: {  	s28 =	simm.s32 $0x400  }
0x2c: {  	[tilespmem:s17], [sflag:$0x1] =	stream.indirect.gather [hbm4b:s3+s8], $0x40, s28, s8, $0xb8;
	[tilespmem:$0x14C80] =	vst v63  }
0x2d: {  	s29 =	simm.s32 $0x480  }
0x2e: {  	[tilespmem:s18], [sflag:$0x1] =	stream.indirect.gather [hbm4b:s3+s8], $0x40, s29, s8, $0xb8;
	[tilespmem:$0x14C80] =	vst v63  }
0x2f: {  	_ =	swait.ge [sflag:s19], $0x1F40  }
0x30: {  	s30 =	rddreg [dreg:$0x2];
	[sflag:s19] =	ssyncset.done $0x0  }
0x31: {  	[sflag:s19] =	ssyncadd.s32 $0xFFFFE0C0;
	s22 =	sadd.s32 s4, s30  }
0x32: {  	[hbm4b:s22+s2] =	stream.linear.scatter [tilespmem:s9], [sflag:$0x2], $0x1F40, $0x38;
	[tilespmem:$0x14C80] =	vst v63  }
0x33: {  	_ =	swait.ge [sflag:s19], $0x1F40  }
0x34: {  	s31 =	rddreg [dreg:$0xb];
	[sflag:s19] =	ssyncset.done $0x0  }
0x35: {  	[sflag:s19] =	ssyncadd.s32 $0xFFFFE0C0;
	s22 =	sadd.s32 s4, s31  }
0x36: {  	[hbm4b:s22+s2] =	stream.linear.scatter [tilespmem:s10], [sflag:$0x2], $0x1F40, $0x38;
	[tilespmem:$0x14C80] =	vst v63  }
0x37: {  	_ =	swait.ge [sflag:s19], $0x1F40  }
0x38: {  	s23 =	rddreg [dreg:$0xa];
	[sflag:s19] =	ssyncset.done $0x0  }
0x39: {  	[sflag:s19] =	ssyncadd.s32 $0xFFFFE0C0;
	s22 =	sadd.s32 s4, s23  }
0x3a: {  	[hbm4b:s22+s2] =	stream.linear.scatter [tilespmem:s11], [sflag:$0x2], $0x1F40, $0x38;
	[tilespmem:$0x14C80] =	vst v63  }
0x3b: {  	_ =	swait.ge [sflag:s19], $0x1F40  }
0x3c: {  	s24 =	rddreg [dreg:$0x9];
	[sflag:s19] =	ssyncset.done $0x0  }
0x3d: {  	[sflag:s19] =	ssyncadd.s32 $0xFFFFE0C0;
	s22 =	sadd.s32 s4, s24  }
0x3e: {  	[hbm4b:s22+s2] =	stream.linear.scatter [tilespmem:s12], [sflag:$0x2], $0x1F40, $0x38;
	[tilespmem:$0x14C80] =	vst v63  }
0x3f: {  	_ =	swait.ge [sflag:s19], $0x1F40  }
0x40: {  	s25 =	rddreg [dreg:$0x8];
	[sflag:s19] =	ssyncset.done $0x0  }
0x41: {  	[sflag:s19] =	ssyncadd.s32 $0xFFFFE0C0;
	s22 =	sadd.s32 s4, s25  }
0x42: {  	[hbm4b:s22+s2] =	stream.linear.scatter [tilespmem:s13], [sflag:$0x2], $0x1F40, $0x38;
	[tilespmem:$0x14C80] =	vst v63  }
0x43: {  	_ =	swait.ge [sflag:s19], $0x1F40  }
0x44: {  	s26 =	rddreg [dreg:$0x7];
	[sflag:s19] =	ssyncset.done $0x0  }
0x45: {  	[sflag:s19] =	ssyncadd.s32 $0xFFFFE0C0;
	s22 =	sadd.s32 s4, s26  }
0x46: {  	[hbm4b:s22+s2] =	stream.linear.scatter [tilespmem:s14], [sflag:$0x2], $0x1F40, $0x38;
	[tilespmem:$0x14C80] =	vst v63  }
0x47: {  	_ =	swait.ge [sflag:s19], $0x1F40  }
0x48: {  	s28 =	rddreg [dreg:$0x6];
	[sflag:s19] =	ssyncset.done $0x0  }
0x49: {  	[sflag:s19] =	ssyncadd.s32 $0xFFFFE0C0;
	s22 =	sadd.s32 s4, s28  }
0x4a: {  	[hbm4b:s22+s2] =	stream.linear.scatter [tilespmem:s15], [sflag:$0x2], $0x1F40, $0x38;
	[tilespmem:$0x14C80] =	vst v63  }
0x4b: {  	_ =	swait.ge [sflag:s19], $0x1F40  }
0x4c: {  	s29 =	rddreg [dreg:$0x5];
	[sflag:s19] =	ssyncset.done $0x0  }
0x4d: {  	[sflag:s19] =	ssyncadd.s32 $0xFFFFE0C0;
	s22 =	sadd.s32 s4, s29  }
0x4e: {  	[hbm4b:s22+s2] =	stream.linear.scatter [tilespmem:s16], [sflag:$0x2], $0x1F40, $0x38;
	[tilespmem:$0x14C80] =	vst v63  }
0x4f: {  	_ =	swait.ge [sflag:s19], $0x1F40  }
0x50: {  	s30 =	rddreg [dreg:$0x4];
	[sflag:s19] =	ssyncset.done $0x0  }
0x51: {  	[sflag:s19] =	ssyncadd.s32 $0xFFFFE0C0;
	s22 =	sadd.s32 s4, s30  }
0x52: {  	[hbm4b:s22+s2] =	stream.linear.scatter [tilespmem:s17], [sflag:$0x2], $0x1F40, $0x38;
	[tilespmem:$0x14C80] =	vst v63  }
0x53: {  	_ =	swait.ge [sflag:s19], $0x1F40  }
0x54: {  	s31 =	rddreg [dreg:$0x3];
	[sflag:s19] =	ssyncset.done $0x0  }
0x55: {  	[sflag:s19] =	ssyncadd.s32 $0xFFFFE0C0;
	s22 =	sadd.s32 s4, s31  }
0x56: {  	[hbm4b:s22+s2] =	stream.linear.scatter [tilespmem:s18], [sflag:$0x2], $0x1F40, $0x38;
	[tilespmem:$0x14C80] =	vst v63  }
0x57: {  	_ =	swait.ge [sflag:s20], $0x1F40  }
0x58: {  	[sflag:s20] =	ssyncset.done $0x0  }
0x59: {  	[sflag:s20] =	ssyncadd.s32 $0xFFFFE0C0  }
0x5a: {  	_ =	swait.ge [sflag:s20], $0x1F40  }
0x5b: {  	[sflag:s20] =	ssyncset.done $0x0  }
0x5c: {  	[sflag:s20] =	ssyncadd.s32 $0xFFFFE0C0  }
0x5d: {  	_ =	swait.ge [sflag:s20], $0x1F40  }
0x5e: {  	[sflag:s20] =	ssyncset.done $0x0  }
0x5f: {  	[sflag:s20] =	ssyncadd.s32 $0xFFFFE0C0  }
0x60: {  	_ =	swait.ge [sflag:s20], $0x1F40  }
0x61: {  	[sflag:s20] =	ssyncset.done $0x0  }
0x62: {  	[sflag:s20] =	ssyncadd.s32 $0xFFFFE0C0  }
0x63: {  	_ =	swait.ge [sflag:s20], $0x1F40  }
0x64: {  	[sflag:s20] =	ssyncset.done $0x0  }
0x65: {  	[sflag:s20] =	ssyncadd.s32 $0xFFFFE0C0  }
0x66: {  	_ =	swait.ge [sflag:s20], $0x1F40  }
0x67: {  	[sflag:s20] =	ssyncset.done $0x0  }
0x68: {  	[sflag:s20] =	ssyncadd.s32 $0xFFFFE0C0  }
0x69: {  	_ =	swait.ge [sflag:s20], $0x1F40  }
0x6a: {  	[sflag:s20] =	ssyncset.done $0x0  }
0x6b: {  	[sflag:s20] =	ssyncadd.s32 $0xFFFFE0C0  }
0x6c: {  	_ =	swait.ge [sflag:s20], $0x1F40  }
0x6d: {  	[sflag:s20] =	ssyncset.done $0x0  }
0x6e: {  	[sflag:s20] =	ssyncadd.s32 $0xFFFFE0C0  }
0x6f: {  	_ =	swait.ge [sflag:s20], $0x1F40  }
0x70: {  	[sflag:s20] =	ssyncset.done $0x0  }
0x71: {  	[sflag:s20] =	ssyncadd.s32 $0xFFFFE0C0  }
0x72: {  	s23 =	simm.s32 $0x1400;
	_ =	swait.ge [sflag:s20], $0x1F40  }
0x73: {  	s25 =	simm.s32 $0x2800;
	s22 =	sadd.s32 $0x2710, s4;
	[sflag:s20] =	ssyncset.done $0x0  }
.LBB2_2:
0x74: {  	s26 =	sshra.s32 s23, $0x2;
	[sflag:s20] =	ssyncadd.s32 $0xFFFFE0C0  }
0x75: {  	[tilespmem:s9], [sflag:$0x1] =	stream.indirect.gather [hbm4b:s3+s8], $0x40, s26, s8, $0xb8;
	[tilespmem:$0x14C80] =	vst v63  }
0x76: {  	s31 =	sadd.s32 $0x80, s26  }
0x77: {  	[tilespmem:s10], [sflag:$0x1] =	stream.indirect.gather [hbm4b:s3+s8], $0x40, s31, s8, $0xb8;
	[tilespmem:$0x14C80] =	vst v63  }
0x78: {  	s28 =	sadd.s32 $0x100, s26  }
0x79: {  	[tilespmem:s11], [sflag:$0x1] =	stream.indirect.gather [hbm4b:s3+s8], $0x40, s28, s8, $0xb8;
	[tilespmem:$0x14C80] =	vst v63  }
0x7a: {  	s29 =	sadd.s32 $0x180, s26  }
0x7b: {  	[tilespmem:s12], [sflag:$0x1] =	stream.indirect.gather [hbm4b:s3+s8], $0x40, s29, s8, $0xb8;
	[tilespmem:$0x14C80] =	vst v63  }
0x7c: {  	s30 =	sadd.s32 $0x200, s26  }
0x7d: {  	[tilespmem:s13], [sflag:$0x1] =	stream.indirect.gather [hbm4b:s3+s8], $0x40, s30, s8, $0xb8;
	[tilespmem:$0x14C80] =	vst v63  }
0x7e: {  	s31 =	sadd.s32 $0x280, s26  }
0x7f: {  	[tilespmem:s14], [sflag:$0x1] =	stream.indirect.gather [hbm4b:s3+s8], $0x40, s31, s8, $0xb8;
	[tilespmem:$0x14C80] =	vst v63  }
0x80: {  	s28 =	sadd.s32 $0x300, s26  }
0x81: {  	[tilespmem:s15], [sflag:$0x1] =	stream.indirect.gather [hbm4b:s3+s8], $0x40, s28, s8, $0xb8;
	[tilespmem:$0x14C80] =	vst v63  }
0x82: {  	s29 =	sadd.s32 $0x380, s26  }
0x83: {  	[tilespmem:s16], [sflag:$0x1] =	stream.indirect.gather [hbm4b:s3+s8], $0x40, s29, s8, $0xb8;
	[tilespmem:$0x14C80] =	vst v63  }
0x84: {  	s30 =	sadd.s32 $0x400, s26  }
0x85: {  	[tilespmem:s17], [sflag:$0x1] =	stream.indirect.gather [hbm4b:s3+s8], $0x40, s30, s8, $0xb8;
	[tilespmem:$0x14C80] =	vst v63  }
0x86: {  	s31 =	sadd.s32 $0x480, s26  }
0x87: {  	[tilespmem:s18], [sflag:$0x1] =	stream.indirect.gather [hbm4b:s3+s8], $0x40, s31, s8, $0xb8;
	[tilespmem:$0x14C80] =	vst v63  }
0x88: {  	s23 =	smov.u32 s25;
	_ =	swait.ge [sflag:s19], $0x1F40  }
0x89: {  	s24 =	sadd.s32 $0x1400, s25;
	s26 =	rddreg [dreg:$0x2];
	[sflag:s19] =	ssyncset.done $0x0  }
0x8a: {  	p0 =	sne.s32 s25, $0x3C00;
	[sflag:s19] =	ssyncadd.s32 $0xFFFFE0C0;
	s25 =	sadd.s32 s22, s26  }
0x8b: {  	[hbm4b:s25+s2] =	stream.linear.scatter [tilespmem:s9], [sflag:$0x2], $0x1F40, $0x38;
	[tilespmem:$0x14C80] =	vst v63  }
0x8c: {  	_ =	swait.ge [sflag:s19], $0x1F40  }
0x8d: {  	s28 =	rddreg [dreg:$0xb];
	[sflag:s19] =	ssyncset.done $0x0  }
0x8e: {  	[sflag:s19] =	ssyncadd.s32 $0xFFFFE0C0;
	s25 =	sadd.s32 s22, s28  }
0x8f: {  	[hbm4b:s25+s2] =	stream.linear.scatter [tilespmem:s10], [sflag:$0x2], $0x1F40, $0x38;
	[tilespmem:$0x14C80] =	vst v63  }
0x90: {  	_ =	swait.ge [sflag:s19], $0x1F40  }
0x91: {  	s29 =	rddreg [dreg:$0xa];
	[sflag:s19] =	ssyncset.done $0x0  }
0x92: {  	[sflag:s19] =	ssyncadd.s32 $0xFFFFE0C0;
	s25 =	sadd.s32 s22, s29  }
0x93: {  	[hbm4b:s25+s2] =	stream.linear.scatter [tilespmem:s11], [sflag:$0x2], $0x1F40, $0x38;
	[tilespmem:$0x14C80] =	vst v63  }
0x94: {  	_ =	swait.ge [sflag:s19], $0x1F40  }
0x95: {  	s30 =	rddreg [dreg:$0x9];
	[sflag:s19] =	ssyncset.done $0x0  }
0x96: {  	[sflag:s19] =	ssyncadd.s32 $0xFFFFE0C0;
	s25 =	sadd.s32 s22, s30  }
0x97: {  	[hbm4b:s25+s2] =	stream.linear.scatter [tilespmem:s12], [sflag:$0x2], $0x1F40, $0x38;
	[tilespmem:$0x14C80] =	vst v63  }
0x98: {  	_ =	swait.ge [sflag:s19], $0x1F40  }
0x99: {  	s31 =	rddreg [dreg:$0x8];
	[sflag:s19] =	ssyncset.done $0x0  }
0x9a: {  	[sflag:s19] =	ssyncadd.s32 $0xFFFFE0C0;
	s25 =	sadd.s32 s22, s31  }
0x9b: {  	[hbm4b:s25+s2] =	stream.linear.scatter [tilespmem:s13], [sflag:$0x2], $0x1F40, $0x38;
	[tilespmem:$0x14C80] =	vst v63  }
0x9c: {  	_ =	swait.ge [sflag:s19], $0x1F40  }
0x9d: {  	s26 =	rddreg [dreg:$0x7];
	[sflag:s19] =	ssyncset.done $0x0  }
0x9e: {  	[sflag:s19] =	ssyncadd.s32 $0xFFFFE0C0;
	s25 =	sadd.s32 s22, s26  }
0x9f: {  	[hbm4b:s25+s2] =	stream.linear.scatter [tilespmem:s14], [sflag:$0x2], $0x1F40, $0x38;
	[tilespmem:$0x14C80] =	vst v63  }
0xa0: {  	_ =	swait.ge [sflag:s19], $0x1F40  }
0xa1: {  	s28 =	rddreg [dreg:$0x6];
	[sflag:s19] =	ssyncset.done $0x0  }
0xa2: {  	[sflag:s19] =	ssyncadd.s32 $0xFFFFE0C0;
	s25 =	sadd.s32 s22, s28  }
0xa3: {  	[hbm4b:s25+s2] =	stream.linear.scatter [tilespmem:s15], [sflag:$0x2], $0x1F40, $0x38;
	[tilespmem:$0x14C80] =	vst v63  }
0xa4: {  	_ =	swait.ge [sflag:s19], $0x1F40  }
0xa5: {  	s29 =	rddreg [dreg:$0x5];
	[sflag:s19] =	ssyncset.done $0x0  }
0xa6: {  	[sflag:s19] =	ssyncadd.s32 $0xFFFFE0C0;
	s25 =	sadd.s32 s22, s29  }
0xa7: {  	[hbm4b:s25+s2] =	stream.linear.scatter [tilespmem:s16], [sflag:$0x2], $0x1F40, $0x38;
	[tilespmem:$0x14C80] =	vst v63  }
0xa8: {  	_ =	swait.ge [sflag:s19], $0x1F40  }
0xa9: {  	s30 =	rddreg [dreg:$0x4];
	[sflag:s19] =	ssyncset.done $0x0  }
0xaa: {  	[sflag:s19] =	ssyncadd.s32 $0xFFFFE0C0;
	s25 =	sadd.s32 s22, s30  }
0xab: {  	[hbm4b:s25+s2] =	stream.linear.scatter [tilespmem:s17], [sflag:$0x2], $0x1F40, $0x38;
	[tilespmem:$0x14C80] =	vst v63  }
0xac: {  	_ =	swait.ge [sflag:s19], $0x1F40  }
0xad: {  	s31 =	rddreg [dreg:$0x3];
	[sflag:s19] =	ssyncset.done $0x0  }
0xae: {  	[sflag:s19] =	ssyncadd.s32 $0xFFFFE0C0;
	s25 =	sadd.s32 s22, s31  }
0xaf: {  	[hbm4b:s25+s2] =	stream.linear.scatter [tilespmem:s18], [sflag:$0x2], $0x1F40, $0x38;
	[tilespmem:$0x14C80] =	vst v63  }
0xb0: {  	_ =	swait.ge [sflag:s20], $0x1F40  }
0xb1: {  	[sflag:s20] =	ssyncset.done $0x0  }
0xb2: {  	[sflag:s20] =	ssyncadd.s32 $0xFFFFE0C0  }
0xb3: {  	_ =	swait.ge [sflag:s20], $0x1F40  }
0xb4: {  	[sflag:s20] =	ssyncset.done $0x0  }
0xb5: {  	[sflag:s20] =	ssyncadd.s32 $0xFFFFE0C0  }
0xb6: {  	_ =	swait.ge [sflag:s20], $0x1F40  }
0xb7: {  	[sflag:s20] =	ssyncset.done $0x0  }
0xb8: {  	[sflag:s20] =	ssyncadd.s32 $0xFFFFE0C0  }
0xb9: {  	_ =	swait.ge [sflag:s20], $0x1F40  }
0xba: {  	[sflag:s20] =	ssyncset.done $0x0  }
0xbb: {  	[sflag:s20] =	ssyncadd.s32 $0xFFFFE0C0  }
0xbc: {  	_ =	swait.ge [sflag:s20], $0x1F40  }
0xbd: {  	[sflag:s20] =	ssyncset.done $0x0  }
0xbe: {  	[sflag:s20] =	ssyncadd.s32 $0xFFFFE0C0  }
0xbf: {  	_ =	swait.ge [sflag:s20], $0x1F40  }
0xc0: {  	[sflag:s20] =	ssyncset.done $0x0  }
0xc1: {  	[sflag:s20] =	ssyncadd.s32 $0xFFFFE0C0  }
0xc2: {  	_ =	swait.ge [sflag:s20], $0x1F40  }
0xc3: {  	[sflag:s20] =	ssyncset.done $0x0  }
0xc4: {  	[sflag:s20] =	ssyncadd.s32 $0xFFFFE0C0  }
0xc5: {  	_ =	swait.ge [sflag:s20], $0x1F40  }
0xc6: {  	[sflag:s20] =	ssyncset.done $0x0  }
0xc7: {  	[sflag:s20] =	ssyncadd.s32 $0xFFFFE0C0  }
.Ltmp0:
0xc8: {  	_ =	swait.ge [sflag:s20], $0x1F40;
	(pc) =	sbr.rel @p0 .LBB2_2-.Ltmp0, $4  }
0xc9: {  	[sflag:s20] =	ssyncset.done $0x0  }
0xca: {  	[sflag:s20] =	ssyncadd.s32 $0xFFFFE0C0  }
0xcb: {  	_ =	swait.ge [sflag:s20], $0x1F40  }
0xcc: {  	s22 =	sadd.s32 $0x2710, s22;
	s25 =	smov.u32 s24;
	[sflag:s20] =	ssyncset.done $0x0  }
0xcd: {  	s23 =	sshra.s32 s23, $0x2;
	[sflag:s20] =	ssyncadd.s32 $0xFFFFE0C0  }
0xce: {  	[tilespmem:s9], [sflag:$0x1] =	stream.indirect.gather [hbm4b:s3+s8], $0x40, s23, s8, $0xb8;
	[tilespmem:$0x14C80] =	vst v63  }
0xcf: {  	s24 =	sadd.s32 $0x80, s23  }
0xd0: {  	[tilespmem:s10], [sflag:$0x1] =	stream.indirect.gather [hbm4b:s3+s8], $0x40, s24, s8, $0xb8;
	[tilespmem:$0x14C80] =	vst v63  }
0xd1: {  	s26 =	sadd.s32 $0x100, s23  }
0xd2: {  	[tilespmem:s11], [sflag:$0x1] =	stream.indirect.gather [hbm4b:s3+s8], $0x40, s26, s8, $0xb8;
	[tilespmem:$0x14C80] =	vst v63  }
0xd3: {  	s28 =	sadd.s32 $0x180, s23  }
0xd4: {  	[tilespmem:s12], [sflag:$0x1] =	stream.indirect.gather [hbm4b:s3+s8], $0x40, s28, s8, $0xb8;
	[tilespmem:$0x14C80] =	vst v63  }
0xd5: {  	s29 =	sadd.s32 $0x200, s23  }
0xd6: {  	[tilespmem:s13], [sflag:$0x1] =	stream.indirect.gather [hbm4b:s3+s8], $0x40, s29, s8, $0xb8;
	[tilespmem:$0x14C80] =	vst v63  }
0xd7: {  	s30 =	sadd.s32 $0x280, s23  }
0xd8: {  	[tilespmem:s14], [sflag:$0x1] =	stream.indirect.gather [hbm4b:s3+s8], $0x40, s30, s8, $0xb8;
	[tilespmem:$0x14C80] =	vst v63  }
0xd9: {  	s31 =	sadd.s32 $0x300, s23  }
0xda: {  	[tilespmem:s15], [sflag:$0x1] =	stream.indirect.gather [hbm4b:s3+s8], $0x40, s31, s8, $0xb8;
	[tilespmem:$0x14C80] =	vst v63  }
0xdb: {  	s25 =	sadd.s32 $0x380, s23  }
0xdc: {  	[tilespmem:s16], [sflag:$0x1] =	stream.indirect.gather [hbm4b:s3+s8], $0x40, s25, s8, $0xb8;
	[tilespmem:$0x14C80] =	vst v63  }
0xdd: {  	s26 =	sadd.s32 $0x400, s23  }
0xde: {  	[tilespmem:s17], [sflag:$0x1] =	stream.indirect.gather [hbm4b:s3+s8], $0x40, s26, s8, $0xb8;
	[tilespmem:$0x14C80] =	vst v63  }
0xdf: {  	s23 =	sadd.s32 $0x480, s23  }
0xe0: {  	[tilespmem:s18], [sflag:$0x1] =	stream.indirect.gather [hbm4b:s3+s8], $0x40, s23, s8, $0xb8;
	[tilespmem:$0x14C80] =	vst v63  }
0xe1: {  	_ =	swait.ge [sflag:s19], $0x1F40  }
0xe2: {  	s28 =	rddreg [dreg:$0x2];
	[sflag:s19] =	ssyncset.done $0x0  }
0xe3: {  	[sflag:s19] =	ssyncadd.s32 $0xFFFFE0C0;
	s23 =	sadd.s32 s22, s28  }
0xe4: {  	[hbm4b:s23+s2] =	stream.linear.scatter [tilespmem:s9], [sflag:$0x2], $0x1F40, $0x38;
	[tilespmem:$0x14C80] =	vst v63  }
0xe5: {  	_ =	swait.ge [sflag:s19], $0x1F40  }
0xe6: {  	s29 =	rddreg [dreg:$0xb];
	[sflag:s19] =	ssyncset.done $0x0  }
0xe7: {  	[sflag:s19] =	ssyncadd.s32 $0xFFFFE0C0;
	s23 =	sadd.s32 s22, s29  }
0xe8: {  	[hbm4b:s23+s2] =	stream.linear.scatter [tilespmem:s10], [sflag:$0x2], $0x1F40, $0x38;
	[tilespmem:$0x14C80] =	vst v63  }
0xe9: {  	_ =	swait.ge [sflag:s19], $0x1F40  }
0xea: {  	s30 =	rddreg [dreg:$0xa];
	[sflag:s19] =	ssyncset.done $0x0  }
0xeb: {  	[sflag:s19] =	ssyncadd.s32 $0xFFFFE0C0;
	s23 =	sadd.s32 s22, s30  }
0xec: {  	[hbm4b:s23+s2] =	stream.linear.scatter [tilespmem:s11], [sflag:$0x2], $0x1F40, $0x38;
	[tilespmem:$0x14C80] =	vst v63  }
0xed: {  	_ =	swait.ge [sflag:s19], $0x1F40  }
0xee: {  	s31 =	rddreg [dreg:$0x9];
	[sflag:s19] =	ssyncset.done $0x0  }
0xef: {  	[sflag:s19] =	ssyncadd.s32 $0xFFFFE0C0;
	s23 =	sadd.s32 s22, s31  }
0xf0: {  	[hbm4b:s23+s2] =	stream.linear.scatter [tilespmem:s12], [sflag:$0x2], $0x1F40, $0x38;
	[tilespmem:$0x14C80] =	vst v63  }
0xf1: {  	_ =	swait.ge [sflag:s19], $0x1F40  }
0xf2: {  	s24 =	rddreg [dreg:$0x8];
	[sflag:s19] =	ssyncset.done $0x0  }
0xf3: {  	[sflag:s19] =	ssyncadd.s32 $0xFFFFE0C0;
	s23 =	sadd.s32 s22, s24  }
0xf4: {  	[hbm4b:s23+s2] =	stream.linear.scatter [tilespmem:s13], [sflag:$0x2], $0x1F40, $0x38;
	[tilespmem:$0x14C80] =	vst v63  }
0xf5: {  	_ =	swait.ge [sflag:s19], $0x1F40  }
0xf6: {  	s25 =	rddreg [dreg:$0x7];
	[sflag:s19] =	ssyncset.done $0x0  }
0xf7: {  	[sflag:s19] =	ssyncadd.s32 $0xFFFFE0C0;
	s23 =	sadd.s32 s22, s25  }
0xf8: {  	[hbm4b:s23+s2] =	stream.linear.scatter [tilespmem:s14], [sflag:$0x2], $0x1F40, $0x38;
	[tilespmem:$0x14C80] =	vst v63  }
0xf9: {  	_ =	swait.ge [sflag:s19], $0x1F40  }
0xfa: {  	s26 =	rddreg [dreg:$0x6];
	[sflag:s19] =	ssyncset.done $0x0  }
0xfb: {  	[sflag:s19] =	ssyncadd.s32 $0xFFFFE0C0;
	s23 =	sadd.s32 s22, s26  }
0xfc: {  	[hbm4b:s23+s2] =	stream.linear.scatter [tilespmem:s15], [sflag:$0x2], $0x1F40, $0x38;
	[tilespmem:$0x14C80] =	vst v63  }
0xfd: {  	_ =	swait.ge [sflag:s19], $0x1F40  }
0xfe: {  	s28 =	rddreg [dreg:$0x5];
	[sflag:s19] =	ssyncset.done $0x0  }
0xff: {  	[sflag:s19] =	ssyncadd.s32 $0xFFFFE0C0;
	s23 =	sadd.s32 s22, s28  }
0x100: {  	[hbm4b:s23+s2] =	stream.linear.scatter [tilespmem:s16], [sflag:$0x2], $0x1F40, $0x38;
	[tilespmem:$0x14C80] =	vst v63  }
0x101: {  	_ =	swait.ge [sflag:s19], $0x1F40  }
0x102: {  	s29 =	rddreg [dreg:$0x4];
	[sflag:s19] =	ssyncset.done $0x0  }
0x103: {  	[sflag:s19] =	ssyncadd.s32 $0xFFFFE0C0;
	s23 =	sadd.s32 s22, s29  }
0x104: {  	[hbm4b:s23+s2] =	stream.linear.scatter [tilespmem:s17], [sflag:$0x2], $0x1F40, $0x38;
	[tilespmem:$0x14C80] =	vst v63  }
0x105: {  	_ =	swait.ge [sflag:s19], $0x1F40  }
0x106: {  	s30 =	rddreg [dreg:$0x3];
	[sflag:s19] =	ssyncset.done $0x0  }
0x107: {  	[sflag:s19] =	ssyncadd.s32 $0xFFFFE0C0;
	s31 =	sadd.s32 s22, s30  }
0x108: {  	[hbm4b:s31+s2] =	stream.linear.scatter [tilespmem:s18], [sflag:$0x2], $0x1F40, $0x38;
	[tilespmem:$0x14C80] =	vst v63  }
0x109: {  	_ =	swait.ge [sflag:s20], $0x1F40  }
0x10a: {  	[sflag:s20] =	ssyncset.done $0x0  }
0x10b: {  	[sflag:s20] =	ssyncadd.s32 $0xFFFFE0C0  }
0x10c: {  	_ =	swait.ge [sflag:s20], $0x1F40  }
0x10d: {  	[sflag:s20] =	ssyncset.done $0x0  }
0x10e: {  	[sflag:s20] =	ssyncadd.s32 $0xFFFFE0C0  }
0x10f: {  	_ =	swait.ge [sflag:s20], $0x1F40  }
0x110: {  	[sflag:s20] =	ssyncset.done $0x0  }
0x111: {  	[sflag:s20] =	ssyncadd.s32 $0xFFFFE0C0  }
0x112: {  	_ =	swait.ge [sflag:s20], $0x1F40  }
0x113: {  	[sflag:s20] =	ssyncset.done $0x0  }
0x114: {  	[sflag:s20] =	ssyncadd.s32 $0xFFFFE0C0  }
0x115: {  	_ =	swait.ge [sflag:s20], $0x1F40  }
0x116: {  	[sflag:s20] =	ssyncset.done $0x0  }
0x117: {  	[sflag:s20] =	ssyncadd.s32 $0xFFFFE0C0  }
0x118: {  	_ =	swait.ge [sflag:s20], $0x1F40  }
0x119: {  	[sflag:s20] =	ssyncset.done $0x0  }
0x11a: {  	[sflag:s20] =	ssyncadd.s32 $0xFFFFE0C0  }
0x11b: {  	_ =	swait.ge [sflag:s20], $0x1F40  }
0x11c: {  	[sflag:s20] =	ssyncset.done $0x0  }
0x11d: {  	[sflag:s20] =	ssyncadd.s32 $0xFFFFE0C0  }
0x11e: {  	_ =	swait.ge [sflag:s20], $0x1F40  }
0x11f: {  	[sflag:s20] =	ssyncset.done $0x0  }
0x120: {  	s21 =	sadd.s32 $0x1, s21;
	[sflag:s20] =	ssyncadd.s32 $0xFFFFE0C0  }
0x121: {  	p0 =	sne.s32 s21, s6;
	_ =	swait.ge [sflag:s20], $0x1F40  }
.Ltmp1:
0x122: {  	[sflag:s20] =	ssyncset.done $0x0;
	(pc) =	sbr.rel @p0 .LBB2_1-.Ltmp1, $4  }
0x123: {  	[sflag:s20] =	ssyncadd.s32 $0xFFFFE0C0  }
0x124: {  	_ =	swait.ge [sflag:s20], $0x1F40  }
0x125: {  	[sflag:s20] =	ssyncset.done $0x0  }
0x126: {  	[sflag:s20] =	ssyncadd.s32 $0xFFFFE0C0  }
0x127: {  	_ =	sfence.sel $0x180000  }
0x128: {  	[bflag:$0x0] =	sbarrier.arrive $0xFFFF  }
0x129: {  	p0 =	sne.s32 s0, $0x0;
	_ =	strace $0x90000047  }
0x12a: {  	s0 =	sadd.s32 @!p0 $0x100000, s1;
	[bflag:$0x2] =	sbarrier.arrive $0xFFFF  }
0x12b: {  	[sflag:s0] =	ssyncadd.tile.s32 @!p0 $0x1;
	_ =	shalt  }
.Lfunc_end2:
_tile_overlayer_lowered:
.L_overlay_start_2:
0x12c: {  	(tag) =	ssettag $0x2  }
0x12d: {  	s0 =	rddreg [dreg:$0x0];
	s2 =	stileid.u32  }
0x12e: {  	s1 =	rddreg [dreg:$0x1];
	p0 =	sne.s32 s2, $0x0  }
0x12f: {  	s3 =	rddreg [dreg:$0x2];
	[bflag:$0x3] =	sbarrier.arrive $0xFFFF;
	s2 =	simm.s32 @!p0 $0x1C03  }
0x130: {  	[timem:s3], [sflag:s2] =	dma.local @!p0 [hbm:s0], s1  }
0x131: {  	s0 =	simm.s32 @!p0 $0x3  }
0x132: {  	_ =	swait.ge @!p0 [sflag:s0], s1  }
0x133: {  	s1 =	ssub.s32 @!p0 $0x0, s1;
	[sflag:s0] =	ssyncset.done @!p0 $0x0  }
0x134: {  	[sflag:s0] =	ssyncadd.s32 @!p0 s1  }
0x135: {  	[bflag:$0x3] =	sbarrier.arrive $0xFFFF  }
0x136: {  	_ =	shalt  }

// kernel: kernel.14.cloned.1.call-start
scs
__scs_entry_jumppad:
0x0: {  	(pc) =	sbr.rel $0x88, $3  }
0x1: {  	(tag) =	ssettag $0x0;
	lr =	simm.s32 $0x1  }
0x2: {  	[smem:$0x3F84] =	sst lr;
	_ =	strace $0xD0000000  }
0x3: {  	_ = 	snop  }
0x4: {  	_ = 	snop  }
0x5: {  	_ = 	snop  }
0x6: {  	_ = 	snop  }
0x7: {  	_ = 	snop  }
__scs_overlays_trampoline_lowered:
0x8: {  	[smem:$0x3F93] =	sst s0  }
0x9: {  	[smem:$0x3F94] =	sst s1  }
0xa: {  	[smem:$0x3F95] =	sst s2  }
0xb: {  	[smem:$0x3F96] =	sst s3  }
0xc: {  	[smem:$0x3F97] =	sst s4  }
0xd: {  	[smem:$0x3F98] =	sst s5  }
0xe: {  	[smem:$0x3F99] =	sst s6  }
0xf: {  	[smem:$0x3F9A] =	sst s7  }
0x10: {  	[smem:$0x3F9B] =	sst s8  }
0x11: {  	[smem:$0x3F9C] =	sst s9;
	s0 =	simm.s32 @!p0 $0x0  }
0x12: {  	s1 =	sld [smem:$0x3F82];
	s0 =	simm.s32 @p0 $0x1  }
0x13: {  	[smem:$0x3F9D] =	sst s0;
	s0 =	simm.s32 @!p1 $0x0  }
0x14: {  	s2 =	sld [smem:$0x3F81];
	s0 =	simm.s32 @p1 $0x1  }
0x15: {  	[smem:$0x3F9E] =	sst s0;
	s0 =	simm.s32 @!p2 $0x0  }
0x16: {  	s3 =	sld [smem:$0x3FDB];
	s0 =	simm.s32 @p2 $0x1  }
0x17: {  	s4 =	simm.s32 $0x1BF5;
	[smem:$0x3FA0] =	sst s0  }
0x18: {  	s0 =	sld [smem:$0x3F83];
	_ =	swait.ge [sflag:s4], $0x0  }
0x19: {  	s7 =	sld [smem:$0x3F84]  }
0x1a: {  	s8 =	sadd.s32 $0xFFFFE003, lr  }
0x1b: {  	s9 =	sadd.s32 $0xFFFFFEF7, lr;
	s5 =	simm.s32 $0xFFFFFFFF;
	p2 =	slt.u32 s8, $0xFFFFF086  }
0x1c: {  	p1 =	slt.u32 s9, $0xF7A;
	s5 =	simm.s32 @!p2 $0x0  }
0x1d: {  	s5 =	simm.s32 @p1 $0x1;
	p0 =	seq.s32 s7, s2  }
0x1e: {  	s7 =	smul.u32 @!p0 $0xF7A, s2;
	p2 =	seq.s32 @!p0 s5, $0x0  }
0x1f: {  	s9 =	smul.u32 $0xF7A, s1;
	s8 =	simm.s32 @!p0 $0x1BF5;
	p2 =	por !p2, p0  }
0x20: {  	[sflag:s8] =	ssyncset.s32 @!p0 $0xFFFFF086;
	s6 =	sadd.s32 @!p0 s3, s7;
	s7 =	simm.s32 @!p0 $0x108  }
0x21: {  	s3 =	sadd.s32 s3, s9;
	s6 =	sadd.s32 @!p0 $0x88, s6;
	s7 =	simm.s32 @p2 $0x1082  }
0x22: {  	[simem:s7], [sflag:s8] =	dma.local @!p0 [hbm:s6], $0xF7A  }
0x23: {  	s9 =	sor.u32 $0xD0000000, s2;
	s6 =	simm.s32 $0x108;
	_ =	swait.ge @!p0 [sflag:s8], $0x0  }
0x24: {  	s3 =	sadd.s32 $0x88, s3;
	s6 =	simm.s32 @!p1 $0x1082;
	[sflag:s4] =	ssyncset.s32 $0xFFFFF086  }
0x25: {  	[simem:s6], [sflag:s4] =	dma.local [hbm:s3], $0xF7A  }
0x26: {  	[smem:$0x3F84] =	sst s1;
	(tag) =	ssettag s2;
	_ =	strace s9  }
0x27: {  	s1 =	sld [smem:$0x3F94]  }
0x28: {  	s2 =	sld [smem:$0x3F95]  }
0x29: {  	s4 =	sld [smem:$0x3F97]  }
0x2a: {  	p0 =	seq.s32 s5, $0x0;
	s5 =	sld [smem:$0x3F98]  }
0x2b: {  	s6 =	sld [smem:$0x3F99]  }
0x2c: {  	s7 =	sld [smem:$0x3F9A]  }
0x2d: {  	s3 =	simm.s32 $0x108;
	s8 =	sld [smem:$0x3F9B]  }
0x2e: {  	s3 =	simm.s32 @!p0 $0x1082;
	s9 =	sld [smem:$0x3F9C]  }
0x2f: {  	lr =	sadd.s32 s0, s3;
	s0 =	sld [smem:$0x3F93]  }
0x30: {  	s3 =	sld [smem:$0x3F96]  }
0x31: {  	[smem:$0x3F9F] =	sst s10  }
0x32: {  	s10 =	sld [smem:$0x3F9D];
	_ =	sdelay $0x3  }
0x33: {  	p0 =	seq.s32 s10, $0x1;
	s10 =	sld [smem:$0x3F9F];
	_ =	sdelay $0x3  }
0x34: {  	[smem:$0x3F9F] =	sst s10  }
0x35: {  	s10 =	sld [smem:$0x3F9E];
	_ =	sdelay $0x3  }
0x36: {  	p1 =	seq.s32 s10, $0x1;
	s10 =	sld [smem:$0x3F9F];
	_ =	sdelay $0x3  }
0x37: {  	[smem:$0x3F9F] =	sst s10  }
0x38: {  	s10 =	sld [smem:$0x3FA0]  }
0x39: {  	_ = 	snop;
	(pc) =	sbr.ind lr, $3  }
0x3a: {  	_ = 	snop  }
0x3b: {  	_ = 	snop  }
0x3c: {  	p2 =	seq.s32 s10, $0x1;
	s10 =	sld [smem:$0x3F9F]  }
0x3d: {  	_ =	shalt  }
0x3e: {  	_ =	shalt  }
0x3f: {  	_ =	shalt  }
0x40: {  	_ =	shalt  }
0x41: {  	_ =	shalt  }
0x42: {  	_ =	shalt  }
0x43: {  	_ =	shalt  }
0x44: {  	_ =	shalt  }
0x45: {  	_ =	shalt  }
0x46: {  	_ =	shalt  }
0x47: {  	_ =	shalt  }
0x48: {  	_ =	shalt  }
0x49: {  	_ =	shalt  }
0x4a: {  	_ =	shalt  }
0x4b: {  	_ =	shalt  }
0x4c: {  	_ =	shalt  }
0x4d: {  	_ =	shalt  }
0x4e: {  	_ =	shalt  }
0x4f: {  	_ =	shalt  }
0x50: {  	_ =	shalt  }
0x51: {  	_ =	shalt  }
0x52: {  	_ =	shalt  }
0x53: {  	_ =	shalt  }
0x54: {  	_ =	shalt  }
0x55: {  	_ =	shalt  }
0x56: {  	_ =	shalt  }
0x57: {  	_ =	shalt  }
0x58: {  	_ =	shalt  }
0x59: {  	_ =	shalt  }
0x5a: {  	_ =	shalt  }
0x5b: {  	_ =	shalt  }
0x5c: {  	_ =	shalt  }
0x5d: {  	_ =	shalt  }
0x5e: {  	_ =	shalt  }
0x5f: {  	_ =	shalt  }
0x60: {  	_ =	shalt  }
0x61: {  	_ =	shalt  }
0x62: {  	_ =	shalt  }
0x63: {  	_ =	shalt  }
0x64: {  	_ =	shalt  }
0x65: {  	_ =	shalt  }
0x66: {  	_ =	shalt  }
0x67: {  	_ =	shalt  }
0x68: {  	_ =	shalt  }
0x69: {  	_ =	shalt  }
0x6a: {  	_ =	shalt  }
0x6b: {  	_ =	shalt  }
0x6c: {  	_ =	shalt  }
0x6d: {  	_ =	shalt  }
0x6e: {  	_ =	shalt  }
0x6f: {  	_ =	shalt  }
0x70: {  	_ =	shalt  }
0x71: {  	_ =	shalt  }
0x72: {  	_ =	shalt  }
0x73: {  	_ =	shalt  }
0x74: {  	_ =	shalt  }
0x75: {  	_ =	shalt  }
0x76: {  	_ =	shalt  }
0x77: {  	_ =	shalt  }
0x78: {  	_ =	shalt  }
0x79: {  	_ =	shalt  }
0x7a: {  	_ =	shalt  }
0x7b: {  	_ =	shalt  }
0x7c: {  	_ =	shalt  }
0x7d: {  	_ =	shalt  }
0x7e: {  	_ =	shalt  }
0x7f: {  	_ =	shalt  }
0x80: {  	_ =	shalt  }
0x81: {  	_ =	shalt  }
0x82: {  	_ =	shalt  }
0x83: {  	_ =	shalt  }
0x84: {  	_ =	shalt  }
0x85: {  	_ =	shalt  }
0x86: {  	_ =	shalt  }
0x87: {  	_ =	shalt  }
.Lfunc_end0:
.L_simem_size_0:
called_computation.1_lowered:
.L_overlay_start_0:
0x88: {  	s2 =	sld [smem:$0x3FD9]  }
0x89: {  	s3 =	sld [smem:$0x3FFE];
	_ =	sdelay $0x1  }
0x8a: {  	s1 =	srdreg.scid  }
0x8b: {  	s0 =	sand.u32 $0x1, s1  }
0x8c: {  	s17 =	sshll.u32 s0, $0xA;
	s2 =	sadd.s32 s3, s2  }
0x8d: {  	s2 =	sadd.s32 s2, s17  }
0x8e: {  	[smem:$0x3FAB] =	sst s2  }
0x8f: {  	_ = 	snop  }
0x90: {  	s2 =	sld [smem:$0x3FD0];
	(tm) =	ssettm $0x1  }
0x91: {  	s18 =	sld [smem:$0x3FFB];
	_ =	sdelay $0x3  }
0x92: {  	_ =	strace s18  }
0x93: {  	s3 =	sld [smem:$0x3FFC];
	_ =	sdelay $0x3  }
0x94: {  	_ =	strace s3  }
0x95: {  	s3 =	sld [smem:$0x3FFD];
	_ =	sdelay $0x3  }
0x96: {  	_ =	strace s3  }
0x97: {  	_ =	strace $0x8FFFFFFF  }
0x98: {  	s19 =	sld [smem:$0x3FDB];
	_ =	sdelay $0x1  }
0x99: {  	s4 =	simm.s32 $_scs_section_size  }
0x9a: {  	s5 =	simm.s32 $_size__tile_overlayer_lowered;
	s6 =	simm.s32 $_tile_overlayer_lowered  }
0x9b: {  	s22 =	simm.s32 $0x1BFF;
	s21 =	sshll.u32 s6, $0x1;
	s3 =	sadd.s32 s4, s19  }
0x9c: {  	s7 =	simm.s32 $0x0;
	s20 =	sshll.u32 s5, $0x1;
	s5 =	sadd.s32 s21, s3  }
0x9d: {  	[timem:s7], [sflag:s22] =	dma.local [hbm:s5], s20  }
0x9e: {  	_ =	swait.ge [sflag:s22], s20  }
0x9f: {  	s4 =	ssub.s32 $0x0, s20;
	[sflag:s22] =	ssyncset.done $0x0  }
0xa0: {  	[sflag:s22] =	ssyncadd.s32 s4;
	_ =	sdelay $0x1  }
0xa1: {  	s23 =	simm.s32 $0x1B8B  }
0xa2: {  	_ =	swait.ge [sflag:s23], $0x1  }
0xa3: {  	[sflag:s23] =	ssyncset.done $0x0  }
0xa4: {  	s25 =	simm.s32 $0x1B8E;
	s24 =	sld [smem:$0x3FFE];
	[sflag:s23] =	ssyncadd.s32 $0xFFFFFFFF  }
0xa5: {  	s26 =	simm.s32 $execute0_lowered;
	[smem:$0x3FD2] =	sst s25  }
0xa6: {  	s5 =	sshll.u32 s26, $0x1;
	_ =	strace $0x80000049;
	[dreg:$0x1] =	wrdreg $0xFFFFFFFF  }
0xa7: {  	s28 =	simm.s32 $_size_execute0_lowered;
	s3 =	sadd.s32 s3, s5;
	[dreg:$0x0] =	wrdreg $0x0  }
0xa8: {  	s5 =	sshll.u32 s28, $0x1;
	[dreg:$0x2] =	wrdreg s3  }
0xa9: {  	[dreg:$0x3] =	wrdreg s5  }
0xaa: {  	[dreg:$0x4] =	wrdreg $0xC0  }
0xab: {  	_ =	task [dreg:s7], $0x5FFFF  }
0xac: {  	[dreg:$0x1] =	wrdreg $0xFFFFFFFF  }
0xad: {  	[dreg:$0x0] =	wrdreg $0x60  }
0xae: {  	[dreg:$0x2] =	wrdreg s24  }
0xaf: {  	[dreg:$0x3] =	wrdreg s2  }
0xb0: {  	[dreg:$0x4] =	wrdreg $0x154500  }
0xb1: {  	[dreg:$0x5] =	wrdreg $0x17B700  }
0xb2: {  	[dreg:$0x6] =	wrdreg $0x9  }
0xb3: {  	_ =	task.clear_ibuf [dreg:s7], $0x7FFFF;
	_ =	strace $0x90000049  }
0xb4: {  	s29 =	simm.s32 $0x9;
	_ =	strace $0x8000004B  }
0xb5: {  	_ =	swait.ge [sflag:s29], $0x1  }
0xb6: {  	[sflag:s29] =	ssyncadd.s32 $0xFFFFFFFF  }
0xb7: {  	_ =	strace $0x9000004B  }
0xb8: {  	_ =	sfence  }
0xb9: {  	s30 =	sld [smem:$0x0];
	_ =	sdelay $0x2  }
0xba: {  	s31 =	sshll.u32 s1, $0xD;
	s1 =	sshrl.u32 s1, $0x2  }
0xbb: {  	s3 =	sand.u32 $0x4000, s31;
	s1 =	sadd.s32 s1, s30  }
0xbc: {  	s0 =	sor.u32 s3, s0;
	s1 =	sshll.u32 s1, $0x11  }
0xbd: {  	s0 =	sor.u32 s1, s0  }
0xbe: {  	s0 =	sadd.s32 $0x8F2B, s0  }
0xbf: {  	[sflag:s0] =	ssyncadd.remote.s32 $0x1  }
0xc0: {  	_ =	sfence.sel $0xFFFF  }
0xc1: {  	[dreg:$0x0] =	wrdreg $0xFFFFFFFF;
	(pc) =	sbr.abs _section_cstart, $3  }
0xc2: {  	[dreg:$0x1] =	wrdreg $0xFFFFFFFF  }
0xc3: {  	_ =	task.clear_ibuf [dreg:s7], $0x2FFFF;
	_ =	strace $0x9FFFFFFF  }
0xc4: {  	(tm) =	ssettm $0x7FFFFFFF  }
0xc5: {  	_ =	shalt  }
tec
execute0_lowered:
.L_overlay_start_1:
0x0: {  	(tag) =	ssettag $0x1  }
0x1: {  	s6 =	rddreg [dreg:$0x0]  }
0x2: {  	s1 =	srdreg.scid;
	s2 =	rddreg [dreg:$0x1]  }
0x3: {  	s0 =	stileid.u32;
	s3 =	rddreg [dreg:$0x2]  }
0x4: {  	s4 =	rddreg [dreg:$0x3];
	s5 =	simm.s32 $0x0;
	s17 =	simm.s32 $0x7D  }
0x5: {  	s7 =	sand.u32 $0x1, s1;
	s25 =	sshll.u32 s0, $0x1;
	s10 =	smul.u32 $0x2720, s0  }
0x6: {  	s18 =	simm.s32 $0x1;
	s1 =	sor.u32 s7, s25;
	s11 =	smul.u32 $0x27200, s7  }
0x7: {  	s19 =	simm.s32 $0x0;
	[smem:$0x7FF] =	sst s5;
	s8 =	smul.u32 $0x2710, s1  }
0x8: {  	s31 =	sshll.u32 s0, $0x6;
	s7 =	ssub.s32 $0x2, s7;
	s9 =	smul.u32 $0x280, s1  }
0x9: {  	s1 =	rddreg [dreg:$0x4];
	_ =	strace $0x8000004A;
	s29 =	sshrl.u32 s10, $0x3  }
0xa: {  	s30 =	sshrl.u32 s7, $0x1;
	s15 =	sadd.s32 s10, s3;
	s16 =	sadd.s32 s10, s4  }
0xb: {  	s28 =	sadd.s32 s10, s11;
	s11 =	sadd.s32 s29, s6;
	s14 =	ssub.s32 s7, s30  }
0xc: {  	s7 =	sor.u32 $0x1C02, s31;
	s26 =	sadd.s32 s9, s6;
	s9 =	sshrl.u32 s28, $0x3  }
0xd: {  	s12 =	sadd.s32 s8, s6;
	s13 =	sadd.s32 s9, s6;
	s6 =	sadd.s32 $0x2DA00, s11  }
0xe: {  	s8 =	sadd.s32 $0x3EFC00, s26;
	s9 =	sadd.s32 $0x46400, s12;
	s12 =	smax.u32 s14, $0x1  }
0xf: {  	s14 =	simm.s32 $0x2;
	s10 =	sadd.s32 $0x94600, s13;
	s11 =	sadd.s32 $0x32A00, s13  }
0x10: {  	s13 =	sshrl.u32 s15, $0x3;
	s15 =	sshrl.u32 s16, $0x3;
	s16 =	simm.s32 $0x14C80  }
.LBB2_1:
0x11: {  	[spmem:s13], [sflag:s7] =	dma.local [hbm:s6], $0x4E4  }
0x12: {  	_ =	swait.ge [sflag:s14], $0x4E4  }
0x13: {  	[sflag:s14] =	ssyncset.done $0x0  }
0x14: {  	[sflag:s14] =	ssyncadd.s32 $0xFFFFFB1C  }
0x15: {  	[spmem:s15], [sflag:s7] =	dma.local [hbm:s6], $0x4E4  }
0x16: {  	_ =	swait.ge [sflag:s14], $0x4E4  }
0x17: {  	[sflag:s14] =	ssyncset.done $0x0  }
0x18: {  	[sflag:s14] =	ssyncadd.s32 $0xFFFFFB1C  }
0x19: {  	[tilespmem:s16], [sflag:$0x2] =	stream.linear.gather [hbm4b:s2+s5], $0x7D0, $0x38;
	[tilespmem:$0x1A290] =	vst v63  }
0x1a: {  	_ =	swait.ge [sflag:s14], $0x7D0  }
0x1b: {  	[sflag:s14] =	ssyncset.done $0x0  }
0x1c: {  	[sflag:s14] =	ssyncadd.s32 $0xFFFFF830  }
0x1d: {  	[bflag:$0x0] =	sbarrier.arrive $0xFFFF  }
0x1e: {  	[tilespmem:s5], [sflag:$0x2] =	stream.linear.gather [hbm4b:s8+s5], $0x1400, $0x38;
	[tilespmem:$0x1A290] =	vst v63  }
0x1f: {  	_ =	swait.ge [sflag:s14], $0x1400  }
0x20: {  	[sflag:s14] =	ssyncset.done $0x0  }
0x21: {  	s20 =	simm.s32 $0x1400;
	[sflag:s14] =	ssyncadd.s32 $0xFFFFEC00  }
0x22: {  	[tilespmem:s20], [sflag:$0x2] =	stream.linear.gather [hbm4b:s9+s5], $0x13880, $0x38;
	[tilespmem:$0x1A290] =	vst v63  }
0x23: {  	_ =	swait.ge [sflag:s14], $0x13880  }
0x24: {  	[sflag:s14] =	ssyncset.done $0x0  }
0x25: {  	s21 =	simm.s32 $0x0;
	[sflag:s14] =	ssyncadd.s32 $0xFFFEC780  }
0x26: {  	[spmem:s3] =	stream.indirect.scatter.add.f32 [tilespmem:s20], [sflag:$0x1], $0x10, s21, s17, $0xb8;
	[tilespmem:$0x1A290] =	vst v63  }
0x27: {  	_ = 	snop  }
0x28: {  	[spmem:s4] =	stream.indirect.scatter.add.f32 [tilespmem:s16], [sflag:$0x1], $0x10, s21, s17, $0xb8;
	[tilespmem:$0x1A290] =	vst v63  }
0x29: {  	s23 =	simm.s32 $0x1BD0;
	s24 =	simm.s32 $0x80  }
0x2a: {  	[spmem:s3] =	stream.indirect.scatter.add.f32 [tilespmem:s23], [sflag:$0x1], $0x10, s24, s17, $0xb8;
	[tilespmem:$0x1A290] =	vst v63  }
0x2b: {  	_ = 	snop  }
0x2c: {  	[spmem:s4] =	stream.indirect.scatter.add.f32 [tilespmem:s16], [sflag:$0x1], $0x10, s24, s17, $0xb8;
	[tilespmem:$0x1A290] =	vst v63  }
0x2d: {  	s25 =	simm.s32 $0x23A0;
	s26 =	simm.s32 $0x100  }
0x2e: {  	[spmem:s3] =	stream.indirect.scatter.add.f32 [tilespmem:s25], [sflag:$0x1], $0x10, s26, s17, $0xb8;
	[tilespmem:$0x1A290] =	vst v63  }
0x2f: {  	_ = 	snop  }
0x30: {  	[spmem:s4] =	stream.indirect.scatter.add.f32 [tilespmem:s16], [sflag:$0x1], $0x10, s26, s17, $0xb8;
	[tilespmem:$0x1A290] =	vst v63  }
0x31: {  	s28 =	simm.s32 $0x2B70;
	s29 =	simm.s32 $0x180  }
0x32: {  	[spmem:s3] =	stream.indirect.scatter.add.f32 [tilespmem:s28], [sflag:$0x1], $0x10, s29, s17, $0xb8;
	[tilespmem:$0x1A290] =	vst v63  }
0x33: {  	_ = 	snop  }
0x34: {  	[spmem:s4] =	stream.indirect.scatter.add.f32 [tilespmem:s16], [sflag:$0x1], $0x10, s29, s17, $0xb8;
	[tilespmem:$0x1A290] =	vst v63  }
0x35: {  	s30 =	simm.s32 $0x3340;
	s31 =	simm.s32 $0x200  }
0x36: {  	[spmem:s3] =	stream.indirect.scatter.add.f32 [tilespmem:s30], [sflag:$0x1], $0x10, s31, s17, $0xb8;
	[tilespmem:$0x1A290] =	vst v63  }
0x37: {  	_ = 	snop  }
0x38: {  	[spmem:s4] =	stream.indirect.scatter.add.f32 [tilespmem:s16], [sflag:$0x1], $0x10, s31, s17, $0xb8;
	[tilespmem:$0x1A290] =	vst v63  }
0x39: {  	s22 =	simm.s32 $0x280;
	s21 =	simm.s32 $0x3B10  }
0x3a: {  	[spmem:s3] =	stream.indirect.scatter.add.f32 [tilespmem:s21], [sflag:$0x1], $0x10, s22, s17, $0xb8;
	[tilespmem:$0x1A290] =	vst v63  }
0x3b: {  	_ = 	snop  }
0x3c: {  	[spmem:s4] =	stream.indirect.scatter.add.f32 [tilespmem:s16], [sflag:$0x1], $0x10, s22, s17, $0xb8;
	[tilespmem:$0x1A290] =	vst v63  }
0x3d: {  	s23 =	simm.s32 $0x42E0;
	s24 =	simm.s32 $0x300  }
0x3e: {  	[spmem:s3] =	stream.indirect.scatter.add.f32 [tilespmem:s23], [sflag:$0x1], $0x10, s24, s17, $0xb8;
	[tilespmem:$0x1A290] =	vst v63  }
0x3f: {  	_ = 	snop  }
0x40: {  	[spmem:s4] =	stream.indirect.scatter.add.f32 [tilespmem:s16], [sflag:$0x1], $0x10, s24, s17, $0xb8;
	[tilespmem:$0x1A290] =	vst v63  }
0x41: {  	s25 =	simm.s32 $0x4AB0;
	s26 =	simm.s32 $0x380  }
0x42: {  	[spmem:s3] =	stream.indirect.scatter.add.f32 [tilespmem:s25], [sflag:$0x1], $0x10, s26, s17, $0xb8;
	[tilespmem:$0x1A290] =	vst v63  }
0x43: {  	_ = 	snop  }
0x44: {  	[spmem:s4] =	stream.indirect.scatter.add.f32 [tilespmem:s16], [sflag:$0x1], $0x10, s26, s17, $0xb8;
	[tilespmem:$0x1A290] =	vst v63  }
0x45: {  	s28 =	simm.s32 $0x5280;
	s29 =	simm.s32 $0x400  }
0x46: {  	[spmem:s3] =	stream.indirect.scatter.add.f32 [tilespmem:s28], [sflag:$0x1], $0x10, s29, s17, $0xb8;
	[tilespmem:$0x1A290] =	vst v63  }
0x47: {  	_ = 	snop  }
0x48: {  	[spmem:s4] =	stream.indirect.scatter.add.f32 [tilespmem:s16], [sflag:$0x1], $0x10, s29, s17, $0xb8;
	[tilespmem:$0x1A290] =	vst v63  }
0x49: {  	s30 =	simm.s32 $0x5A50;
	s31 =	simm.s32 $0x480  }
0x4a: {  	[spmem:s3] =	stream.indirect.scatter.add.f32 [tilespmem:s30], [sflag:$0x1], $0x10, s31, s17, $0xb8;
	[tilespmem:$0x1A290] =	vst v63  }
0x4b: {  	_ = 	snop  }
0x4c: {  	[spmem:s4] =	stream.indirect.scatter.add.f32 [tilespmem:s16], [sflag:$0x1], $0x10, s31, s17, $0xb8;
	[tilespmem:$0x1A290] =	vst v63  }
0x4d: {  	_ =	swait.ge [sflag:s18], $0x7D0  }
0x4e: {  	[sflag:s18] =	ssyncset.done $0x0  }
0x4f: {  	[sflag:s18] =	ssyncadd.s32 $0xFFFFF830  }
0x50: {  	_ =	swait.ge [sflag:s18], $0x7D0  }
0x51: {  	[sflag:s18] =	ssyncset.done $0x0  }
0x52: {  	[sflag:s18] =	ssyncadd.s32 $0xFFFFF830  }
0x53: {  	_ =	swait.ge [sflag:s18], $0x7D0  }
0x54: {  	[sflag:s18] =	ssyncset.done $0x0  }
0x55: {  	[sflag:s18] =	ssyncadd.s32 $0xFFFFF830  }
0x56: {  	_ =	swait.ge [sflag:s18], $0x7D0  }
0x57: {  	[sflag:s18] =	ssyncset.done $0x0  }
0x58: {  	[sflag:s18] =	ssyncadd.s32 $0xFFFFF830  }
0x59: {  	_ =	swait.ge [sflag:s18], $0x7D0  }
0x5a: {  	[sflag:s18] =	ssyncset.done $0x0  }
0x5b: {  	[sflag:s18] =	ssyncadd.s32 $0xFFFFF830  }
0x5c: {  	_ =	swait.ge [sflag:s18], $0x7D0  }
0x5d: {  	[sflag:s18] =	ssyncset.done $0x0  }
0x5e: {  	[sflag:s18] =	ssyncadd.s32 $0xFFFFF830  }
0x5f: {  	_ =	swait.ge [sflag:s18], $0x7D0  }
0x60: {  	[sflag:s18] =	ssyncset.done $0x0  }
0x61: {  	[sflag:s18] =	ssyncadd.s32 $0xFFFFF830  }
0x62: {  	_ =	swait.ge [sflag:s18], $0x7D0  }
0x63: {  	[sflag:s18] =	ssyncset.done $0x0  }
0x64: {  	[sflag:s18] =	ssyncadd.s32 $0xFFFFF830  }
0x65: {  	_ =	swait.ge [sflag:s18], $0x7D0  }
0x66: {  	[sflag:s18] =	ssyncset.done $0x0  }
0x67: {  	[sflag:s18] =	ssyncadd.s32 $0xFFFFF830  }
0x68: {  	_ =	swait.ge [sflag:s18], $0x7D0  }
0x69: {  	[sflag:s18] =	ssyncset.done $0x0  }
0x6a: {  	[sflag:s18] =	ssyncadd.s32 $0xFFFFF830  }
0x6b: {  	_ =	swait.ge [sflag:s18], $0x7D0  }
0x6c: {  	[sflag:s18] =	ssyncset.done $0x0  }
0x6d: {  	[sflag:s18] =	ssyncadd.s32 $0xFFFFF830  }
0x6e: {  	_ =	swait.ge [sflag:s18], $0x7D0  }
0x6f: {  	[sflag:s18] =	ssyncset.done $0x0  }
0x70: {  	[sflag:s18] =	ssyncadd.s32 $0xFFFFF830  }
0x71: {  	_ =	swait.ge [sflag:s18], $0x7D0  }
0x72: {  	[sflag:s18] =	ssyncset.done $0x0  }
0x73: {  	[sflag:s18] =	ssyncadd.s32 $0xFFFFF830  }
0x74: {  	_ =	swait.ge [sflag:s18], $0x7D0  }
0x75: {  	[sflag:s18] =	ssyncset.done $0x0  }
0x76: {  	[sflag:s18] =	ssyncadd.s32 $0xFFFFF830  }
0x77: {  	_ =	swait.ge [sflag:s18], $0x7D0  }
0x78: {  	[sflag:s18] =	ssyncset.done $0x0  }
0x79: {  	[sflag:s18] =	ssyncadd.s32 $0xFFFFF830  }
0x7a: {  	_ =	swait.ge [sflag:s18], $0x7D0  }
0x7b: {  	[sflag:s18] =	ssyncset.done $0x0  }
0x7c: {  	[sflag:s18] =	ssyncadd.s32 $0xFFFFF830  }
0x7d: {  	_ =	swait.ge [sflag:s18], $0x7D0  }
0x7e: {  	[sflag:s18] =	ssyncset.done $0x0  }
0x7f: {  	[sflag:s18] =	ssyncadd.s32 $0xFFFFF830  }
0x80: {  	_ =	swait.ge [sflag:s18], $0x7D0  }
0x81: {  	[sflag:s18] =	ssyncset.done $0x0  }
0x82: {  	[sflag:s18] =	ssyncadd.s32 $0xFFFFF830  }
0x83: {  	_ =	swait.ge [sflag:s18], $0x7D0  }
0x84: {  	[sflag:s18] =	ssyncset.done $0x0  }
0x85: {  	[sflag:s18] =	ssyncadd.s32 $0xFFFFF830  }
0x86: {  	s20 =	simm.s32 $0x6220;
	_ =	swait.ge [sflag:s18], $0x7D0  }
0x87: {  	s21 =	simm.s32 $0x1400;
	s24 =	simm.s32 $0x2800;
	[sflag:s18] =	ssyncset.done $0x0  }
.LBB2_2:
0x88: {  	s23 =	sshra.s32 s21, $0x2  }
0x89: {  	[sflag:s18] =	ssyncadd.s32 $0xFFFFF830;
	s21 =	smov.u32 s24;
	s22 =	sadd.s32 $0x1400, s24  }
0x8a: {  	[spmem:s3] =	stream.indirect.scatter.add.f32 [tilespmem:s20], [sflag:$0x1], $0x10, s23, s17, $0xb8;
	[tilespmem:$0x1A290] =	vst v63  }
0x8b: {  	p0 =	sne.s32 s24, $0x3C00  }
0x8c: {  	[spmem:s4] =	stream.indirect.scatter.add.f32 [tilespmem:s16], [sflag:$0x1], $0x10, s23, s17, $0xb8;
	[tilespmem:$0x1A290] =	vst v63  }
0x8d: {  	s24 =	sadd.s32 $0x7D0, s20;
	s25 =	sadd.s32 $0x80, s23  }
0x8e: {  	[spmem:s3] =	stream.indirect.scatter.add.f32 [tilespmem:s24], [sflag:$0x1], $0x10, s25, s17, $0xb8;
	[tilespmem:$0x1A290] =	vst v63  }
0x8f: {  	_ = 	snop  }
0x90: {  	[spmem:s4] =	stream.indirect.scatter.add.f32 [tilespmem:s16], [sflag:$0x1], $0x10, s25, s17, $0xb8;
	[tilespmem:$0x1A290] =	vst v63  }
0x91: {  	s24 =	sadd.s32 $0xFA0, s20;
	s25 =	sadd.s32 $0x100, s23  }
0x92: {  	[spmem:s3] =	stream.indirect.scatter.add.f32 [tilespmem:s24], [sflag:$0x1], $0x10, s25, s17, $0xb8;
	[tilespmem:$0x1A290] =	vst v63  }
0x93: {  	_ = 	snop  }
0x94: {  	[spmem:s4] =	stream.indirect.scatter.add.f32 [tilespmem:s16], [sflag:$0x1], $0x10, s25, s17, $0xb8;
	[tilespmem:$0x1A290] =	vst v63  }
0x95: {  	s24 =	sadd.s32 $0x1770, s20;
	s25 =	sadd.s32 $0x180, s23  }
0x96: {  	[spmem:s3] =	stream.indirect.scatter.add.f32 [tilespmem:s24], [sflag:$0x1], $0x10, s25, s17, $0xb8;
	[tilespmem:$0x1A290] =	vst v63  }
0x97: {  	_ = 	snop  }
0x98: {  	[spmem:s4] =	stream.indirect.scatter.add.f32 [tilespmem:s16], [sflag:$0x1], $0x10, s25, s17, $0xb8;
	[tilespmem:$0x1A290] =	vst v63  }
0x99: {  	s24 =	sadd.s32 $0x1F40, s20;
	s25 =	sadd.s32 $0x200, s23  }
0x9a: {  	[spmem:s3] =	stream.indirect.scatter.add.f32 [tilespmem:s24], [sflag:$0x1], $0x10, s25, s17, $0xb8;
	[tilespmem:$0x1A290] =	vst v63  }
0x9b: {  	_ = 	snop  }
0x9c: {  	[spmem:s4] =	stream.indirect.scatter.add.f32 [tilespmem:s16], [sflag:$0x1], $0x10, s25, s17, $0xb8;
	[tilespmem:$0x1A290] =	vst v63  }
0x9d: {  	s24 =	sadd.s32 $0x2710, s20;
	s25 =	sadd.s32 $0x280, s23  }
0x9e: {  	[spmem:s3] =	stream.indirect.scatter.add.f32 [tilespmem:s24], [sflag:$0x1], $0x10, s25, s17, $0xb8;
	[tilespmem:$0x1A290] =	vst v63  }
0x9f: {  	_ = 	snop  }
0xa0: {  	[spmem:s4] =	stream.indirect.scatter.add.f32 [tilespmem:s16], [sflag:$0x1], $0x10, s25, s17, $0xb8;
	[tilespmem:$0x1A290] =	vst v63  }
0xa1: {  	s24 =	sadd.s32 $0x2EE0, s20;
	s25 =	sadd.s32 $0x300, s23  }
0xa2: {  	[spmem:s3] =	stream.indirect.scatter.add.f32 [tilespmem:s24], [sflag:$0x1], $0x10, s25, s17, $0xb8;
	[tilespmem:$0x1A290] =	vst v63  }
0xa3: {  	_ = 	snop  }
0xa4: {  	[spmem:s4] =	stream.indirect.scatter.add.f32 [tilespmem:s16], [sflag:$0x1], $0x10, s25, s17, $0xb8;
	[tilespmem:$0x1A290] =	vst v63  }
0xa5: {  	s24 =	sadd.s32 $0x36B0, s20;
	s25 =	sadd.s32 $0x380, s23  }
0xa6: {  	[spmem:s3] =	stream.indirect.scatter.add.f32 [tilespmem:s24], [sflag:$0x1], $0x10, s25, s17, $0xb8;
	[tilespmem:$0x1A290] =	vst v63  }
0xa7: {  	_ = 	snop  }
0xa8: {  	[spmem:s4] =	stream.indirect.scatter.add.f32 [tilespmem:s16], [sflag:$0x1], $0x10, s25, s17, $0xb8;
	[tilespmem:$0x1A290] =	vst v63  }
0xa9: {  	s24 =	sadd.s32 $0x3E80, s20;
	s25 =	sadd.s32 $0x400, s23  }
0xaa: {  	[spmem:s3] =	stream.indirect.scatter.add.f32 [tilespmem:s24], [sflag:$0x1], $0x10, s25, s17, $0xb8;
	[tilespmem:$0x1A290] =	vst v63  }
0xab: {  	_ = 	snop  }
0xac: {  	[spmem:s4] =	stream.indirect.scatter.add.f32 [tilespmem:s16], [sflag:$0x1], $0x10, s25, s17, $0xb8;
	[tilespmem:$0x1A290] =	vst v63  }
0xad: {  	s23 =	sadd.s32 $0x480, s23;
	s24 =	sadd.s32 $0x4650, s20  }
0xae: {  	[spmem:s3] =	stream.indirect.scatter.add.f32 [tilespmem:s24], [sflag:$0x1], $0x10, s23, s17, $0xb8;
	[tilespmem:$0x1A290] =	vst v63  }
0xaf: {  	_ = 	snop  }
0xb0: {  	[spmem:s4] =	stream.indirect.scatter.add.f32 [tilespmem:s16], [sflag:$0x1], $0x10, s23, s17, $0xb8;
	[tilespmem:$0x1A290] =	vst v63  }
0xb1: {  	_ =	swait.ge [sflag:s18], $0x7D0  }
0xb2: {  	[sflag:s18] =	ssyncset.done $0x0  }
0xb3: {  	[sflag:s18] =	ssyncadd.s32 $0xFFFFF830  }
0xb4: {  	_ =	swait.ge [sflag:s18], $0x7D0  }
0xb5: {  	[sflag:s18] =	ssyncset.done $0x0  }
0xb6: {  	[sflag:s18] =	ssyncadd.s32 $0xFFFFF830  }
0xb7: {  	_ =	swait.ge [sflag:s18], $0x7D0  }
0xb8: {  	[sflag:s18] =	ssyncset.done $0x0  }
0xb9: {  	[sflag:s18] =	ssyncadd.s32 $0xFFFFF830  }
0xba: {  	_ =	swait.ge [sflag:s18], $0x7D0  }
0xbb: {  	[sflag:s18] =	ssyncset.done $0x0  }
0xbc: {  	[sflag:s18] =	ssyncadd.s32 $0xFFFFF830  }
0xbd: {  	_ =	swait.ge [sflag:s18], $0x7D0  }
0xbe: {  	[sflag:s18] =	ssyncset.done $0x0  }
0xbf: {  	[sflag:s18] =	ssyncadd.s32 $0xFFFFF830  }
0xc0: {  	_ =	swait.ge [sflag:s18], $0x7D0  }
0xc1: {  	[sflag:s18] =	ssyncset.done $0x0  }
0xc2: {  	[sflag:s18] =	ssyncadd.s32 $0xFFFFF830  }
0xc3: {  	_ =	swait.ge [sflag:s18], $0x7D0  }
0xc4: {  	[sflag:s18] =	ssyncset.done $0x0  }
0xc5: {  	[sflag:s18] =	ssyncadd.s32 $0xFFFFF830  }
0xc6: {  	_ =	swait.ge [sflag:s18], $0x7D0  }
0xc7: {  	[sflag:s18] =	ssyncset.done $0x0  }
0xc8: {  	[sflag:s18] =	ssyncadd.s32 $0xFFFFF830  }
0xc9: {  	_ =	swait.ge [sflag:s18], $0x7D0  }
0xca: {  	[sflag:s18] =	ssyncset.done $0x0  }
0xcb: {  	[sflag:s18] =	ssyncadd.s32 $0xFFFFF830  }
0xcc: {  	_ =	swait.ge [sflag:s18], $0x7D0  }
0xcd: {  	[sflag:s18] =	ssyncset.done $0x0  }
0xce: {  	[sflag:s18] =	ssyncadd.s32 $0xFFFFF830  }
0xcf: {  	_ =	swait.ge [sflag:s18], $0x7D0  }
0xd0: {  	[sflag:s18] =	ssyncset.done $0x0  }
0xd1: {  	[sflag:s18] =	ssyncadd.s32 $0xFFFFF830  }
0xd2: {  	_ =	swait.ge [sflag:s18], $0x7D0  }
0xd3: {  	[sflag:s18] =	ssyncset.done $0x0  }
0xd4: {  	[sflag:s18] =	ssyncadd.s32 $0xFFFFF830  }
0xd5: {  	_ =	swait.ge [sflag:s18], $0x7D0  }
0xd6: {  	[sflag:s18] =	ssyncset.done $0x0  }
0xd7: {  	[sflag:s18] =	ssyncadd.s32 $0xFFFFF830  }
0xd8: {  	_ =	swait.ge [sflag:s18], $0x7D0  }
0xd9: {  	[sflag:s18] =	ssyncset.done $0x0  }
0xda: {  	[sflag:s18] =	ssyncadd.s32 $0xFFFFF830  }
0xdb: {  	_ =	swait.ge [sflag:s18], $0x7D0  }
0xdc: {  	[sflag:s18] =	ssyncset.done $0x0  }
0xdd: {  	[sflag:s18] =	ssyncadd.s32 $0xFFFFF830  }
0xde: {  	_ =	swait.ge [sflag:s18], $0x7D0  }
0xdf: {  	[sflag:s18] =	ssyncset.done $0x0  }
0xe0: {  	[sflag:s18] =	ssyncadd.s32 $0xFFFFF830  }
0xe1: {  	_ =	swait.ge [sflag:s18], $0x7D0  }
0xe2: {  	[sflag:s18] =	ssyncset.done $0x0  }
0xe3: {  	[sflag:s18] =	ssyncadd.s32 $0xFFFFF830  }
0xe4: {  	_ =	swait.ge [sflag:s18], $0x7D0  }
0xe5: {  	[sflag:s18] =	ssyncset.done $0x0  }
0xe6: {  	[sflag:s18] =	ssyncadd.s32 $0xFFFFF830  }
.Ltmp0:
0xe7: {  	_ =	swait.ge [sflag:s18], $0x7D0;
	(pc) =	sbr.rel @p0 .LBB2_2-.Ltmp0, $4  }
0xe8: {  	[sflag:s18] =	ssyncset.done $0x0  }
0xe9: {  	[sflag:s18] =	ssyncadd.s32 $0xFFFFF830  }
0xea: {  	_ =	swait.ge [sflag:s18], $0x7D0  }
0xeb: {  	s20 =	sadd.s32 $0x4E20, s20;
	s24 =	smov.u32 s22;
	[sflag:s18] =	ssyncset.done $0x0  }
0xec: {  	s21 =	sshra.s32 s21, $0x2;
	[sflag:s18] =	ssyncadd.s32 $0xFFFFF830  }
0xed: {  	[spmem:s3] =	stream.indirect.scatter.add.f32 [tilespmem:s20], [sflag:$0x1], $0x10, s21, s17, $0xb8;
	[tilespmem:$0x1A290] =	vst v63  }
0xee: {  	_ = 	snop  }
0xef: {  	[spmem:s4] =	stream.indirect.scatter.add.f32 [tilespmem:s16], [sflag:$0x1], $0x10, s21, s17, $0xb8;
	[tilespmem:$0x1A290] =	vst v63  }
0xf0: {  	s22 =	sadd.s32 $0x7D0, s20;
	s23 =	sadd.s32 $0x80, s21  }
0xf1: {  	[spmem:s3] =	stream.indirect.scatter.add.f32 [tilespmem:s22], [sflag:$0x1], $0x10, s23, s17, $0xb8;
	[tilespmem:$0x1A290] =	vst v63  }
0xf2: {  	_ = 	snop  }
0xf3: {  	[spmem:s4] =	stream.indirect.scatter.add.f32 [tilespmem:s16], [sflag:$0x1], $0x10, s23, s17, $0xb8;
	[tilespmem:$0x1A290] =	vst v63  }
0xf4: {  	s24 =	sadd.s32 $0x100, s21;
	s23 =	sadd.s32 $0xFA0, s20  }
0xf5: {  	[spmem:s3] =	stream.indirect.scatter.add.f32 [tilespmem:s23], [sflag:$0x1], $0x10, s24, s17, $0xb8;
	[tilespmem:$0x1A290] =	vst v63  }
0xf6: {  	_ = 	snop  }
0xf7: {  	[spmem:s4] =	stream.indirect.scatter.add.f32 [tilespmem:s16], [sflag:$0x1], $0x10, s24, s17, $0xb8;
	[tilespmem:$0x1A290] =	vst v63  }
0xf8: {  	s25 =	sadd.s32 $0x1770, s20;
	s26 =	sadd.s32 $0x180, s21  }
0xf9: {  	[spmem:s3] =	stream.indirect.scatter.add.f32 [tilespmem:s25], [sflag:$0x1], $0x10, s26, s17, $0xb8;
	[tilespmem:$0x1A290] =	vst v63  }
0xfa: {  	_ = 	snop  }
0xfb: {  	[spmem:s4] =	stream.indirect.scatter.add.f32 [tilespmem:s16], [sflag:$0x1], $0x10, s26, s17, $0xb8;
	[tilespmem:$0x1A290] =	vst v63  }
0xfc: {  	s28 =	sadd.s32 $0x1F40, s20;
	s29 =	sadd.s32 $0x200, s21  }
0xfd: {  	[spmem:s3] =	stream.indirect.scatter.add.f32 [tilespmem:s28], [sflag:$0x1], $0x10, s29, s17, $0xb8;
	[tilespmem:$0x1A290] =	vst v63  }
0xfe: {  	_ = 	snop  }
0xff: {  	[spmem:s4] =	stream.indirect.scatter.add.f32 [tilespmem:s16], [sflag:$0x1], $0x10, s29, s17, $0xb8;
	[tilespmem:$0x1A290] =	vst v63  }
0x100: {  	s30 =	sadd.s32 $0x2710, s20;
	s31 =	sadd.s32 $0x280, s21  }
0x101: {  	[spmem:s3] =	stream.indirect.scatter.add.f32 [tilespmem:s30], [sflag:$0x1], $0x10, s31, s17, $0xb8;
	[tilespmem:$0x1A290] =	vst v63  }
0x102: {  	_ = 	snop  }
0x103: {  	[spmem:s4] =	stream.indirect.scatter.add.f32 [tilespmem:s16], [sflag:$0x1], $0x10, s31, s17, $0xb8;
	[tilespmem:$0x1A290] =	vst v63  }
0x104: {  	s24 =	sadd.s32 $0x2EE0, s20;
	s25 =	sadd.s32 $0x300, s21  }
0x105: {  	[spmem:s3] =	stream.indirect.scatter.add.f32 [tilespmem:s24], [sflag:$0x1], $0x10, s25, s17, $0xb8;
	[tilespmem:$0x1A290] =	vst v63  }
0x106: {  	_ = 	snop  }
0x107: {  	[spmem:s4] =	stream.indirect.scatter.add.f32 [tilespmem:s16], [sflag:$0x1], $0x10, s25, s17, $0xb8;
	[tilespmem:$0x1A290] =	vst v63  }
0x108: {  	s26 =	sadd.s32 $0x36B0, s20;
	s28 =	sadd.s32 $0x380, s21  }
0x109: {  	[spmem:s3] =	stream.indirect.scatter.add.f32 [tilespmem:s26], [sflag:$0x1], $0x10, s28, s17, $0xb8;
	[tilespmem:$0x1A290] =	vst v63  }
0x10a: {  	_ = 	snop  }
0x10b: {  	[spmem:s4] =	stream.indirect.scatter.add.f32 [tilespmem:s16], [sflag:$0x1], $0x10, s28, s17, $0xb8;
	[tilespmem:$0x1A290] =	vst v63  }
0x10c: {  	s29 =	sadd.s32 $0x3E80, s20;
	s30 =	sadd.s32 $0x400, s21  }
0x10d: {  	[spmem:s3] =	stream.indirect.scatter.add.f32 [tilespmem:s29], [sflag:$0x1], $0x10, s30, s17, $0xb8;
	[tilespmem:$0x1A290] =	vst v63  }
0x10e: {  	_ = 	snop  }
0x10f: {  	[spmem:s4] =	stream.indirect.scatter.add.f32 [tilespmem:s16], [sflag:$0x1], $0x10, s30, s17, $0xb8;
	[tilespmem:$0x1A290] =	vst v63  }
0x110: {  	s21 =	sadd.s32 $0x480, s21;
	s31 =	sadd.s32 $0x4650, s20  }
0x111: {  	[spmem:s3] =	stream.indirect.scatter.add.f32 [tilespmem:s31], [sflag:$0x1], $0x10, s21, s17, $0xb8;
	[tilespmem:$0x1A290] =	vst v63  }
0x112: {  	_ = 	snop  }
0x113: {  	[spmem:s4] =	stream.indirect.scatter.add.f32 [tilespmem:s16], [sflag:$0x1], $0x10, s21, s17, $0xb8;
	[tilespmem:$0x1A290] =	vst v63  }
0x114: {  	_ =	swait.ge [sflag:s18], $0x7D0  }
0x115: {  	[sflag:s18] =	ssyncset.done $0x0  }
0x116: {  	[sflag:s18] =	ssyncadd.s32 $0xFFFFF830  }
0x117: {  	_ =	swait.ge [sflag:s18], $0x7D0  }
0x118: {  	[sflag:s18] =	ssyncset.done $0x0  }
0x119: {  	[sflag:s18] =	ssyncadd.s32 $0xFFFFF830  }
0x11a: {  	_ =	swait.ge [sflag:s18], $0x7D0  }
0x11b: {  	[sflag:s18] =	ssyncset.done $0x0  }
0x11c: {  	[sflag:s18] =	ssyncadd.s32 $0xFFFFF830  }
0x11d: {  	_ =	swait.ge [sflag:s18], $0x7D0  }
0x11e: {  	[sflag:s18] =	ssyncset.done $0x0  }
0x11f: {  	[sflag:s18] =	ssyncadd.s32 $0xFFFFF830  }
0x120: {  	_ =	swait.ge [sflag:s18], $0x7D0  }
0x121: {  	[sflag:s18] =	ssyncset.done $0x0  }
0x122: {  	[sflag:s18] =	ssyncadd.s32 $0xFFFFF830  }
0x123: {  	_ =	swait.ge [sflag:s18], $0x7D0  }
0x124: {  	[sflag:s18] =	ssyncset.done $0x0  }
0x125: {  	[sflag:s18] =	ssyncadd.s32 $0xFFFFF830  }
0x126: {  	_ =	swait.ge [sflag:s18], $0x7D0  }
0x127: {  	[sflag:s18] =	ssyncset.done $0x0  }
0x128: {  	[sflag:s18] =	ssyncadd.s32 $0xFFFFF830  }
0x129: {  	_ =	swait.ge [sflag:s18], $0x7D0  }
0x12a: {  	[sflag:s18] =	ssyncset.done $0x0  }
0x12b: {  	[sflag:s18] =	ssyncadd.s32 $0xFFFFF830  }
0x12c: {  	_ =	swait.ge [sflag:s18], $0x7D0  }
0x12d: {  	[sflag:s18] =	ssyncset.done $0x0  }
0x12e: {  	[sflag:s18] =	ssyncadd.s32 $0xFFFFF830  }
0x12f: {  	_ =	swait.ge [sflag:s18], $0x7D0  }
0x130: {  	[sflag:s18] =	ssyncset.done $0x0  }
0x131: {  	[sflag:s18] =	ssyncadd.s32 $0xFFFFF830  }
0x132: {  	_ =	swait.ge [sflag:s18], $0x7D0  }
0x133: {  	[sflag:s18] =	ssyncset.done $0x0  }
0x134: {  	[sflag:s18] =	ssyncadd.s32 $0xFFFFF830  }
0x135: {  	_ =	swait.ge [sflag:s18], $0x7D0  }
0x136: {  	[sflag:s18] =	ssyncset.done $0x0  }
0x137: {  	[sflag:s18] =	ssyncadd.s32 $0xFFFFF830  }
0x138: {  	_ =	swait.ge [sflag:s18], $0x7D0  }
0x139: {  	[sflag:s18] =	ssyncset.done $0x0  }
0x13a: {  	[sflag:s18] =	ssyncadd.s32 $0xFFFFF830  }
0x13b: {  	_ =	swait.ge [sflag:s18], $0x7D0  }
0x13c: {  	[sflag:s18] =	ssyncset.done $0x0  }
0x13d: {  	[sflag:s18] =	ssyncadd.s32 $0xFFFFF830  }
0x13e: {  	_ =	swait.ge [sflag:s18], $0x7D0  }
0x13f: {  	[sflag:s18] =	ssyncset.done $0x0  }
0x140: {  	[sflag:s18] =	ssyncadd.s32 $0xFFFFF830  }
0x141: {  	_ =	swait.ge [sflag:s18], $0x7D0  }
0x142: {  	[sflag:s18] =	ssyncset.done $0x0  }
0x143: {  	[sflag:s18] =	ssyncadd.s32 $0xFFFFF830  }
0x144: {  	_ =	swait.ge [sflag:s18], $0x7D0  }
0x145: {  	[sflag:s18] =	ssyncset.done $0x0  }
0x146: {  	[sflag:s18] =	ssyncadd.s32 $0xFFFFF830  }
0x147: {  	_ =	swait.ge [sflag:s18], $0x7D0  }
0x148: {  	[sflag:s18] =	ssyncset.done $0x0  }
0x149: {  	[sflag:s18] =	ssyncadd.s32 $0xFFFFF830  }
0x14a: {  	_ =	swait.ge [sflag:s18], $0x7D0  }
0x14b: {  	[sflag:s18] =	ssyncset.done $0x0  }
0x14c: {  	[sflag:s18] =	ssyncadd.s32 $0xFFFFF830  }
0x14d: {  	_ =	swait.ge [sflag:s18], $0x7D0  }
0x14e: {  	[sflag:s18] =	ssyncset.done $0x0  }
0x14f: {  	[sflag:s18] =	ssyncadd.s32 $0xFFFFF830  }
0x150: {  	[bflag:$0x0] =	sbarrier.arrive $0xFFFF  }
0x151: {  	[hbm:s10], [sflag:s7] =	dma.local [spmem:s13], $0x4E4  }
0x152: {  	s19 =	sadd.s32 $0x1, s19;
	_ =	swait.ge [sflag:s14], $0x4E4  }
0x153: {  	p0 =	sne.s32 s19, s12;
	[sflag:s14] =	ssyncset.done $0x0  }
.Ltmp1:
0x154: {  	[sflag:s14] =	ssyncadd.s32 $0xFFFFFB1C;
	(pc) =	sbr.rel @p0 .LBB2_1-.Ltmp1, $4  }
0x155: {  	[hbm:s11], [sflag:s7] =	dma.local [spmem:s15], $0x4E4  }
0x156: {  	_ =	swait.ge [sflag:s14], $0x4E4  }
0x157: {  	[sflag:s14] =	ssyncset.done $0x0  }
0x158: {  	[sflag:s14] =	ssyncadd.s32 $0xFFFFFB1C  }
0x159: {  	_ =	sfence.sel $0x180000  }
0x15a: {  	[bflag:$0x0] =	sbarrier.arrive $0xFFFF  }
0x15b: {  	p0 =	sne.s32 s0, $0x0;
	_ =	strace $0x9000004A  }
0x15c: {  	s0 =	sadd.s32 @!p0 $0x100000, s1;
	[bflag:$0x2] =	sbarrier.arrive $0xFFFF  }
0x15d: {  	[sflag:s0] =	ssyncadd.tile.s32 @!p0 $0x1;
	_ =	shalt  }
.Lfunc_end2:
_tile_overlayer_lowered:
.L_overlay_start_2:
0x15e: {  	(tag) =	ssettag $0x2  }
0x15f: {  	s0 =	rddreg [dreg:$0x0];
	s2 =	stileid.u32  }
0x160: {  	s1 =	rddreg [dreg:$0x1];
	p0 =	sne.s32 s2, $0x0  }
0x161: {  	s3 =	rddreg [dreg:$0x2];
	[bflag:$0x3] =	sbarrier.arrive $0xFFFF;
	s2 =	simm.s32 @!p0 $0x1C02  }
0x162: {  	[timem:s3], [sflag:s2] =	dma.local @!p0 [hbm:s0], s1  }
0x163: {  	s0 =	simm.s32 @!p0 $0x2  }
0x164: {  	_ =	swait.ge @!p0 [sflag:s0], s1  }
0x165: {  	s1 =	ssub.s32 @!p0 $0x0, s1;
	[sflag:s0] =	ssyncset.done @!p0 $0x0  }
0x166: {  	[sflag:s0] =	ssyncadd.s32 @!p0 s1  }
0x167: {  	[bflag:$0x3] =	sbarrier.arrive $0xFFFF  }
0x168: {  	_ =	shalt  }

// kernel: kernel.17.cloned.1.call-start
scs
__scs_entry_jumppad:
0x0: {  	(pc) =	sbr.rel $0x88, $3  }
0x1: {  	(tag) =	ssettag $0x0;
	lr =	simm.s32 $0x1  }
0x2: {  	[smem:$0x3F84] =	sst lr;
	_ =	strace $0xD0000000  }
0x3: {  	_ = 	snop  }
0x4: {  	_ = 	snop  }
0x5: {  	_ = 	snop  }
0x6: {  	_ = 	snop  }
0x7: {  	_ = 	snop  }
__scs_overlays_trampoline_lowered:
0x8: {  	[smem:$0x3F93] =	sst s0  }
0x9: {  	[smem:$0x3F94] =	sst s1  }
0xa: {  	[smem:$0x3F95] =	sst s2  }
0xb: {  	[smem:$0x3F96] =	sst s3  }
0xc: {  	[smem:$0x3F97] =	sst s4  }
0xd: {  	[smem:$0x3F98] =	sst s5  }
0xe: {  	[smem:$0x3F99] =	sst s6  }
0xf: {  	[smem:$0x3F9A] =	sst s7  }
0x10: {  	[smem:$0x3F9B] =	sst s8  }
0x11: {  	[smem:$0x3F9C] =	sst s9;
	s0 =	simm.s32 @!p0 $0x0  }
0x12: {  	s1 =	sld [smem:$0x3F82];
	s0 =	simm.s32 @p0 $0x1  }
0x13: {  	[smem:$0x3F9D] =	sst s0;
	s0 =	simm.s32 @!p1 $0x0  }
0x14: {  	s2 =	sld [smem:$0x3F81];
	s0 =	simm.s32 @p1 $0x1  }
0x15: {  	[smem:$0x3F9E] =	sst s0;
	s0 =	simm.s32 @!p2 $0x0  }
0x16: {  	s3 =	sld [smem:$0x3FDB];
	s0 =	simm.s32 @p2 $0x1  }
0x17: {  	s4 =	simm.s32 $0x1BF5;
	[smem:$0x3FA0] =	sst s0  }
0x18: {  	s0 =	sld [smem:$0x3F83];
	_ =	swait.ge [sflag:s4], $0x0  }
0x19: {  	s7 =	sld [smem:$0x3F84]  }
0x1a: {  	s8 =	sadd.s32 $0xFFFFE003, lr  }
0x1b: {  	s9 =	sadd.s32 $0xFFFFFEF7, lr;
	s5 =	simm.s32 $0xFFFFFFFF;
	p2 =	slt.u32 s8, $0xFFFFF086  }
0x1c: {  	p1 =	slt.u32 s9, $0xF7A;
	s5 =	simm.s32 @!p2 $0x0  }
0x1d: {  	s5 =	simm.s32 @p1 $0x1;
	p0 =	seq.s32 s7, s2  }
0x1e: {  	s7 =	smul.u32 @!p0 $0xF7A, s2;
	p2 =	seq.s32 @!p0 s5, $0x0  }
0x1f: {  	s9 =	smul.u32 $0xF7A, s1;
	s8 =	simm.s32 @!p0 $0x1BF5;
	p2 =	por !p2, p0  }
0x20: {  	[sflag:s8] =	ssyncset.s32 @!p0 $0xFFFFF086;
	s6 =	sadd.s32 @!p0 s3, s7;
	s7 =	simm.s32 @!p0 $0x108  }
0x21: {  	s3 =	sadd.s32 s3, s9;
	s6 =	sadd.s32 @!p0 $0x88, s6;
	s7 =	simm.s32 @p2 $0x1082  }
0x22: {  	[simem:s7], [sflag:s8] =	dma.local @!p0 [hbm:s6], $0xF7A  }
0x23: {  	s9 =	sor.u32 $0xD0000000, s2;
	s6 =	simm.s32 $0x108;
	_ =	swait.ge @!p0 [sflag:s8], $0x0  }
0x24: {  	s3 =	sadd.s32 $0x88, s3;
	s6 =	simm.s32 @!p1 $0x1082;
	[sflag:s4] =	ssyncset.s32 $0xFFFFF086  }
0x25: {  	[simem:s6], [sflag:s4] =	dma.local [hbm:s3], $0xF7A  }
0x26: {  	[smem:$0x3F84] =	sst s1;
	(tag) =	ssettag s2;
	_ =	strace s9  }
0x27: {  	s1 =	sld [smem:$0x3F94]  }
0x28: {  	s2 =	sld [smem:$0x3F95]  }
0x29: {  	s4 =	sld [smem:$0x3F97]  }
0x2a: {  	p0 =	seq.s32 s5, $0x0;
	s5 =	sld [smem:$0x3F98]  }
0x2b: {  	s6 =	sld [smem:$0x3F99]  }
0x2c: {  	s7 =	sld [smem:$0x3F9A]  }
0x2d: {  	s3 =	simm.s32 $0x108;
	s8 =	sld [smem:$0x3F9B]  }
0x2e: {  	s3 =	simm.s32 @!p0 $0x1082;
	s9 =	sld [smem:$0x3F9C]  }
0x2f: {  	lr =	sadd.s32 s0, s3;
	s0 =	sld [smem:$0x3F93]  }
0x30: {  	s3 =	sld [smem:$0x3F96]  }
0x31: {  	[smem:$0x3F9F] =	sst s10  }
0x32: {  	s10 =	sld [smem:$0x3F9D];
	_ =	sdelay $0x3  }
0x33: {  	p0 =	seq.s32 s10, $0x1;
	s10 =	sld [smem:$0x3F9F];
	_ =	sdelay $0x3  }
0x34: {  	[smem:$0x3F9F] =	sst s10  }
0x35: {  	s10 =	sld [smem:$0x3F9E];
	_ =	sdelay $0x3  }
0x36: {  	p1 =	seq.s32 s10, $0x1;
	s10 =	sld [smem:$0x3F9F];
	_ =	sdelay $0x3  }
0x37: {  	[smem:$0x3F9F] =	sst s10  }
0x38: {  	s10 =	sld [smem:$0x3FA0]  }
0x39: {  	_ = 	snop;
	(pc) =	sbr.ind lr, $3  }
0x3a: {  	_ = 	snop  }
0x3b: {  	_ = 	snop  }
0x3c: {  	p2 =	seq.s32 s10, $0x1;
	s10 =	sld [smem:$0x3F9F]  }
0x3d: {  	_ =	shalt  }
0x3e: {  	_ =	shalt  }
0x3f: {  	_ =	shalt  }
0x40: {  	_ =	shalt  }
0x41: {  	_ =	shalt  }
0x42: {  	_ =	shalt  }
0x43: {  	_ =	shalt  }
0x44: {  	_ =	shalt  }
0x45: {  	_ =	shalt  }
0x46: {  	_ =	shalt  }
0x47: {  	_ =	shalt  }
0x48: {  	_ =	shalt  }
0x49: {  	_ =	shalt  }
0x4a: {  	_ =	shalt  }
0x4b: {  	_ =	shalt  }
0x4c: {  	_ =	shalt  }
0x4d: {  	_ =	shalt  }
0x4e: {  	_ =	shalt  }
0x4f: {  	_ =	shalt  }
0x50: {  	_ =	shalt  }
0x51: {  	_ =	shalt  }
0x52: {  	_ =	shalt  }
0x53: {  	_ =	shalt  }
0x54: {  	_ =	shalt  }
0x55: {  	_ =	shalt  }
0x56: {  	_ =	shalt  }
0x57: {  	_ =	shalt  }
0x58: {  	_ =	shalt  }
0x59: {  	_ =	shalt  }
0x5a: {  	_ =	shalt  }
0x5b: {  	_ =	shalt  }
0x5c: {  	_ =	shalt  }
0x5d: {  	_ =	shalt  }
0x5e: {  	_ =	shalt  }
0x5f: {  	_ =	shalt  }
0x60: {  	_ =	shalt  }
0x61: {  	_ =	shalt  }
0x62: {  	_ =	shalt  }
0x63: {  	_ =	shalt  }
0x64: {  	_ =	shalt  }
0x65: {  	_ =	shalt  }
0x66: {  	_ =	shalt  }
0x67: {  	_ =	shalt  }
0x68: {  	_ =	shalt  }
0x69: {  	_ =	shalt  }
0x6a: {  	_ =	shalt  }
0x6b: {  	_ =	shalt  }
0x6c: {  	_ =	shalt  }
0x6d: {  	_ =	shalt  }
0x6e: {  	_ =	shalt  }
0x6f: {  	_ =	shalt  }
0x70: {  	_ =	shalt  }
0x71: {  	_ =	shalt  }
0x72: {  	_ =	shalt  }
0x73: {  	_ =	shalt  }
0x74: {  	_ =	shalt  }
0x75: {  	_ =	shalt  }
0x76: {  	_ =	shalt  }
0x77: {  	_ =	shalt  }
0x78: {  	_ =	shalt  }
0x79: {  	_ =	shalt  }
0x7a: {  	_ =	shalt  }
0x7b: {  	_ =	shalt  }
0x7c: {  	_ =	shalt  }
0x7d: {  	_ =	shalt  }
0x7e: {  	_ =	shalt  }
0x7f: {  	_ =	shalt  }
0x80: {  	_ =	shalt  }
0x81: {  	_ =	shalt  }
0x82: {  	_ =	shalt  }
0x83: {  	_ =	shalt  }
0x84: {  	_ =	shalt  }
0x85: {  	_ =	shalt  }
0x86: {  	_ =	shalt  }
0x87: {  	_ =	shalt  }
.Lfunc_end0:
.L_simem_size_0:
called_computation.2_lowered:
.L_overlay_start_0:
0x88: {  	s2 =	sld [smem:$0x3FD9]  }
0x89: {  	s3 =	sld [smem:$0x3FFE];
	_ =	sdelay $0x1  }
0x8a: {  	s1 =	srdreg.scid  }
0x8b: {  	s0 =	sand.u32 $0x1, s1  }
0x8c: {  	s16 =	sshll.u32 s0, $0xA;
	s2 =	sadd.s32 s3, s2  }
0x8d: {  	s2 =	sadd.s32 s2, s16  }
0x8e: {  	[smem:$0x3FAB] =	sst s2  }
0x8f: {  	_ = 	snop  }
0x90: {  	(tm) =	ssettm $0x1  }
0x91: {  	s17 =	sld [smem:$0x3FFB];
	_ =	sdelay $0x3  }
0x92: {  	_ =	strace s17  }
0x93: {  	s2 =	sld [smem:$0x3FFC];
	_ =	sdelay $0x3  }
0x94: {  	_ =	strace s2  }
0x95: {  	s2 =	sld [smem:$0x3FFD];
	_ =	sdelay $0x3  }
0x96: {  	_ =	strace s2  }
0x97: {  	_ =	strace $0x8FFFFFFF  }
0x98: {  	s18 =	sld [smem:$0x3FDB];
	_ =	sdelay $0x1  }
0x99: {  	s19 =	simm.s32 $_scs_section_size  }
0x9a: {  	s4 =	simm.s32 $_size__tile_overlayer_lowered;
	s5 =	simm.s32 $_tile_overlayer_lowered  }
0x9b: {  	s22 =	simm.s32 $0x1BFF;
	s21 =	sshll.u32 s5, $0x1;
	s2 =	sadd.s32 s19, s18  }
0x9c: {  	s6 =	simm.s32 $0x0;
	s20 =	sshll.u32 s4, $0x1;
	s4 =	sadd.s32 s21, s2  }
0x9d: {  	[timem:s6], [sflag:s22] =	dma.local [hbm:s4], s20  }
0x9e: {  	_ =	swait.ge [sflag:s22], s20  }
0x9f: {  	s3 =	ssub.s32 $0x0, s20;
	[sflag:s22] =	ssyncset.done $0x0  }
0xa0: {  	[sflag:s22] =	ssyncadd.s32 s3;
	_ =	sdelay $0x1  }
0xa1: {  	s23 =	simm.s32 $0x1B8B  }
0xa2: {  	_ =	swait.ge [sflag:s23], $0x1  }
0xa3: {  	[sflag:s23] =	ssyncset.done $0x0  }
0xa4: {  	s25 =	simm.s32 $0x1B8E;
	s24 =	sld [smem:$0x3FFE];
	[sflag:s23] =	ssyncadd.s32 $0xFFFFFFFF  }
0xa5: {  	s26 =	simm.s32 $execute0_lowered;
	[smem:$0x3FD2] =	sst s25  }
0xa6: {  	s4 =	sshll.u32 s26, $0x1;
	_ =	strace $0x8000004C;
	[dreg:$0x1] =	wrdreg $0xFFFFFFFF  }
0xa7: {  	s28 =	simm.s32 $_size_execute0_lowered;
	s2 =	sadd.s32 s2, s4;
	[dreg:$0x0] =	wrdreg $0x0  }
0xa8: {  	s4 =	sshll.u32 s28, $0x1;
	[dreg:$0x2] =	wrdreg s2  }
0xa9: {  	[dreg:$0x3] =	wrdreg s4  }
0xaa: {  	[dreg:$0x4] =	wrdreg $0xC0  }
0xab: {  	_ =	task [dreg:s6], $0x5FFFF  }
0xac: {  	[dreg:$0x1] =	wrdreg $0xFFFFFFFF  }
0xad: {  	[dreg:$0x0] =	wrdreg $0x60  }
0xae: {  	[dreg:$0x2] =	wrdreg s24  }
0xaf: {  	[dreg:$0x3] =	wrdreg $0x9  }
0xb0: {  	_ =	task.clear_ibuf [dreg:s6], $0x4FFFF;
	_ =	strace $0x9000004C  }
0xb1: {  	s29 =	simm.s32 $0x9;
	_ =	strace $0x8000004E  }
0xb2: {  	_ =	swait.ge [sflag:s29], $0x1  }
0xb3: {  	[sflag:s29] =	ssyncadd.s32 $0xFFFFFFFF  }
0xb4: {  	_ =	strace $0x9000004E  }
0xb5: {  	_ =	sfence  }
0xb6: {  	s30 =	sld [smem:$0x0];
	_ =	sdelay $0x2  }
0xb7: {  	s31 =	sshll.u32 s1, $0xD;
	s1 =	sshrl.u32 s1, $0x2  }
0xb8: {  	s3 =	sand.u32 $0x4000, s31;
	s1 =	sadd.s32 s1, s30  }
0xb9: {  	s0 =	sor.u32 s3, s0;
	s1 =	sshll.u32 s1, $0x11  }
0xba: {  	s0 =	sor.u32 s1, s0  }
0xbb: {  	s0 =	sadd.s32 $0x8F2B, s0  }
0xbc: {  	[sflag:s0] =	ssyncadd.remote.s32 $0x1  }
0xbd: {  	_ =	sfence.sel $0xFFFF  }
0xbe: {  	[dreg:$0x0] =	wrdreg $0xFFFFFFFF;
	(pc) =	sbr.abs _section_cstart, $3  }
0xbf: {  	[dreg:$0x1] =	wrdreg $0xFFFFFFFF  }
0xc0: {  	_ =	task.clear_ibuf [dreg:s6], $0x2FFFF;
	_ =	strace $0x9FFFFFFF  }
0xc1: {  	(tm) =	ssettm $0x7FFFFFFF  }
tec
execute0_lowered:
.L_overlay_start_1:
0x0: {  	(tag) =	ssettag $0x1  }
0x1: {  	s1 =	srdreg.scid;
	s0 =	stileid.u32  }
0x2: {  	s4 =	rddreg [dreg:$0x0];
	s2 =	simm.s32 $0x0;
	s7 =	smul.u32 $0x13880, s0  }
0x3: {  	s11 =	simm.s32 $0x5280;
	s5 =	sand.u32 $0x1, s1;
	s8 =	smul.u32 $0x9C400, s0  }
0x4: {  	s12 =	sshll.u32 s0, $0x1;
	[smem:$0x7FF] =	sst s2;
	s9 =	smul.u32 $0x4E200, s5  }
0x5: {  	s3 =	sadd.s32 $0x46400, s4;
	s1 =	sor.u32 s5, s12;
	s10 =	smul.u32 $0x9C40, s5  }
0x6: {  	s5 =	ssub.s32 $0x2, s5;
	s12 =	simm.s32 $0x71C0;
	s6 =	smul.u32 $0x280, s1  }
0x7: {  	s1 =	rddreg [dreg:$0x1];
	_ =	strace $0x8000004D;
	s13 =	sshrl.u32 s5, $0x1  }
0x8: {  	s8 =	sadd.s32 s9, s8;
	s7 =	sadd.s32 s10, s7;
	s9 =	ssub.s32 s5, s13  }
0x9: {  	s10 =	simm.s32 $0x3340;
	s13 =	simm.s32 $0x9100;
	s6 =	sadd.s32 s6, s4  }
0xa: {  	s4 =	sadd.s32 $0x3F4C00, s4;
	s14 =	sadd.s32 $0x11940, s8;
	[dreg:$0x2] =	wrdreg s7  }
0xb: {  	s16 =	sadd.s32 $0xFA00, s8;
	s18 =	sadd.s32 $0xDAC0, s8;
	s20 =	sadd.s32 $0xBB80, s8  }
0xc: {  	s22 =	sadd.s32 $0x9C40, s8;
	s24 =	sadd.s32 $0x7D00, s8;
	s26 =	sadd.s32 $0x5DC0, s8  }
0xd: {  	s29 =	sadd.s32 $0x3E80, s8;
	s8 =	sadd.s32 $0x1F40, s8;
	s15 =	sshrl.u32 s14, $0x3  }
0xe: {  	s7 =	simm.s32 $0x3;
	s17 =	sshrl.u32 s16, $0x3;
	[dreg:$0x3] =	wrdreg s15  }
0xf: {  	s19 =	sshrl.u32 s18, $0x3;
	s21 =	sshrl.u32 s20, $0x3;
	[dreg:$0x4] =	wrdreg s17  }
0x10: {  	s23 =	sshrl.u32 s22, $0x3;
	s25 =	sshrl.u32 s24, $0x3;
	[dreg:$0x5] =	wrdreg s19  }
0x11: {  	s28 =	sshrl.u32 s26, $0x3;
	s30 =	sshrl.u32 s29, $0x3;
	[dreg:$0x6] =	wrdreg s21  }
0x12: {  	s31 =	sshrl.u32 s8, $0x3;
	s5 =	sadd.s32 $0x41400, s6;
	[dreg:$0x7] =	wrdreg s23  }
0x13: {  	s6 =	smax.u32 s9, $0x1;
	s8 =	simm.s32 $0x7D;
	[dreg:$0x8] =	wrdreg s25  }
0x14: {  	s9 =	simm.s32 $0x1400;
	s14 =	simm.s32 $0xB040;
	[dreg:$0x9] =	wrdreg s28  }
0x15: {  	s16 =	simm.s32 $0xEEC0;
	s18 =	simm.s32 $0x12D40;
	[dreg:$0xa] =	wrdreg s30  }
0x16: {  	s20 =	simm.s32 $0x2;
	[dreg:$0xb] =	wrdreg s31;
	s15 =	simm.s32 $0xCF80  }
0x17: {  	s17 =	simm.s32 $0x10E00;
	s19 =	simm.s32 $0x1;
	s21 =	simm.s32 $0x0  }
.LBB2_1:
0x18: {  	[tilespmem:s2], [sflag:$0x3] =	stream.linear.gather [hbm4b:s5+s2], $0x1400, $0x38;
	[tilespmem:$0x14C80] =	vst v63  }
0x19: {  	_ =	swait.ge [sflag:s7], $0x1400  }
0x1a: {  	[sflag:s7] =	ssyncset.done $0x0  }
0x1b: {  	s22 =	simm.s32 $0x0;
	[sflag:s7] =	ssyncadd.s32 $0xFFFFEC00  }
0x1c: {  	[tilespmem:s9], [sflag:$0x1] =	stream.indirect.gather [hbm4b:s3+s8], $0x40, s22, s8, $0xb8;
	[tilespmem:$0x14C80] =	vst v63  }
0x1d: {  	s29 =	simm.s32 $0x80  }
0x1e: {  	[tilespmem:s10], [sflag:$0x1] =	stream.indirect.gather [hbm4b:s3+s8], $0x40, s29, s8, $0xb8;
	[tilespmem:$0x14C80] =	vst v63  }
0x1f: {  	s30 =	simm.s32 $0x100  }
0x20: {  	[tilespmem:s11], [sflag:$0x1] =	stream.indirect.gather [hbm4b:s3+s8], $0x40, s30, s8, $0xb8;
	[tilespmem:$0x14C80] =	vst v63  }
0x21: {  	s31 =	simm.s32 $0x180  }
0x22: {  	[tilespmem:s12], [sflag:$0x1] =	stream.indirect.gather [hbm4b:s3+s8], $0x40, s31, s8, $0xb8;
	[tilespmem:$0x14C80] =	vst v63  }
0x23: {  	s23 =	simm.s32 $0x200  }
0x24: {  	[tilespmem:s13], [sflag:$0x1] =	stream.indirect.gather [hbm4b:s3+s8], $0x40, s23, s8, $0xb8;
	[tilespmem:$0x14C80] =	vst v63  }
0x25: {  	s24 =	simm.s32 $0x280  }
0x26: {  	[tilespmem:s14], [sflag:$0x1] =	stream.indirect.gather [hbm4b:s3+s8], $0x40, s24, s8, $0xb8;
	[tilespmem:$0x14C80] =	vst v63  }
0x27: {  	s25 =	simm.s32 $0x300  }
0x28: {  	[tilespmem:s15], [sflag:$0x1] =	stream.indirect.gather [hbm4b:s3+s8], $0x40, s25, s8, $0xb8;
	[tilespmem:$0x14C80] =	vst v63  }
0x29: {  	s26 =	simm.s32 $0x380  }
0x2a: {  	[tilespmem:s16], [sflag:$0x1] =	stream.indirect.gather [hbm4b:s3+s8], $0x40, s26, s8, $0xb8;
	[tilespmem:$0x14C80] =	vst v63  }
0x2b: {  	s28 =	simm.s32 $0x400  }
0x2c: {  	[tilespmem:s17], [sflag:$0x1] =	stream.indirect.gather [hbm4b:s3+s8], $0x40, s28, s8, $0xb8;
	[tilespmem:$0x14C80] =	vst v63  }
0x2d: {  	s29 =	simm.s32 $0x480  }
0x2e: {  	[tilespmem:s18], [sflag:$0x1] =	stream.indirect.gather [hbm4b:s3+s8], $0x40, s29, s8, $0xb8;
	[tilespmem:$0x14C80] =	vst v63  }
0x2f: {  	_ =	swait.ge [sflag:s19], $0x1F40  }
0x30: {  	s30 =	rddreg [dreg:$0x2];
	[sflag:s19] =	ssyncset.done $0x0  }
0x31: {  	[sflag:s19] =	ssyncadd.s32 $0xFFFFE0C0;
	s22 =	sadd.s32 s4, s30  }
0x32: {  	[hbm4b:s22+s2] =	stream.linear.scatter [tilespmem:s9], [sflag:$0x2], $0x1F40, $0x38;
	[tilespmem:$0x14C80] =	vst v63  }
0x33: {  	_ =	swait.ge [sflag:s19], $0x1F40  }
0x34: {  	s31 =	rddreg [dreg:$0xb];
	[sflag:s19] =	ssyncset.done $0x0  }
0x35: {  	[sflag:s19] =	ssyncadd.s32 $0xFFFFE0C0;
	s22 =	sadd.s32 s4, s31  }
0x36: {  	[hbm4b:s22+s2] =	stream.linear.scatter [tilespmem:s10], [sflag:$0x2], $0x1F40, $0x38;
	[tilespmem:$0x14C80] =	vst v63  }
0x37: {  	_ =	swait.ge [sflag:s19], $0x1F40  }
0x38: {  	s23 =	rddreg [dreg:$0xa];
	[sflag:s19] =	ssyncset.done $0x0  }
0x39: {  	[sflag:s19] =	ssyncadd.s32 $0xFFFFE0C0;
	s22 =	sadd.s32 s4, s23  }
0x3a: {  	[hbm4b:s22+s2] =	stream.linear.scatter [tilespmem:s11], [sflag:$0x2], $0x1F40, $0x38;
	[tilespmem:$0x14C80] =	vst v63  }
0x3b: {  	_ =	swait.ge [sflag:s19], $0x1F40  }
0x3c: {  	s24 =	rddreg [dreg:$0x9];
	[sflag:s19] =	ssyncset.done $0x0  }
0x3d: {  	[sflag:s19] =	ssyncadd.s32 $0xFFFFE0C0;
	s22 =	sadd.s32 s4, s24  }
0x3e: {  	[hbm4b:s22+s2] =	stream.linear.scatter [tilespmem:s12], [sflag:$0x2], $0x1F40, $0x38;
	[tilespmem:$0x14C80] =	vst v63  }
0x3f: {  	_ =	swait.ge [sflag:s19], $0x1F40  }
0x40: {  	s25 =	rddreg [dreg:$0x8];
	[sflag:s19] =	ssyncset.done $0x0  }
0x41: {  	[sflag:s19] =	ssyncadd.s32 $0xFFFFE0C0;
	s22 =	sadd.s32 s4, s25  }
0x42: {  	[hbm4b:s22+s2] =	stream.linear.scatter [tilespmem:s13], [sflag:$0x2], $0x1F40, $0x38;
	[tilespmem:$0x14C80] =	vst v63  }
0x43: {  	_ =	swait.ge [sflag:s19], $0x1F40  }
0x44: {  	s26 =	rddreg [dreg:$0x7];
	[sflag:s19] =	ssyncset.done $0x0  }
0x45: {  	[sflag:s19] =	ssyncadd.s32 $0xFFFFE0C0;
	s22 =	sadd.s32 s4, s26  }
0x46: {  	[hbm4b:s22+s2] =	stream.linear.scatter [tilespmem:s14], [sflag:$0x2], $0x1F40, $0x38;
	[tilespmem:$0x14C80] =	vst v63  }
0x47: {  	_ =	swait.ge [sflag:s19], $0x1F40  }
0x48: {  	s28 =	rddreg [dreg:$0x6];
	[sflag:s19] =	ssyncset.done $0x0  }
0x49: {  	[sflag:s19] =	ssyncadd.s32 $0xFFFFE0C0;
	s22 =	sadd.s32 s4, s28  }
0x4a: {  	[hbm4b:s22+s2] =	stream.linear.scatter [tilespmem:s15], [sflag:$0x2], $0x1F40, $0x38;
	[tilespmem:$0x14C80] =	vst v63  }
0x4b: {  	_ =	swait.ge [sflag:s19], $0x1F40  }
0x4c: {  	s29 =	rddreg [dreg:$0x5];
	[sflag:s19] =	ssyncset.done $0x0  }
0x4d: {  	[sflag:s19] =	ssyncadd.s32 $0xFFFFE0C0;
	s22 =	sadd.s32 s4, s29  }
0x4e: {  	[hbm4b:s22+s2] =	stream.linear.scatter [tilespmem:s16], [sflag:$0x2], $0x1F40, $0x38;
	[tilespmem:$0x14C80] =	vst v63  }
0x4f: {  	_ =	swait.ge [sflag:s19], $0x1F40  }
0x50: {  	s30 =	rddreg [dreg:$0x4];
	[sflag:s19] =	ssyncset.done $0x0  }
0x51: {  	[sflag:s19] =	ssyncadd.s32 $0xFFFFE0C0;
	s22 =	sadd.s32 s4, s30  }
0x52: {  	[hbm4b:s22+s2] =	stream.linear.scatter [tilespmem:s17], [sflag:$0x2], $0x1F40, $0x38;
	[tilespmem:$0x14C80] =	vst v63  }
0x53: {  	_ =	swait.ge [sflag:s19], $0x1F40  }
0x54: {  	s31 =	rddreg [dreg:$0x3];
	[sflag:s19] =	ssyncset.done $0x0  }
0x55: {  	[sflag:s19] =	ssyncadd.s32 $0xFFFFE0C0;
	s22 =	sadd.s32 s4, s31  }
0x56: {  	[hbm4b:s22+s2] =	stream.linear.scatter [tilespmem:s18], [sflag:$0x2], $0x1F40, $0x38;
	[tilespmem:$0x14C80] =	vst v63  }
0x57: {  	_ =	swait.ge [sflag:s20], $0x1F40  }
0x58: {  	[sflag:s20] =	ssyncset.done $0x0  }
0x59: {  	[sflag:s20] =	ssyncadd.s32 $0xFFFFE0C0  }
0x5a: {  	_ =	swait.ge [sflag:s20], $0x1F40  }
0x5b: {  	[sflag:s20] =	ssyncset.done $0x0  }
0x5c: {  	[sflag:s20] =	ssyncadd.s32 $0xFFFFE0C0  }
0x5d: {  	_ =	swait.ge [sflag:s20], $0x1F40  }
0x5e: {  	[sflag:s20] =	ssyncset.done $0x0  }
0x5f: {  	[sflag:s20] =	ssyncadd.s32 $0xFFFFE0C0  }
0x60: {  	_ =	swait.ge [sflag:s20], $0x1F40  }
0x61: {  	[sflag:s20] =	ssyncset.done $0x0  }
0x62: {  	[sflag:s20] =	ssyncadd.s32 $0xFFFFE0C0  }
0x63: {  	_ =	swait.ge [sflag:s20], $0x1F40  }
0x64: {  	[sflag:s20] =	ssyncset.done $0x0  }
0x65: {  	[sflag:s20] =	ssyncadd.s32 $0xFFFFE0C0  }
0x66: {  	_ =	swait.ge [sflag:s20], $0x1F40  }
0x67: {  	[sflag:s20] =	ssyncset.done $0x0  }
0x68: {  	[sflag:s20] =	ssyncadd.s32 $0xFFFFE0C0  }
0x69: {  	_ =	swait.ge [sflag:s20], $0x1F40  }
0x6a: {  	[sflag:s20] =	ssyncset.done $0x0  }
0x6b: {  	[sflag:s20] =	ssyncadd.s32 $0xFFFFE0C0  }
0x6c: {  	_ =	swait.ge [sflag:s20], $0x1F40  }
0x6d: {  	[sflag:s20] =	ssyncset.done $0x0  }
0x6e: {  	[sflag:s20] =	ssyncadd.s32 $0xFFFFE0C0  }
0x6f: {  	_ =	swait.ge [sflag:s20], $0x1F40  }
0x70: {  	[sflag:s20] =	ssyncset.done $0x0  }
0x71: {  	[sflag:s20] =	ssyncadd.s32 $0xFFFFE0C0  }
0x72: {  	s23 =	simm.s32 $0x1400;
	_ =	swait.ge [sflag:s20], $0x1F40  }
0x73: {  	s25 =	simm.s32 $0x2800;
	s22 =	sadd.s32 $0x2710, s4;
	[sflag:s20] =	ssyncset.done $0x0  }
.LBB2_2:
0x74: {  	s26 =	sshra.s32 s23, $0x2;
	[sflag:s20] =	ssyncadd.s32 $0xFFFFE0C0  }
0x75: {  	[tilespmem:s9], [sflag:$0x1] =	stream.indirect.gather [hbm4b:s3+s8], $0x40, s26, s8, $0xb8;
	[tilespmem:$0x14C80] =	vst v63  }
0x76: {  	s31 =	sadd.s32 $0x80, s26  }
0x77: {  	[tilespmem:s10], [sflag:$0x1] =	stream.indirect.gather [hbm4b:s3+s8], $0x40, s31, s8, $0xb8;
	[tilespmem:$0x14C80] =	vst v63  }
0x78: {  	s28 =	sadd.s32 $0x100, s26  }
0x79: {  	[tilespmem:s11], [sflag:$0x1] =	stream.indirect.gather [hbm4b:s3+s8], $0x40, s28, s8, $0xb8;
	[tilespmem:$0x14C80] =	vst v63  }
0x7a: {  	s29 =	sadd.s32 $0x180, s26  }
0x7b: {  	[tilespmem:s12], [sflag:$0x1] =	stream.indirect.gather [hbm4b:s3+s8], $0x40, s29, s8, $0xb8;
	[tilespmem:$0x14C80] =	vst v63  }
0x7c: {  	s30 =	sadd.s32 $0x200, s26  }
0x7d: {  	[tilespmem:s13], [sflag:$0x1] =	stream.indirect.gather [hbm4b:s3+s8], $0x40, s30, s8, $0xb8;
	[tilespmem:$0x14C80] =	vst v63  }
0x7e: {  	s31 =	sadd.s32 $0x280, s26  }
0x7f: {  	[tilespmem:s14], [sflag:$0x1] =	stream.indirect.gather [hbm4b:s3+s8], $0x40, s31, s8, $0xb8;
	[tilespmem:$0x14C80] =	vst v63  }
0x80: {  	s28 =	sadd.s32 $0x300, s26  }
0x81: {  	[tilespmem:s15], [sflag:$0x1] =	stream.indirect.gather [hbm4b:s3+s8], $0x40, s28, s8, $0xb8;
	[tilespmem:$0x14C80] =	vst v63  }
0x82: {  	s29 =	sadd.s32 $0x380, s26  }
0x83: {  	[tilespmem:s16], [sflag:$0x1] =	stream.indirect.gather [hbm4b:s3+s8], $0x40, s29, s8, $0xb8;
	[tilespmem:$0x14C80] =	vst v63  }
0x84: {  	s30 =	sadd.s32 $0x400, s26  }
0x85: {  	[tilespmem:s17], [sflag:$0x1] =	stream.indirect.gather [hbm4b:s3+s8], $0x40, s30, s8, $0xb8;
	[tilespmem:$0x14C80] =	vst v63  }
0x86: {  	s31 =	sadd.s32 $0x480, s26  }
0x87: {  	[tilespmem:s18], [sflag:$0x1] =	stream.indirect.gather [hbm4b:s3+s8], $0x40, s31, s8, $0xb8;
	[tilespmem:$0x14C80] =	vst v63  }
0x88: {  	s23 =	smov.u32 s25;
	_ =	swait.ge [sflag:s19], $0x1F40  }
0x89: {  	s24 =	sadd.s32 $0x1400, s25;
	s26 =	rddreg [dreg:$0x2];
	[sflag:s19] =	ssyncset.done $0x0  }
0x8a: {  	p0 =	sne.s32 s25, $0x3C00;
	[sflag:s19] =	ssyncadd.s32 $0xFFFFE0C0;
	s25 =	sadd.s32 s22, s26  }
0x8b: {  	[hbm4b:s25+s2] =	stream.linear.scatter [tilespmem:s9], [sflag:$0x2], $0x1F40, $0x38;
	[tilespmem:$0x14C80] =	vst v63  }
0x8c: {  	_ =	swait.ge [sflag:s19], $0x1F40  }
0x8d: {  	s28 =	rddreg [dreg:$0xb];
	[sflag:s19] =	ssyncset.done $0x0  }
0x8e: {  	[sflag:s19] =	ssyncadd.s32 $0xFFFFE0C0;
	s25 =	sadd.s32 s22, s28  }
0x8f: {  	[hbm4b:s25+s2] =	stream.linear.scatter [tilespmem:s10], [sflag:$0x2], $0x1F40, $0x38;
	[tilespmem:$0x14C80] =	vst v63  }
0x90: {  	_ =	swait.ge [sflag:s19], $0x1F40  }
0x91: {  	s29 =	rddreg [dreg:$0xa];
	[sflag:s19] =	ssyncset.done $0x0  }
0x92: {  	[sflag:s19] =	ssyncadd.s32 $0xFFFFE0C0;
	s25 =	sadd.s32 s22, s29  }
0x93: {  	[hbm4b:s25+s2] =	stream.linear.scatter [tilespmem:s11], [sflag:$0x2], $0x1F40, $0x38;
	[tilespmem:$0x14C80] =	vst v63  }
0x94: {  	_ =	swait.ge [sflag:s19], $0x1F40  }
0x95: {  	s30 =	rddreg [dreg:$0x9];
	[sflag:s19] =	ssyncset.done $0x0  }
0x96: {  	[sflag:s19] =	ssyncadd.s32 $0xFFFFE0C0;
	s25 =	sadd.s32 s22, s30  }
0x97: {  	[hbm4b:s25+s2] =	stream.linear.scatter [tilespmem:s12], [sflag:$0x2], $0x1F40, $0x38;
	[tilespmem:$0x14C80] =	vst v63  }
0x98: {  	_ =	swait.ge [sflag:s19], $0x1F40  }
0x99: {  	s31 =	rddreg [dreg:$0x8];
	[sflag:s19] =	ssyncset.done $0x0  }
0x9a: {  	[sflag:s19] =	ssyncadd.s32 $0xFFFFE0C0;
	s25 =	sadd.s32 s22, s31  }
0x9b: {  	[hbm4b:s25+s2] =	stream.linear.scatter [tilespmem:s13], [sflag:$0x2], $0x1F40, $0x38;
	[tilespmem:$0x14C80] =	vst v63  }
0x9c: {  	_ =	swait.ge [sflag:s19], $0x1F40  }
0x9d: {  	s26 =	rddreg [dreg:$0x7];
	[sflag:s19] =	ssyncset.done $0x0  }
0x9e: {  	[sflag:s19] =	ssyncadd.s32 $0xFFFFE0C0;
	s25 =	sadd.s32 s22, s26  }
0x9f: {  	[hbm4b:s25+s2] =	stream.linear.scatter [tilespmem:s14], [sflag:$0x2], $0x1F40, $0x38;
	[tilespmem:$0x14C80] =	vst v63  }
0xa0: {  	_ =	swait.ge [sflag:s19], $0x1F40  }
0xa1: {  	s28 =	rddreg [dreg:$0x6];
	[sflag:s19] =	ssyncset.done $0x0  }
0xa2: {  	[sflag:s19] =	ssyncadd.s32 $0xFFFFE0C0;
	s25 =	sadd.s32 s22, s28  }
0xa3: {  	[hbm4b:s25+s2] =	stream.linear.scatter [tilespmem:s15], [sflag:$0x2], $0x1F40, $0x38;
	[tilespmem:$0x14C80] =	vst v63  }
0xa4: {  	_ =	swait.ge [sflag:s19], $0x1F40  }
0xa5: {  	s29 =	rddreg [dreg:$0x5];
	[sflag:s19] =	ssyncset.done $0x0  }
0xa6: {  	[sflag:s19] =	ssyncadd.s32 $0xFFFFE0C0;
	s25 =	sadd.s32 s22, s29  }
0xa7: {  	[hbm4b:s25+s2] =	stream.linear.scatter [tilespmem:s16], [sflag:$0x2], $0x1F40, $0x38;
	[tilespmem:$0x14C80] =	vst v63  }
0xa8: {  	_ =	swait.ge [sflag:s19], $0x1F40  }
0xa9: {  	s30 =	rddreg [dreg:$0x4];
	[sflag:s19] =	ssyncset.done $0x0  }
0xaa: {  	[sflag:s19] =	ssyncadd.s32 $0xFFFFE0C0;
	s25 =	sadd.s32 s22, s30  }
0xab: {  	[hbm4b:s25+s2] =	stream.linear.scatter [tilespmem:s17], [sflag:$0x2], $0x1F40, $0x38;
	[tilespmem:$0x14C80] =	vst v63  }
0xac: {  	_ =	swait.ge [sflag:s19], $0x1F40  }
0xad: {  	s31 =	rddreg [dreg:$0x3];
	[sflag:s19] =	ssyncset.done $0x0  }
0xae: {  	[sflag:s19] =	ssyncadd.s32 $0xFFFFE0C0;
	s25 =	sadd.s32 s22, s31  }
0xaf: {  	[hbm4b:s25+s2] =	stream.linear.scatter [tilespmem:s18], [sflag:$0x2], $0x1F40, $0x38;
	[tilespmem:$0x14C80] =	vst v63  }
0xb0: {  	_ =	swait.ge [sflag:s20], $0x1F40  }
0xb1: {  	[sflag:s20] =	ssyncset.done $0x0  }
0xb2: {  	[sflag:s20] =	ssyncadd.s32 $0xFFFFE0C0  }
0xb3: {  	_ =	swait.ge [sflag:s20], $0x1F40  }
0xb4: {  	[sflag:s20] =	ssyncset.done $0x0  }
0xb5: {  	[sflag:s20] =	ssyncadd.s32 $0xFFFFE0C0  }
0xb6: {  	_ =	swait.ge [sflag:s20], $0x1F40  }
0xb7: {  	[sflag:s20] =	ssyncset.done $0x0  }
0xb8: {  	[sflag:s20] =	ssyncadd.s32 $0xFFFFE0C0  }
0xb9: {  	_ =	swait.ge [sflag:s20], $0x1F40  }
0xba: {  	[sflag:s20] =	ssyncset.done $0x0  }
0xbb: {  	[sflag:s20] =	ssyncadd.s32 $0xFFFFE0C0  }
0xbc: {  	_ =	swait.ge [sflag:s20], $0x1F40  }
0xbd: {  	[sflag:s20] =	ssyncset.done $0x0  }
0xbe: {  	[sflag:s20] =	ssyncadd.s32 $0xFFFFE0C0  }
0xbf: {  	_ =	swait.ge [sflag:s20], $0x1F40  }
0xc0: {  	[sflag:s20] =	ssyncset.done $0x0  }
0xc1: {  	[sflag:s20] =	ssyncadd.s32 $0xFFFFE0C0  }
0xc2: {  	_ =	swait.ge [sflag:s20], $0x1F40  }
0xc3: {  	[sflag:s20] =	ssyncset.done $0x0  }
0xc4: {  	[sflag:s20] =	ssyncadd.s32 $0xFFFFE0C0  }
0xc5: {  	_ =	swait.ge [sflag:s20], $0x1F40  }
0xc6: {  	[sflag:s20] =	ssyncset.done $0x0  }
0xc7: {  	[sflag:s20] =	ssyncadd.s32 $0xFFFFE0C0  }
.Ltmp0:
0xc8: {  	_ =	swait.ge [sflag:s20], $0x1F40;
	(pc) =	sbr.rel @p0 .LBB2_2-.Ltmp0, $4  }
0xc9: {  	[sflag:s20] =	ssyncset.done $0x0  }
0xca: {  	[sflag:s20] =	ssyncadd.s32 $0xFFFFE0C0  }
0xcb: {  	_ =	swait.ge [sflag:s20], $0x1F40  }
0xcc: {  	s22 =	sadd.s32 $0x2710, s22;
	s25 =	smov.u32 s24;
	[sflag:s20] =	ssyncset.done $0x0  }
0xcd: {  	s23 =	sshra.s32 s23, $0x2;
	[sflag:s20] =	ssyncadd.s32 $0xFFFFE0C0  }
0xce: {  	[tilespmem:s9], [sflag:$0x1] =	stream.indirect.gather [hbm4b:s3+s8], $0x40, s23, s8, $0xb8;
	[tilespmem:$0x14C80] =	vst v63  }
0xcf: {  	s24 =	sadd.s32 $0x80, s23  }
0xd0: {  	[tilespmem:s10], [sflag:$0x1] =	stream.indirect.gather [hbm4b:s3+s8], $0x40, s24, s8, $0xb8;
	[tilespmem:$0x14C80] =	vst v63  }
0xd1: {  	s26 =	sadd.s32 $0x100, s23  }
0xd2: {  	[tilespmem:s11], [sflag:$0x1] =	stream.indirect.gather [hbm4b:s3+s8], $0x40, s26, s8, $0xb8;
	[tilespmem:$0x14C80] =	vst v63  }
0xd3: {  	s28 =	sadd.s32 $0x180, s23  }
0xd4: {  	[tilespmem:s12], [sflag:$0x1] =	stream.indirect.gather [hbm4b:s3+s8], $0x40, s28, s8, $0xb8;
	[tilespmem:$0x14C80] =	vst v63  }
0xd5: {  	s29 =	sadd.s32 $0x200, s23  }
0xd6: {  	[tilespmem:s13], [sflag:$0x1] =	stream.indirect.gather [hbm4b:s3+s8], $0x40, s29, s8, $0xb8;
	[tilespmem:$0x14C80] =	vst v63  }
0xd7: {  	s30 =	sadd.s32 $0x280, s23  }
0xd8: {  	[tilespmem:s14], [sflag:$0x1] =	stream.indirect.gather [hbm4b:s3+s8], $0x40, s30, s8, $0xb8;
	[tilespmem:$0x14C80] =	vst v63  }
0xd9: {  	s31 =	sadd.s32 $0x300, s23  }
0xda: {  	[tilespmem:s15], [sflag:$0x1] =	stream.indirect.gather [hbm4b:s3+s8], $0x40, s31, s8, $0xb8;
	[tilespmem:$0x14C80] =	vst v63  }
0xdb: {  	s25 =	sadd.s32 $0x380, s23  }
0xdc: {  	[tilespmem:s16], [sflag:$0x1] =	stream.indirect.gather [hbm4b:s3+s8], $0x40, s25, s8, $0xb8;
	[tilespmem:$0x14C80] =	vst v63  }
0xdd: {  	s26 =	sadd.s32 $0x400, s23  }
0xde: {  	[tilespmem:s17], [sflag:$0x1] =	stream.indirect.gather [hbm4b:s3+s8], $0x40, s26, s8, $0xb8;
	[tilespmem:$0x14C80] =	vst v63  }
0xdf: {  	s23 =	sadd.s32 $0x480, s23  }
0xe0: {  	[tilespmem:s18], [sflag:$0x1] =	stream.indirect.gather [hbm4b:s3+s8], $0x40, s23, s8, $0xb8;
	[tilespmem:$0x14C80] =	vst v63  }
0xe1: {  	_ =	swait.ge [sflag:s19], $0x1F40  }
0xe2: {  	s28 =	rddreg [dreg:$0x2];
	[sflag:s19] =	ssyncset.done $0x0  }
0xe3: {  	[sflag:s19] =	ssyncadd.s32 $0xFFFFE0C0;
	s23 =	sadd.s32 s22, s28  }
0xe4: {  	[hbm4b:s23+s2] =	stream.linear.scatter [tilespmem:s9], [sflag:$0x2], $0x1F40, $0x38;
	[tilespmem:$0x14C80] =	vst v63  }
0xe5: {  	_ =	swait.ge [sflag:s19], $0x1F40  }
0xe6: {  	s29 =	rddreg [dreg:$0xb];
	[sflag:s19] =	ssyncset.done $0x0  }
0xe7: {  	[sflag:s19] =	ssyncadd.s32 $0xFFFFE0C0;
	s23 =	sadd.s32 s22, s29  }
0xe8: {  	[hbm4b:s23+s2] =	stream.linear.scatter [tilespmem:s10], [sflag:$0x2], $0x1F40, $0x38;
	[tilespmem:$0x14C80] =	vst v63  }
0xe9: {  	_ =	swait.ge [sflag:s19], $0x1F40  }
0xea: {  	s30 =	rddreg [dreg:$0xa];
	[sflag:s19] =	ssyncset.done $0x0  }
0xeb: {  	[sflag:s19] =	ssyncadd.s32 $0xFFFFE0C0;
	s23 =	sadd.s32 s22, s30  }
0xec: {  	[hbm4b:s23+s2] =	stream.linear.scatter [tilespmem:s11], [sflag:$0x2], $0x1F40, $0x38;
	[tilespmem:$0x14C80] =	vst v63  }
0xed: {  	_ =	swait.ge [sflag:s19], $0x1F40  }
0xee: {  	s31 =	rddreg [dreg:$0x9];
	[sflag:s19] =	ssyncset.done $0x0  }
0xef: {  	[sflag:s19] =	ssyncadd.s32 $0xFFFFE0C0;
	s23 =	sadd.s32 s22, s31  }
0xf0: {  	[hbm4b:s23+s2] =	stream.linear.scatter [tilespmem:s12], [sflag:$0x2], $0x1F40, $0x38;
	[tilespmem:$0x14C80] =	vst v63  }
0xf1: {  	_ =	swait.ge [sflag:s19], $0x1F40  }
0xf2: {  	s24 =	rddreg [dreg:$0x8];
	[sflag:s19] =	ssyncset.done $0x0  }
0xf3: {  	[sflag:s19] =	ssyncadd.s32 $0xFFFFE0C0;
	s23 =	sadd.s32 s22, s24  }
0xf4: {  	[hbm4b:s23+s2] =	stream.linear.scatter [tilespmem:s13], [sflag:$0x2], $0x1F40, $0x38;
	[tilespmem:$0x14C80] =	vst v63  }
0xf5: {  	_ =	swait.ge [sflag:s19], $0x1F40  }
0xf6: {  	s25 =	rddreg [dreg:$0x7];
	[sflag:s19] =	ssyncset.done $0x0  }
0xf7: {  	[sflag:s19] =	ssyncadd.s32 $0xFFFFE0C0;
	s23 =	sadd.s32 s22, s25  }
0xf8: {  	[hbm4b:s23+s2] =	stream.linear.scatter [tilespmem:s14], [sflag:$0x2], $0x1F40, $0x38;
	[tilespmem:$0x14C80] =	vst v63  }
0xf9: {  	_ =	swait.ge [sflag:s19], $0x1F40  }
0xfa: {  	s26 =	rddreg [dreg:$0x6];
	[sflag:s19] =	ssyncset.done $0x0  }
0xfb: {  	[sflag:s19] =	ssyncadd.s32 $0xFFFFE0C0;
	s23 =	sadd.s32 s22, s26  }
0xfc: {  	[hbm4b:s23+s2] =	stream.linear.scatter [tilespmem:s15], [sflag:$0x2], $0x1F40, $0x38;
	[tilespmem:$0x14C80] =	vst v63  }
0xfd: {  	_ =	swait.ge [sflag:s19], $0x1F40  }
0xfe: {  	s28 =	rddreg [dreg:$0x5];
	[sflag:s19] =	ssyncset.done $0x0  }
0xff: {  	[sflag:s19] =	ssyncadd.s32 $0xFFFFE0C0;
	s23 =	sadd.s32 s22, s28  }
0x100: {  	[hbm4b:s23+s2] =	stream.linear.scatter [tilespmem:s16], [sflag:$0x2], $0x1F40, $0x38;
	[tilespmem:$0x14C80] =	vst v63  }
0x101: {  	_ =	swait.ge [sflag:s19], $0x1F40  }
0x102: {  	s29 =	rddreg [dreg:$0x4];
	[sflag:s19] =	ssyncset.done $0x0  }
0x103: {  	[sflag:s19] =	ssyncadd.s32 $0xFFFFE0C0;
	s23 =	sadd.s32 s22, s29  }
0x104: {  	[hbm4b:s23+s2] =	stream.linear.scatter [tilespmem:s17], [sflag:$0x2], $0x1F40, $0x38;
	[tilespmem:$0x14C80] =	vst v63  }
0x105: {  	_ =	swait.ge [sflag:s19], $0x1F40  }
0x106: {  	s30 =	rddreg [dreg:$0x3];
	[sflag:s19] =	ssyncset.done $0x0  }
0x107: {  	[sflag:s19] =	ssyncadd.s32 $0xFFFFE0C0;
	s31 =	sadd.s32 s22, s30  }
0x108: {  	[hbm4b:s31+s2] =	stream.linear.scatter [tilespmem:s18], [sflag:$0x2], $0x1F40, $0x38;
	[tilespmem:$0x14C80] =	vst v63  }
0x109: {  	_ =	swait.ge [sflag:s20], $0x1F40  }
0x10a: {  	[sflag:s20] =	ssyncset.done $0x0  }
0x10b: {  	[sflag:s20] =	ssyncadd.s32 $0xFFFFE0C0  }
0x10c: {  	_ =	swait.ge [sflag:s20], $0x1F40  }
0x10d: {  	[sflag:s20] =	ssyncset.done $0x0  }
0x10e: {  	[sflag:s20] =	ssyncadd.s32 $0xFFFFE0C0  }
0x10f: {  	_ =	swait.ge [sflag:s20], $0x1F40  }
0x110: {  	[sflag:s20] =	ssyncset.done $0x0  }
0x111: {  	[sflag:s20] =	ssyncadd.s32 $0xFFFFE0C0  }
0x112: {  	_ =	swait.ge [sflag:s20], $0x1F40  }
0x113: {  	[sflag:s20] =	ssyncset.done $0x0  }
0x114: {  	[sflag:s20] =	ssyncadd.s32 $0xFFFFE0C0  }
0x115: {  	_ =	swait.ge [sflag:s20], $0x1F40  }
0x116: {  	[sflag:s20] =	ssyncset.done $0x0  }
0x117: {  	[sflag:s20] =	ssyncadd.s32 $0xFFFFE0C0  }
0x118: {  	_ =	swait.ge [sflag:s20], $0x1F40  }
0x119: {  	[sflag:s20] =	ssyncset.done $0x0  }
0x11a: {  	[sflag:s20] =	ssyncadd.s32 $0xFFFFE0C0  }
0x11b: {  	_ =	swait.ge [sflag:s20], $0x1F40  }
0x11c: {  	[sflag:s20] =	ssyncset.done $0x0  }
0x11d: {  	[sflag:s20] =	ssyncadd.s32 $0xFFFFE0C0  }
0x11e: {  	_ =	swait.ge [sflag:s20], $0x1F40  }
0x11f: {  	[sflag:s20] =	ssyncset.done $0x0  }
0x120: {  	s21 =	sadd.s32 $0x1, s21;
	[sflag:s20] =	ssyncadd.s32 $0xFFFFE0C0  }
0x121: {  	p0 =	sne.s32 s21, s6;
	_ =	swait.ge [sflag:s20], $0x1F40  }
.Ltmp1:
0x122: {  	[sflag:s20] =	ssyncset.done $0x0;
	(pc) =	sbr.rel @p0 .LBB2_1-.Ltmp1, $4  }
0x123: {  	[sflag:s20] =	ssyncadd.s32 $0xFFFFE0C0  }
0x124: {  	_ =	swait.ge [sflag:s20], $0x1F40  }
0x125: {  	[sflag:s20] =	ssyncset.done $0x0  }
0x126: {  	[sflag:s20] =	ssyncadd.s32 $0xFFFFE0C0  }
0x127: {  	_ =	sfence.sel $0x180000  }
0x128: {  	[bflag:$0x0] =	sbarrier.arrive $0xFFFF  }
0x129: {  	p0 =	sne.s32 s0, $0x0;
	_ =	strace $0x9000004D  }
0x12a: {  	s0 =	sadd.s32 @!p0 $0x100000, s1;
	[bflag:$0x2] =	sbarrier.arrive $0xFFFF  }
0x12b: {  	[sflag:s0] =	ssyncadd.tile.s32 @!p0 $0x1;
	_ =	shalt  }
.Lfunc_end2:
_tile_overlayer_lowered:
.L_overlay_start_2:
0x12c: {  	(tag) =	ssettag $0x2  }
0x12d: {  	s0 =	rddreg [dreg:$0x0];
	s2 =	stileid.u32  }
0x12e: {  	s1 =	rddreg [dreg:$0x1];
	p0 =	sne.s32 s2, $0x0  }
0x12f: {  	s3 =	rddreg [dreg:$0x2];
	[bflag:$0x3] =	sbarrier.arrive $0xFFFF;
	s2 =	simm.s32 @!p0 $0x1C03  }
0x130: {  	[timem:s3], [sflag:s2] =	dma.local @!p0 [hbm:s0], s1  }
0x131: {  	s0 =	simm.s32 @!p0 $0x3  }
0x132: {  	_ =	swait.ge @!p0 [sflag:s0], s1  }
0x133: {  	s1 =	ssub.s32 @!p0 $0x0, s1;
	[sflag:s0] =	ssyncset.done @!p0 $0x0  }
0x134: {  	[sflag:s0] =	ssyncadd.s32 @!p0 s1  }
0x135: {  	[bflag:$0x3] =	sbarrier.arrive $0xFFFF  }
0x136: {  	_ =	shalt  }

// kernel: kernel.20.cloned.1.call-start
scs
__scs_entry_jumppad:
0x0: {  	(pc) =	sbr.rel $0x88, $3  }
0x1: {  	(tag) =	ssettag $0x0;
	lr =	simm.s32 $0x1  }
0x2: {  	[smem:$0x3F84] =	sst lr;
	_ =	strace $0xD0000000  }
0x3: {  	_ = 	snop  }
0x4: {  	_ = 	snop  }
0x5: {  	_ = 	snop  }
0x6: {  	_ = 	snop  }
0x7: {  	_ = 	snop  }
__scs_overlays_trampoline_lowered:
0x8: {  	[smem:$0x3F93] =	sst s0  }
0x9: {  	[smem:$0x3F94] =	sst s1  }
0xa: {  	[smem:$0x3F95] =	sst s2  }
0xb: {  	[smem:$0x3F96] =	sst s3  }
0xc: {  	[smem:$0x3F97] =	sst s4  }
0xd: {  	[smem:$0x3F98] =	sst s5  }
0xe: {  	[smem:$0x3F99] =	sst s6  }
0xf: {  	[smem:$0x3F9A] =	sst s7  }
0x10: {  	[smem:$0x3F9B] =	sst s8  }
0x11: {  	[smem:$0x3F9C] =	sst s9;
	s0 =	simm.s32 @!p0 $0x0  }
0x12: {  	s1 =	sld [smem:$0x3F82];
	s0 =	simm.s32 @p0 $0x1  }
0x13: {  	[smem:$0x3F9D] =	sst s0;
	s0 =	simm.s32 @!p1 $0x0  }
0x14: {  	s2 =	sld [smem:$0x3F81];
	s0 =	simm.s32 @p1 $0x1  }
0x15: {  	[smem:$0x3F9E] =	sst s0;
	s0 =	simm.s32 @!p2 $0x0  }
0x16: {  	s3 =	sld [smem:$0x3FDB];
	s0 =	simm.s32 @p2 $0x1  }
0x17: {  	s4 =	simm.s32 $0x1BF5;
	[smem:$0x3FA0] =	sst s0  }
0x18: {  	s0 =	sld [smem:$0x3F83];
	_ =	swait.ge [sflag:s4], $0x0  }
0x19: {  	s7 =	sld [smem:$0x3F84]  }
0x1a: {  	s8 =	sadd.s32 $0xFFFFE003, lr  }
0x1b: {  	s9 =	sadd.s32 $0xFFFFFEF7, lr;
	s5 =	simm.s32 $0xFFFFFFFF;
	p2 =	slt.u32 s8, $0xFFFFF086  }
0x1c: {  	p1 =	slt.u32 s9, $0xF7A;
	s5 =	simm.s32 @!p2 $0x0  }
0x1d: {  	s5 =	simm.s32 @p1 $0x1;
	p0 =	seq.s32 s7, s2  }
0x1e: {  	s7 =	smul.u32 @!p0 $0xF7A, s2;
	p2 =	seq.s32 @!p0 s5, $0x0  }
0x1f: {  	s9 =	smul.u32 $0xF7A, s1;
	s8 =	simm.s32 @!p0 $0x1BF5;
	p2 =	por !p2, p0  }
0x20: {  	[sflag:s8] =	ssyncset.s32 @!p0 $0xFFFFF086;
	s6 =	sadd.s32 @!p0 s3, s7;
	s7 =	simm.s32 @!p0 $0x108  }
0x21: {  	s3 =	sadd.s32 s3, s9;
	s6 =	sadd.s32 @!p0 $0x88, s6;
	s7 =	simm.s32 @p2 $0x1082  }
0x22: {  	[simem:s7], [sflag:s8] =	dma.local @!p0 [hbm:s6], $0xF7A  }
0x23: {  	s9 =	sor.u32 $0xD0000000, s2;
	s6 =	simm.s32 $0x108;
	_ =	swait.ge @!p0 [sflag:s8], $0x0  }
0x24: {  	s3 =	sadd.s32 $0x88, s3;
	s6 =	simm.s32 @!p1 $0x1082;
	[sflag:s4] =	ssyncset.s32 $0xFFFFF086  }
0x25: {  	[simem:s6], [sflag:s4] =	dma.local [hbm:s3], $0xF7A  }
0x26: {  	[smem:$0x3F84] =	sst s1;
	(tag) =	ssettag s2;
	_ =	strace s9  }
0x27: {  	s1 =	sld [smem:$0x3F94]  }
0x28: {  	s2 =	sld [smem:$0x3F95]  }
0x29: {  	s4 =	sld [smem:$0x3F97]  }
0x2a: {  	p0 =	seq.s32 s5, $0x0;
	s5 =	sld [smem:$0x3F98]  }
0x2b: {  	s6 =	sld [smem:$0x3F99]  }
0x2c: {  	s7 =	sld [smem:$0x3F9A]  }
0x2d: {  	s3 =	simm.s32 $0x108;
	s8 =	sld [smem:$0x3F9B]  }
0x2e: {  	s3 =	simm.s32 @!p0 $0x1082;
	s9 =	sld [smem:$0x3F9C]  }
0x2f: {  	lr =	sadd.s32 s0, s3;
	s0 =	sld [smem:$0x3F93]  }
0x30: {  	s3 =	sld [smem:$0x3F96]  }
0x31: {  	[smem:$0x3F9F] =	sst s10  }
0x32: {  	s10 =	sld [smem:$0x3F9D];
	_ =	sdelay $0x3  }
0x33: {  	p0 =	seq.s32 s10, $0x1;
	s10 =	sld [smem:$0x3F9F];
	_ =	sdelay $0x3  }
0x34: {  	[smem:$0x3F9F] =	sst s10  }
0x35: {  	s10 =	sld [smem:$0x3F9E];
	_ =	sdelay $0x3  }
0x36: {  	p1 =	seq.s32 s10, $0x1;
	s10 =	sld [smem:$0x3F9F];
	_ =	sdelay $0x3  }
0x37: {  	[smem:$0x3F9F] =	sst s10  }
0x38: {  	s10 =	sld [smem:$0x3FA0]  }
0x39: {  	_ = 	snop;
	(pc) =	sbr.ind lr, $3  }
0x3a: {  	_ = 	snop  }
0x3b: {  	_ = 	snop  }
0x3c: {  	p2 =	seq.s32 s10, $0x1;
	s10 =	sld [smem:$0x3F9F]  }
0x3d: {  	_ =	shalt  }
0x3e: {  	_ =	shalt  }
0x3f: {  	_ =	shalt  }
0x40: {  	_ =	shalt  }
0x41: {  	_ =	shalt  }
0x42: {  	_ =	shalt  }
0x43: {  	_ =	shalt  }
0x44: {  	_ =	shalt  }
0x45: {  	_ =	shalt  }
0x46: {  	_ =	shalt  }
0x47: {  	_ =	shalt  }
0x48: {  	_ =	shalt  }
0x49: {  	_ =	shalt  }
0x4a: {  	_ =	shalt  }
0x4b: {  	_ =	shalt  }
0x4c: {  	_ =	shalt  }
0x4d: {  	_ =	shalt  }
0x4e: {  	_ =	shalt  }
0x4f: {  	_ =	shalt  }
0x50: {  	_ =	shalt  }
0x51: {  	_ =	shalt  }
0x52: {  	_ =	shalt  }
0x53: {  	_ =	shalt  }
0x54: {  	_ =	shalt  }
0x55: {  	_ =	shalt  }
0x56: {  	_ =	shalt  }
0x57: {  	_ =	shalt  }
0x58: {  	_ =	shalt  }
0x59: {  	_ =	shalt  }
0x5a: {  	_ =	shalt  }
0x5b: {  	_ =	shalt  }
0x5c: {  	_ =	shalt  }
0x5d: {  	_ =	shalt  }
0x5e: {  	_ =	shalt  }
0x5f: {  	_ =	shalt  }
0x60: {  	_ =	shalt  }
0x61: {  	_ =	shalt  }
0x62: {  	_ =	shalt  }
0x63: {  	_ =	shalt  }
0x64: {  	_ =	shalt  }
0x65: {  	_ =	shalt  }
0x66: {  	_ =	shalt  }
0x67: {  	_ =	shalt  }
0x68: {  	_ =	shalt  }
0x69: {  	_ =	shalt  }
0x6a: {  	_ =	shalt  }
0x6b: {  	_ =	shalt  }
0x6c: {  	_ =	shalt  }
0x6d: {  	_ =	shalt  }
0x6e: {  	_ =	shalt  }
0x6f: {  	_ =	shalt  }
0x70: {  	_ =	shalt  }
0x71: {  	_ =	shalt  }
0x72: {  	_ =	shalt  }
0x73: {  	_ =	shalt  }
0x74: {  	_ =	shalt  }
0x75: {  	_ =	shalt  }
0x76: {  	_ =	shalt  }
0x77: {  	_ =	shalt  }
0x78: {  	_ =	shalt  }
0x79: {  	_ =	shalt  }
0x7a: {  	_ =	shalt  }
0x7b: {  	_ =	shalt  }
0x7c: {  	_ =	shalt  }
0x7d: {  	_ =	shalt  }
0x7e: {  	_ =	shalt  }
0x7f: {  	_ =	shalt  }
0x80: {  	_ =	shalt  }
0x81: {  	_ =	shalt  }
0x82: {  	_ =	shalt  }
0x83: {  	_ =	shalt  }
0x84: {  	_ =	shalt  }
0x85: {  	_ =	shalt  }
0x86: {  	_ =	shalt  }
0x87: {  	_ =	shalt  }
.Lfunc_end0:
.L_simem_size_0:
called_computation.3_lowered:
.L_overlay_start_0:
0x88: {  	s2 =	sld [smem:$0x3FD9]  }
0x89: {  	s3 =	sld [smem:$0x3FFE];
	_ =	sdelay $0x1  }
0x8a: {  	s1 =	srdreg.scid  }
0x8b: {  	s0 =	sand.u32 $0x1, s1  }
0x8c: {  	s17 =	sshll.u32 s0, $0xA;
	s2 =	sadd.s32 s3, s2  }
0x8d: {  	s2 =	sadd.s32 s2, s17  }
0x8e: {  	[smem:$0x3FAB] =	sst s2  }
0x8f: {  	_ = 	snop  }
0x90: {  	s2 =	sld [smem:$0x3FD0];
	(tm) =	ssettm $0x1  }
0x91: {  	s18 =	sld [smem:$0x3FFB];
	_ =	sdelay $0x3  }
0x92: {  	_ =	strace s18  }
0x93: {  	s3 =	sld [smem:$0x3FFC];
	_ =	sdelay $0x3  }
0x94: {  	_ =	strace s3  }
0x95: {  	s3 =	sld [smem:$0x3FFD];
	_ =	sdelay $0x3  }
0x96: {  	_ =	strace s3  }
0x97: {  	_ =	strace $0x8FFFFFFF  }
0x98: {  	s19 =	sld [smem:$0x3FDB];
	_ =	sdelay $0x1  }
0x99: {  	s4 =	simm.s32 $_scs_section_size  }
0x9a: {  	s5 =	simm.s32 $_size__tile_overlayer_lowered;
	s6 =	simm.s32 $_tile_overlayer_lowered  }
0x9b: {  	s22 =	simm.s32 $0x1BFF;
	s21 =	sshll.u32 s6, $0x1;
	s3 =	sadd.s32 s4, s19  }
0x9c: {  	s7 =	simm.s32 $0x0;
	s20 =	sshll.u32 s5, $0x1;
	s5 =	sadd.s32 s21, s3  }
0x9d: {  	[timem:s7], [sflag:s22] =	dma.local [hbm:s5], s20  }
0x9e: {  	_ =	swait.ge [sflag:s22], s20  }
0x9f: {  	s4 =	ssub.s32 $0x0, s20;
	[sflag:s22] =	ssyncset.done $0x0  }
0xa0: {  	[sflag:s22] =	ssyncadd.s32 s4;
	_ =	sdelay $0x1  }
0xa1: {  	s23 =	simm.s32 $0x1B8B  }
0xa2: {  	_ =	swait.ge [sflag:s23], $0x1  }
0xa3: {  	[sflag:s23] =	ssyncset.done $0x0  }
0xa4: {  	s25 =	simm.s32 $0x1B8E;
	s24 =	sld [smem:$0x3FFE];
	[sflag:s23] =	ssyncadd.s32 $0xFFFFFFFF  }
0xa5: {  	s26 =	simm.s32 $execute0_lowered;
	[smem:$0x3FD2] =	sst s25  }
0xa6: {  	s5 =	sshll.u32 s26, $0x1;
	_ =	strace $0x8000004F;
	[dreg:$0x1] =	wrdreg $0xFFFFFFFF  }
0xa7: {  	s28 =	simm.s32 $_size_execute0_lowered;
	s3 =	sadd.s32 s3, s5;
	[dreg:$0x0] =	wrdreg $0x0  }
0xa8: {  	s5 =	sshll.u32 s28, $0x1;
	[dreg:$0x2] =	wrdreg s3  }
0xa9: {  	[dreg:$0x3] =	wrdreg s5  }
0xaa: {  	[dreg:$0x4] =	wrdreg $0xC0  }
0xab: {  	_ =	task [dreg:s7], $0x5FFFF  }
0xac: {  	[dreg:$0x1] =	wrdreg $0xFFFFFFFF  }
0xad: {  	[dreg:$0x0] =	wrdreg $0x60  }
0xae: {  	[dreg:$0x2] =	wrdreg s24  }
0xaf: {  	[dreg:$0x3] =	wrdreg s2  }
0xb0: {  	[dreg:$0x4] =	wrdreg $0x154500  }
0xb1: {  	[dreg:$0x5] =	wrdreg $0x9  }
0xb2: {  	_ =	task.clear_ibuf [dreg:s7], $0x6FFFF;
	_ =	strace $0x9000004F  }
0xb3: {  	s29 =	simm.s32 $0x9;
	_ =	strace $0x80000051  }
0xb4: {  	_ =	swait.ge [sflag:s29], $0x1  }
0xb5: {  	[sflag:s29] =	ssyncadd.s32 $0xFFFFFFFF  }
0xb6: {  	_ =	strace $0x90000051  }
0xb7: {  	_ =	sfence  }
0xb8: {  	s30 =	sld [smem:$0x0];
	_ =	sdelay $0x2  }
0xb9: {  	s31 =	sshll.u32 s1, $0xD;
	s1 =	sshrl.u32 s1, $0x2  }
0xba: {  	s3 =	sand.u32 $0x4000, s31;
	s1 =	sadd.s32 s1, s30  }
0xbb: {  	s0 =	sor.u32 s3, s0;
	s1 =	sshll.u32 s1, $0x11  }
0xbc: {  	s0 =	sor.u32 s1, s0  }
0xbd: {  	s0 =	sadd.s32 $0x8F2B, s0  }
0xbe: {  	[sflag:s0] =	ssyncadd.remote.s32 $0x1  }
0xbf: {  	_ =	sfence.sel $0xFFFF  }
0xc0: {  	[dreg:$0x0] =	wrdreg $0xFFFFFFFF;
	(pc) =	sbr.abs _section_cstart, $3  }
0xc1: {  	[dreg:$0x1] =	wrdreg $0xFFFFFFFF  }
0xc2: {  	_ =	task.clear_ibuf [dreg:s7], $0x2FFFF;
	_ =	strace $0x9FFFFFFF  }
0xc3: {  	(tm) =	ssettm $0x7FFFFFFF  }
tec
execute0_lowered:
.L_overlay_start_1:
0x0: {  	(tag) =	ssettag $0x1  }
0x1: {  	s1 =	srdreg.scid;
	s5 =	rddreg [dreg:$0x0]  }
0x2: {  	s0 =	stileid.u32;
	s3 =	rddreg [dreg:$0x1]  }
0x3: {  	s1 =	sand.u32 $0x1, s1;
	s2 =	sshll.u32 s0, $0x1;
	[dreg:$0x4] =	wrdreg s3  }
0x4: {  	s3 =	simm.s32 $0x0;
	s6 =	sor.u32 s1, s2;
	s2 =	rddreg [dreg:$0x2]  }
0x5: {  	s18 =	simm.s32 $0x14C80;
	[smem:$0x7FF] =	sst s3  }
0x6: {  	s19 =	simm.s32 $0x80;
	_ =	strace $0x80000050;
	[dreg:$0x9] =	wrdreg s18  }
0x7: {  	s20 =	simm.s32 $0x1BD0;
	[dreg:$0xa] =	wrdreg s19  }
0x8: {  	s21 =	simm.s32 $0x100;
	[dreg:$0xb] =	wrdreg s20  }
0x9: {  	s22 =	simm.s32 $0x23A0;
	[dreg:$0xc] =	wrdreg s21  }
0xa: {  	s23 =	simm.s32 $0x180;
	[dreg:$0xd] =	wrdreg s22  }
0xb: {  	s24 =	simm.s32 $0x2B70;
	[dreg:$0xe] =	wrdreg s23  }
0xc: {  	s25 =	simm.s32 $0x200;
	[dreg:$0xf] =	wrdreg s24  }
0xd: {  	s26 =	simm.s32 $0x3340;
	[dreg:$0x10] =	wrdreg s25  }
0xe: {  	s10 =	simm.s32 $0x380;
	[dreg:$0x11] =	wrdreg s26  }
0xf: {  	s11 =	simm.s32 $0x4AB0;
	[dreg:$0x16] =	wrdreg s10  }
0x10: {  	s12 =	simm.s32 $0x400;
	[dreg:$0x17] =	wrdreg s11  }
0x11: {  	s13 =	simm.s32 $0x5280;
	[dreg:$0x18] =	wrdreg s12  }
0x12: {  	s14 =	simm.s32 $0x480;
	[dreg:$0x19] =	wrdreg s13  }
0x13: {  	s15 =	simm.s32 $0x5A50;
	[dreg:$0x1a] =	wrdreg s14  }
0x14: {  	s16 =	simm.s32 $0x500;
	[dreg:$0x1b] =	wrdreg s15  }
0x15: {  	[dreg:$0x1c] =	wrdreg s16;
	s18 =	simm.s32 $0x580  }
0x16: {  	s19 =	simm.s32 $0x69F0;
	[dreg:$0x1e] =	wrdreg s18  }
0x17: {  	s20 =	simm.s32 $0x600;
	[dreg:$0x1f] =	wrdreg s19  }
0x18: {  	s21 =	simm.s32 $0x71C0;
	[smem:$0x7DE] =	sst s20  }
0x19: {  	s22 =	simm.s32 $0x680;
	[smem:$0x7DF] =	sst s21  }
0x1a: {  	s23 =	simm.s32 $0x7990;
	[smem:$0x7DB] =	sst s22  }
0x1b: {  	s24 =	simm.s32 $0x700;
	[smem:$0x7DD] =	sst s23  }
0x1c: {  	s25 =	simm.s32 $0x8160;
	[smem:$0x7E4] =	sst s24  }
0x1d: {  	s26 =	simm.s32 $0x780;
	[smem:$0x7E0] =	sst s25  }
0x1e: {  	s10 =	simm.s32 $0x98D0;
	[smem:$0x7E2] =	sst s26  }
0x1f: {  	s11 =	simm.s32 $0x900;
	[smem:$0x7E5] =	sst s10  }
0x20: {  	s12 =	simm.s32 $0xA0A0;
	[smem:$0x7E8] =	sst s11  }
0x21: {  	s13 =	simm.s32 $0x980;
	[smem:$0x7DC] =	sst s12  }
0x22: {  	s14 =	simm.s32 $0xA870;
	[smem:$0x7EA] =	sst s13  }
0x23: {  	s15 =	simm.s32 $0xA00;
	[smem:$0x7E9] =	sst s14  }
0x24: {  	s16 =	simm.s32 $0xB040;
	[smem:$0x7F3] =	sst s15  }
0x25: {  	[smem:$0x7F1] =	sst s16;
	s18 =	simm.s32 $0xB810  }
0x26: {  	s19 =	simm.s32 $0xB00;
	[smem:$0x7EF] =	sst s18  }
0x27: {  	s20 =	simm.s32 $0xBFE0;
	[smem:$0x7EE] =	sst s19  }
0x28: {  	s21 =	simm.s32 $0xB80;
	[smem:$0x7F0] =	sst s20  }
0x29: {  	s22 =	simm.s32 $0xC7B0;
	[smem:$0x7F7] =	sst s21  }
0x2a: {  	s23 =	simm.s32 $0xC00;
	[smem:$0x7F6] =	sst s22  }
0x2b: {  	s4 =	smul.u32 $0x2720, s0;
	s24 =	simm.s32 $0xCF80;
	[smem:$0x7F8] =	sst s23  }
0x2c: {  	s9 =	smul.u32 $0x27200, s1;
	s25 =	simm.s32 $0xC80;
	[smem:$0x7F4] =	sst s24  }
0x2d: {  	s7 =	smul.u32 $0x2710, s6;
	s26 =	simm.s32 $0xD750;
	[smem:$0x7F9] =	sst s25  }
0x2e: {  	s6 =	smul.u32 $0x280, s6;
	s10 =	simm.s32 $0xE00;
	[smem:$0x7F5] =	sst s26  }
0x2f: {  	s8 =	sshrl.u32 s4, $0x3;
	s13 =	simm.s32 $0xEEC0;
	[smem:$0x7FC] =	sst s10  }
0x30: {  	s8 =	sadd.s32 s8, s5;
	s15 =	simm.s32 $0xE80;
	[smem:$0x7EC] =	sst s13  }
0x31: {  	s6 =	sadd.s32 s6, s5;
	s8 =	sadd.s32 $0x2DA00, s8;
	[smem:$0x7FD] =	sst s15  }
0x32: {  	s7 =	sadd.s32 s7, s5;
	[dreg:$0x5] =	wrdreg s8;
	s6 =	sadd.s32 $0x3EFC00, s6  }
0x33: {  	s17 =	sadd.s32 $0x32A00, s7;
	[dreg:$0x6] =	wrdreg s6  }
0x34: {  	s9 =	sadd.s32 s4, s9;
	s7 =	simm.s32 $0x3B10;
	[dreg:$0x7] =	wrdreg s17  }
0x35: {  	s9 =	sshrl.u32 s9, $0x3;
	s8 =	simm.s32 $0x300;
	[dreg:$0x13] =	wrdreg s7  }
0x36: {  	s5 =	sadd.s32 s9, s5;
	s9 =	simm.s32 $0x42E0;
	[dreg:$0x14] =	wrdreg s8  }
0x37: {  	[dreg:$0x15] =	wrdreg s9  }
0x38: {  	s5 =	sadd.s32 $0x80C00, s5;
	s14 =	rddreg [dreg:$0x5]  }
0x39: {  	s6 =	simm.s32 $0x280;
	[dreg:$0x8] =	wrdreg s5  }
0x3a: {  	s17 =	simm.s32 $0x6220;
	[dreg:$0x12] =	wrdreg s6  }
0x3b: {  	s7 =	simm.s32 $0x800;
	[dreg:$0x1d] =	wrdreg s17  }
0x3c: {  	s8 =	simm.s32 $0x9100;
	[smem:$0x7E6] =	sst s7  }
0x3d: {  	s9 =	simm.s32 $0x880;
	[smem:$0x7E3] =	sst s8  }
0x3e: {  	s6 =	simm.s32 $0x8930;
	[smem:$0x7E7] =	sst s9  }
0x3f: {  	s17 =	simm.s32 $0xA80;
	[smem:$0x7E1] =	sst s6  }
0x40: {  	s7 =	simm.s32 $0xDF20;
	[smem:$0x7EB] =	sst s17  }
0x41: {  	s11 =	sadd.s32 s4, s2;
	s8 =	simm.s32 $0xD80;
	[smem:$0x7F2] =	sst s7  }
0x42: {  	s12 =	sshll.u32 s0, $0x6;
	s9 =	simm.s32 $0xE6F0;
	[smem:$0x7FB] =	sst s8  }
0x43: {  	s4 =	sor.u32 $0x1C02, s12;
	s6 =	simm.s32 $0xD00;
	[smem:$0x7ED] =	sst s9  }
0x44: {  	s5 =	simm.s32 $0x2;
	[smem:$0x7FA] =	sst s6;
	s6 =	sshrl.u32 s11, $0x3  }
0x45: {  	[spmem:s6], [sflag:s4] =	dma.local [hbm:s14], $0x4E4  }
0x46: {  	_ =	swait.ge [sflag:s5], $0x4E4  }
0x47: {  	s16 =	rddreg [dreg:$0x4];
	[sflag:s5] =	ssyncset.done $0x0  }
0x48: {  	s17 =	rddreg [dreg:$0x9];
	[sflag:s5] =	ssyncadd.s32 $0xFFFFFB1C  }
0x49: {  	[tilespmem:s17], [sflag:$0x2] =	stream.linear.gather [hbm4b:s16+s3], $0x7D0, $0x38;
	[tilespmem:$0x17B70] =	vst v63  }
0x4a: {  	_ =	swait.ge [sflag:s5], $0x7D0  }
0x4b: {  	[sflag:s5] =	ssyncset.done $0x0  }
0x4c: {  	[sflag:s5] =	ssyncadd.s32 $0xFFFFF830  }
0x4d: {  	[bflag:$0x0] =	sbarrier.arrive $0xFFFF  }
0x4e: {  	s18 =	rddreg [dreg:$0x6]  }
0x4f: {  	[tilespmem:s3], [sflag:$0x2] =	stream.linear.gather [hbm4b:s18+s3], $0x1400, $0x38;
	[tilespmem:$0x17B70] =	vst v63  }
0x50: {  	_ =	swait.ge [sflag:s5], $0x1400  }
0x51: {  	[sflag:s5] =	ssyncset.done $0x0  }
0x52: {  	s7 =	simm.s32 $0x1400;
	s19 =	rddreg [dreg:$0x7];
	[sflag:s5] =	ssyncadd.s32 $0xFFFFEC00  }
0x53: {  	[tilespmem:s7], [sflag:$0x2] =	stream.linear.gather [hbm4b:s19+s3], $0x13880, $0x38;
	[tilespmem:$0x17B70] =	vst v63  }
0x54: {  	_ =	swait.ge [sflag:s5], $0x13880  }
0x55: {  	s20 =	rddreg [dreg:$0x11]  }
0x56: {  	s10 =	rddreg [dreg:$0x1b]  }
0x57: {  	s11 =	rddreg [dreg:$0xe]  }
0x58: {  	s12 =	rddreg [dreg:$0x17]  }
0x59: {  	s13 =	rddreg [dreg:$0x13]  }
0x5a: {  	s14 =	rddreg [dreg:$0xc]  }
0x5b: {  	s15 =	rddreg [dreg:$0xf]  }
0x5c: {  	s16 =	rddreg [dreg:$0xd];
	[sflag:s5] =	ssyncset.done $0x0  }
0x5d: {  	s9 =	simm.s32 $0x7D;
	s17 =	rddreg [dreg:$0xa];
	[sflag:s5] =	ssyncadd.s32 $0xFFFEC780  }
0x5e: {  	[spmem:s2] =	stream.indirect.scatter.add.f32 [tilespmem:s7], [sflag:$0x1], $0x10, s3, s9, $0xb8;
	[tilespmem:$0x17B70] =	vst v63  }
0x5f: {  	s18 =	rddreg [dreg:$0xb]  }
0x60: {  	[spmem:s2] =	stream.indirect.scatter.add.f32 [tilespmem:s18], [sflag:$0x1], $0x10, s17, s9, $0xb8;
	[tilespmem:$0x17B70] =	vst v63  }
0x61: {  	s19 =	rddreg [dreg:$0x10]  }
0x62: {  	[spmem:s2] =	stream.indirect.scatter.add.f32 [tilespmem:s16], [sflag:$0x1], $0x10, s14, s9, $0xb8;
	[tilespmem:$0x17B70] =	vst v63  }
0x63: {  	s21 =	rddreg [dreg:$0x12]  }
0x64: {  	[spmem:s2] =	stream.indirect.scatter.add.f32 [tilespmem:s15], [sflag:$0x1], $0x10, s11, s9, $0xb8;
	[tilespmem:$0x17B70] =	vst v63  }
0x65: {  	s22 =	rddreg [dreg:$0x15]  }
0x66: {  	[spmem:s2] =	stream.indirect.scatter.add.f32 [tilespmem:s20], [sflag:$0x1], $0x10, s19, s9, $0xb8;
	[tilespmem:$0x17B70] =	vst v63  }
0x67: {  	s23 =	rddreg [dreg:$0x14]  }
0x68: {  	[spmem:s2] =	stream.indirect.scatter.add.f32 [tilespmem:s13], [sflag:$0x1], $0x10, s21, s9, $0xb8;
	[tilespmem:$0x17B70] =	vst v63  }
0x69: {  	s24 =	rddreg [dreg:$0x16]  }
0x6a: {  	[spmem:s2] =	stream.indirect.scatter.add.f32 [tilespmem:s22], [sflag:$0x1], $0x10, s23, s9, $0xb8;
	[tilespmem:$0x17B70] =	vst v63  }
0x6b: {  	s25 =	rddreg [dreg:$0x19]  }
0x6c: {  	[spmem:s2] =	stream.indirect.scatter.add.f32 [tilespmem:s12], [sflag:$0x1], $0x10, s24, s9, $0xb8;
	[tilespmem:$0x17B70] =	vst v63  }
0x6d: {  	s26 =	rddreg [dreg:$0x18]  }
0x6e: {  	[spmem:s2] =	stream.indirect.scatter.add.f32 [tilespmem:s25], [sflag:$0x1], $0x10, s26, s9, $0xb8;
	[tilespmem:$0x17B70] =	vst v63  }
0x6f: {  	s8 =	simm.s32 $0x1;
	s0 =	rddreg [dreg:$0x1a]  }
0x70: {  	[spmem:s2] =	stream.indirect.scatter.add.f32 [tilespmem:s10], [sflag:$0x1], $0x10, s0, s9, $0xb8;
	[tilespmem:$0x17B70] =	vst v63  }
0x71: {  	_ =	swait.ge [sflag:s8], $0x7D0  }
0x72: {  	[sflag:s8] =	ssyncset.done $0x0  }
0x73: {  	[sflag:s8] =	ssyncadd.s32 $0xFFFFF830  }
0x74: {  	_ =	swait.ge [sflag:s8], $0x7D0  }
0x75: {  	[sflag:s8] =	ssyncset.done $0x0  }
0x76: {  	[sflag:s8] =	ssyncadd.s32 $0xFFFFF830  }
0x77: {  	_ =	swait.ge [sflag:s8], $0x7D0  }
0x78: {  	[sflag:s8] =	ssyncset.done $0x0  }
0x79: {  	[sflag:s8] =	ssyncadd.s32 $0xFFFFF830  }
0x7a: {  	_ =	swait.ge [sflag:s8], $0x7D0  }
0x7b: {  	[sflag:s8] =	ssyncset.done $0x0  }
0x7c: {  	[sflag:s8] =	ssyncadd.s32 $0xFFFFF830  }
0x7d: {  	_ =	swait.ge [sflag:s8], $0x7D0  }
0x7e: {  	[sflag:s8] =	ssyncset.done $0x0  }
0x7f: {  	[sflag:s8] =	ssyncadd.s32 $0xFFFFF830  }
0x80: {  	_ =	swait.ge [sflag:s8], $0x7D0  }
0x81: {  	[sflag:s8] =	ssyncset.done $0x0  }
0x82: {  	[sflag:s8] =	ssyncadd.s32 $0xFFFFF830  }
0x83: {  	_ =	swait.ge [sflag:s8], $0x7D0  }
0x84: {  	[sflag:s8] =	ssyncset.done $0x0  }
0x85: {  	[sflag:s8] =	ssyncadd.s32 $0xFFFFF830  }
0x86: {  	_ =	swait.ge [sflag:s8], $0x7D0  }
0x87: {  	[sflag:s8] =	ssyncset.done $0x0  }
0x88: {  	[sflag:s8] =	ssyncadd.s32 $0xFFFFF830  }
0x89: {  	_ =	swait.ge [sflag:s8], $0x7D0  }
0x8a: {  	[sflag:s8] =	ssyncset.done $0x0  }
0x8b: {  	[sflag:s8] =	ssyncadd.s32 $0xFFFFF830  }
0x8c: {  	_ =	swait.ge [sflag:s8], $0x7D0  }
0x8d: {  	s10 =	sld [smem:$0x7DB]  }
0x8e: {  	s11 =	sld [smem:$0x7DC]  }
0x8f: {  	s14 =	rddreg [dreg:$0x1f]  }
0x90: {  	s13 =	sld [smem:$0x7DD]  }
0x91: {  	s15 =	sld [smem:$0x7DE]  }
0x92: {  	s16 =	sld [smem:$0x7DF]  }
0x93: {  	s19 =	sld [smem:$0x7E0]  }
0x94: {  	s22 =	rddreg [dreg:$0x1c]  }
0x95: {  	s23 =	rddreg [dreg:$0x1d]  }
0x96: {  	s24 =	sld [smem:$0x7E1]  }
0x97: {  	[sflag:s8] =	ssyncset.done $0x0;
	s20 =	rddreg [dreg:$0x1e]  }
0x98: {  	s21 =	sld [smem:$0x7E2];
	[sflag:s8] =	ssyncadd.s32 $0xFFFFF830  }
0x99: {  	[spmem:s2] =	stream.indirect.scatter.add.f32 [tilespmem:s23], [sflag:$0x1], $0x10, s22, s9, $0xb8;
	[tilespmem:$0x17B70] =	vst v63  }
0x9a: {  	s25 =	sld [smem:$0x7E3]  }
0x9b: {  	[spmem:s2] =	stream.indirect.scatter.add.f32 [tilespmem:s14], [sflag:$0x1], $0x10, s20, s9, $0xb8;
	[tilespmem:$0x17B70] =	vst v63  }
0x9c: {  	s26 =	sld [smem:$0x7E4]  }
0x9d: {  	[spmem:s2] =	stream.indirect.scatter.add.f32 [tilespmem:s16], [sflag:$0x1], $0x10, s15, s9, $0xb8;
	[tilespmem:$0x17B70] =	vst v63  }
0x9e: {  	s0 =	sld [smem:$0x7E5]  }
0x9f: {  	[spmem:s2] =	stream.indirect.scatter.add.f32 [tilespmem:s13], [sflag:$0x1], $0x10, s10, s9, $0xb8;
	[tilespmem:$0x17B70] =	vst v63  }
0xa0: {  	s17 =	sld [smem:$0x7E9]  }
0xa1: {  	[spmem:s2] =	stream.indirect.scatter.add.f32 [tilespmem:s19], [sflag:$0x1], $0x10, s26, s9, $0xb8;
	[tilespmem:$0x17B70] =	vst v63  }
0xa2: {  	s13 =	sld [smem:$0x7E6]  }
0xa3: {  	[spmem:s2] =	stream.indirect.scatter.add.f32 [tilespmem:s24], [sflag:$0x1], $0x10, s21, s9, $0xb8;
	[tilespmem:$0x17B70] =	vst v63  }
0xa4: {  	s15 =	sld [smem:$0x7E7]  }
0xa5: {  	[spmem:s2] =	stream.indirect.scatter.add.f32 [tilespmem:s25], [sflag:$0x1], $0x10, s13, s9, $0xb8;
	[tilespmem:$0x17B70] =	vst v63  }
0xa6: {  	s16 =	sld [smem:$0x7E8]  }
0xa7: {  	[spmem:s2] =	stream.indirect.scatter.add.f32 [tilespmem:s0], [sflag:$0x1], $0x10, s15, s9, $0xb8;
	[tilespmem:$0x17B70] =	vst v63  }
0xa8: {  	s18 =	sld [smem:$0x7EA]  }
0xa9: {  	[spmem:s2] =	stream.indirect.scatter.add.f32 [tilespmem:s11], [sflag:$0x1], $0x10, s16, s9, $0xb8;
	[tilespmem:$0x17B70] =	vst v63  }
0xaa: {  	_ = 	snop  }
0xab: {  	[spmem:s2] =	stream.indirect.scatter.add.f32 [tilespmem:s17], [sflag:$0x1], $0x10, s18, s9, $0xb8;
	[tilespmem:$0x17B70] =	vst v63  }
0xac: {  	_ =	swait.ge [sflag:s8], $0x7D0  }
0xad: {  	[sflag:s8] =	ssyncset.done $0x0  }
0xae: {  	[sflag:s8] =	ssyncadd.s32 $0xFFFFF830  }
0xaf: {  	_ =	swait.ge [sflag:s8], $0x7D0  }
0xb0: {  	[sflag:s8] =	ssyncset.done $0x0  }
0xb1: {  	[sflag:s8] =	ssyncadd.s32 $0xFFFFF830  }
0xb2: {  	_ =	swait.ge [sflag:s8], $0x7D0  }
0xb3: {  	[sflag:s8] =	ssyncset.done $0x0  }
0xb4: {  	[sflag:s8] =	ssyncadd.s32 $0xFFFFF830  }
0xb5: {  	_ =	swait.ge [sflag:s8], $0x7D0  }
0xb6: {  	[sflag:s8] =	ssyncset.done $0x0  }
0xb7: {  	[sflag:s8] =	ssyncadd.s32 $0xFFFFF830  }
0xb8: {  	_ =	swait.ge [sflag:s8], $0x7D0  }
0xb9: {  	[sflag:s8] =	ssyncset.done $0x0  }
0xba: {  	[sflag:s8] =	ssyncadd.s32 $0xFFFFF830  }
0xbb: {  	_ =	swait.ge [sflag:s8], $0x7D0  }
0xbc: {  	[sflag:s8] =	ssyncset.done $0x0  }
0xbd: {  	[sflag:s8] =	ssyncadd.s32 $0xFFFFF830  }
0xbe: {  	_ =	swait.ge [sflag:s8], $0x7D0  }
0xbf: {  	[sflag:s8] =	ssyncset.done $0x0  }
0xc0: {  	[sflag:s8] =	ssyncadd.s32 $0xFFFFF830  }
0xc1: {  	_ =	swait.ge [sflag:s8], $0x7D0  }
0xc2: {  	[sflag:s8] =	ssyncset.done $0x0  }
0xc3: {  	[sflag:s8] =	ssyncadd.s32 $0xFFFFF830  }
0xc4: {  	_ =	swait.ge [sflag:s8], $0x7D0  }
0xc5: {  	[sflag:s8] =	ssyncset.done $0x0  }
0xc6: {  	[sflag:s8] =	ssyncadd.s32 $0xFFFFF830  }
0xc7: {  	_ =	swait.ge [sflag:s8], $0x7D0  }
0xc8: {  	s19 =	sld [smem:$0x7EB]  }
0xc9: {  	s11 =	sld [smem:$0x7EC]  }
0xca: {  	s12 =	sld [smem:$0x7ED]  }
0xcb: {  	s20 =	sld [smem:$0x7EE]  }
0xcc: {  	s21 =	sld [smem:$0x7EF]  }
0xcd: {  	s22 =	sld [smem:$0x7F0]  }
0xce: {  	s23 =	sld [smem:$0x7F1]  }
0xcf: {  	s17 =	sld [smem:$0x7F2]  }
0xd0: {  	s24 =	sld [smem:$0x7F3]  }
0xd1: {  	[sflag:s8] =	ssyncset.done $0x0;
	s25 =	sld [smem:$0x7F4]  }
0xd2: {  	s26 =	sld [smem:$0x7F5];
	[sflag:s8] =	ssyncadd.s32 $0xFFFFF830  }
0xd3: {  	[spmem:s2] =	stream.indirect.scatter.add.f32 [tilespmem:s23], [sflag:$0x1], $0x10, s24, s9, $0xb8;
	[tilespmem:$0x17B70] =	vst v63  }
0xd4: {  	s0 =	sld [smem:$0x7F6]  }
0xd5: {  	[spmem:s2] =	stream.indirect.scatter.add.f32 [tilespmem:s21], [sflag:$0x1], $0x10, s19, s9, $0xb8;
	[tilespmem:$0x17B70] =	vst v63  }
0xd6: {  	s14 =	sld [smem:$0x7F7]  }
0xd7: {  	[spmem:s2] =	stream.indirect.scatter.add.f32 [tilespmem:s22], [sflag:$0x1], $0x10, s20, s9, $0xb8;
	[tilespmem:$0x17B70] =	vst v63  }
0xd8: {  	s18 =	sld [smem:$0x7F8]  }
0xd9: {  	[spmem:s2] =	stream.indirect.scatter.add.f32 [tilespmem:s0], [sflag:$0x1], $0x10, s14, s9, $0xb8;
	[tilespmem:$0x17B70] =	vst v63  }
0xda: {  	s21 =	sld [smem:$0x7F9]  }
0xdb: {  	[spmem:s2] =	stream.indirect.scatter.add.f32 [tilespmem:s25], [sflag:$0x1], $0x10, s18, s9, $0xb8;
	[tilespmem:$0x17B70] =	vst v63  }
0xdc: {  	s22 =	sld [smem:$0x7FA]  }
0xdd: {  	[spmem:s2] =	stream.indirect.scatter.add.f32 [tilespmem:s26], [sflag:$0x1], $0x10, s21, s9, $0xb8;
	[tilespmem:$0x17B70] =	vst v63  }
0xde: {  	s23 =	sld [smem:$0x7FB]  }
0xdf: {  	[spmem:s2] =	stream.indirect.scatter.add.f32 [tilespmem:s17], [sflag:$0x1], $0x10, s22, s9, $0xb8;
	[tilespmem:$0x17B70] =	vst v63  }
0xe0: {  	s24 =	sld [smem:$0x7FC]  }
0xe1: {  	[spmem:s2] =	stream.indirect.scatter.add.f32 [tilespmem:s12], [sflag:$0x1], $0x10, s23, s9, $0xb8;
	[tilespmem:$0x17B70] =	vst v63  }
0xe2: {  	s25 =	sld [smem:$0x7FD]  }
0xe3: {  	[spmem:s2] =	stream.indirect.scatter.add.f32 [tilespmem:s11], [sflag:$0x1], $0x10, s24, s9, $0xb8;
	[tilespmem:$0x17B70] =	vst v63  }
0xe4: {  	s26 =	simm.s32 $0xF690  }
0xe5: {  	[spmem:s2] =	stream.indirect.scatter.add.f32 [tilespmem:s26], [sflag:$0x1], $0x10, s25, s9, $0xb8;
	[tilespmem:$0x17B70] =	vst v63  }
0xe6: {  	_ =	swait.ge [sflag:s8], $0x7D0  }
0xe7: {  	[sflag:s8] =	ssyncset.done $0x0  }
0xe8: {  	[sflag:s8] =	ssyncadd.s32 $0xFFFFF830  }
0xe9: {  	_ =	swait.ge [sflag:s8], $0x7D0  }
0xea: {  	[sflag:s8] =	ssyncset.done $0x0  }
0xeb: {  	[sflag:s8] =	ssyncadd.s32 $0xFFFFF830  }
0xec: {  	_ =	swait.ge [sflag:s8], $0x7D0  }
0xed: {  	[sflag:s8] =	ssyncset.done $0x0  }
0xee: {  	[sflag:s8] =	ssyncadd.s32 $0xFFFFF830  }
0xef: {  	_ =	swait.ge [sflag:s8], $0x7D0  }
0xf0: {  	[sflag:s8] =	ssyncset.done $0x0  }
0xf1: {  	[sflag:s8] =	ssyncadd.s32 $0xFFFFF830  }
0xf2: {  	_ =	swait.ge [sflag:s8], $0x7D0  }
0xf3: {  	[sflag:s8] =	ssyncset.done $0x0  }
0xf4: {  	[sflag:s8] =	ssyncadd.s32 $0xFFFFF830  }
0xf5: {  	_ =	swait.ge [sflag:s8], $0x7D0  }
0xf6: {  	[sflag:s8] =	ssyncset.done $0x0  }
0xf7: {  	[sflag:s8] =	ssyncadd.s32 $0xFFFFF830  }
0xf8: {  	_ =	swait.ge [sflag:s8], $0x7D0  }
0xf9: {  	[sflag:s8] =	ssyncset.done $0x0  }
0xfa: {  	[sflag:s8] =	ssyncadd.s32 $0xFFFFF830  }
0xfb: {  	_ =	swait.ge [sflag:s8], $0x7D0  }
0xfc: {  	[sflag:s8] =	ssyncset.done $0x0  }
0xfd: {  	[sflag:s8] =	ssyncadd.s32 $0xFFFFF830  }
0xfe: {  	_ =	swait.ge [sflag:s8], $0x7D0  }
0xff: {  	[sflag:s8] =	ssyncset.done $0x0  }
0x100: {  	[sflag:s8] =	ssyncadd.s32 $0xFFFFF830  }
0x101: {  	_ =	swait.ge [sflag:s8], $0x7D0  }
0x102: {  	[sflag:s8] =	ssyncset.done $0x0  }
0x103: {  	s10 =	simm.s32 $0xF00;
	s11 =	simm.s32 $0xFE60;
	[sflag:s8] =	ssyncadd.s32 $0xFFFFF830  }
0x104: {  	[spmem:s2] =	stream.indirect.scatter.add.f32 [tilespmem:s11], [sflag:$0x1], $0x10, s10, s9, $0xb8;
	[tilespmem:$0x17B70] =	vst v63  }
0x105: {  	s13 =	simm.s32 $0x10630;
	s12 =	simm.s32 $0xF80  }
0x106: {  	[spmem:s2] =	stream.indirect.scatter.add.f32 [tilespmem:s13], [sflag:$0x1], $0x10, s12, s9, $0xb8;
	[tilespmem:$0x17B70] =	vst v63  }
0x107: {  	s15 =	simm.s32 $0x10E00;
	s14 =	simm.s32 $0x1000  }
0x108: {  	[spmem:s2] =	stream.indirect.scatter.add.f32 [tilespmem:s15], [sflag:$0x1], $0x10, s14, s9, $0xb8;
	[tilespmem:$0x17B70] =	vst v63  }
0x109: {  	s16 =	simm.s32 $0x1080;
	s17 =	simm.s32 $0x115D0  }
0x10a: {  	[spmem:s2] =	stream.indirect.scatter.add.f32 [tilespmem:s17], [sflag:$0x1], $0x10, s16, s9, $0xb8;
	[tilespmem:$0x17B70] =	vst v63  }
0x10b: {  	s19 =	simm.s32 $0x11DA0;
	s18 =	simm.s32 $0x1100  }
0x10c: {  	[spmem:s2] =	stream.indirect.scatter.add.f32 [tilespmem:s19], [sflag:$0x1], $0x10, s18, s9, $0xb8;
	[tilespmem:$0x17B70] =	vst v63  }
0x10d: {  	s21 =	simm.s32 $0x1180;
	s22 =	simm.s32 $0x12570  }
0x10e: {  	[spmem:s2] =	stream.indirect.scatter.add.f32 [tilespmem:s22], [sflag:$0x1], $0x10, s21, s9, $0xb8;
	[tilespmem:$0x17B70] =	vst v63  }
0x10f: {  	s23 =	simm.s32 $0x1200;
	s24 =	simm.s32 $0x12D40  }
0x110: {  	[spmem:s2] =	stream.indirect.scatter.add.f32 [tilespmem:s24], [sflag:$0x1], $0x10, s23, s9, $0xb8;
	[tilespmem:$0x17B70] =	vst v63  }
0x111: {  	s25 =	simm.s32 $0x1280;
	s26 =	simm.s32 $0x13510  }
0x112: {  	[spmem:s2] =	stream.indirect.scatter.add.f32 [tilespmem:s26], [sflag:$0x1], $0x10, s25, s9, $0xb8;
	[tilespmem:$0x17B70] =	vst v63  }
0x113: {  	s28 =	simm.s32 $0x1300;
	s29 =	simm.s32 $0x13CE0  }
0x114: {  	[spmem:s2] =	stream.indirect.scatter.add.f32 [tilespmem:s29], [sflag:$0x1], $0x10, s28, s9, $0xb8;
	[tilespmem:$0x17B70] =	vst v63  }
0x115: {  	s30 =	simm.s32 $0x1380;
	s31 =	simm.s32 $0x144B0  }
0x116: {  	[spmem:s2] =	stream.indirect.scatter.add.f32 [tilespmem:s31], [sflag:$0x1], $0x10, s30, s9, $0xb8;
	[tilespmem:$0x17B70] =	vst v63  }
0x117: {  	s1 =	ssub.s32 $0x2, s1;
	_ =	swait.ge [sflag:s8], $0x7D0  }
0x118: {  	s20 =	sshrl.u32 s1, $0x1;
	[sflag:s8] =	ssyncset.done $0x0  }
0x119: {  	s0 =	ssub.s32 s1, s20;
	[sflag:s8] =	ssyncadd.s32 $0xFFFFF830  }
0x11a: {  	s0 =	smax.u32 s0, $0x1;
	_ =	swait.ge [sflag:s8], $0x7D0  }
0x11b: {  	p0 =	sne.s32 s0, $0x1;
	[sflag:s8] =	ssyncset.done $0x0  }
.Ltmp0:
0x11c: {  	[sflag:s8] =	ssyncadd.s32 $0xFFFFF830;
	(pc) =	sbr.rel @!p0 .LBB2_2-.Ltmp0, $4  }
0x11d: {  	_ =	swait.ge [sflag:s8], $0x7D0  }
0x11e: {  	[sflag:s8] =	ssyncset.done $0x0  }
0x11f: {  	[sflag:s8] =	ssyncadd.s32 $0xFFFFF830  }
0x120: {  	s1 =	sadd.s32 $0xFFFFFFFF, s0;
	_ =	swait.ge [sflag:s8], $0x7D0  }
.LBB2_1:
0x121: {  	[sflag:s8] =	ssyncset.done $0x0  }
0x122: {  	[sflag:s8] =	ssyncadd.s32 $0xFFFFF830  }
0x123: {  	_ =	swait.ge [sflag:s8], $0x7D0  }
0x124: {  	[sflag:s8] =	ssyncset.done $0x0  }
0x125: {  	[sflag:s8] =	ssyncadd.s32 $0xFFFFF830  }
0x126: {  	_ =	swait.ge [sflag:s8], $0x7D0  }
0x127: {  	[sflag:s8] =	ssyncset.done $0x0  }
0x128: {  	[sflag:s8] =	ssyncadd.s32 $0xFFFFF830  }
0x129: {  	_ =	swait.ge [sflag:s8], $0x7D0  }
0x12a: {  	[sflag:s8] =	ssyncset.done $0x0  }
0x12b: {  	[sflag:s8] =	ssyncadd.s32 $0xFFFFF830  }
0x12c: {  	_ =	swait.ge [sflag:s8], $0x7D0  }
0x12d: {  	[sflag:s8] =	ssyncset.done $0x0  }
0x12e: {  	[sflag:s8] =	ssyncadd.s32 $0xFFFFF830  }
0x12f: {  	_ =	swait.ge [sflag:s8], $0x7D0  }
0x130: {  	[sflag:s8] =	ssyncset.done $0x0  }
0x131: {  	[sflag:s8] =	ssyncadd.s32 $0xFFFFF830  }
0x132: {  	_ =	swait.ge [sflag:s8], $0x7D0  }
0x133: {  	[sflag:s8] =	ssyncset.done $0x0  }
0x134: {  	[sflag:s8] =	ssyncadd.s32 $0xFFFFF830  }
0x135: {  	[bflag:$0x0] =	sbarrier.arrive $0xFFFF  }
0x136: {  	s0 =	rddreg [dreg:$0x8]  }
0x137: {  	[hbm:s0], [sflag:s4] =	dma.local [spmem:s6], $0x4E4  }
0x138: {  	_ =	swait.ge [sflag:s5], $0x4E4  }
0x139: {  	[sflag:s5] =	ssyncset.done $0x0  }
0x13a: {  	s12 =	rddreg [dreg:$0x5];
	[sflag:s5] =	ssyncadd.s32 $0xFFFFFB1C  }
0x13b: {  	[spmem:s6], [sflag:s4] =	dma.local [hbm:s12], $0x4E4  }
0x13c: {  	_ =	swait.ge [sflag:s5], $0x4E4  }
0x13d: {  	s13 =	rddreg [dreg:$0x4];
	[sflag:s5] =	ssyncset.done $0x0  }
0x13e: {  	s10 =	rddreg [dreg:$0x9];
	[sflag:s5] =	ssyncadd.s32 $0xFFFFFB1C  }
0x13f: {  	[tilespmem:s10], [sflag:$0x2] =	stream.linear.gather [hbm4b:s13+s3], $0x7D0, $0x38;
	[tilespmem:$0x17B70] =	vst v63  }
0x140: {  	_ =	swait.ge [sflag:s5], $0x7D0  }
0x141: {  	[sflag:s5] =	ssyncset.done $0x0  }
0x142: {  	[sflag:s5] =	ssyncadd.s32 $0xFFFFF830  }
0x143: {  	[bflag:$0x0] =	sbarrier.arrive $0xFFFF  }
0x144: {  	s14 =	rddreg [dreg:$0x6]  }
0x145: {  	[tilespmem:s3], [sflag:$0x2] =	stream.linear.gather [hbm4b:s14+s3], $0x1400, $0x38;
	[tilespmem:$0x17B70] =	vst v63  }
0x146: {  	_ =	swait.ge [sflag:s5], $0x1400  }
0x147: {  	[sflag:s5] =	ssyncset.done $0x0  }
0x148: {  	s15 =	rddreg [dreg:$0x7];
	[sflag:s5] =	ssyncadd.s32 $0xFFFFEC00  }
0x149: {  	[tilespmem:s7], [sflag:$0x2] =	stream.linear.gather [hbm4b:s15+s3], $0x13880, $0x38;
	[tilespmem:$0x17B70] =	vst v63  }
0x14a: {  	_ =	swait.ge [sflag:s5], $0x13880  }
0x14b: {  	s0 =	rddreg [dreg:$0x11]  }
0x14c: {  	s10 =	rddreg [dreg:$0x1b]  }
0x14d: {  	s11 =	rddreg [dreg:$0xe]  }
0x14e: {  	s12 =	rddreg [dreg:$0x17]  }
0x14f: {  	s13 =	rddreg [dreg:$0x13]  }
0x150: {  	s14 =	rddreg [dreg:$0xc]  }
0x151: {  	s15 =	rddreg [dreg:$0xf]  }
0x152: {  	[sflag:s5] =	ssyncset.done $0x0;
	s16 =	rddreg [dreg:$0xd]  }
0x153: {  	s17 =	rddreg [dreg:$0xa];
	[sflag:s5] =	ssyncadd.s32 $0xFFFEC780  }
0x154: {  	[spmem:s2] =	stream.indirect.scatter.add.f32 [tilespmem:s7], [sflag:$0x1], $0x10, s3, s9, $0xb8;
	[tilespmem:$0x17B70] =	vst v63  }
0x155: {  	s18 =	rddreg [dreg:$0xb]  }
0x156: {  	[spmem:s2] =	stream.indirect.scatter.add.f32 [tilespmem:s18], [sflag:$0x1], $0x10, s17, s9, $0xb8;
	[tilespmem:$0x17B70] =	vst v63  }
0x157: {  	s19 =	rddreg [dreg:$0x10]  }
0x158: {  	[spmem:s2] =	stream.indirect.scatter.add.f32 [tilespmem:s16], [sflag:$0x1], $0x10, s14, s9, $0xb8;
	[tilespmem:$0x17B70] =	vst v63  }
0x159: {  	s20 =	rddreg [dreg:$0x12]  }
0x15a: {  	[spmem:s2] =	stream.indirect.scatter.add.f32 [tilespmem:s15], [sflag:$0x1], $0x10, s11, s9, $0xb8;
	[tilespmem:$0x17B70] =	vst v63  }
0x15b: {  	s17 =	rddreg [dreg:$0x15]  }
0x15c: {  	[spmem:s2] =	stream.indirect.scatter.add.f32 [tilespmem:s0], [sflag:$0x1], $0x10, s19, s9, $0xb8;
	[tilespmem:$0x17B70] =	vst v63  }
0x15d: {  	s18 =	rddreg [dreg:$0x16]  }
0x15e: {  	[spmem:s2] =	stream.indirect.scatter.add.f32 [tilespmem:s13], [sflag:$0x1], $0x10, s20, s9, $0xb8;
	[tilespmem:$0x17B70] =	vst v63  }
0x15f: {  	s16 =	rddreg [dreg:$0x14]  }
0x160: {  	[spmem:s2] =	stream.indirect.scatter.add.f32 [tilespmem:s17], [sflag:$0x1], $0x10, s16, s9, $0xb8;
	[tilespmem:$0x17B70] =	vst v63  }
0x161: {  	s15 =	rddreg [dreg:$0x18]  }
0x162: {  	[spmem:s2] =	stream.indirect.scatter.add.f32 [tilespmem:s12], [sflag:$0x1], $0x10, s18, s9, $0xb8;
	[tilespmem:$0x17B70] =	vst v63  }
0x163: {  	s19 =	rddreg [dreg:$0x19]  }
0x164: {  	[spmem:s2] =	stream.indirect.scatter.add.f32 [tilespmem:s19], [sflag:$0x1], $0x10, s15, s9, $0xb8;
	[tilespmem:$0x17B70] =	vst v63  }
0x165: {  	s16 =	rddreg [dreg:$0x1a]  }
0x166: {  	[spmem:s2] =	stream.indirect.scatter.add.f32 [tilespmem:s10], [sflag:$0x1], $0x10, s16, s9, $0xb8;
	[tilespmem:$0x17B70] =	vst v63  }
0x167: {  	_ =	swait.ge [sflag:s8], $0x7D0  }
0x168: {  	[sflag:s8] =	ssyncset.done $0x0  }
0x169: {  	[sflag:s8] =	ssyncadd.s32 $0xFFFFF830  }
0x16a: {  	_ =	swait.ge [sflag:s8], $0x7D0  }
0x16b: {  	[sflag:s8] =	ssyncset.done $0x0  }
0x16c: {  	[sflag:s8] =	ssyncadd.s32 $0xFFFFF830  }
0x16d: {  	_ =	swait.ge [sflag:s8], $0x7D0  }
0x16e: {  	[sflag:s8] =	ssyncset.done $0x0  }
0x16f: {  	[sflag:s8] =	ssyncadd.s32 $0xFFFFF830  }
0x170: {  	_ =	swait.ge [sflag:s8], $0x7D0  }
0x171: {  	[sflag:s8] =	ssyncset.done $0x0  }
0x172: {  	[sflag:s8] =	ssyncadd.s32 $0xFFFFF830  }
0x173: {  	_ =	swait.ge [sflag:s8], $0x7D0  }
0x174: {  	[sflag:s8] =	ssyncset.done $0x0  }
0x175: {  	[sflag:s8] =	ssyncadd.s32 $0xFFFFF830  }
0x176: {  	_ =	swait.ge [sflag:s8], $0x7D0  }
0x177: {  	[sflag:s8] =	ssyncset.done $0x0  }
0x178: {  	[sflag:s8] =	ssyncadd.s32 $0xFFFFF830  }
0x179: {  	_ =	swait.ge [sflag:s8], $0x7D0  }
0x17a: {  	[sflag:s8] =	ssyncset.done $0x0  }
0x17b: {  	[sflag:s8] =	ssyncadd.s32 $0xFFFFF830  }
0x17c: {  	_ =	swait.ge [sflag:s8], $0x7D0  }
0x17d: {  	[sflag:s8] =	ssyncset.done $0x0  }
0x17e: {  	[sflag:s8] =	ssyncadd.s32 $0xFFFFF830  }
0x17f: {  	_ =	swait.ge [sflag:s8], $0x7D0  }
0x180: {  	[sflag:s8] =	ssyncset.done $0x0  }
0x181: {  	[sflag:s8] =	ssyncadd.s32 $0xFFFFF830  }
0x182: {  	_ =	swait.ge [sflag:s8], $0x7D0  }
0x183: {  	s0 =	sld [smem:$0x7DB]  }
0x184: {  	s10 =	sld [smem:$0x7DC]  }
0x185: {  	s11 =	rddreg [dreg:$0x1f]  }
0x186: {  	s12 =	sld [smem:$0x7DD]  }
0x187: {  	s13 =	sld [smem:$0x7DE]  }
0x188: {  	s14 =	sld [smem:$0x7DF]  }
0x189: {  	s15 =	sld [smem:$0x7E0]  }
0x18a: {  	s16 =	rddreg [dreg:$0x1c]  }
0x18b: {  	s17 =	rddreg [dreg:$0x1d]  }
0x18c: {  	s18 =	sld [smem:$0x7E1]  }
0x18d: {  	[sflag:s8] =	ssyncset.done $0x0;
	s19 =	rddreg [dreg:$0x1e]  }
0x18e: {  	s20 =	sld [smem:$0x7E2];
	[sflag:s8] =	ssyncadd.s32 $0xFFFFF830  }
0x18f: {  	[spmem:s2] =	stream.indirect.scatter.add.f32 [tilespmem:s17], [sflag:$0x1], $0x10, s16, s9, $0xb8;
	[tilespmem:$0x17B70] =	vst v63  }
0x190: {  	s16 =	sld [smem:$0x7E3]  }
0x191: {  	[spmem:s2] =	stream.indirect.scatter.add.f32 [tilespmem:s11], [sflag:$0x1], $0x10, s19, s9, $0xb8;
	[tilespmem:$0x17B70] =	vst v63  }
0x192: {  	s17 =	sld [smem:$0x7E5]  }
0x193: {  	[spmem:s2] =	stream.indirect.scatter.add.f32 [tilespmem:s14], [sflag:$0x1], $0x10, s13, s9, $0xb8;
	[tilespmem:$0x17B70] =	vst v63  }
0x194: {  	s11 =	sld [smem:$0x7E4]  }
0x195: {  	[spmem:s2] =	stream.indirect.scatter.add.f32 [tilespmem:s12], [sflag:$0x1], $0x10, s0, s9, $0xb8;
	[tilespmem:$0x17B70] =	vst v63  }
0x196: {  	s19 =	sld [smem:$0x7E6]  }
0x197: {  	[spmem:s2] =	stream.indirect.scatter.add.f32 [tilespmem:s15], [sflag:$0x1], $0x10, s11, s9, $0xb8;
	[tilespmem:$0x17B70] =	vst v63  }
0x198: {  	s14 =	sld [smem:$0x7E8]  }
0x199: {  	[spmem:s2] =	stream.indirect.scatter.add.f32 [tilespmem:s18], [sflag:$0x1], $0x10, s20, s9, $0xb8;
	[tilespmem:$0x17B70] =	vst v63  }
0x19a: {  	s12 =	sld [smem:$0x7E7]  }
0x19b: {  	[spmem:s2] =	stream.indirect.scatter.add.f32 [tilespmem:s16], [sflag:$0x1], $0x10, s19, s9, $0xb8;
	[tilespmem:$0x17B70] =	vst v63  }
0x19c: {  	s15 =	sld [smem:$0x7E9]  }
0x19d: {  	[spmem:s2] =	stream.indirect.scatter.add.f32 [tilespmem:s17], [sflag:$0x1], $0x10, s12, s9, $0xb8;
	[tilespmem:$0x17B70] =	vst v63  }
0x19e: {  	s16 =	sld [smem:$0x7EA]  }
0x19f: {  	[spmem:s2] =	stream.indirect.scatter.add.f32 [tilespmem:s10], [sflag:$0x1], $0x10, s14, s9, $0xb8;
	[tilespmem:$0x17B70] =	vst v63  }
0x1a0: {  	_ = 	snop  }
0x1a1: {  	[spmem:s2] =	stream.indirect.scatter.add.f32 [tilespmem:s15], [sflag:$0x1], $0x10, s16, s9, $0xb8;
	[tilespmem:$0x17B70] =	vst v63  }
0x1a2: {  	_ =	swait.ge [sflag:s8], $0x7D0  }
0x1a3: {  	[sflag:s8] =	ssyncset.done $0x0  }
0x1a4: {  	[sflag:s8] =	ssyncadd.s32 $0xFFFFF830  }
0x1a5: {  	_ =	swait.ge [sflag:s8], $0x7D0  }
0x1a6: {  	[sflag:s8] =	ssyncset.done $0x0  }
0x1a7: {  	[sflag:s8] =	ssyncadd.s32 $0xFFFFF830  }
0x1a8: {  	_ =	swait.ge [sflag:s8], $0x7D0  }
0x1a9: {  	[sflag:s8] =	ssyncset.done $0x0  }
0x1aa: {  	[sflag:s8] =	ssyncadd.s32 $0xFFFFF830  }
0x1ab: {  	_ =	swait.ge [sflag:s8], $0x7D0  }
0x1ac: {  	[sflag:s8] =	ssyncset.done $0x0  }
0x1ad: {  	[sflag:s8] =	ssyncadd.s32 $0xFFFFF830  }
0x1ae: {  	_ =	swait.ge [sflag:s8], $0x7D0  }
0x1af: {  	[sflag:s8] =	ssyncset.done $0x0  }
0x1b0: {  	[sflag:s8] =	ssyncadd.s32 $0xFFFFF830  }
0x1b1: {  	_ =	swait.ge [sflag:s8], $0x7D0  }
0x1b2: {  	[sflag:s8] =	ssyncset.done $0x0  }
0x1b3: {  	[sflag:s8] =	ssyncadd.s32 $0xFFFFF830  }
0x1b4: {  	_ =	swait.ge [sflag:s8], $0x7D0  }
0x1b5: {  	[sflag:s8] =	ssyncset.done $0x0  }
0x1b6: {  	[sflag:s8] =	ssyncadd.s32 $0xFFFFF830  }
0x1b7: {  	_ =	swait.ge [sflag:s8], $0x7D0  }
0x1b8: {  	[sflag:s8] =	ssyncset.done $0x0  }
0x1b9: {  	[sflag:s8] =	ssyncadd.s32 $0xFFFFF830  }
0x1ba: {  	_ =	swait.ge [sflag:s8], $0x7D0  }
0x1bb: {  	[sflag:s8] =	ssyncset.done $0x0  }
0x1bc: {  	[sflag:s8] =	ssyncadd.s32 $0xFFFFF830  }
0x1bd: {  	_ =	swait.ge [sflag:s8], $0x7D0  }
0x1be: {  	s0 =	sld [smem:$0x7EB]  }
0x1bf: {  	s10 =	sld [smem:$0x7EC]  }
0x1c0: {  	s11 =	sld [smem:$0x7ED]  }
0x1c1: {  	s12 =	sld [smem:$0x7EE]  }
0x1c2: {  	s13 =	sld [smem:$0x7EF]  }
0x1c3: {  	s14 =	sld [smem:$0x7F0]  }
0x1c4: {  	s17 =	sld [smem:$0x7F1]  }
0x1c5: {  	s16 =	sld [smem:$0x7F2]  }
0x1c6: {  	s20 =	sld [smem:$0x7F3]  }
0x1c7: {  	[sflag:s8] =	ssyncset.done $0x0;
	s18 =	sld [smem:$0x7F4]  }
0x1c8: {  	s19 =	sld [smem:$0x7F5];
	[sflag:s8] =	ssyncadd.s32 $0xFFFFF830  }
0x1c9: {  	[spmem:s2] =	stream.indirect.scatter.add.f32 [tilespmem:s17], [sflag:$0x1], $0x10, s20, s9, $0xb8;
	[tilespmem:$0x17B70] =	vst v63  }
0x1ca: {  	s17 =	sld [smem:$0x7F6]  }
0x1cb: {  	[spmem:s2] =	stream.indirect.scatter.add.f32 [tilespmem:s13], [sflag:$0x1], $0x10, s0, s9, $0xb8;
	[tilespmem:$0x17B70] =	vst v63  }
0x1cc: {  	s20 =	sld [smem:$0x7F7]  }
0x1cd: {  	[spmem:s2] =	stream.indirect.scatter.add.f32 [tilespmem:s14], [sflag:$0x1], $0x10, s12, s9, $0xb8;
	[tilespmem:$0x17B70] =	vst v63  }
0x1ce: {  	s13 =	sld [smem:$0x7F8]  }
0x1cf: {  	[spmem:s2] =	stream.indirect.scatter.add.f32 [tilespmem:s17], [sflag:$0x1], $0x10, s20, s9, $0xb8;
	[tilespmem:$0x17B70] =	vst v63  }
0x1d0: {  	s14 =	sld [smem:$0x7F9]  }
0x1d1: {  	[spmem:s2] =	stream.indirect.scatter.add.f32 [tilespmem:s18], [sflag:$0x1], $0x10, s13, s9, $0xb8;
	[tilespmem:$0x17B70] =	vst v63  }
0x1d2: {  	s15 =	sld [smem:$0x7FA]  }
0x1d3: {  	[spmem:s2] =	stream.indirect.scatter.add.f32 [tilespmem:s19], [sflag:$0x1], $0x10, s14, s9, $0xb8;
	[tilespmem:$0x17B70] =	vst v63  }
0x1d4: {  	s17 =	sld [smem:$0x7FB]  }
0x1d5: {  	[spmem:s2] =	stream.indirect.scatter.add.f32 [tilespmem:s16], [sflag:$0x1], $0x10, s15, s9, $0xb8;
	[tilespmem:$0x17B70] =	vst v63  }
0x1d6: {  	s18 =	sld [smem:$0x7FC]  }
0x1d7: {  	[spmem:s2] =	stream.indirect.scatter.add.f32 [tilespmem:s11], [sflag:$0x1], $0x10, s17, s9, $0xb8;
	[tilespmem:$0x17B70] =	vst v63  }
0x1d8: {  	s19 =	sld [smem:$0x7FD]  }
0x1d9: {  	[spmem:s2] =	stream.indirect.scatter.add.f32 [tilespmem:s10], [sflag:$0x1], $0x10, s18, s9, $0xb8;
	[tilespmem:$0x17B70] =	vst v63  }
0x1da: {  	s20 =	simm.s32 $0xF690  }
0x1db: {  	[spmem:s2] =	stream.indirect.scatter.add.f32 [tilespmem:s20], [sflag:$0x1], $0x10, s19, s9, $0xb8;
	[tilespmem:$0x17B70] =	vst v63  }
0x1dc: {  	_ =	swait.ge [sflag:s8], $0x7D0  }
0x1dd: {  	[sflag:s8] =	ssyncset.done $0x0  }
0x1de: {  	[sflag:s8] =	ssyncadd.s32 $0xFFFFF830  }
0x1df: {  	_ =	swait.ge [sflag:s8], $0x7D0  }
0x1e0: {  	[sflag:s8] =	ssyncset.done $0x0  }
0x1e1: {  	[sflag:s8] =	ssyncadd.s32 $0xFFFFF830  }
0x1e2: {  	_ =	swait.ge [sflag:s8], $0x7D0  }
0x1e3: {  	[sflag:s8] =	ssyncset.done $0x0  }
0x1e4: {  	[sflag:s8] =	ssyncadd.s32 $0xFFFFF830  }
0x1e5: {  	_ =	swait.ge [sflag:s8], $0x7D0  }
0x1e6: {  	[sflag:s8] =	ssyncset.done $0x0  }
0x1e7: {  	[sflag:s8] =	ssyncadd.s32 $0xFFFFF830  }
0x1e8: {  	_ =	swait.ge [sflag:s8], $0x7D0  }
0x1e9: {  	[sflag:s8] =	ssyncset.done $0x0  }
0x1ea: {  	[sflag:s8] =	ssyncadd.s32 $0xFFFFF830  }
0x1eb: {  	_ =	swait.ge [sflag:s8], $0x7D0  }
0x1ec: {  	[sflag:s8] =	ssyncset.done $0x0  }
0x1ed: {  	[sflag:s8] =	ssyncadd.s32 $0xFFFFF830  }
0x1ee: {  	_ =	swait.ge [sflag:s8], $0x7D0  }
0x1ef: {  	[sflag:s8] =	ssyncset.done $0x0  }
0x1f0: {  	[sflag:s8] =	ssyncadd.s32 $0xFFFFF830  }
0x1f1: {  	_ =	swait.ge [sflag:s8], $0x7D0  }
0x1f2: {  	[sflag:s8] =	ssyncset.done $0x0  }
0x1f3: {  	[sflag:s8] =	ssyncadd.s32 $0xFFFFF830  }
0x1f4: {  	_ =	swait.ge [sflag:s8], $0x7D0  }
0x1f5: {  	[sflag:s8] =	ssyncset.done $0x0  }
0x1f6: {  	[sflag:s8] =	ssyncadd.s32 $0xFFFFF830  }
0x1f7: {  	_ =	swait.ge [sflag:s8], $0x7D0  }
0x1f8: {  	[sflag:s8] =	ssyncset.done $0x0  }
0x1f9: {  	s12 =	simm.s32 $0xFE60;
	s11 =	simm.s32 $0xF00;
	[sflag:s8] =	ssyncadd.s32 $0xFFFFF830  }
0x1fa: {  	[spmem:s2] =	stream.indirect.scatter.add.f32 [tilespmem:s12], [sflag:$0x1], $0x10, s11, s9, $0xb8;
	[tilespmem:$0x17B70] =	vst v63  }
0x1fb: {  	s13 =	simm.s32 $0xF80;
	s14 =	simm.s32 $0x10630  }
0x1fc: {  	[spmem:s2] =	stream.indirect.scatter.add.f32 [tilespmem:s14], [sflag:$0x1], $0x10, s13, s9, $0xb8;
	[tilespmem:$0x17B70] =	vst v63  }
0x1fd: {  	s15 =	simm.s32 $0x1000;
	s16 =	simm.s32 $0x10E00  }
0x1fe: {  	[spmem:s2] =	stream.indirect.scatter.add.f32 [tilespmem:s16], [sflag:$0x1], $0x10, s15, s9, $0xb8;
	[tilespmem:$0x17B70] =	vst v63  }
0x1ff: {  	s17 =	simm.s32 $0x1080;
	s18 =	simm.s32 $0x115D0  }
0x200: {  	[spmem:s2] =	stream.indirect.scatter.add.f32 [tilespmem:s18], [sflag:$0x1], $0x10, s17, s9, $0xb8;
	[tilespmem:$0x17B70] =	vst v63  }
0x201: {  	s19 =	simm.s32 $0x1100;
	s20 =	simm.s32 $0x11DA0  }
0x202: {  	[spmem:s2] =	stream.indirect.scatter.add.f32 [tilespmem:s20], [sflag:$0x1], $0x10, s19, s9, $0xb8;
	[tilespmem:$0x17B70] =	vst v63  }
0x203: {  	_ = 	snop  }
0x204: {  	[spmem:s2] =	stream.indirect.scatter.add.f32 [tilespmem:s22], [sflag:$0x1], $0x10, s21, s9, $0xb8;
	[tilespmem:$0x17B70] =	vst v63  }
0x205: {  	_ = 	snop  }
0x206: {  	[spmem:s2] =	stream.indirect.scatter.add.f32 [tilespmem:s24], [sflag:$0x1], $0x10, s23, s9, $0xb8;
	[tilespmem:$0x17B70] =	vst v63  }
0x207: {  	_ = 	snop  }
0x208: {  	[spmem:s2] =	stream.indirect.scatter.add.f32 [tilespmem:s26], [sflag:$0x1], $0x10, s25, s9, $0xb8;
	[tilespmem:$0x17B70] =	vst v63  }
0x209: {  	_ = 	snop  }
0x20a: {  	[spmem:s2] =	stream.indirect.scatter.add.f32 [tilespmem:s29], [sflag:$0x1], $0x10, s28, s9, $0xb8;
	[tilespmem:$0x17B70] =	vst v63  }
0x20b: {  	_ = 	snop  }
0x20c: {  	[spmem:s2] =	stream.indirect.scatter.add.f32 [tilespmem:s31], [sflag:$0x1], $0x10, s30, s9, $0xb8;
	[tilespmem:$0x17B70] =	vst v63  }
0x20d: {  	_ =	swait.ge [sflag:s8], $0x7D0  }
0x20e: {  	[sflag:s8] =	ssyncset.done $0x0  }
0x20f: {  	[sflag:s8] =	ssyncadd.s32 $0xFFFFF830  }
0x210: {  	_ =	swait.ge [sflag:s8], $0x7D0  }
0x211: {  	p0 =	sne.s32 s1, $0x1;
	[sflag:s8] =	ssyncset.done $0x0  }
.Ltmp1:
0x212: {  	[sflag:s8] =	ssyncadd.s32 $0xFFFFF830;
	(pc) =	sbr.rel @p0 .LBB2_1-.Ltmp1, $4  }
0x213: {  	_ =	swait.ge [sflag:s8], $0x7D0  }
0x214: {  	[sflag:s8] =	ssyncset.done $0x0  }
0x215: {  	[sflag:s8] =	ssyncadd.s32 $0xFFFFF830  }
0x216: {  	s1 =	sadd.s32 $0xFFFFFFFF, s1;
	_ =	swait.ge [sflag:s8], $0x7D0  }
.LBB2_2:
0x217: {  	[sflag:s8] =	ssyncset.done $0x0  }
0x218: {  	[sflag:s8] =	ssyncadd.s32 $0xFFFFF830  }
0x219: {  	_ =	swait.ge [sflag:s8], $0x7D0  }
0x21a: {  	[sflag:s8] =	ssyncset.done $0x0  }
0x21b: {  	[sflag:s8] =	ssyncadd.s32 $0xFFFFF830  }
0x21c: {  	_ =	swait.ge [sflag:s8], $0x7D0  }
0x21d: {  	[sflag:s8] =	ssyncset.done $0x0  }
0x21e: {  	[sflag:s8] =	ssyncadd.s32 $0xFFFFF830  }
0x21f: {  	_ =	swait.ge [sflag:s8], $0x7D0  }
0x220: {  	[sflag:s8] =	ssyncset.done $0x0  }
0x221: {  	[sflag:s8] =	ssyncadd.s32 $0xFFFFF830  }
0x222: {  	_ =	swait.ge [sflag:s8], $0x7D0  }
0x223: {  	[sflag:s8] =	ssyncset.done $0x0  }
0x224: {  	[sflag:s8] =	ssyncadd.s32 $0xFFFFF830  }
0x225: {  	_ =	swait.ge [sflag:s8], $0x7D0  }
0x226: {  	[sflag:s8] =	ssyncset.done $0x0  }
0x227: {  	[sflag:s8] =	ssyncadd.s32 $0xFFFFF830  }
0x228: {  	_ =	swait.ge [sflag:s8], $0x7D0  }
0x229: {  	[sflag:s8] =	ssyncset.done $0x0  }
0x22a: {  	[sflag:s8] =	ssyncadd.s32 $0xFFFFF830  }
0x22b: {  	[bflag:$0x0] =	sbarrier.arrive $0xFFFF  }
0x22c: {  	s0 =	rddreg [dreg:$0x8]  }
0x22d: {  	[hbm:s0], [sflag:s4] =	dma.local [spmem:s6], $0x4E4  }
0x22e: {  	_ =	swait.ge [sflag:s5], $0x4E4  }
0x22f: {  	[sflag:s5] =	ssyncset.done $0x0  }
0x230: {  	[sflag:s5] =	ssyncadd.s32 $0xFFFFFB1C  }
0x231: {  	_ =	sfence.sel $0x180000  }
0x232: {  	[bflag:$0x0] =	sbarrier.arrive $0xFFFF  }
0x233: {  	_ =	strace $0x90000050  }
0x234: {  	s31 =	stileid.u32;
	[bflag:$0x2] =	sbarrier.arrive $0xFFFF  }
0x235: {  	p0 =	sne.s32 s31, $0x0;
	s0 =	rddreg [dreg:$0x3]  }
0x236: {  	s0 =	sadd.s32 @!p0 $0x100000, s0  }
0x237: {  	[sflag:s0] =	ssyncadd.tile.s32 @!p0 $0x1;
	_ =	shalt  }
.Lfunc_end2:
_tile_overlayer_lowered:
.L_overlay_start_2:
0x238: {  	(tag) =	ssettag $0x2  }
0x239: {  	s0 =	rddreg [dreg:$0x0];
	s2 =	stileid.u32  }
0x23a: {  	s1 =	rddreg [dreg:$0x1];
	p0 =	sne.s32 s2, $0x0  }
0x23b: {  	s3 =	rddreg [dreg:$0x2];
	[bflag:$0x3] =	sbarrier.arrive $0xFFFF;
	s2 =	simm.s32 @!p0 $0x1C02  }
0x23c: {  	[timem:s3], [sflag:s2] =	dma.local @!p0 [hbm:s0], s1  }
0x23d: {  	s0 =	simm.s32 @!p0 $0x2  }
0x23e: {  	_ =	swait.ge @!p0 [sflag:s0], s1  }
0x23f: {  	s1 =	ssub.s32 @!p0 $0x0, s1;
	[sflag:s0] =	ssyncset.done @!p0 $0x0  }
0x240: {  	[sflag:s0] =	ssyncadd.s32 @!p0 s1  }
0x241: {  	[bflag:$0x3] =	sbarrier.arrive $0xFFFF  }
0x242: {  	_ =	shalt  }

</sc_bundles>
